<compile_context>
chip_gen: v7x
topology: tpu7x:2x2x1
jax: 0.10.2.dev20260603
libtpu: 0.0.44.dev20260713+nightly
codegen_flags: <defaults>
</compile_context>

<pallas_src>
import functools

import jax
import jax.numpy as jnp
from jax import lax
from jax.experimental import pallas as pl
from jax.experimental.pallas import tpu as pltpu
from jax.experimental.pallas import tpu_sc as plsc


def _max_arg0(x):
    r, c = x.shape
    grp = 256
    g = r // grp
    x3 = x.reshape(grp, g, c)
    v = x3[0]
    ix = jnp.zeros((g, c), jnp.int32)
    for j in range(1, grp):
        xj = x3[j]
        better = xj > v
        v = jnp.where(better, xj, v)
        ix = jnp.where(better, j, ix)
    vmax = jnp.max(v, axis=0)
    iota_r = lax.broadcasted_iota(jnp.int32, (g, c), 0)
    cand = jnp.where(v == vmax[None, :], ix * g + iota_r, r)
    arg = jnp.min(cand, axis=0)
    return vmax, arg


def _sim_argmax_body(d0_ref, d1_ref, m0_ref, s0_ref, m1_ref, s1_ref):
    a = d0_ref[0]
    b = d1_ref[0]
    s = lax.dot_general(
        a, b, (((0,), (0,)), ((), ())),
        preferred_element_type=jnp.float32,
    )
    st = lax.dot_general(
        b, a, (((0,), (0,)), ((), ())),
        preferred_element_type=jnp.float32,
    )

    rowmax, rowarg = _max_arg0(st)
    m0_ref[0, 0] = rowarg
    s0_ref[0, 0] = (rowmax + 1.0) * 0.5

    colmax, colarg = _max_arg0(s)
    m1_ref[0, 0] = colarg
    s1_ref[0, 0] = (colmax + 1.0) * 0.5


def _sim_argmax(d0, d1):
    bsz, d, n = d0.shape
    m = d1.shape[2]
    out3 = lambda k, dt: jax.ShapeDtypeStruct((bsz, 1, k), dt)
    return pl.pallas_call(
        _sim_argmax_body,
        grid=(bsz,),
        in_specs=[
            pl.BlockSpec((1, d, n), lambda b: (b, 0, 0)),
            pl.BlockSpec((1, d, m), lambda b: (b, 0, 0)),
        ],
        out_specs=[
            pl.BlockSpec((1, 1, n), lambda b: (b, 0, 0)),
            pl.BlockSpec((1, 1, n), lambda b: (b, 0, 0)),
            pl.BlockSpec((1, 1, m), lambda b: (b, 0, 0)),
            pl.BlockSpec((1, 1, m), lambda b: (b, 0, 0)),
        ],
        out_shape=[
            out3(n, jnp.int32),
            out3(n, jnp.float32),
            out3(m, jnp.int32),
            out3(m, jnp.float32),
        ],
        compiler_params=pltpu.CompilerParams(
            dimension_semantics=("parallel",),
        ),
    )(d0, d1)


def _mutual_sc(m0_flat, m1_flat, per_b):
    info = plsc.get_sparse_core_info()
    nc, ns, lanes = info.num_cores, info.num_subcores, info.num_lanes
    nw = nc * ns
    tot = m0_flat.shape[0]
    ch = tot // nw

    mesh = plsc.VectorSubcoreMesh(core_axis_name="c", subcore_axis_name="s")

    @functools.partial(
        pl.kernel, mesh=mesh,
        compiler_params=pltpu.CompilerParams(needs_layout_passes=False),
        out_type=(
            jax.ShapeDtypeStruct((tot,), jnp.int32),
            jax.ShapeDtypeStruct((tot,), jnp.int32),
        ),
        scratch_types=[
            pltpu.VMEM((per_b,), jnp.int32),
            pltpu.VMEM((per_b,), jnp.int32),
            pltpu.VMEM((ch,), jnp.int32),
            pltpu.VMEM((ch,), jnp.int32),
            pltpu.SemaphoreType.DMA,
        ],
    )
    def k(m0_hbm, m1_hbm, o0_hbm, o1_hbm, t0, t1, o0, o1, sem):
        wid = lax.axis_index("s") * nc + lax.axis_index("c")
        base = wid * ch
        boff = (base // per_b) * per_b
        cps = [
            pltpu.make_async_copy(m0_hbm.at[pl.ds(boff, per_b)], t0, sem),
            pltpu.make_async_copy(m1_hbm.at[pl.ds(boff, per_b)], t1, sem),
        ]
        for cp in cps:
            cp.start()
        for cp in cps:
            cp.wait()
        local = base - boff
        neg1 = jnp.full((lanes,), -1, jnp.int32)
        for j in range(ch // lanes):
            off = j * lanes
            pos = lax.iota(jnp.int32, lanes) + off
            pos = pos + local
            idx0 = t0[pl.ds(local + off, lanes)]
            back0 = plsc.load_gather(t1, [idx0])
            o0[pl.ds(off, lanes)] = jnp.where(back0 == pos, idx0, neg1)
            idx1 = t1[pl.ds(local + off, lanes)]
            back1 = plsc.load_gather(t0, [idx1])
            o1[pl.ds(off, lanes)] = jnp.where(back1 == pos, idx1, neg1)
        pltpu.sync_copy(o0, o0_hbm.at[pl.ds(base, ch)])
        pltpu.sync_copy(o1, o1_hbm.at[pl.ds(base, ch)])

    return k(m0_flat, m1_flat)


def kernel(descriptors0, descriptors1):
    bsz, d, n = descriptors0.shape
    m = descriptors1.shape[2]
    m0r, s0, m1r, s1 = _sim_argmax(descriptors0, descriptors1)
    m0f, m1f = _mutual_sc(m0r.reshape(bsz * n), m1r.reshape(bsz * m), n)
    return (
        m0f.reshape(bsz, n),
        m1f.reshape(bsz, m),
        s0.reshape(bsz, n),
        s1.reshape(bsz, m),
    )

# --- scband reference (transcript-rebuilt; emitter-appended) ---
"""Pipeline reference for scband-nnm-43636867727636 (READ-ONLY COPY).

The authoritative reference and input builder live on the scoring server;
editing this copy changes nothing except your own understanding.
"""

import jax, jax.numpy as jnp
import numpy as np

# NNM config: do_mutual_check=True, distance_threshold=None, ratio_threshold=None
RATIO_THRESH = None
DIST_THRESH = None
DO_MUTUAL = True


def find_nn(sim, ratio_thresh, distance_thresh):
    k = 2 if ratio_thresh else 1
    sim_nn, ind_nn = jax.lax.top_k(sim, k)
    dist_nn = 2.0 * (1.0 - sim_nn)
    mask = jnp.ones(ind_nn.shape[:-1], dtype=bool)
    if ratio_thresh is not None:
        mask = mask & (dist_nn[..., 0] <= (ratio_thresh ** 2) * dist_nn[..., 1])
    if distance_thresh is not None:
        mask = mask & (dist_nn[..., 0] <= distance_thresh ** 2)
    matches = jnp.where(mask, ind_nn[..., 0], -1)
    scores = jnp.where(mask, (sim_nn[..., 0] + 1.0) / 2.0, 0.0)
    return matches, scores


def mutual_check(m0, m1):
    inds0 = jnp.arange(m0.shape[-1], dtype=m0.dtype)
    safe = jnp.where(m0 > -1, m0, 0)
    loop = jnp.take_along_axis(m1, safe, axis=-1)
    ok = (m0 > -1) & (inds0[None, :] == loop)
    return jnp.where(ok, m0, -1)


def setup_inputs(seed: int = 0) -> dict:
    key = jax.random.key(seed)
    k0, k1 = jax.random.split(key)
    descriptors0 = jax.random.normal(k0, (8, 256, 2048), dtype=jnp.float32)
    descriptors1 = jax.random.normal(k1, (8, 256, 2048), dtype=jnp.float32)
    return {"descriptors0": descriptors0, "descriptors1": descriptors1}


def reference(descriptors0, descriptors1):
    # sim = einsum('bdn,bdm->bnm', desc0, desc1)
    sim = jnp.einsum('bdn,bdm->bnm', descriptors0, descriptors1)
    matches0, scores0 = find_nn(sim, RATIO_THRESH, DIST_THRESH)
    matches1, scores1 = find_nn(jnp.swapaxes(sim, 1, 2), RATIO_THRESH, DIST_THRESH)
    if DO_MUTUAL:
        matches0 = mutual_check(matches0, matches1)
        matches1 = mutual_check(matches1, matches0)
    return (matches0, matches1, scores0, scores1)

if __name__ == "__main__":
    import jax
    _d = setup_inputs()
    print(jax.jit(kernel)(*tuple(_d.values())))

</pallas_src>

<mosaic_0001>
#map = affine_map<(d0, d1) -> (0)>
module attributes {stable_mosaic.version = 14 : i64} {
  func.func @k(%arg0: i32, %arg1: i32, %arg2: memref<16384xi32, #tpu.memory_space<hbm>>, %arg3: memref<16384xi32, #tpu.memory_space<hbm>>, %arg4: memref<16384xi32, #tpu.memory_space<hbm>>, %arg5: memref<16384xi32, #tpu.memory_space<hbm>>, %arg6: memref<2048xi32, #tpu.memory_space<vmem>>, %arg7: memref<2048xi32, #tpu.memory_space<vmem>>, %arg8: memref<512xi32, #tpu.memory_space<vmem>>, %arg9: memref<512xi32, #tpu.memory_space<vmem>>, %arg10: memref<!tpu.dma_semaphore, #tpu.memory_space<semaphore_mem>>) attributes {dimension_semantics = [#tpu.dimension_semantics<core_parallel>, #tpu.dimension_semantics<subcore_parallel>], iteration_bounds = array<i64: 2, 16>, scalar_prefetch = 0 : i64, scratch_operands = 5 : i64, tpu.core_type = #tpu.core_type<sc_vector_subcore>, window_params = [{transform_indices = #map}, {transform_indices = #map}, {transform_indices = #map}, {transform_indices = #map}]} {
    %mul3A = arith.constant 2 : i32
    %mul3A_0 = arith.muli %arg1, %mul3A : i32
    %add3A = arith.addi %mul3A_0, %arg0 : i32
    %mul3A_1 = arith.constant 512 : i32
    %mul3A_2 = arith.muli %add3A, %mul3A_1 : i32
    %jit3A = arith.constant 2048 : i32
    %div3A = arith.divsi %mul3A_2, %jit3A : i32
    %sign3A = arith.constant 0 : i32
    %sign3A_3 = arith.cmpi sgt, %mul3A_2, %sign3A : i32
    %sign3A_4 = arith.extui %sign3A_3 : i1 to i32
    %sign3A_5 = arith.constant 0 : i32
    %sign3A_6 = arith.cmpi slt, %mul3A_2, %sign3A_5 : i32
    %sign3A_7 = arith.extui %sign3A_6 : i1 to i32
    %sign3A_8 = arith.subi %sign3A_4, %sign3A_7 : i32
    %sign3A_9 = arith.constant 0 : i32
    %sign3A_10 = arith.cmpi sgt, %jit3A, %sign3A_9 : i32
    %sign3A_11 = arith.extui %sign3A_10 : i1 to i32
    %sign3A_12 = arith.constant 0 : i32
    %sign3A_13 = arith.cmpi slt, %jit3A, %sign3A_12 : i32
    %sign3A_14 = arith.extui %sign3A_13 : i1 to i32
    %sign3A_15 = arith.subi %sign3A_11, %sign3A_14 : i32
    %ne3A = arith.cmpi ne, %sign3A_8, %sign3A_15 : i32
    %rem3A = arith.remsi %mul3A_2, %jit3A : i32
    %ne3A_16 = arith.constant 0 : i32
    %ne3A_17 = arith.cmpi ne, %rem3A, %ne3A_16 : i32
    %and3A = arith.andi %ne3A, %ne3A_17 : i1
    %sub3A = arith.constant 1 : i32
    %sub3A_18 = arith.subi %div3A, %sub3A : i32
    %select_n3A = arith.select %and3A, %sub3A_18, %div3A : i32
    %mul3A_19 = arith.constant 2048 : i32
    %mul3A_20 = arith.muli %select_n3A, %mul3A_19 : i32
    %dma_start3A = tpu.memref_slice %arg2[%mul3A_20] : memref<16384xi32, #tpu.memory_space<hbm>> -> memref<2048xi32, #tpu.memory_space<hbm>>
    %dma_start3A_21 = tpu.memref_slice %arg2[%mul3A_20] : memref<16384xi32, #tpu.memory_space<hbm>> -> memref<2048xi32, #tpu.memory_space<hbm>>
    tpu.enqueue_dma source(%dma_start3A_21 : memref<2048xi32, #tpu.memory_space<hbm>>) target(%arg6 : memref<2048xi32, #tpu.memory_space<vmem>>) target_semaphore(%arg10 : memref<!tpu.dma_semaphore, #tpu.memory_space<semaphore_mem>>)
    %dma_start3A_22 = tpu.memref_slice %arg3[%mul3A_20] : memref<16384xi32, #tpu.memory_space<hbm>> -> memref<2048xi32, #tpu.memory_space<hbm>>
    %dma_start3A_23 = tpu.memref_slice %arg3[%mul3A_20] : memref<16384xi32, #tpu.memory_space<hbm>> -> memref<2048xi32, #tpu.memory_space<hbm>>
    tpu.enqueue_dma source(%dma_start3A_23 : memref<2048xi32, #tpu.memory_space<hbm>>) target(%arg7 : memref<2048xi32, #tpu.memory_space<vmem>>) target_semaphore(%arg10 : memref<!tpu.dma_semaphore, #tpu.memory_space<semaphore_mem>>)
    %dma_wait3A = tpu.memref_slice %arg2[%mul3A_20] : memref<16384xi32, #tpu.memory_space<hbm>> -> memref<2048xi32, #tpu.memory_space<hbm>>
    %dma_wait3A_24 = tpu.memref_slice %arg2[%mul3A_20] : memref<16384xi32, #tpu.memory_space<hbm>> -> memref<2048xi32, #tpu.memory_space<hbm>>
    tpu.wait_dma2 semaphore(%arg10 : memref<!tpu.dma_semaphore, #tpu.memory_space<semaphore_mem>>) src(%dma_wait3A_24 : memref<2048xi32, #tpu.memory_space<hbm>>) dst(%arg6 : memref<2048xi32, #tpu.memory_space<vmem>>)
    %dma_wait3A_25 = tpu.memref_slice %arg3[%mul3A_20] : memref<16384xi32, #tpu.memory_space<hbm>> -> memref<2048xi32, #tpu.memory_space<hbm>>
    %dma_wait3A_26 = tpu.memref_slice %arg3[%mul3A_20] : memref<16384xi32, #tpu.memory_space<hbm>> -> memref<2048xi32, #tpu.memory_space<hbm>>
    tpu.wait_dma2 semaphore(%arg10 : memref<!tpu.dma_semaphore, #tpu.memory_space<semaphore_mem>>) src(%dma_wait3A_26 : memref<2048xi32, #tpu.memory_space<hbm>>) dst(%arg7 : memref<2048xi32, #tpu.memory_space<vmem>>)
    %sub3A_27 = arith.subi %mul3A_2, %mul3A_20 : i32
    %broadcast_in_dim3A = arith.constant -1 : i32
    %broadcast_in_dim3A_28 = vector.broadcast %broadcast_in_dim3A : i32 to vector<16xi32>
    %iota3A = tpu.iota {dimensions = array<i32: 0>} : vector<16xi32>
    %add3A_29 = arith.constant 0 : i32
    %add3A_30 = vector.broadcast %add3A_29 : i32 to vector<16xi32>
    %add3A_31 = arith.addi %iota3A, %add3A_30 : vector<16xi32>
    %add3A_32 = vector.broadcast %sub3A_27 : i32 to vector<16xi32>
    %add3A_33 = arith.addi %add3A_31, %add3A_32 : vector<16xi32>
    %add3A_34 = arith.constant 0 : i32
    %add3A_35 = arith.addi %sub3A_27, %add3A_34 : i32
    %get3A = arith.index_cast %add3A_35 : i32 to index
    %get3A_36 = tpu.vector_load %arg6[%get3A] {strides = array<i32>} : memref<2048xi32, #tpu.memory_space<vmem>>, vector<16xi32>,
    %gather3A = tpu.vector_load_idx %arg7[%get3A_36] : memref<2048xi32, #tpu.memory_space<vmem>>[vector<16xi32>], vector<16xi32>,
    %eq3A = arith.cmpi eq, %gather3A, %add3A_33 : vector<16xi32>
    %select_n3A_37 = arith.select %eq3A, %get3A_36, %broadcast_in_dim3A_28 : vector<16xi1>, vector<16xi32>
    %swap3A = arith.constant 0 : index
    %swap3A_38 = tpu.vector_load %arg8[%swap3A] {strides = array<i32>} : memref<512xi32, #tpu.memory_space<vmem>>, vector<16xi32>,
    tpu.vector_store %arg8[%swap3A], %select_n3A_37 {strides = array<i32>} : memref<512xi32, #tpu.memory_space<vmem>>, vector<16xi32>,
    %add3A_39 = arith.constant 0 : i32
    %add3A_40 = arith.addi %sub3A_27, %add3A_39 : i32
    %get3A_41 = arith.index_cast %add3A_40 : i32 to index
    %get3A_42 = tpu.vector_load %arg7[%get3A_41] {strides = array<i32>} : memref<2048xi32, #tpu.memory_space<vmem>>, vector<16xi32>,
    %gather3A_43 = tpu.vector_load_idx %arg6[%get3A_42] : memref<2048xi32, #tpu.memory_space<vmem>>[vector<16xi32>], vector<16xi32>,
    %eq3A_44 = arith.cmpi eq, %gather3A_43, %add3A_33 : vector<16xi32>
    %select_n3A_45 = arith.select %eq3A_44, %get3A_42, %broadcast_in_dim3A_28 : vector<16xi1>, vector<16xi32>
    %swap3A_46 = arith.constant 0 : index
    %swap3A_47 = tpu.vector_load %arg9[%swap3A_46] {strides = array<i32>} : memref<512xi32, #tpu.memory_space<vmem>>, vector<16xi32>,
    tpu.vector_store %arg9[%swap3A_46], %select_n3A_45 {strides = array<i32>} : memref<512xi32, #tpu.memory_space<vmem>>, vector<16xi32>,
    %iota3A_48 = tpu.iota {dimensions = array<i32: 0>} : vector<16xi32>
    %add3A_49 = arith.constant 16 : i32
    %add3A_50 = vector.broadcast %add3A_49 : i32 to vector<16xi32>
    %add3A_51 = arith.addi %iota3A_48, %add3A_50 : vector<16xi32>
    %add3A_52 = vector.broadcast %sub3A_27 : i32 to vector<16xi32>
    %add3A_53 = arith.addi %add3A_51, %add3A_52 : vector<16xi32>
    %add3A_54 = arith.constant 16 : i32
    %add3A_55 = arith.addi %sub3A_27, %add3A_54 : i32
    %get3A_56 = arith.index_cast %add3A_55 : i32 to index
    %get3A_57 = tpu.vector_load %arg6[%get3A_56] {strides = array<i32>} : memref<2048xi32, #tpu.memory_space<vmem>>, vector<16xi32>,
    %gather3A_58 = tpu.vector_load_idx %arg7[%get3A_57] : memref<2048xi32, #tpu.memory_space<vmem>>[vector<16xi32>], vector<16xi32>,
    %eq3A_59 = arith.cmpi eq, %gather3A_58, %add3A_53 : vector<16xi32>
    %select_n3A_60 = arith.select %eq3A_59, %get3A_57, %broadcast_in_dim3A_28 : vector<16xi1>, vector<16xi32>
    %swap3A_61 = arith.constant 16 : index
    %swap3A_62 = tpu.vector_load %arg8[%swap3A_61] {strides = array<i32>} : memref<512xi32, #tpu.memory_space<vmem>>, vector<16xi32>,
    tpu.vector_store %arg8[%swap3A_61], %select_n3A_60 {strides = array<i32>} : memref<512xi32, #tpu.memory_space<vmem>>, vector<16xi32>,
    %add3A_63 = arith.constant 16 : i32
    %add3A_64 = arith.addi %sub3A_27, %add3A_63 : i32
    %get3A_65 = arith.index_cast %add3A_64 : i32 to index
    %get3A_66 = tpu.vector_load %arg7[%get3A_65] {strides = array<i32>} : memref<2048xi32, #tpu.memory_space<vmem>>, vector<16xi32>,
    %gather3A_67 = tpu.vector_load_idx %arg6[%get3A_66] : memref<2048xi32, #tpu.memory_space<vmem>>[vector<16xi32>], vector<16xi32>,
    %eq3A_68 = arith.cmpi eq, %gather3A_67, %add3A_53 : vector<16xi32>
    %select_n3A_69 = arith.select %eq3A_68, %get3A_66, %broadcast_in_dim3A_28 : vector<16xi1>, vector<16xi32>
    %swap3A_70 = arith.constant 16 : index
    %swap3A_71 = tpu.vector_load %arg9[%swap3A_70] {strides = array<i32>} : memref<512xi32, #tpu.memory_space<vmem>>, vector<16xi32>,
    tpu.vector_store %arg9[%swap3A_70], %select_n3A_69 {strides = array<i32>} : memref<512xi32, #tpu.memory_space<vmem>>, vector<16xi32>,
    %iota3A_72 = tpu.iota {dimensions = array<i32: 0>} : vector<16xi32>
    %add3A_73 = arith.constant 32 : i32
    %add3A_74 = vector.broadcast %add3A_73 : i32 to vector<16xi32>
    %add3A_75 = arith.addi %iota3A_72, %add3A_74 : vector<16xi32>
    %add3A_76 = vector.broadcast %sub3A_27 : i32 to vector<16xi32>
    %add3A_77 = arith.addi %add3A_75, %add3A_76 : vector<16xi32>
    %add3A_78 = arith.constant 32 : i32
    %add3A_79 = arith.addi %sub3A_27, %add3A_78 : i32
    %get3A_80 = arith.index_cast %add3A_79 : i32 to index
    %get3A_81 = tpu.vector_load %arg6[%get3A_80] {strides = array<i32>} : memref<2048xi32, #tpu.memory_space<vmem>>, vector<16xi32>,
    %gather3A_82 = tpu.vector_load_idx %arg7[%get3A_81] : memref<2048xi32, #tpu.memory_space<vmem>>[vector<16xi32>], vector<16xi32>,
    %eq3A_83 = arith.cmpi eq, %gather3A_82, %add3A_77 : vector<16xi32>
    %select_n3A_84 = arith.select %eq3A_83, %get3A_81, %broadcast_in_dim3A_28 : vector<16xi1>, vector<16xi32>
    %swap3A_85 = arith.constant 32 : index
    %swap3A_86 = tpu.vector_load %arg8[%swap3A_85] {strides = array<i32>} : memref<512xi32, #tpu.memory_space<vmem>>, vector<16xi32>,
    tpu.vector_store %arg8[%swap3A_85], %select_n3A_84 {strides = array<i32>} : memref<512xi32, #tpu.memory_space<vmem>>, vector<16xi32>,
    %add3A_87 = arith.constant 32 : i32
    %add3A_88 = arith.addi %sub3A_27, %add3A_87 : i32
    %get3A_89 = arith.index_cast %add3A_88 : i32 to index
    %get3A_90 = tpu.vector_load %arg7[%get3A_89] {strides = array<i32>} : memref<2048xi32, #tpu.memory_space<vmem>>, vector<16xi32>,
    %gather3A_91 = tpu.vector_load_idx %arg6[%get3A_90] : memref<2048xi32, #tpu.memory_space<vmem>>[vector<16xi32>], vector<16xi32>,
    %eq3A_92 = arith.cmpi eq, %gather3A_91, %add3A_77 : vector<16xi32>
    %select_n3A_93 = arith.select %eq3A_92, %get3A_90, %broadcast_in_dim3A_28 : vector<16xi1>, vector<16xi32>
    %swap3A_94 = arith.constant 32 : index
    %swap3A_95 = tpu.vector_load %arg9[%swap3A_94] {strides = array<i32>} : memref<512xi32, #tpu.memory_space<vmem>>, vector<16xi32>,
    tpu.vector_store %arg9[%swap3A_94], %select_n3A_93 {strides = array<i32>} : memref<512xi32, #tpu.memory_space<vmem>>, vector<16xi32>,
    %iota3A_96 = tpu.iota {dimensions = array<i32: 0>} : vector<16xi32>
    %add3A_97 = arith.constant 48 : i32
    %add3A_98 = vector.broadcast %add3A_97 : i32 to vector<16xi32>
    %add3A_99 = arith.addi %iota3A_96, %add3A_98 : vector<16xi32>
    %add3A_100 = vector.broadcast %sub3A_27 : i32 to vector<16xi32>
    %add3A_101 = arith.addi %add3A_99, %add3A_100 : vector<16xi32>
    %add3A_102 = arith.constant 48 : i32
    %add3A_103 = arith.addi %sub3A_27, %add3A_102 : i32
    %get3A_104 = arith.index_cast %add3A_103 : i32 to index
    %get3A_105 = tpu.vector_load %arg6[%get3A_104] {strides = array<i32>} : memref<2048xi32, #tpu.memory_space<vmem>>, vector<16xi32>,
    %gather3A_106 = tpu.vector_load_idx %arg7[%get3A_105] : memref<2048xi32, #tpu.memory_space<vmem>>[vector<16xi32>], vector<16xi32>,
    %eq3A_107 = arith.cmpi eq, %gather3A_106, %add3A_101 : vector<16xi32>
    %select_n3A_108 = arith.select %eq3A_107, %get3A_105, %broadcast_in_dim3A_28 : vector<16xi1>, vector<16xi32>
    %swap3A_109 = arith.constant 48 : index
    %swap3A_110 = tpu.vector_load %arg8[%swap3A_109] {strides = array<i32>} : memref<512xi32, #tpu.memory_space<vmem>>, vector<16xi32>,
    tpu.vector_store %arg8[%swap3A_109], %select_n3A_108 {strides = array<i32>} : memref<512xi32, #tpu.memory_space<vmem>>, vector<16xi32>,
    %add3A_111 = arith.constant 48 : i32
    %add3A_112 = arith.addi %sub3A_27, %add3A_111 : i32
    %get3A_113 = arith.index_cast %add3A_112 : i32 to index
    %get3A_114 = tpu.vector_load %arg7[%get3A_113] {strides = array<i32>} : memref<2048xi32, #tpu.memory_space<vmem>>, vector<16xi32>,
    %gather3A_115 = tpu.vector_load_idx %arg6[%get3A_114] : memref<2048xi32, #tpu.memory_space<vmem>>[vector<16xi32>], vector<16xi32>,
    %eq3A_116 = arith.cmpi eq, %gather3A_115, %add3A_101 : vector<16xi32>
    %select_n3A_117 = arith.select %eq3A_116, %get3A_114, %broadcast_in_dim3A_28 : vector<16xi1>, vector<16xi32>
    %swap3A_118 = arith.constant 48 : index
    %swap3A_119 = tpu.vector_load %arg9[%swap3A_118] {strides = array<i32>} : memref<512xi32, #tpu.memory_space<vmem>>, vector<16xi32>,
    tpu.vector_store %arg9[%swap3A_118], %select_n3A_117 {strides = array<i32>} : memref<512xi32, #tpu.memory_space<vmem>>, vector<16xi32>,
    %iota3A_120 = tpu.iota {dimensions = array<i32: 0>} : vector<16xi32>
    %add3A_121 = arith.constant 64 : i32
    %add3A_122 = vector.broadcast %add3A_121 : i32 to vector<16xi32>
    %add3A_123 = arith.addi %iota3A_120, %add3A_122 : vector<16xi32>
    %add3A_124 = vector.broadcast %sub3A_27 : i32 to vector<16xi32>
    %add3A_125 = arith.addi %add3A_123, %add3A_124 : vector<16xi32>
    %add3A_126 = arith.constant 64 : i32
    %add3A_127 = arith.addi %sub3A_27, %add3A_126 : i32
    %get3A_128 = arith.index_cast %add3A_127 : i32 to index
    %get3A_129 = tpu.vector_load %arg6[%get3A_128] {strides = array<i32>} : memref<2048xi32, #tpu.memory_space<vmem>>, vector<16xi32>,
    %gather3A_130 = tpu.vector_load_idx %arg7[%get3A_129] : memref<2048xi32, #tpu.memory_space<vmem>>[vector<16xi32>], vector<16xi32>,
    %eq3A_131 = arith.cmpi eq, %gather3A_130, %add3A_125 : vector<16xi32>
    %select_n3A_132 = arith.select %eq3A_131, %get3A_129, %broadcast_in_dim3A_28 : vector<16xi1>, vector<16xi32>
    %swap3A_133 = arith.constant 64 : index
    %swap3A_134 = tpu.vector_load %arg8[%swap3A_133] {strides = array<i32>} : memref<512xi32, #tpu.memory_space<vmem>>, vector<16xi32>,
    tpu.vector_store %arg8[%swap3A_133], %select_n3A_132 {strides = array<i32>} : memref<512xi32, #tpu.memory_space<vmem>>, vector<16xi32>,
    %add3A_135 = arith.constant 64 : i32
    %add3A_136 = arith.addi %sub3A_27, %add3A_135 : i32
    %get3A_137 = arith.index_cast %add3A_136 : i32 to index
    %get3A_138 = tpu.vector_load %arg7[%get3A_137] {strides = array<i32>} : memref<2048xi32, #tpu.memory_space<vmem>>, vector<16xi32>,
    %gather3A_139 = tpu.vector_load_idx %arg6[%get3A_138] : memref<2048xi32, #tpu.memory_space<vmem>>[vector<16xi32>], vector<16xi32>,
    %eq3A_140 = arith.cmpi eq, %gather3A_139, %add3A_125 : vector<16xi32>
    %select_n3A_141 = arith.select %eq3A_140, %get3A_138, %broadcast_in_dim3A_28 : vector<16xi1>, vector<16xi32>
    %swap3A_142 = arith.constant 64 : index
    %swap3A_143 = tpu.vector_load %arg9[%swap3A_142] {strides = array<i32>} : memref<512xi32, #tpu.memory_space<vmem>>, vector<16xi32>,
    tpu.vector_store %arg9[%swap3A_142], %select_n3A_141 {strides = array<i32>} : memref<512xi32, #tpu.memory_space<vmem>>, vector<16xi32>,
    %iota3A_144 = tpu.iota {dimensions = array<i32: 0>} : vector<16xi32>
    %add3A_145 = arith.constant 80 : i32
    %add3A_146 = vector.broadcast %add3A_145 : i32 to vector<16xi32>
    %add3A_147 = arith.addi %iota3A_144, %add3A_146 : vector<16xi32>
    %add3A_148 = vector.broadcast %sub3A_27 : i32 to vector<16xi32>
    %add3A_149 = arith.addi %add3A_147, %add3A_148 : vector<16xi32>
    %add3A_150 = arith.constant 80 : i32
    %add3A_151 = arith.addi %sub3A_27, %add3A_150 : i32
    %get3A_152 = arith.index_cast %add3A_151 : i32 to index
    %get3A_153 = tpu.vector_load %arg6[%get3A_152] {strides = array<i32>} : memref<2048xi32, #tpu.memory_space<vmem>>, vector<16xi32>,
    %gather3A_154 = tpu.vector_load_idx %arg7[%get3A_153] : memref<2048xi32, #tpu.memory_space<vmem>>[vector<16xi32>], vector<16xi32>,
    %eq3A_155 = arith.cmpi eq, %gather3A_154, %add3A_149 : vector<16xi32>
    %select_n3A_156 = arith.select %eq3A_155, %get3A_153, %broadcast_in_dim3A_28 : vector<16xi1>, vector<16xi32>
    %swap3A_157 = arith.constant 80 : index
    %swap3A_158 = tpu.vector_load %arg8[%swap3A_157] {strides = array<i32>} : memref<512xi32, #tpu.memory_space<vmem>>, vector<16xi32>,
    tpu.vector_store %arg8[%swap3A_157], %select_n3A_156 {strides = array<i32>} : memref<512xi32, #tpu.memory_space<vmem>>, vector<16xi32>,
    %add3A_159 = arith.constant 80 : i32
    %add3A_160 = arith.addi %sub3A_27, %add3A_159 : i32
    %get3A_161 = arith.index_cast %add3A_160 : i32 to index
    %get3A_162 = tpu.vector_load %arg7[%get3A_161] {strides = array<i32>} : memref<2048xi32, #tpu.memory_space<vmem>>, vector<16xi32>,
    %gather3A_163 = tpu.vector_load_idx %arg6[%get3A_162] : memref<2048xi32, #tpu.memory_space<vmem>>[vector<16xi32>], vector<16xi32>,
    %eq3A_164 = arith.cmpi eq, %gather3A_163, %add3A_149 : vector<16xi32>
    %select_n3A_165 = arith.select %eq3A_164, %get3A_162, %broadcast_in_dim3A_28 : vector<16xi1>, vector<16xi32>
    %swap3A_166 = arith.constant 80 : index
    %swap3A_167 = tpu.vector_load %arg9[%swap3A_166] {strides = array<i32>} : memref<512xi32, #tpu.memory_space<vmem>>, vector<16xi32>,
    tpu.vector_store %arg9[%swap3A_166], %select_n3A_165 {strides = array<i32>} : memref<512xi32, #tpu.memory_space<vmem>>, vector<16xi32>,
    %iota3A_168 = tpu.iota {dimensions = array<i32: 0>} : vector<16xi32>
    %add3A_169 = arith.constant 96 : i32
    %add3A_170 = vector.broadcast %add3A_169 : i32 to vector<16xi32>
    %add3A_171 = arith.addi %iota3A_168, %add3A_170 : vector<16xi32>
    %add3A_172 = vector.broadcast %sub3A_27 : i32 to vector<16xi32>
    %add3A_173 = arith.addi %add3A_171, %add3A_172 : vector<16xi32>
    %add3A_174 = arith.constant 96 : i32
    %add3A_175 = arith.addi %sub3A_27, %add3A_174 : i32
    %get3A_176 = arith.index_cast %add3A_175 : i32 to index
    %get3A_177 = tpu.vector_load %arg6[%get3A_176] {strides = array<i32>} : memref<2048xi32, #tpu.memory_space<vmem>>, vector<16xi32>,
    %gather3A_178 = tpu.vector_load_idx %arg7[%get3A_177] : memref<2048xi32, #tpu.memory_space<vmem>>[vector<16xi32>], vector<16xi32>,
    %eq3A_179 = arith.cmpi eq, %gather3A_178, %add3A_173 : vector<16xi32>
    %select_n3A_180 = arith.select %eq3A_179, %get3A_177, %broadcast_in_dim3A_28 : vector<16xi1>, vector<16xi32>
    %swap3A_181 = arith.constant 96 : index
    %swap3A_182 = tpu.vector_load %arg8[%swap3A_181] {strides = array<i32>} : memref<512xi32, #tpu.memory_space<vmem>>, vector<16xi32>,
    tpu.vector_store %arg8[%swap3A_181], %select_n3A_180 {strides = array<i32>} : memref<512xi32, #tpu.memory_space<vmem>>, vector<16xi32>,
    %add3A_183 = arith.constant 96 : i32
    %add3A_184 = arith.addi %sub3A_27, %add3A_183 : i32
    %get3A_185 = arith.index_cast %add3A_184 : i32 to index
    %get3A_186 = tpu.vector_load %arg7[%get3A_185] {strides = array<i32>} : memref<2048xi32, #tpu.memory_space<vmem>>, vector<16xi32>,
    %gather3A_187 = tpu.vector_load_idx %arg6[%get3A_186] : memref<2048xi32, #tpu.memory_space<vmem>>[vector<16xi32>], vector<16xi32>,
    %eq3A_188 = arith.cmpi eq, %gather3A_187, %add3A_173 : vector<16xi32>
    %select_n3A_189 = arith.select %eq3A_188, %get3A_186, %broadcast_in_dim3A_28 : vector<16xi1>, vector<16xi32>
    %swap3A_190 = arith.constant 96 : index
    %swap3A_191 = tpu.vector_load %arg9[%swap3A_190] {strides = array<i32>} : memref<512xi32, #tpu.memory_space<vmem>>, vector<16xi32>,
    tpu.vector_store %arg9[%swap3A_190], %select_n3A_189 {strides = array<i32>} : memref<512xi32, #tpu.memory_space<vmem>>, vector<16xi32>,
    %iota3A_192 = tpu.iota {dimensions = array<i32: 0>} : vector<16xi32>
    %add3A_193 = arith.constant 112 : i32
    %add3A_194 = vector.broadcast %add3A_193 : i32 to vector<16xi32>
    %add3A_195 = arith.addi %iota3A_192, %add3A_194 : vector<16xi32>
    %add3A_196 = vector.broadcast %sub3A_27 : i32 to vector<16xi32>
    %add3A_197 = arith.addi %add3A_195, %add3A_196 : vector<16xi32>
    %add3A_198 = arith.constant 112 : i32
    %add3A_199 = arith.addi %sub3A_27, %add3A_198 : i32
    %get3A_200 = arith.index_cast %add3A_199 : i32 to index
    %get3A_201 = tpu.vector_load %arg6[%get3A_200] {strides = array<i32>} : memref<2048xi32, #tpu.memory_space<vmem>>, vector<16xi32>,
    %gather3A_202 = tpu.vector_load_idx %arg7[%get3A_201] : memref<2048xi32, #tpu.memory_space<vmem>>[vector<16xi32>], vector<16xi32>,
    %eq3A_203 = arith.cmpi eq, %gather3A_202, %add3A_197 : vector<16xi32>
    %select_n3A_204 = arith.select %eq3A_203, %get3A_201, %broadcast_in_dim3A_28 : vector<16xi1>, vector<16xi32>
    %swap3A_205 = arith.constant 112 : index
    %swap3A_206 = tpu.vector_load %arg8[%swap3A_205] {strides = array<i32>} : memref<512xi32, #tpu.memory_space<vmem>>, vector<16xi32>,
    tpu.vector_store %arg8[%swap3A_205], %select_n3A_204 {strides = array<i32>} : memref<512xi32, #tpu.memory_space<vmem>>, vector<16xi32>,
    %add3A_207 = arith.constant 112 : i32
    %add3A_208 = arith.addi %sub3A_27, %add3A_207 : i32
    %get3A_209 = arith.index_cast %add3A_208 : i32 to index
    %get3A_210 = tpu.vector_load %arg7[%get3A_209] {strides = array<i32>} : memref<2048xi32, #tpu.memory_space<vmem>>, vector<16xi32>,
    %gather3A_211 = tpu.vector_load_idx %arg6[%get3A_210] : memref<2048xi32, #tpu.memory_space<vmem>>[vector<16xi32>], vector<16xi32>,
    %eq3A_212 = arith.cmpi eq, %gather3A_211, %add3A_197 : vector<16xi32>
    %select_n3A_213 = arith.select %eq3A_212, %get3A_210, %broadcast_in_dim3A_28 : vector<16xi1>, vector<16xi32>
    %swap3A_214 = arith.constant 112 : index
    %swap3A_215 = tpu.vector_load %arg9[%swap3A_214] {strides = array<i32>} : memref<512xi32, #tpu.memory_space<vmem>>, vector<16xi32>,
    tpu.vector_store %arg9[%swap3A_214], %select_n3A_213 {strides = array<i32>} : memref<512xi32, #tpu.memory_space<vmem>>, vector<16xi32>,
    %iota3A_216 = tpu.iota {dimensions = array<i32: 0>} : vector<16xi32>
    %add3A_217 = arith.constant 128 : i32
    %add3A_218 = vector.broadcast %add3A_217 : i32 to vector<16xi32>
    %add3A_219 = arith.addi %iota3A_216, %add3A_218 : vector<16xi32>
    %add3A_220 = vector.broadcast %sub3A_27 : i32 to vector<16xi32>
    %add3A_221 = arith.addi %add3A_219, %add3A_220 : vector<16xi32>
    %add3A_222 = arith.constant 128 : i32
    %add3A_223 = arith.addi %sub3A_27, %add3A_222 : i32
    %get3A_224 = arith.index_cast %add3A_223 : i32 to index
    %get3A_225 = tpu.vector_load %arg6[%get3A_224] {strides = array<i32>} : memref<2048xi32, #tpu.memory_space<vmem>>, vector<16xi32>,
    %gather3A_226 = tpu.vector_load_idx %arg7[%get3A_225] : memref<2048xi32, #tpu.memory_space<vmem>>[vector<16xi32>], vector<16xi32>,
    %eq3A_227 = arith.cmpi eq, %gather3A_226, %add3A_221 : vector<16xi32>
    %select_n3A_228 = arith.select %eq3A_227, %get3A_225, %broadcast_in_dim3A_28 : vector<16xi1>, vector<16xi32>
    %swap3A_229 = arith.constant 128 : index
    %swap3A_230 = tpu.vector_load %arg8[%swap3A_229] {strides = array<i32>} : memref<512xi32, #tpu.memory_space<vmem>>, vector<16xi32>,
    tpu.vector_store %arg8[%swap3A_229], %select_n3A_228 {strides = array<i32>} : memref<512xi32, #tpu.memory_space<vmem>>, vector<16xi32>,
    %add3A_231 = arith.constant 128 : i32
    %add3A_232 = arith.addi %sub3A_27, %add3A_231 : i32
    %get3A_233 = arith.index_cast %add3A_232 : i32 to index
    %get3A_234 = tpu.vector_load %arg7[%get3A_233] {strides = array<i32>} : memref<2048xi32, #tpu.memory_space<vmem>>, vector<16xi32>,
    %gather3A_235 = tpu.vector_load_idx %arg6[%get3A_234] : memref<2048xi32, #tpu.memory_space<vmem>>[vector<16xi32>], vector<16xi32>,
    %eq3A_236 = arith.cmpi eq, %gather3A_235, %add3A_221 : vector<16xi32>
    %select_n3A_237 = arith.select %eq3A_236, %get3A_234, %broadcast_in_dim3A_28 : vector<16xi1>, vector<16xi32>
    %swap3A_238 = arith.constant 128 : index
    %swap3A_239 = tpu.vector_load %arg9[%swap3A_238] {strides = array<i32>} : memref<512xi32, #tpu.memory_space<vmem>>, vector<16xi32>,
    tpu.vector_store %arg9[%swap3A_238], %select_n3A_237 {strides = array<i32>} : memref<512xi32, #tpu.memory_space<vmem>>, vector<16xi32>,
    %iota3A_240 = tpu.iota {dimensions = array<i32: 0>} : vector<16xi32>
    %add3A_241 = arith.constant 144 : i32
    %add3A_242 = vector.broadcast %add3A_241 : i32 to vector<16xi32>
    %add3A_243 = arith.addi %iota3A_240, %add3A_242 : vector<16xi32>
    %add3A_244 = vector.broadcast %sub3A_27 : i32 to vector<16xi32>
    %add3A_245 = arith.addi %add3A_243, %add3A_244 : vector<16xi32>
    %add3A_246 = arith.constant 144 : i32
    %add3A_247 = arith.addi %sub3A_27, %add3A_246 : i32
    %get3A_248 = arith.index_cast %add3A_247 : i32 to index
    %get3A_249 = tpu.vector_load %arg6[%get3A_248] {strides = array<i32>} : memref<2048xi32, #tpu.memory_space<vmem>>, vector<16xi32>,
    %gather3A_250 = tpu.vector_load_idx %arg7[%get3A_249] : memref<2048xi32, #tpu.memory_space<vmem>>[vector<16xi32>], vector<16xi32>,
    %eq3A_251 = arith.cmpi eq, %gather3A_250, %add3A_245 : vector<16xi32>
    %select_n3A_252 = arith.select %eq3A_251, %get3A_249, %broadcast_in_dim3A_28 : vector<16xi1>, vector<16xi32>
    %swap3A_253 = arith.constant 144 : index
    %swap3A_254 = tpu.vector_load %arg8[%swap3A_253] {strides = array<i32>} : memref<512xi32, #tpu.memory_space<vmem>>, vector<16xi32>,
    tpu.vector_store %arg8[%swap3A_253], %select_n3A_252 {strides = array<i32>} : memref<512xi32, #tpu.memory_space<vmem>>, vector<16xi32>,
    %add3A_255 = arith.constant 144 : i32
    %add3A_256 = arith.addi %sub3A_27, %add3A_255 : i32
    %get3A_257 = arith.index_cast %add3A_256 : i32 to index
    %get3A_258 = tpu.vector_load %arg7[%get3A_257] {strides = array<i32>} : memref<2048xi32, #tpu.memory_space<vmem>>, vector<16xi32>,
    %gather3A_259 = tpu.vector_load_idx %arg6[%get3A_258] : memref<2048xi32, #tpu.memory_space<vmem>>[vector<16xi32>], vector<16xi32>,
    %eq3A_260 = arith.cmpi eq, %gather3A_259, %add3A_245 : vector<16xi32>
    %select_n3A_261 = arith.select %eq3A_260, %get3A_258, %broadcast_in_dim3A_28 : vector<16xi1>, vector<16xi32>
    %swap3A_262 = arith.constant 144 : index
    %swap3A_263 = tpu.vector_load %arg9[%swap3A_262] {strides = array<i32>} : memref<512xi32, #tpu.memory_space<vmem>>, vector<16xi32>,
    tpu.vector_store %arg9[%swap3A_262], %select_n3A_261 {strides = array<i32>} : memref<512xi32, #tpu.memory_space<vmem>>, vector<16xi32>,
    %iota3A_264 = tpu.iota {dimensions = array<i32: 0>} : vector<16xi32>
    %add3A_265 = arith.constant 160 : i32
    %add3A_266 = vector.broadcast %add3A_265 : i32 to vector<16xi32>
    %add3A_267 = arith.addi %iota3A_264, %add3A_266 : vector<16xi32>
    %add3A_268 = vector.broadcast %sub3A_27 : i32 to vector<16xi32>
    %add3A_269 = arith.addi %add3A_267, %add3A_268 : vector<16xi32>
    %add3A_270 = arith.constant 160 : i32
    %add3A_271 = arith.addi %sub3A_27, %add3A_270 : i32
    %get3A_272 = arith.index_cast %add3A_271 : i32 to index
    %get3A_273 = tpu.vector_load %arg6[%get3A_272] {strides = array<i32>} : memref<2048xi32, #tpu.memory_space<vmem>>, vector<16xi32>,
    %gather3A_274 = tpu.vector_load_idx %arg7[%get3A_273] : memref<2048xi32, #tpu.memory_space<vmem>>[vector<16xi32>], vector<16xi32>,
    %eq3A_275 = arith.cmpi eq, %gather3A_274, %add3A_269 : vector<16xi32>
    %select_n3A_276 = arith.select %eq3A_275, %get3A_273, %broadcast_in_dim3A_28 : vector<16xi1>, vector<16xi32>
    %swap3A_277 = arith.constant 160 : index
    %swap3A_278 = tpu.vector_load %arg8[%swap3A_277] {strides = array<i32>} : memref<512xi32, #tpu.memory_space<vmem>>, vector<16xi32>,
    tpu.vector_store %arg8[%swap3A_277], %select_n3A_276 {strides = array<i32>} : memref<512xi32, #tpu.memory_space<vmem>>, vector<16xi32>,
    %add3A_279 = arith.constant 160 : i32
    %add3A_280 = arith.addi %sub3A_27, %add3A_279 : i32
    %get3A_281 = arith.index_cast %add3A_280 : i32 to index
    %get3A_282 = tpu.vector_load %arg7[%get3A_281] {strides = array<i32>} : memref<2048xi32, #tpu.memory_space<vmem>>, vector<16xi32>,
    %gather3A_283 = tpu.vector_load_idx %arg6[%get3A_282] : memref<2048xi32, #tpu.memory_space<vmem>>[vector<16xi32>], vector<16xi32>,
    %eq3A_284 = arith.cmpi eq, %gather3A_283, %add3A_269 : vector<16xi32>
    %select_n3A_285 = arith.select %eq3A_284, %get3A_282, %broadcast_in_dim3A_28 : vector<16xi1>, vector<16xi32>
    %swap3A_286 = arith.constant 160 : index
    %swap3A_287 = tpu.vector_load %arg9[%swap3A_286] {strides = array<i32>} : memref<512xi32, #tpu.memory_space<vmem>>, vector<16xi32>,
    tpu.vector_store %arg9[%swap3A_286], %select_n3A_285 {strides = array<i32>} : memref<512xi32, #tpu.memory_space<vmem>>, vector<16xi32>,
    %iota3A_288 = tpu.iota {dimensions = array<i32: 0>} : vector<16xi32>
    %add3A_289 = arith.constant 176 : i32
    %add3A_290 = vector.broadcast %add3A_289 : i32 to vector<16xi32>
    %add3A_291 = arith.addi %iota3A_288, %add3A_290 : vector<16xi32>
    %add3A_292 = vector.broadcast %sub3A_27 : i32 to vector<16xi32>
    %add3A_293 = arith.addi %add3A_291, %add3A_292 : vector<16xi32>
    %add3A_294 = arith.constant 176 : i32
    %add3A_295 = arith.addi %sub3A_27, %add3A_294 : i32
    %get3A_296 = arith.index_cast %add3A_295 : i32 to index
    %get3A_297 = tpu.vector_load %arg6[%get3A_296] {strides = array<i32>} : memref<2048xi32, #tpu.memory_space<vmem>>, vector<16xi32>,
    %gather3A_298 = tpu.vector_load_idx %arg7[%get3A_297] : memref<2048xi32, #tpu.memory_space<vmem>>[vector<16xi32>], vector<16xi32>,
    %eq3A_299 = arith.cmpi eq, %gather3A_298, %add3A_293 : vector<16xi32>
    %select_n3A_300 = arith.select %eq3A_299, %get3A_297, %broadcast_in_dim3A_28 : vector<16xi1>, vector<16xi32>
    %swap3A_301 = arith.constant 176 : index
    %swap3A_302 = tpu.vector_load %arg8[%swap3A_301] {strides = array<i32>} : memref<512xi32, #tpu.memory_space<vmem>>, vector<16xi32>,
    tpu.vector_store %arg8[%swap3A_301], %select_n3A_300 {strides = array<i32>} : memref<512xi32, #tpu.memory_space<vmem>>, vector<16xi32>,
    %add3A_303 = arith.constant 176 : i32
    %add3A_304 = arith.addi %sub3A_27, %add3A_303 : i32
    %get3A_305 = arith.index_cast %add3A_304 : i32 to index
    %get3A_306 = tpu.vector_load %arg7[%get3A_305] {strides = array<i32>} : memref<2048xi32, #tpu.memory_space<vmem>>, vector<16xi32>,
    %gather3A_307 = tpu.vector_load_idx %arg6[%get3A_306] : memref<2048xi32, #tpu.memory_space<vmem>>[vector<16xi32>], vector<16xi32>,
    %eq3A_308 = arith.cmpi eq, %gather3A_307, %add3A_293 : vector<16xi32>
    %select_n3A_309 = arith.select %eq3A_308, %get3A_306, %broadcast_in_dim3A_28 : vector<16xi1>, vector<16xi32>
    %swap3A_310 = arith.constant 176 : index
    %swap3A_311 = tpu.vector_load %arg9[%swap3A_310] {strides = array<i32>} : memref<512xi32, #tpu.memory_space<vmem>>, vector<16xi32>,
    tpu.vector_store %arg9[%swap3A_310], %select_n3A_309 {strides = array<i32>} : memref<512xi32, #tpu.memory_space<vmem>>, vector<16xi32>,
    %iota3A_312 = tpu.iota {dimensions = array<i32: 0>} : vector<16xi32>
    %add3A_313 = arith.constant 192 : i32
    %add3A_314 = vector.broadcast %add3A_313 : i32 to vector<16xi32>
    %add3A_315 = arith.addi %iota3A_312, %add3A_314 : vector<16xi32>
    %add3A_316 = vector.broadcast %sub3A_27 : i32 to vector<16xi32>
    %add3A_317 = arith.addi %add3A_315, %add3A_316 : vector<16xi32>
    %add3A_318 = arith.constant 192 : i32
    %add3A_319 = arith.addi %sub3A_27, %add3A_318 : i32
    %get3A_320 = arith.index_cast %add3A_319 : i32 to index
    %get3A_321 = tpu.vector_load %arg6[%get3A_320] {strides = array<i32>} : memref<2048xi32, #tpu.memory_space<vmem>>, vector<16xi32>,
    %gather3A_322 = tpu.vector_load_idx %arg7[%get3A_321] : memref<2048xi32, #tpu.memory_space<vmem>>[vector<16xi32>], vector<16xi32>,
    %eq3A_323 = arith.cmpi eq, %gather3A_322, %add3A_317 : vector<16xi32>
    %select_n3A_324 = arith.select %eq3A_323, %get3A_321, %broadcast_in_dim3A_28 : vector<16xi1>, vector<16xi32>
    %swap3A_325 = arith.constant 192 : index
    %swap3A_326 = tpu.vector_load %arg8[%swap3A_325] {strides = array<i32>} : memref<512xi32, #tpu.memory_space<vmem>>, vector<16xi32>,
    tpu.vector_store %arg8[%swap3A_325], %select_n3A_324 {strides = array<i32>} : memref<512xi32, #tpu.memory_space<vmem>>, vector<16xi32>,
    %add3A_327 = arith.constant 192 : i32
    %add3A_328 = arith.addi %sub3A_27, %add3A_327 : i32
    %get3A_329 = arith.index_cast %add3A_328 : i32 to index
    %get3A_330 = tpu.vector_load %arg7[%get3A_329] {strides = array<i32>} : memref<2048xi32, #tpu.memory_space<vmem>>, vector<16xi32>,
    %gather3A_331 = tpu.vector_load_idx %arg6[%get3A_330] : memref<2048xi32, #tpu.memory_space<vmem>>[vector<16xi32>], vector<16xi32>,
    %eq3A_332 = arith.cmpi eq, %gather3A_331, %add3A_317 : vector<16xi32>
    %select_n3A_333 = arith.select %eq3A_332, %get3A_330, %broadcast_in_dim3A_28 : vector<16xi1>, vector<16xi32>
    %swap3A_334 = arith.constant 192 : index
    %swap3A_335 = tpu.vector_load %arg9[%swap3A_334] {strides = array<i32>} : memref<512xi32, #tpu.memory_space<vmem>>, vector<16xi32>,
    tpu.vector_store %arg9[%swap3A_334], %select_n3A_333 {strides = array<i32>} : memref<512xi32, #tpu.memory_space<vmem>>, vector<16xi32>,
    %iota3A_336 = tpu.iota {dimensions = array<i32: 0>} : vector<16xi32>
    %add3A_337 = arith.constant 208 : i32
    %add3A_338 = vector.broadcast %add3A_337 : i32 to vector<16xi32>
    %add3A_339 = arith.addi %iota3A_336, %add3A_338 : vector<16xi32>
    %add3A_340 = vector.broadcast %sub3A_27 : i32 to vector<16xi32>
    %add3A_341 = arith.addi %add3A_339, %add3A_340 : vector<16xi32>
    %add3A_342 = arith.constant 208 : i32
    %add3A_343 = arith.addi %sub3A_27, %add3A_342 : i32
    %get3A_344 = arith.index_cast %add3A_343 : i32 to index
    %get3A_345 = tpu.vector_load %arg6[%get3A_344] {strides = array<i32>} : memref<2048xi32, #tpu.memory_space<vmem>>, vector<16xi32>,
    %gather3A_346 = tpu.vector_load_idx %arg7[%get3A_345] : memref<2048xi32, #tpu.memory_space<vmem>>[vector<16xi32>], vector<16xi32>,
    %eq3A_347 = arith.cmpi eq, %gather3A_346, %add3A_341 : vector<16xi32>
    %select_n3A_348 = arith.select %eq3A_347, %get3A_345, %broadcast_in_dim3A_28 : vector<16xi1>, vector<16xi32>
    %swap3A_349 = arith.constant 208 : index
    %swap3A_350 = tpu.vector_load %arg8[%swap3A_349] {strides = array<i32>} : memref<512xi32, #tpu.memory_space<vmem>>, vector<16xi32>,
    tpu.vector_store %arg8[%swap3A_349], %select_n3A_348 {strides = array<i32>} : memref<512xi32, #tpu.memory_space<vmem>>, vector<16xi32>,
    %add3A_351 = arith.constant 208 : i32
    %add3A_352 = arith.addi %sub3A_27, %add3A_351 : i32
    %get3A_353 = arith.index_cast %add3A_352 : i32 to index
    %get3A_354 = tpu.vector_load %arg7[%get3A_353] {strides = array<i32>} : memref<2048xi32, #tpu.memory_space<vmem>>, vector<16xi32>,
    %gather3A_355 = tpu.vector_load_idx %arg6[%get3A_354] : memref<2048xi32, #tpu.memory_space<vmem>>[vector<16xi32>], vector<16xi32>,
    %eq3A_356 = arith.cmpi eq, %gather3A_355, %add3A_341 : vector<16xi32>
    %select_n3A_357 = arith.select %eq3A_356, %get3A_354, %broadcast_in_dim3A_28 : vector<16xi1>, vector<16xi32>
    %swap3A_358 = arith.constant 208 : index
    %swap3A_359 = tpu.vector_load %arg9[%swap3A_358] {strides = array<i32>} : memref<512xi32, #tpu.memory_space<vmem>>, vector<16xi32>,
    tpu.vector_store %arg9[%swap3A_358], %select_n3A_357 {strides = array<i32>} : memref<512xi32, #tpu.memory_space<vmem>>, vector<16xi32>,
    %iota3A_360 = tpu.iota {dimensions = array<i32: 0>} : vector<16xi32>
    %add3A_361 = arith.constant 224 : i32
    %add3A_362 = vector.broadcast %add3A_361 : i32 to vector<16xi32>
    %add3A_363 = arith.addi %iota3A_360, %add3A_362 : vector<16xi32>
    %add3A_364 = vector.broadcast %sub3A_27 : i32 to vector<16xi32>
    %add3A_365 = arith.addi %add3A_363, %add3A_364 : vector<16xi32>
    %add3A_366 = arith.constant 224 : i32
    %add3A_367 = arith.addi %sub3A_27, %add3A_366 : i32
    %get3A_368 = arith.index_cast %add3A_367 : i32 to index
    %get3A_369 = tpu.vector_load %arg6[%get3A_368] {strides = array<i32>} : memref<2048xi32, #tpu.memory_space<vmem>>, vector<16xi32>,
    %gather3A_370 = tpu.vector_load_idx %arg7[%get3A_369] : memref<2048xi32, #tpu.memory_space<vmem>>[vector<16xi32>], vector<16xi32>,
    %eq3A_371 = arith.cmpi eq, %gather3A_370, %add3A_365 : vector<16xi32>
    %select_n3A_372 = arith.select %eq3A_371, %get3A_369, %broadcast_in_dim3A_28 : vector<16xi1>, vector<16xi32>
    %swap3A_373 = arith.constant 224 : index
    %swap3A_374 = tpu.vector_load %arg8[%swap3A_373] {strides = array<i32>} : memref<512xi32, #tpu.memory_space<vmem>>, vector<16xi32>,
    tpu.vector_store %arg8[%swap3A_373], %select_n3A_372 {strides = array<i32>} : memref<512xi32, #tpu.memory_space<vmem>>, vector<16xi32>,
    %add3A_375 = arith.constant 224 : i32
    %add3A_376 = arith.addi %sub3A_27, %add3A_375 : i32
    %get3A_377 = arith.index_cast %add3A_376 : i32 to index
    %get3A_378 = tpu.vector_load %arg7[%get3A_377] {strides = array<i32>} : memref<2048xi32, #tpu.memory_space<vmem>>, vector<16xi32>,
    %gather3A_379 = tpu.vector_load_idx %arg6[%get3A_378] : memref<2048xi32, #tpu.memory_space<vmem>>[vector<16xi32>], vector<16xi32>,
    %eq3A_380 = arith.cmpi eq, %gather3A_379, %add3A_365 : vector<16xi32>
    %select_n3A_381 = arith.select %eq3A_380, %get3A_378, %broadcast_in_dim3A_28 : vector<16xi1>, vector<16xi32>
    %swap3A_382 = arith.constant 224 : index
    %swap3A_383 = tpu.vector_load %arg9[%swap3A_382] {strides = array<i32>} : memref<512xi32, #tpu.memory_space<vmem>>, vector<16xi32>,
    tpu.vector_store %arg9[%swap3A_382], %select_n3A_381 {strides = array<i32>} : memref<512xi32, #tpu.memory_space<vmem>>, vector<16xi32>,
    %iota3A_384 = tpu.iota {dimensions = array<i32: 0>} : vector<16xi32>
    %add3A_385 = arith.constant 240 : i32
    %add3A_386 = vector.broadcast %add3A_385 : i32 to vector<16xi32>
    %add3A_387 = arith.addi %iota3A_384, %add3A_386 : vector<16xi32>
    %add3A_388 = vector.broadcast %sub3A_27 : i32 to vector<16xi32>
    %add3A_389 = arith.addi %add3A_387, %add3A_388 : vector<16xi32>
    %add3A_390 = arith.constant 240 : i32
    %add3A_391 = arith.addi %sub3A_27, %add3A_390 : i32
    %get3A_392 = arith.index_cast %add3A_391 : i32 to index
    %get3A_393 = tpu.vector_load %arg6[%get3A_392] {strides = array<i32>} : memref<2048xi32, #tpu.memory_space<vmem>>, vector<16xi32>,
    %gather3A_394 = tpu.vector_load_idx %arg7[%get3A_393] : memref<2048xi32, #tpu.memory_space<vmem>>[vector<16xi32>], vector<16xi32>,
    %eq3A_395 = arith.cmpi eq, %gather3A_394, %add3A_389 : vector<16xi32>
    %select_n3A_396 = arith.select %eq3A_395, %get3A_393, %broadcast_in_dim3A_28 : vector<16xi1>, vector<16xi32>
    %swap3A_397 = arith.constant 240 : index
    %swap3A_398 = tpu.vector_load %arg8[%swap3A_397] {strides = array<i32>} : memref<512xi32, #tpu.memory_space<vmem>>, vector<16xi32>,
    tpu.vector_store %arg8[%swap3A_397], %select_n3A_396 {strides = array<i32>} : memref<512xi32, #tpu.memory_space<vmem>>, vector<16xi32>,
    %add3A_399 = arith.constant 240 : i32
    %add3A_400 = arith.addi %sub3A_27, %add3A_399 : i32
    %get3A_401 = arith.index_cast %add3A_400 : i32 to index
    %get3A_402 = tpu.vector_load %arg7[%get3A_401] {strides = array<i32>} : memref<2048xi32, #tpu.memory_space<vmem>>, vector<16xi32>,
    %gather3A_403 = tpu.vector_load_idx %arg6[%get3A_402] : memref<2048xi32, #tpu.memory_space<vmem>>[vector<16xi32>], vector<16xi32>,
    %eq3A_404 = arith.cmpi eq, %gather3A_403, %add3A_389 : vector<16xi32>
    %select_n3A_405 = arith.select %eq3A_404, %get3A_402, %broadcast_in_dim3A_28 : vector<16xi1>, vector<16xi32>
    %swap3A_406 = arith.constant 240 : index
    %swap3A_407 = tpu.vector_load %arg9[%swap3A_406] {strides = array<i32>} : memref<512xi32, #tpu.memory_space<vmem>>, vector<16xi32>,
    tpu.vector_store %arg9[%swap3A_406], %select_n3A_405 {strides = array<i32>} : memref<512xi32, #tpu.memory_space<vmem>>, vector<16xi32>,
    %iota3A_408 = tpu.iota {dimensions = array<i32: 0>} : vector<16xi32>
    %add3A_409 = arith.constant 256 : i32
    %add3A_410 = vector.broadcast %add3A_409 : i32 to vector<16xi32>
    %add3A_411 = arith.addi %iota3A_408, %add3A_410 : vector<16xi32>
    %add3A_412 = vector.broadcast %sub3A_27 : i32 to vector<16xi32>
    %add3A_413 = arith.addi %add3A_411, %add3A_412 : vector<16xi32>
    %add3A_414 = arith.constant 256 : i32
    %add3A_415 = arith.addi %sub3A_27, %add3A_414 : i32
    %get3A_416 = arith.index_cast %add3A_415 : i32 to index
    %get3A_417 = tpu.vector_load %arg6[%get3A_416] {strides = array<i32>} : memref<2048xi32, #tpu.memory_space<vmem>>, vector<16xi32>,
    %gather3A_418 = tpu.vector_load_idx %arg7[%get3A_417] : memref<2048xi32, #tpu.memory_space<vmem>>[vector<16xi32>], vector<16xi32>,
    %eq3A_419 = arith.cmpi eq, %gather3A_418, %add3A_413 : vector<16xi32>
    %select_n3A_420 = arith.select %eq3A_419, %get3A_417, %broadcast_in_dim3A_28 : vector<16xi1>, vector<16xi32>
    %swap3A_421 = arith.constant 256 : index
    %swap3A_422 = tpu.vector_load %arg8[%swap3A_421] {strides = array<i32>} : memref<512xi32, #tpu.memory_space<vmem>>, vector<16xi32>,
    tpu.vector_store %arg8[%swap3A_421], %select_n3A_420 {strides = array<i32>} : memref<512xi32, #tpu.memory_space<vmem>>, vector<16xi32>,
    %add3A_423 = arith.constant 256 : i32
    %add3A_424 = arith.addi %sub3A_27, %add3A_423 : i32
    %get3A_425 = arith.index_cast %add3A_424 : i32 to index
    %get3A_426 = tpu.vector_load %arg7[%get3A_425] {strides = array<i32>} : memref<2048xi32, #tpu.memory_space<vmem>>, vector<16xi32>,
    %gather3A_427 = tpu.vector_load_idx %arg6[%get3A_426] : memref<2048xi32, #tpu.memory_space<vmem>>[vector<16xi32>], vector<16xi32>,
    %eq3A_428 = arith.cmpi eq, %gather3A_427, %add3A_413 : vector<16xi32>
    %select_n3A_429 = arith.select %eq3A_428, %get3A_426, %broadcast_in_dim3A_28 : vector<16xi1>, vector<16xi32>
    %swap3A_430 = arith.constant 256 : index
    %swap3A_431 = tpu.vector_load %arg9[%swap3A_430] {strides = array<i32>} : memref<512xi32, #tpu.memory_space<vmem>>, vector<16xi32>,
    tpu.vector_store %arg9[%swap3A_430], %select_n3A_429 {strides = array<i32>} : memref<512xi32, #tpu.memory_space<vmem>>, vector<16xi32>,
    %iota3A_432 = tpu.iota {dimensions = array<i32: 0>} : vector<16xi32>
    %add3A_433 = arith.constant 272 : i32
    %add3A_434 = vector.broadcast %add3A_433 : i32 to vector<16xi32>
    %add3A_435 = arith.addi %iota3A_432, %add3A_434 : vector<16xi32>
    %add3A_436 = vector.broadcast %sub3A_27 : i32 to vector<16xi32>
    %add3A_437 = arith.addi %add3A_435, %add3A_436 : vector<16xi32>
    %add3A_438 = arith.constant 272 : i32
    %add3A_439 = arith.addi %sub3A_27, %add3A_438 : i32
    %get3A_440 = arith.index_cast %add3A_439 : i32 to index
    %get3A_441 = tpu.vector_load %arg6[%get3A_440] {strides = array<i32>} : memref<2048xi32, #tpu.memory_space<vmem>>, vector<16xi32>,
    %gather3A_442 = tpu.vector_load_idx %arg7[%get3A_441] : memref<2048xi32, #tpu.memory_space<vmem>>[vector<16xi32>], vector<16xi32>,
    %eq3A_443 = arith.cmpi eq, %gather3A_442, %add3A_437 : vector<16xi32>
    %select_n3A_444 = arith.select %eq3A_443, %get3A_441, %broadcast_in_dim3A_28 : vector<16xi1>, vector<16xi32>
    %swap3A_445 = arith.constant 272 : index
    %swap3A_446 = tpu.vector_load %arg8[%swap3A_445] {strides = array<i32>} : memref<512xi32, #tpu.memory_space<vmem>>, vector<16xi32>,
    tpu.vector_store %arg8[%swap3A_445], %select_n3A_444 {strides = array<i32>} : memref<512xi32, #tpu.memory_space<vmem>>, vector<16xi32>,
    %add3A_447 = arith.constant 272 : i32
    %add3A_448 = arith.addi %sub3A_27, %add3A_447 : i32
    %get3A_449 = arith.index_cast %add3A_448 : i32 to index
    %get3A_450 = tpu.vector_load %arg7[%get3A_449] {strides = array<i32>} : memref<2048xi32, #tpu.memory_space<vmem>>, vector<16xi32>,
    %gather3A_451 = tpu.vector_load_idx %arg6[%get3A_450] : memref<2048xi32, #tpu.memory_space<vmem>>[vector<16xi32>], vector<16xi32>,
    %eq3A_452 = arith.cmpi eq, %gather3A_451, %add3A_437 : vector<16xi32>
    %select_n3A_453 = arith.select %eq3A_452, %get3A_450, %broadcast_in_dim3A_28 : vector<16xi1>, vector<16xi32>
    %swap3A_454 = arith.constant 272 : index
    %swap3A_455 = tpu.vector_load %arg9[%swap3A_454] {strides = array<i32>} : memref<512xi32, #tpu.memory_space<vmem>>, vector<16xi32>,
    tpu.vector_store %arg9[%swap3A_454], %select_n3A_453 {strides = array<i32>} : memref<512xi32, #tpu.memory_space<vmem>>, vector<16xi32>,
    %iota3A_456 = tpu.iota {dimensions = array<i32: 0>} : vector<16xi32>
    %add3A_457 = arith.constant 288 : i32
    %add3A_458 = vector.broadcast %add3A_457 : i32 to vector<16xi32>
    %add3A_459 = arith.addi %iota3A_456, %add3A_458 : vector<16xi32>
    %add3A_460 = vector.broadcast %sub3A_27 : i32 to vector<16xi32>
    %add3A_461 = arith.addi %add3A_459, %add3A_460 : vector<16xi32>
    %add3A_462 = arith.constant 288 : i32
    %add3A_463 = arith.addi %sub3A_27, %add3A_462 : i32
    %get3A_464 = arith.index_cast %add3A_463 : i32 to index
    %get3A_465 = tpu.vector_load %arg6[%get3A_464] {strides = array<i32>} : memref<2048xi32, #tpu.memory_space<vmem>>, vector<16xi32>,
    %gather3A_466 = tpu.vector_load_idx %arg7[%get3A_465] : memref<2048xi32, #tpu.memory_space<vmem>>[vector<16xi32>], vector<16xi32>,
    %eq3A_467 = arith.cmpi eq, %gather3A_466, %add3A_461 : vector<16xi32>
    %select_n3A_468 = arith.select %eq3A_467, %get3A_465, %broadcast_in_dim3A_28 : vector<16xi1>, vector<16xi32>
    %swap3A_469 = arith.constant 288 : index
    %swap3A_470 = tpu.vector_load %arg8[%swap3A_469] {strides = array<i32>} : memref<512xi32, #tpu.memory_space<vmem>>, vector<16xi32>,
    tpu.vector_store %arg8[%swap3A_469], %select_n3A_468 {strides = array<i32>} : memref<512xi32, #tpu.memory_space<vmem>>, vector<16xi32>,
    %add3A_471 = arith.constant 288 : i32
    %add3A_472 = arith.addi %sub3A_27, %add3A_471 : i32
    %get3A_473 = arith.index_cast %add3A_472 : i32 to index
    %get3A_474 = tpu.vector_load %arg7[%get3A_473] {strides = array<i32>} : memref<2048xi32, #tpu.memory_space<vmem>>, vector<16xi32>,
    %gather3A_475 = tpu.vector_load_idx %arg6[%get3A_474] : memref<2048xi32, #tpu.memory_space<vmem>>[vector<16xi32>], vector<16xi32>,
    %eq3A_476 = arith.cmpi eq, %gather3A_475, %add3A_461 : vector<16xi32>
    %select_n3A_477 = arith.select %eq3A_476, %get3A_474, %broadcast_in_dim3A_28 : vector<16xi1>, vector<16xi32>
    %swap3A_478 = arith.constant 288 : index
    %swap3A_479 = tpu.vector_load %arg9[%swap3A_478] {strides = array<i32>} : memref<512xi32, #tpu.memory_space<vmem>>, vector<16xi32>,
    tpu.vector_store %arg9[%swap3A_478], %select_n3A_477 {strides = array<i32>} : memref<512xi32, #tpu.memory_space<vmem>>, vector<16xi32>,
    %iota3A_480 = tpu.iota {dimensions = array<i32: 0>} : vector<16xi32>
    %add3A_481 = arith.constant 304 : i32
    %add3A_482 = vector.broadcast %add3A_481 : i32 to vector<16xi32>
    %add3A_483 = arith.addi %iota3A_480, %add3A_482 : vector<16xi32>
    %add3A_484 = vector.broadcast %sub3A_27 : i32 to vector<16xi32>
    %add3A_485 = arith.addi %add3A_483, %add3A_484 : vector<16xi32>
    %add3A_486 = arith.constant 304 : i32
    %add3A_487 = arith.addi %sub3A_27, %add3A_486 : i32
    %get3A_488 = arith.index_cast %add3A_487 : i32 to index
    %get3A_489 = tpu.vector_load %arg6[%get3A_488] {strides = array<i32>} : memref<2048xi32, #tpu.memory_space<vmem>>, vector<16xi32>,
    %gather3A_490 = tpu.vector_load_idx %arg7[%get3A_489] : memref<2048xi32, #tpu.memory_space<vmem>>[vector<16xi32>], vector<16xi32>,
    %eq3A_491 = arith.cmpi eq, %gather3A_490, %add3A_485 : vector<16xi32>
    %select_n3A_492 = arith.select %eq3A_491, %get3A_489, %broadcast_in_dim3A_28 : vector<16xi1>, vector<16xi32>
    %swap3A_493 = arith.constant 304 : index
    %swap3A_494 = tpu.vector_load %arg8[%swap3A_493] {strides = array<i32>} : memref<512xi32, #tpu.memory_space<vmem>>, vector<16xi32>,
    tpu.vector_store %arg8[%swap3A_493], %select_n3A_492 {strides = array<i32>} : memref<512xi32, #tpu.memory_space<vmem>>, vector<16xi32>,
    %add3A_495 = arith.constant 304 : i32
    %add3A_496 = arith.addi %sub3A_27, %add3A_495 : i32
    %get3A_497 = arith.index_cast %add3A_496 : i32 to index
    %get3A_498 = tpu.vector_load %arg7[%get3A_497] {strides = array<i32>} : memref<2048xi32, #tpu.memory_space<vmem>>, vector<16xi32>,
    %gather3A_499 = tpu.vector_load_idx %arg6[%get3A_498] : memref<2048xi32, #tpu.memory_space<vmem>>[vector<16xi32>], vector<16xi32>,
    %eq3A_500 = arith.cmpi eq, %gather3A_499, %add3A_485 : vector<16xi32>
    %select_n3A_501 = arith.select %eq3A_500, %get3A_498, %broadcast_in_dim3A_28 : vector<16xi1>, vector<16xi32>
    %swap3A_502 = arith.constant 304 : index
    %swap3A_503 = tpu.vector_load %arg9[%swap3A_502] {strides = array<i32>} : memref<512xi32, #tpu.memory_space<vmem>>, vector<16xi32>,
    tpu.vector_store %arg9[%swap3A_502], %select_n3A_501 {strides = array<i32>} : memref<512xi32, #tpu.memory_space<vmem>>, vector<16xi32>,
    %iota3A_504 = tpu.iota {dimensions = array<i32: 0>} : vector<16xi32>
    %add3A_505 = arith.constant 320 : i32
    %add3A_506 = vector.broadcast %add3A_505 : i32 to vector<16xi32>
    %add3A_507 = arith.addi %iota3A_504, %add3A_506 : vector<16xi32>
    %add3A_508 = vector.broadcast %sub3A_27 : i32 to vector<16xi32>
    %add3A_509 = arith.addi %add3A_507, %add3A_508 : vector<16xi32>
    %add3A_510 = arith.constant 320 : i32
    %add3A_511 = arith.addi %sub3A_27, %add3A_510 : i32
    %get3A_512 = arith.index_cast %add3A_511 : i32 to index
    %get3A_513 = tpu.vector_load %arg6[%get3A_512] {strides = array<i32>} : memref<2048xi32, #tpu.memory_space<vmem>>, vector<16xi32>,
    %gather3A_514 = tpu.vector_load_idx %arg7[%get3A_513] : memref<2048xi32, #tpu.memory_space<vmem>>[vector<16xi32>], vector<16xi32>,
    %eq3A_515 = arith.cmpi eq, %gather3A_514, %add3A_509 : vector<16xi32>
    %select_n3A_516 = arith.select %eq3A_515, %get3A_513, %broadcast_in_dim3A_28 : vector<16xi1>, vector<16xi32>
    %swap3A_517 = arith.constant 320 : index
    %swap3A_518 = tpu.vector_load %arg8[%swap3A_517] {strides = array<i32>} : memref<512xi32, #tpu.memory_space<vmem>>, vector<16xi32>,
    tpu.vector_store %arg8[%swap3A_517], %select_n3A_516 {strides = array<i32>} : memref<512xi32, #tpu.memory_space<vmem>>, vector<16xi32>,
    %add3A_519 = arith.constant 320 : i32
    %add3A_520 = arith.addi %sub3A_27, %add3A_519 : i32
    %get3A_521 = arith.index_cast %add3A_520 : i32 to index
    %get3A_522 = tpu.vector_load %arg7[%get3A_521] {strides = array<i32>} : memref<2048xi32, #tpu.memory_space<vmem>>, vector<16xi32>,
    %gather3A_523 = tpu.vector_load_idx %arg6[%get3A_522] : memref<2048xi32, #tpu.memory_space<vmem>>[vector<16xi32>], vector<16xi32>,
    %eq3A_524 = arith.cmpi eq, %gather3A_523, %add3A_509 : vector<16xi32>
    %select_n3A_525 = arith.select %eq3A_524, %get3A_522, %broadcast_in_dim3A_28 : vector<16xi1>, vector<16xi32>
    %swap3A_526 = arith.constant 320 : index
    %swap3A_527 = tpu.vector_load %arg9[%swap3A_526] {strides = array<i32>} : memref<512xi32, #tpu.memory_space<vmem>>, vector<16xi32>,
    tpu.vector_store %arg9[%swap3A_526], %select_n3A_525 {strides = array<i32>} : memref<512xi32, #tpu.memory_space<vmem>>, vector<16xi32>,
    %iota3A_528 = tpu.iota {dimensions = array<i32: 0>} : vector<16xi32>
    %add3A_529 = arith.constant 336 : i32
    %add3A_530 = vector.broadcast %add3A_529 : i32 to vector<16xi32>
    %add3A_531 = arith.addi %iota3A_528, %add3A_530 : vector<16xi32>
    %add3A_532 = vector.broadcast %sub3A_27 : i32 to vector<16xi32>
    %add3A_533 = arith.addi %add3A_531, %add3A_532 : vector<16xi32>
    %add3A_534 = arith.constant 336 : i32
    %add3A_535 = arith.addi %sub3A_27, %add3A_534 : i32
    %get3A_536 = arith.index_cast %add3A_535 : i32 to index
    %get3A_537 = tpu.vector_load %arg6[%get3A_536] {strides = array<i32>} : memref<2048xi32, #tpu.memory_space<vmem>>, vector<16xi32>,
    %gather3A_538 = tpu.vector_load_idx %arg7[%get3A_537] : memref<2048xi32, #tpu.memory_space<vmem>>[vector<16xi32>], vector<16xi32>,
    %eq3A_539 = arith.cmpi eq, %gather3A_538, %add3A_533 : vector<16xi32>
    %select_n3A_540 = arith.select %eq3A_539, %get3A_537, %broadcast_in_dim3A_28 : vector<16xi1>, vector<16xi32>
    %swap3A_541 = arith.constant 336 : index
    %swap3A_542 = tpu.vector_load %arg8[%swap3A_541] {strides = array<i32>} : memref<512xi32, #tpu.memory_space<vmem>>, vector<16xi32>,
    tpu.vector_store %arg8[%swap3A_541], %select_n3A_540 {strides = array<i32>} : memref<512xi32, #tpu.memory_space<vmem>>, vector<16xi32>,
    %add3A_543 = arith.constant 336 : i32
    %add3A_544 = arith.addi %sub3A_27, %add3A_543 : i32
    %get3A_545 = arith.index_cast %add3A_544 : i32 to index
    %get3A_546 = tpu.vector_load %arg7[%get3A_545] {strides = array<i32>} : memref<2048xi32, #tpu.memory_space<vmem>>, vector<16xi32>,
    %gather3A_547 = tpu.vector_load_idx %arg6[%get3A_546] : memref<2048xi32, #tpu.memory_space<vmem>>[vector<16xi32>], vector<16xi32>,
    %eq3A_548 = arith.cmpi eq, %gather3A_547, %add3A_533 : vector<16xi32>
    %select_n3A_549 = arith.select %eq3A_548, %get3A_546, %broadcast_in_dim3A_28 : vector<16xi1>, vector<16xi32>
    %swap3A_550 = arith.constant 336 : index
    %swap3A_551 = tpu.vector_load %arg9[%swap3A_550] {strides = array<i32>} : memref<512xi32, #tpu.memory_space<vmem>>, vector<16xi32>,
    tpu.vector_store %arg9[%swap3A_550], %select_n3A_549 {strides = array<i32>} : memref<512xi32, #tpu.memory_space<vmem>>, vector<16xi32>,
    %iota3A_552 = tpu.iota {dimensions = array<i32: 0>} : vector<16xi32>
    %add3A_553 = arith.constant 352 : i32
    %add3A_554 = vector.broadcast %add3A_553 : i32 to vector<16xi32>
    %add3A_555 = arith.addi %iota3A_552, %add3A_554 : vector<16xi32>
    %add3A_556 = vector.broadcast %sub3A_27 : i32 to vector<16xi32>
    %add3A_557 = arith.addi %add3A_555, %add3A_556 : vector<16xi32>
    %add3A_558 = arith.constant 352 : i32
    %add3A_559 = arith.addi %sub3A_27, %add3A_558 : i32
    %get3A_560 = arith.index_cast %add3A_559 : i32 to index
    %get3A_561 = tpu.vector_load %arg6[%get3A_560] {strides = array<i32>} : memref<2048xi32, #tpu.memory_space<vmem>>, vector<16xi32>,
    %gather3A_562 = tpu.vector_load_idx %arg7[%get3A_561] : memref<2048xi32, #tpu.memory_space<vmem>>[vector<16xi32>], vector<16xi32>,
    %eq3A_563 = arith.cmpi eq, %gather3A_562, %add3A_557 : vector<16xi32>
    %select_n3A_564 = arith.select %eq3A_563, %get3A_561, %broadcast_in_dim3A_28 : vector<16xi1>, vector<16xi32>
    %swap3A_565 = arith.constant 352 : index
    %swap3A_566 = tpu.vector_load %arg8[%swap3A_565] {strides = array<i32>} : memref<512xi32, #tpu.memory_space<vmem>>, vector<16xi32>,
    tpu.vector_store %arg8[%swap3A_565], %select_n3A_564 {strides = array<i32>} : memref<512xi32, #tpu.memory_space<vmem>>, vector<16xi32>,
    %add3A_567 = arith.constant 352 : i32
    %add3A_568 = arith.addi %sub3A_27, %add3A_567 : i32
    %get3A_569 = arith.index_cast %add3A_568 : i32 to index
    %get3A_570 = tpu.vector_load %arg7[%get3A_569] {strides = array<i32>} : memref<2048xi32, #tpu.memory_space<vmem>>, vector<16xi32>,
    %gather3A_571 = tpu.vector_load_idx %arg6[%get3A_570] : memref<2048xi32, #tpu.memory_space<vmem>>[vector<16xi32>], vector<16xi32>,
    %eq3A_572 = arith.cmpi eq, %gather3A_571, %add3A_557 : vector<16xi32>
    %select_n3A_573 = arith.select %eq3A_572, %get3A_570, %broadcast_in_dim3A_28 : vector<16xi1>, vector<16xi32>
    %swap3A_574 = arith.constant 352 : index
    %swap3A_575 = tpu.vector_load %arg9[%swap3A_574] {strides = array<i32>} : memref<512xi32, #tpu.memory_space<vmem>>, vector<16xi32>,
    tpu.vector_store %arg9[%swap3A_574], %select_n3A_573 {strides = array<i32>} : memref<512xi32, #tpu.memory_space<vmem>>, vector<16xi32>,
    %iota3A_576 = tpu.iota {dimensions = array<i32: 0>} : vector<16xi32>
    %add3A_577 = arith.constant 368 : i32
    %add3A_578 = vector.broadcast %add3A_577 : i32 to vector<16xi32>
    %add3A_579 = arith.addi %iota3A_576, %add3A_578 : vector<16xi32>
    %add3A_580 = vector.broadcast %sub3A_27 : i32 to vector<16xi32>
    %add3A_581 = arith.addi %add3A_579, %add3A_580 : vector<16xi32>
    %add3A_582 = arith.constant 368 : i32
    %add3A_583 = arith.addi %sub3A_27, %add3A_582 : i32
    %get3A_584 = arith.index_cast %add3A_583 : i32 to index
    %get3A_585 = tpu.vector_load %arg6[%get3A_584] {strides = array<i32>} : memref<2048xi32, #tpu.memory_space<vmem>>, vector<16xi32>,
    %gather3A_586 = tpu.vector_load_idx %arg7[%get3A_585] : memref<2048xi32, #tpu.memory_space<vmem>>[vector<16xi32>], vector<16xi32>,
    %eq3A_587 = arith.cmpi eq, %gather3A_586, %add3A_581 : vector<16xi32>
    %select_n3A_588 = arith.select %eq3A_587, %get3A_585, %broadcast_in_dim3A_28 : vector<16xi1>, vector<16xi32>
    %swap3A_589 = arith.constant 368 : index
    %swap3A_590 = tpu.vector_load %arg8[%swap3A_589] {strides = array<i32>} : memref<512xi32, #tpu.memory_space<vmem>>, vector<16xi32>,
    tpu.vector_store %arg8[%swap3A_589], %select_n3A_588 {strides = array<i32>} : memref<512xi32, #tpu.memory_space<vmem>>, vector<16xi32>,
    %add3A_591 = arith.constant 368 : i32
    %add3A_592 = arith.addi %sub3A_27, %add3A_591 : i32
    %get3A_593 = arith.index_cast %add3A_592 : i32 to index
    %get3A_594 = tpu.vector_load %arg7[%get3A_593] {strides = array<i32>} : memref<2048xi32, #tpu.memory_space<vmem>>, vector<16xi32>,
    %gather3A_595 = tpu.vector_load_idx %arg6[%get3A_594] : memref<2048xi32, #tpu.memory_space<vmem>>[vector<16xi32>], vector<16xi32>,
    %eq3A_596 = arith.cmpi eq, %gather3A_595, %add3A_581 : vector<16xi32>
    %select_n3A_597 = arith.select %eq3A_596, %get3A_594, %broadcast_in_dim3A_28 : vector<16xi1>, vector<16xi32>
    %swap3A_598 = arith.constant 368 : index
    %swap3A_599 = tpu.vector_load %arg9[%swap3A_598] {strides = array<i32>} : memref<512xi32, #tpu.memory_space<vmem>>, vector<16xi32>,
    tpu.vector_store %arg9[%swap3A_598], %select_n3A_597 {strides = array<i32>} : memref<512xi32, #tpu.memory_space<vmem>>, vector<16xi32>,
    %iota3A_600 = tpu.iota {dimensions = array<i32: 0>} : vector<16xi32>
    %add3A_601 = arith.constant 384 : i32
    %add3A_602 = vector.broadcast %add3A_601 : i32 to vector<16xi32>
    %add3A_603 = arith.addi %iota3A_600, %add3A_602 : vector<16xi32>
    %add3A_604 = vector.broadcast %sub3A_27 : i32 to vector<16xi32>
    %add3A_605 = arith.addi %add3A_603, %add3A_604 : vector<16xi32>
    %add3A_606 = arith.constant 384 : i32
    %add3A_607 = arith.addi %sub3A_27, %add3A_606 : i32
    %get3A_608 = arith.index_cast %add3A_607 : i32 to index
    %get3A_609 = tpu.vector_load %arg6[%get3A_608] {strides = array<i32>} : memref<2048xi32, #tpu.memory_space<vmem>>, vector<16xi32>,
    %gather3A_610 = tpu.vector_load_idx %arg7[%get3A_609] : memref<2048xi32, #tpu.memory_space<vmem>>[vector<16xi32>], vector<16xi32>,
    %eq3A_611 = arith.cmpi eq, %gather3A_610, %add3A_605 : vector<16xi32>
    %select_n3A_612 = arith.select %eq3A_611, %get3A_609, %broadcast_in_dim3A_28 : vector<16xi1>, vector<16xi32>
    %swap3A_613 = arith.constant 384 : index
    %swap3A_614 = tpu.vector_load %arg8[%swap3A_613] {strides = array<i32>} : memref<512xi32, #tpu.memory_space<vmem>>, vector<16xi32>,
    tpu.vector_store %arg8[%swap3A_613], %select_n3A_612 {strides = array<i32>} : memref<512xi32, #tpu.memory_space<vmem>>, vector<16xi32>,
    %add3A_615 = arith.constant 384 : i32
    %add3A_616 = arith.addi %sub3A_27, %add3A_615 : i32
    %get3A_617 = arith.index_cast %add3A_616 : i32 to index
    %get3A_618 = tpu.vector_load %arg7[%get3A_617] {strides = array<i32>} : memref<2048xi32, #tpu.memory_space<vmem>>, vector<16xi32>,
    %gather3A_619 = tpu.vector_load_idx %arg6[%get3A_618] : memref<2048xi32, #tpu.memory_space<vmem>>[vector<16xi32>], vector<16xi32>,
    %eq3A_620 = arith.cmpi eq, %gather3A_619, %add3A_605 : vector<16xi32>
    %select_n3A_621 = arith.select %eq3A_620, %get3A_618, %broadcast_in_dim3A_28 : vector<16xi1>, vector<16xi32>
    %swap3A_622 = arith.constant 384 : index
    %swap3A_623 = tpu.vector_load %arg9[%swap3A_622] {strides = array<i32>} : memref<512xi32, #tpu.memory_space<vmem>>, vector<16xi32>,
    tpu.vector_store %arg9[%swap3A_622], %select_n3A_621 {strides = array<i32>} : memref<512xi32, #tpu.memory_space<vmem>>, vector<16xi32>,
    %iota3A_624 = tpu.iota {dimensions = array<i32: 0>} : vector<16xi32>
    %add3A_625 = arith.constant 400 : i32
    %add3A_626 = vector.broadcast %add3A_625 : i32 to vector<16xi32>
    %add3A_627 = arith.addi %iota3A_624, %add3A_626 : vector<16xi32>
    %add3A_628 = vector.broadcast %sub3A_27 : i32 to vector<16xi32>
    %add3A_629 = arith.addi %add3A_627, %add3A_628 : vector<16xi32>
    %add3A_630 = arith.constant 400 : i32
    %add3A_631 = arith.addi %sub3A_27, %add3A_630 : i32
    %get3A_632 = arith.index_cast %add3A_631 : i32 to index
    %get3A_633 = tpu.vector_load %arg6[%get3A_632] {strides = array<i32>} : memref<2048xi32, #tpu.memory_space<vmem>>, vector<16xi32>,
    %gather3A_634 = tpu.vector_load_idx %arg7[%get3A_633] : memref<2048xi32, #tpu.memory_space<vmem>>[vector<16xi32>], vector<16xi32>,
    %eq3A_635 = arith.cmpi eq, %gather3A_634, %add3A_629 : vector<16xi32>
    %select_n3A_636 = arith.select %eq3A_635, %get3A_633, %broadcast_in_dim3A_28 : vector<16xi1>, vector<16xi32>
    %swap3A_637 = arith.constant 400 : index
    %swap3A_638 = tpu.vector_load %arg8[%swap3A_637] {strides = array<i32>} : memref<512xi32, #tpu.memory_space<vmem>>, vector<16xi32>,
    tpu.vector_store %arg8[%swap3A_637], %select_n3A_636 {strides = array<i32>} : memref<512xi32, #tpu.memory_space<vmem>>, vector<16xi32>,
    %add3A_639 = arith.constant 400 : i32
    %add3A_640 = arith.addi %sub3A_27, %add3A_639 : i32
    %get3A_641 = arith.index_cast %add3A_640 : i32 to index
    %get3A_642 = tpu.vector_load %arg7[%get3A_641] {strides = array<i32>} : memref<2048xi32, #tpu.memory_space<vmem>>, vector<16xi32>,
    %gather3A_643 = tpu.vector_load_idx %arg6[%get3A_642] : memref<2048xi32, #tpu.memory_space<vmem>>[vector<16xi32>], vector<16xi32>,
    %eq3A_644 = arith.cmpi eq, %gather3A_643, %add3A_629 : vector<16xi32>
    %select_n3A_645 = arith.select %eq3A_644, %get3A_642, %broadcast_in_dim3A_28 : vector<16xi1>, vector<16xi32>
    %swap3A_646 = arith.constant 400 : index
    %swap3A_647 = tpu.vector_load %arg9[%swap3A_646] {strides = array<i32>} : memref<512xi32, #tpu.memory_space<vmem>>, vector<16xi32>,
    tpu.vector_store %arg9[%swap3A_646], %select_n3A_645 {strides = array<i32>} : memref<512xi32, #tpu.memory_space<vmem>>, vector<16xi32>,
    %iota3A_648 = tpu.iota {dimensions = array<i32: 0>} : vector<16xi32>
    %add3A_649 = arith.constant 416 : i32
    %add3A_650 = vector.broadcast %add3A_649 : i32 to vector<16xi32>
    %add3A_651 = arith.addi %iota3A_648, %add3A_650 : vector<16xi32>
    %add3A_652 = vector.broadcast %sub3A_27 : i32 to vector<16xi32>
    %add3A_653 = arith.addi %add3A_651, %add3A_652 : vector<16xi32>
    %add3A_654 = arith.constant 416 : i32
    %add3A_655 = arith.addi %sub3A_27, %add3A_654 : i32
    %get3A_656 = arith.index_cast %add3A_655 : i32 to index
    %get3A_657 = tpu.vector_load %arg6[%get3A_656] {strides = array<i32>} : memref<2048xi32, #tpu.memory_space<vmem>>, vector<16xi32>,
    %gather3A_658 = tpu.vector_load_idx %arg7[%get3A_657] : memref<2048xi32, #tpu.memory_space<vmem>>[vector<16xi32>], vector<16xi32>,
    %eq3A_659 = arith.cmpi eq, %gather3A_658, %add3A_653 : vector<16xi32>
    %select_n3A_660 = arith.select %eq3A_659, %get3A_657, %broadcast_in_dim3A_28 : vector<16xi1>, vector<16xi32>
    %swap3A_661 = arith.constant 416 : index
    %swap3A_662 = tpu.vector_load %arg8[%swap3A_661] {strides = array<i32>} : memref<512xi32, #tpu.memory_space<vmem>>, vector<16xi32>,
    tpu.vector_store %arg8[%swap3A_661], %select_n3A_660 {strides = array<i32>} : memref<512xi32, #tpu.memory_space<vmem>>, vector<16xi32>,
    %add3A_663 = arith.constant 416 : i32
    %add3A_664 = arith.addi %sub3A_27, %add3A_663 : i32
    %get3A_665 = arith.index_cast %add3A_664 : i32 to index
    %get3A_666 = tpu.vector_load %arg7[%get3A_665] {strides = array<i32>} : memref<2048xi32, #tpu.memory_space<vmem>>, vector<16xi32>,
    %gather3A_667 = tpu.vector_load_idx %arg6[%get3A_666] : memref<2048xi32, #tpu.memory_space<vmem>>[vector<16xi32>], vector<16xi32>,
    %eq3A_668 = arith.cmpi eq, %gather3A_667, %add3A_653 : vector<16xi32>
    %select_n3A_669 = arith.select %eq3A_668, %get3A_666, %broadcast_in_dim3A_28 : vector<16xi1>, vector<16xi32>
    %swap3A_670 = arith.constant 416 : index
    %swap3A_671 = tpu.vector_load %arg9[%swap3A_670] {strides = array<i32>} : memref<512xi32, #tpu.memory_space<vmem>>, vector<16xi32>,
    tpu.vector_store %arg9[%swap3A_670], %select_n3A_669 {strides = array<i32>} : memref<512xi32, #tpu.memory_space<vmem>>, vector<16xi32>,
    %iota3A_672 = tpu.iota {dimensions = array<i32: 0>} : vector<16xi32>
    %add3A_673 = arith.constant 432 : i32
    %add3A_674 = vector.broadcast %add3A_673 : i32 to vector<16xi32>
    %add3A_675 = arith.addi %iota3A_672, %add3A_674 : vector<16xi32>
    %add3A_676 = vector.broadcast %sub3A_27 : i32 to vector<16xi32>
    %add3A_677 = arith.addi %add3A_675, %add3A_676 : vector<16xi32>
    %add3A_678 = arith.constant 432 : i32
    %add3A_679 = arith.addi %sub3A_27, %add3A_678 : i32
    %get3A_680 = arith.index_cast %add3A_679 : i32 to index
    %get3A_681 = tpu.vector_load %arg6[%get3A_680] {strides = array<i32>} : memref<2048xi32, #tpu.memory_space<vmem>>, vector<16xi32>,
    %gather3A_682 = tpu.vector_load_idx %arg7[%get3A_681] : memref<2048xi32, #tpu.memory_space<vmem>>[vector<16xi32>], vector<16xi32>,
    %eq3A_683 = arith.cmpi eq, %gather3A_682, %add3A_677 : vector<16xi32>
    %select_n3A_684 = arith.select %eq3A_683, %get3A_681, %broadcast_in_dim3A_28 : vector<16xi1>, vector<16xi32>
    %swap3A_685 = arith.constant 432 : index
    %swap3A_686 = tpu.vector_load %arg8[%swap3A_685] {strides = array<i32>} : memref<512xi32, #tpu.memory_space<vmem>>, vector<16xi32>,
    tpu.vector_store %arg8[%swap3A_685], %select_n3A_684 {strides = array<i32>} : memref<512xi32, #tpu.memory_space<vmem>>, vector<16xi32>,
    %add3A_687 = arith.constant 432 : i32
    %add3A_688 = arith.addi %sub3A_27, %add3A_687 : i32
    %get3A_689 = arith.index_cast %add3A_688 : i32 to index
    %get3A_690 = tpu.vector_load %arg7[%get3A_689] {strides = array<i32>} : memref<2048xi32, #tpu.memory_space<vmem>>, vector<16xi32>,
    %gather3A_691 = tpu.vector_load_idx %arg6[%get3A_690] : memref<2048xi32, #tpu.memory_space<vmem>>[vector<16xi32>], vector<16xi32>,
    %eq3A_692 = arith.cmpi eq, %gather3A_691, %add3A_677 : vector<16xi32>
    %select_n3A_693 = arith.select %eq3A_692, %get3A_690, %broadcast_in_dim3A_28 : vector<16xi1>, vector<16xi32>
    %swap3A_694 = arith.constant 432 : index
    %swap3A_695 = tpu.vector_load %arg9[%swap3A_694] {strides = array<i32>} : memref<512xi32, #tpu.memory_space<vmem>>, vector<16xi32>,
    tpu.vector_store %arg9[%swap3A_694], %select_n3A_693 {strides = array<i32>} : memref<512xi32, #tpu.memory_space<vmem>>, vector<16xi32>,
    %iota3A_696 = tpu.iota {dimensions = array<i32: 0>} : vector<16xi32>
    %add3A_697 = arith.constant 448 : i32
    %add3A_698 = vector.broadcast %add3A_697 : i32 to vector<16xi32>
    %add3A_699 = arith.addi %iota3A_696, %add3A_698 : vector<16xi32>
    %add3A_700 = vector.broadcast %sub3A_27 : i32 to vector<16xi32>
    %add3A_701 = arith.addi %add3A_699, %add3A_700 : vector<16xi32>
    %add3A_702 = arith.constant 448 : i32
    %add3A_703 = arith.addi %sub3A_27, %add3A_702 : i32
    %get3A_704 = arith.index_cast %add3A_703 : i32 to index
    %get3A_705 = tpu.vector_load %arg6[%get3A_704] {strides = array<i32>} : memref<2048xi32, #tpu.memory_space<vmem>>, vector<16xi32>,
    %gather3A_706 = tpu.vector_load_idx %arg7[%get3A_705] : memref<2048xi32, #tpu.memory_space<vmem>>[vector<16xi32>], vector<16xi32>,
    %eq3A_707 = arith.cmpi eq, %gather3A_706, %add3A_701 : vector<16xi32>
    %select_n3A_708 = arith.select %eq3A_707, %get3A_705, %broadcast_in_dim3A_28 : vector<16xi1>, vector<16xi32>
    %swap3A_709 = arith.constant 448 : index
    %swap3A_710 = tpu.vector_load %arg8[%swap3A_709] {strides = array<i32>} : memref<512xi32, #tpu.memory_space<vmem>>, vector<16xi32>,
    tpu.vector_store %arg8[%swap3A_709], %select_n3A_708 {strides = array<i32>} : memref<512xi32, #tpu.memory_space<vmem>>, vector<16xi32>,
    %add3A_711 = arith.constant 448 : i32
    %add3A_712 = arith.addi %sub3A_27, %add3A_711 : i32
    %get3A_713 = arith.index_cast %add3A_712 : i32 to index
    %get3A_714 = tpu.vector_load %arg7[%get3A_713] {strides = array<i32>} : memref<2048xi32, #tpu.memory_space<vmem>>, vector<16xi32>,
    %gather3A_715 = tpu.vector_load_idx %arg6[%get3A_714] : memref<2048xi32, #tpu.memory_space<vmem>>[vector<16xi32>], vector<16xi32>,
    %eq3A_716 = arith.cmpi eq, %gather3A_715, %add3A_701 : vector<16xi32>
    %select_n3A_717 = arith.select %eq3A_716, %get3A_714, %broadcast_in_dim3A_28 : vector<16xi1>, vector<16xi32>
    %swap3A_718 = arith.constant 448 : index
    %swap3A_719 = tpu.vector_load %arg9[%swap3A_718] {strides = array<i32>} : memref<512xi32, #tpu.memory_space<vmem>>, vector<16xi32>,
    tpu.vector_store %arg9[%swap3A_718], %select_n3A_717 {strides = array<i32>} : memref<512xi32, #tpu.memory_space<vmem>>, vector<16xi32>,
    %iota3A_720 = tpu.iota {dimensions = array<i32: 0>} : vector<16xi32>
    %add3A_721 = arith.constant 464 : i32
    %add3A_722 = vector.broadcast %add3A_721 : i32 to vector<16xi32>
    %add3A_723 = arith.addi %iota3A_720, %add3A_722 : vector<16xi32>
    %add3A_724 = vector.broadcast %sub3A_27 : i32 to vector<16xi32>
    %add3A_725 = arith.addi %add3A_723, %add3A_724 : vector<16xi32>
    %add3A_726 = arith.constant 464 : i32
    %add3A_727 = arith.addi %sub3A_27, %add3A_726 : i32
    %get3A_728 = arith.index_cast %add3A_727 : i32 to index
    %get3A_729 = tpu.vector_load %arg6[%get3A_728] {strides = array<i32>} : memref<2048xi32, #tpu.memory_space<vmem>>, vector<16xi32>,
    %gather3A_730 = tpu.vector_load_idx %arg7[%get3A_729] : memref<2048xi32, #tpu.memory_space<vmem>>[vector<16xi32>], vector<16xi32>,
    %eq3A_731 = arith.cmpi eq, %gather3A_730, %add3A_725 : vector<16xi32>
    %select_n3A_732 = arith.select %eq3A_731, %get3A_729, %broadcast_in_dim3A_28 : vector<16xi1>, vector<16xi32>
    %swap3A_733 = arith.constant 464 : index
    %swap3A_734 = tpu.vector_load %arg8[%swap3A_733] {strides = array<i32>} : memref<512xi32, #tpu.memory_space<vmem>>, vector<16xi32>,
    tpu.vector_store %arg8[%swap3A_733], %select_n3A_732 {strides = array<i32>} : memref<512xi32, #tpu.memory_space<vmem>>, vector<16xi32>,
    %add3A_735 = arith.constant 464 : i32
    %add3A_736 = arith.addi %sub3A_27, %add3A_735 : i32
    %get3A_737 = arith.index_cast %add3A_736 : i32 to index
    %get3A_738 = tpu.vector_load %arg7[%get3A_737] {strides = array<i32>} : memref<2048xi32, #tpu.memory_space<vmem>>, vector<16xi32>,
    %gather3A_739 = tpu.vector_load_idx %arg6[%get3A_738] : memref<2048xi32, #tpu.memory_space<vmem>>[vector<16xi32>], vector<16xi32>,
    %eq3A_740 = arith.cmpi eq, %gather3A_739, %add3A_725 : vector<16xi32>
    %select_n3A_741 = arith.select %eq3A_740, %get3A_738, %broadcast_in_dim3A_28 : vector<16xi1>, vector<16xi32>
    %swap3A_742 = arith.constant 464 : index
    %swap3A_743 = tpu.vector_load %arg9[%swap3A_742] {strides = array<i32>} : memref<512xi32, #tpu.memory_space<vmem>>, vector<16xi32>,
    tpu.vector_store %arg9[%swap3A_742], %select_n3A_741 {strides = array<i32>} : memref<512xi32, #tpu.memory_space<vmem>>, vector<16xi32>,
    %iota3A_744 = tpu.iota {dimensions = array<i32: 0>} : vector<16xi32>
    %add3A_745 = arith.constant 480 : i32
    %add3A_746 = vector.broadcast %add3A_745 : i32 to vector<16xi32>
    %add3A_747 = arith.addi %iota3A_744, %add3A_746 : vector<16xi32>
    %add3A_748 = vector.broadcast %sub3A_27 : i32 to vector<16xi32>
    %add3A_749 = arith.addi %add3A_747, %add3A_748 : vector<16xi32>
    %add3A_750 = arith.constant 480 : i32
    %add3A_751 = arith.addi %sub3A_27, %add3A_750 : i32
    %get3A_752 = arith.index_cast %add3A_751 : i32 to index
    %get3A_753 = tpu.vector_load %arg6[%get3A_752] {strides = array<i32>} : memref<2048xi32, #tpu.memory_space<vmem>>, vector<16xi32>,
    %gather3A_754 = tpu.vector_load_idx %arg7[%get3A_753] : memref<2048xi32, #tpu.memory_space<vmem>>[vector<16xi32>], vector<16xi32>,
    %eq3A_755 = arith.cmpi eq, %gather3A_754, %add3A_749 : vector<16xi32>
    %select_n3A_756 = arith.select %eq3A_755, %get3A_753, %broadcast_in_dim3A_28 : vector<16xi1>, vector<16xi32>
    %swap3A_757 = arith.constant 480 : index
    %swap3A_758 = tpu.vector_load %arg8[%swap3A_757] {strides = array<i32>} : memref<512xi32, #tpu.memory_space<vmem>>, vector<16xi32>,
    tpu.vector_store %arg8[%swap3A_757], %select_n3A_756 {strides = array<i32>} : memref<512xi32, #tpu.memory_space<vmem>>, vector<16xi32>,
    %add3A_759 = arith.constant 480 : i32
    %add3A_760 = arith.addi %sub3A_27, %add3A_759 : i32
    %get3A_761 = arith.index_cast %add3A_760 : i32 to index
    %get3A_762 = tpu.vector_load %arg7[%get3A_761] {strides = array<i32>} : memref<2048xi32, #tpu.memory_space<vmem>>, vector<16xi32>,
    %gather3A_763 = tpu.vector_load_idx %arg6[%get3A_762] : memref<2048xi32, #tpu.memory_space<vmem>>[vector<16xi32>], vector<16xi32>,
    %eq3A_764 = arith.cmpi eq, %gather3A_763, %add3A_749 : vector<16xi32>
    %select_n3A_765 = arith.select %eq3A_764, %get3A_762, %broadcast_in_dim3A_28 : vector<16xi1>, vector<16xi32>
    %swap3A_766 = arith.constant 480 : index
    %swap3A_767 = tpu.vector_load %arg9[%swap3A_766] {strides = array<i32>} : memref<512xi32, #tpu.memory_space<vmem>>, vector<16xi32>,
    tpu.vector_store %arg9[%swap3A_766], %select_n3A_765 {strides = array<i32>} : memref<512xi32, #tpu.memory_space<vmem>>, vector<16xi32>,
    %iota3A_768 = tpu.iota {dimensions = array<i32: 0>} : vector<16xi32>
    %add3A_769 = arith.constant 496 : i32
    %add3A_770 = vector.broadcast %add3A_769 : i32 to vector<16xi32>
    %add3A_771 = arith.addi %iota3A_768, %add3A_770 : vector<16xi32>
    %add3A_772 = vector.broadcast %sub3A_27 : i32 to vector<16xi32>
    %add3A_773 = arith.addi %add3A_771, %add3A_772 : vector<16xi32>
    %add3A_774 = arith.constant 496 : i32
    %add3A_775 = arith.addi %sub3A_27, %add3A_774 : i32
    %get3A_776 = arith.index_cast %add3A_775 : i32 to index
    %get3A_777 = tpu.vector_load %arg6[%get3A_776] {strides = array<i32>} : memref<2048xi32, #tpu.memory_space<vmem>>, vector<16xi32>,
    %gather3A_778 = tpu.vector_load_idx %arg7[%get3A_777] : memref<2048xi32, #tpu.memory_space<vmem>>[vector<16xi32>], vector<16xi32>,
    %eq3A_779 = arith.cmpi eq, %gather3A_778, %add3A_773 : vector<16xi32>
    %select_n3A_780 = arith.select %eq3A_779, %get3A_777, %broadcast_in_dim3A_28 : vector<16xi1>, vector<16xi32>
    %swap3A_781 = arith.constant 496 : index
    %swap3A_782 = tpu.vector_load %arg8[%swap3A_781] {strides = array<i32>} : memref<512xi32, #tpu.memory_space<vmem>>, vector<16xi32>,
    tpu.vector_store %arg8[%swap3A_781], %select_n3A_780 {strides = array<i32>} : memref<512xi32, #tpu.memory_space<vmem>>, vector<16xi32>,
    %add3A_783 = arith.constant 496 : i32
    %add3A_784 = arith.addi %sub3A_27, %add3A_783 : i32
    %get3A_785 = arith.index_cast %add3A_784 : i32 to index
    %get3A_786 = tpu.vector_load %arg7[%get3A_785] {strides = array<i32>} : memref<2048xi32, #tpu.memory_space<vmem>>, vector<16xi32>,
    %gather3A_787 = tpu.vector_load_idx %arg6[%get3A_786] : memref<2048xi32, #tpu.memory_space<vmem>>[vector<16xi32>], vector<16xi32>,
    %eq3A_788 = arith.cmpi eq, %gather3A_787, %add3A_773 : vector<16xi32>
    %select_n3A_789 = arith.select %eq3A_788, %get3A_786, %broadcast_in_dim3A_28 : vector<16xi1>, vector<16xi32>
    %swap3A_790 = arith.constant 496 : index
    %swap3A_791 = tpu.vector_load %arg9[%swap3A_790] {strides = array<i32>} : memref<512xi32, #tpu.memory_space<vmem>>, vector<16xi32>,
    tpu.vector_store %arg9[%swap3A_790], %select_n3A_789 {strides = array<i32>} : memref<512xi32, #tpu.memory_space<vmem>>, vector<16xi32>,
    "tpu.region"() ({
      %run_scoped3A = tpu.sem_alloc : memref<!tpu.dma_semaphore, #tpu.memory_space<semaphore_mem>>
      %dma_start3A_792 = tpu.memref_slice %arg4[%mul3A_2] : memref<16384xi32, #tpu.memory_space<hbm>> -> memref<512xi32, #tpu.memory_space<hbm>>
      %dma_start3A_793 = tpu.memref_slice %arg4[%mul3A_2] : memref<16384xi32, #tpu.memory_space<hbm>> -> memref<512xi32, #tpu.memory_space<hbm>>
      tpu.enqueue_dma source(%arg8 : memref<512xi32, #tpu.memory_space<vmem>>) target(%dma_start3A_793 : memref<512xi32, #tpu.memory_space<hbm>>) target_semaphore(%run_scoped3A : memref<!tpu.dma_semaphore, #tpu.memory_space<semaphore_mem>>)
      %dma_wait3A_794 = tpu.memref_slice %arg4[%mul3A_2] : memref<16384xi32, #tpu.memory_space<hbm>> -> memref<512xi32, #tpu.memory_space<hbm>>
      %dma_wait3A_795 = tpu.memref_slice %arg4[%mul3A_2] : memref<16384xi32, #tpu.memory_space<hbm>> -> memref<512xi32, #tpu.memory_space<hbm>>
      tpu.wait_dma2 semaphore(%run_scoped3A : memref<!tpu.dma_semaphore, #tpu.memory_space<semaphore_mem>>) src(%arg8 : memref<512xi32, #tpu.memory_space<vmem>>) dst(%dma_wait3A_795 : memref<512xi32, #tpu.memory_space<hbm>>)
      tpu.yield
    }) : () -> ()
    "tpu.region"() ({
      %run_scoped3A = tpu.sem_alloc : memref<!tpu.dma_semaphore, #tpu.memory_space<semaphore_mem>>
      %dma_start3A_792 = tpu.memref_slice %arg5[%mul3A_2] : memref<16384xi32, #tpu.memory_space<hbm>> -> memref<512xi32, #tpu.memory_space<hbm>>
      %dma_start3A_793 = tpu.memref_slice %arg5[%mul3A_2] : memref<16384xi32, #tpu.memory_space<hbm>> -> memref<512xi32, #tpu.memory_space<hbm>>
      tpu.enqueue_dma source(%arg9 : memref<512xi32, #tpu.memory_space<vmem>>) target(%dma_start3A_793 : memref<512xi32, #tpu.memory_space<hbm>>) target_semaphore(%run_scoped3A : memref<!tpu.dma_semaphore, #tpu.memory_space<semaphore_mem>>)
      %dma_wait3A_794 = tpu.memref_slice %arg5[%mul3A_2] : memref<16384xi32, #tpu.memory_space<hbm>> -> memref<512xi32, #tpu.memory_space<hbm>>
      %dma_wait3A_795 = tpu.memref_slice %arg5[%mul3A_2] : memref<16384xi32, #tpu.memory_space<hbm>> -> memref<512xi32, #tpu.memory_space<hbm>>
      tpu.wait_dma2 semaphore(%run_scoped3A : memref<!tpu.dma_semaphore, #tpu.memory_space<semaphore_mem>>) src(%arg9 : memref<512xi32, #tpu.memory_space<vmem>>) dst(%dma_wait3A_795 : memref<512xi32, #tpu.memory_space<hbm>>)
      tpu.yield
    }) : () -> ()
    return
  }
}

module attributes {stable_mosaic.version = 14 : i64} {
  func.func @_sim_argmax_body(%arg0: i32, %arg1: memref<1x256x2048xf32, #tpu.memory_space<vmem>>, %arg2: memref<1x256x2048xf32, #tpu.memory_space<vmem>>, %arg3: memref<1x1x2048xi32, #tpu.memory_space<vmem>>, %arg4: memref<1x1x2048xf32, #tpu.memory_space<vmem>>, %arg5: memref<1x1x2048xi32, #tpu.memory_space<vmem>>, %arg6: memref<1x1x2048xf32, #tpu.memory_space<vmem>>) attributes {dimension_semantics = [#tpu.dimension_semantics<parallel>], iteration_bounds = array<i64: 8>, scalar_prefetch = 0 : i64, scratch_operands = 0 : i64, tpu.core_type = #tpu.core_type<tc>, window_params = [{transform_indices = @transform_0, window_bounds = array<i64: 1, 256, 2048>}, {transform_indices = @transform_1, window_bounds = array<i64: 1, 256, 2048>}, {transform_indices = @transform_2, window_bounds = array<i64: 1, 1, 2048>}, {transform_indices = @transform_3, window_bounds = array<i64: 1, 1, 2048>}, {transform_indices = @transform_4, window_bounds = array<i64: 1, 1, 2048>}, {transform_indices = @transform_5, window_bounds = array<i64: 1, 1, 2048>}]} {
    %get3A = arith.constant 0 : index
    %get3A_0 = arith.constant 0 : index
    %get3A_1 = arith.constant 0 : index
    %get3A_2 = vector.load %arg1[%get3A, %get3A_0, %get3A_1] : memref<1x256x2048xf32, #tpu.memory_space<vmem>>, vector<1x256x2048xf32>
    %get3A_3 = vector.shape_cast %get3A_2 : vector<1x256x2048xf32> to vector<256x2048xf32>
    %get3A_4 = arith.constant 0 : index
    %get3A_5 = arith.constant 0 : index
    %get3A_6 = arith.constant 0 : index
    %get3A_7 = vector.load %arg2[%get3A_4, %get3A_5, %get3A_6] : memref<1x256x2048xf32, #tpu.memory_space<vmem>>, vector<1x256x2048xf32>
    %get3A_8 = vector.shape_cast %get3A_7 : vector<1x256x2048xf32> to vector<256x2048xf32>
    %dot_general3A = arith.constant dense<0.000000e+00> : vector<2048x2048xf32>
    %dot_general3A_9 = tpu.matmul %get3A_3, %get3A_8, %dot_general3A {dimension_numbers = #tpu.dot_dimension_numbers<[0], [0], [1], [1], [0, 1, 1, 1], [], []>, transpose_lhs_hint = false} : vector<256x2048xf32>, vector<256x2048xf32>, vector<2048x2048xf32> -> vector<2048x2048xf32>
    %dot_general3A_10 = arith.constant dense<0.000000e+00> : vector<2048x2048xf32>
    %dot_general3A_11 = tpu.matmul %get3A_8, %get3A_3, %dot_general3A_10 {dimension_numbers = #tpu.dot_dimension_numbers<[0], [0], [1], [1], [0, 1, 1, 1], [], []>, transpose_lhs_hint = false} : vector<256x2048xf32>, vector<256x2048xf32>, vector<2048x2048xf32> -> vector<2048x2048xf32>
    %reshape3A = vector.shape_cast %dot_general3A_11 : vector<2048x2048xf32> to vector<256x8x2048xf32>
    %slice3A = vector.extract_strided_slice %reshape3A {offsets = [0, 0, 0], sizes = [1, 8, 2048], strides = [1, 1, 1]} : vector<256x8x2048xf32> to vector<1x8x2048xf32>
    %squeeze3A = vector.shape_cast %slice3A : vector<1x8x2048xf32> to vector<8x2048xf32>
    %broadcast_in_dim3A = arith.constant 0 : i32
    %broadcast_in_dim3A_12 = vector.broadcast %broadcast_in_dim3A : i32 to vector<8x2048xi32>
    %slice3A_13 = vector.extract_strided_slice %reshape3A {offsets = [1, 0, 0], sizes = [1, 8, 2048], strides = [1, 1, 1]} : vector<256x8x2048xf32> to vector<1x8x2048xf32>
    %squeeze3A_14 = vector.shape_cast %slice3A_13 : vector<1x8x2048xf32> to vector<8x2048xf32>
    %gt3A = arith.cmpf ogt, %squeeze3A_14, %squeeze3A : vector<8x2048xf32>
    %select_n3A = arith.select %gt3A, %squeeze3A_14, %squeeze3A : vector<8x2048xi1>, vector<8x2048xf32>
    %jit3A = arith.constant 1 : i32
    %broadcast_in_dim3A_15 = vector.broadcast %jit3A : i32 to vector<8x2048xi32>
    %select_n3A_16 = arith.select %gt3A, %broadcast_in_dim3A_15, %broadcast_in_dim3A_12 : vector<8x2048xi1>, vector<8x2048xi32>
    %slice3A_17 = vector.extract_strided_slice %reshape3A {offsets = [2, 0, 0], sizes = [1, 8, 2048], strides = [1, 1, 1]} : vector<256x8x2048xf32> to vector<1x8x2048xf32>
    %squeeze3A_18 = vector.shape_cast %slice3A_17 : vector<1x8x2048xf32> to vector<8x2048xf32>
    %gt3A_19 = arith.cmpf ogt, %squeeze3A_18, %select_n3A : vector<8x2048xf32>
    %select_n3A_20 = arith.select %gt3A_19, %squeeze3A_18, %select_n3A : vector<8x2048xi1>, vector<8x2048xf32>
    %jit3A_21 = arith.constant 2 : i32
    %broadcast_in_dim3A_22 = vector.broadcast %jit3A_21 : i32 to vector<8x2048xi32>
    %select_n3A_23 = arith.select %gt3A_19, %broadcast_in_dim3A_22, %select_n3A_16 : vector<8x2048xi1>, vector<8x2048xi32>
    %slice3A_24 = vector.extract_strided_slice %reshape3A {offsets = [3, 0, 0], sizes = [1, 8, 2048], strides = [1, 1, 1]} : vector<256x8x2048xf32> to vector<1x8x2048xf32>
    %squeeze3A_25 = vector.shape_cast %slice3A_24 : vector<1x8x2048xf32> to vector<8x2048xf32>
    %gt3A_26 = arith.cmpf ogt, %squeeze3A_25, %select_n3A_20 : vector<8x2048xf32>
    %select_n3A_27 = arith.select %gt3A_26, %squeeze3A_25, %select_n3A_20 : vector<8x2048xi1>, vector<8x2048xf32>
    %jit3A_28 = arith.constant 3 : i32
    %broadcast_in_dim3A_29 = vector.broadcast %jit3A_28 : i32 to vector<8x2048xi32>
    %select_n3A_30 = arith.select %gt3A_26, %broadcast_in_dim3A_29, %select_n3A_23 : vector<8x2048xi1>, vector<8x2048xi32>
    %slice3A_31 = vector.extract_strided_slice %reshape3A {offsets = [4, 0, 0], sizes = [1, 8, 2048], strides = [1, 1, 1]} : vector<256x8x2048xf32> to vector<1x8x2048xf32>
    %squeeze3A_32 = vector.shape_cast %slice3A_31 : vector<1x8x2048xf32> to vector<8x2048xf32>
    %gt3A_33 = arith.cmpf ogt, %squeeze3A_32, %select_n3A_27 : vector<8x2048xf32>
    %select_n3A_34 = arith.select %gt3A_33, %squeeze3A_32, %select_n3A_27 : vector<8x2048xi1>, vector<8x2048xf32>
    %jit3A_35 = arith.constant 4 : i32
    %broadcast_in_dim3A_36 = vector.broadcast %jit3A_35 : i32 to vector<8x2048xi32>
    %select_n3A_37 = arith.select %gt3A_33, %broadcast_in_dim3A_36, %select_n3A_30 : vector<8x2048xi1>, vector<8x2048xi32>
    %slice3A_38 = vector.extract_strided_slice %reshape3A {offsets = [5, 0, 0], sizes = [1, 8, 2048], strides = [1, 1, 1]} : vector<256x8x2048xf32> to vector<1x8x2048xf32>
    %squeeze3A_39 = vector.shape_cast %slice3A_38 : vector<1x8x2048xf32> to vector<8x2048xf32>
    %gt3A_40 = arith.cmpf ogt, %squeeze3A_39, %select_n3A_34 : vector<8x2048xf32>
    %select_n3A_41 = arith.select %gt3A_40, %squeeze3A_39, %select_n3A_34 : vector<8x2048xi1>, vector<8x2048xf32>
    %jit3A_42 = arith.constant 5 : i32
    %broadcast_in_dim3A_43 = vector.broadcast %jit3A_42 : i32 to vector<8x2048xi32>
    %select_n3A_44 = arith.select %gt3A_40, %broadcast_in_dim3A_43, %select_n3A_37 : vector<8x2048xi1>, vector<8x2048xi32>
    %slice3A_45 = vector.extract_strided_slice %reshape3A {offsets = [6, 0, 0], sizes = [1, 8, 2048], strides = [1, 1, 1]} : vector<256x8x2048xf32> to vector<1x8x2048xf32>
    %squeeze3A_46 = vector.shape_cast %slice3A_45 : vector<1x8x2048xf32> to vector<8x2048xf32>
    %gt3A_47 = arith.cmpf ogt, %squeeze3A_46, %select_n3A_41 : vector<8x2048xf32>
    %select_n3A_48 = arith.select %gt3A_47, %squeeze3A_46, %select_n3A_41 : vector<8x2048xi1>, vector<8x2048xf32>
    %jit3A_49 = arith.constant 6 : i32
    %broadcast_in_dim3A_50 = vector.broadcast %jit3A_49 : i32 to vector<8x2048xi32>
    %select_n3A_51 = arith.select %gt3A_47, %broadcast_in_dim3A_50, %select_n3A_44 : vector<8x2048xi1>, vector<8x2048xi32>
    %slice3A_52 = vector.extract_strided_slice %reshape3A {offsets = [7, 0, 0], sizes = [1, 8, 2048], strides = [1, 1, 1]} : vector<256x8x2048xf32> to vector<1x8x2048xf32>
    %squeeze3A_53 = vector.shape_cast %slice3A_52 : vector<1x8x2048xf32> to vector<8x2048xf32>
    %gt3A_54 = arith.cmpf ogt, %squeeze3A_53, %select_n3A_48 : vector<8x2048xf32>
    %select_n3A_55 = arith.select %gt3A_54, %squeeze3A_53, %select_n3A_48 : vector<8x2048xi1>, vector<8x2048xf32>
    %jit3A_56 = arith.constant 7 : i32
    %broadcast_in_dim3A_57 = vector.broadcast %jit3A_56 : i32 to vector<8x2048xi32>
    %select_n3A_58 = arith.select %gt3A_54, %broadcast_in_dim3A_57, %select_n3A_51 : vector<8x2048xi1>, vector<8x2048xi32>
    %slice3A_59 = vector.extract_strided_slice %reshape3A {offsets = [8, 0, 0], sizes = [1, 8, 2048], strides = [1, 1, 1]} : vector<256x8x2048xf32> to vector<1x8x2048xf32>
    %squeeze3A_60 = vector.shape_cast %slice3A_59 : vector<1x8x2048xf32> to vector<8x2048xf32>
    %gt3A_61 = arith.cmpf ogt, %squeeze3A_60, %select_n3A_55 : vector<8x2048xf32>
    %select_n3A_62 = arith.select %gt3A_61, %squeeze3A_60, %select_n3A_55 : vector<8x2048xi1>, vector<8x2048xf32>
    %jit3A_63 = arith.constant 8 : i32
    %broadcast_in_dim3A_64 = vector.broadcast %jit3A_63 : i32 to vector<8x2048xi32>
    %select_n3A_65 = arith.select %gt3A_61, %broadcast_in_dim3A_64, %select_n3A_58 : vector<8x2048xi1>, vector<8x2048xi32>
    %slice3A_66 = vector.extract_strided_slice %reshape3A {offsets = [9, 0, 0], sizes = [1, 8, 2048], strides = [1, 1, 1]} : vector<256x8x2048xf32> to vector<1x8x2048xf32>
    %squeeze3A_67 = vector.shape_cast %slice3A_66 : vector<1x8x2048xf32> to vector<8x2048xf32>
    %gt3A_68 = arith.cmpf ogt, %squeeze3A_67, %select_n3A_62 : vector<8x2048xf32>
    %select_n3A_69 = arith.select %gt3A_68, %squeeze3A_67, %select_n3A_62 : vector<8x2048xi1>, vector<8x2048xf32>
    %jit3A_70 = arith.constant 9 : i32
    %broadcast_in_dim3A_71 = vector.broadcast %jit3A_70 : i32 to vector<8x2048xi32>
    %select_n3A_72 = arith.select %gt3A_68, %broadcast_in_dim3A_71, %select_n3A_65 : vector<8x2048xi1>, vector<8x2048xi32>
    %slice3A_73 = vector.extract_strided_slice %reshape3A {offsets = [10, 0, 0], sizes = [1, 8, 2048], strides = [1, 1, 1]} : vector<256x8x2048xf32> to vector<1x8x2048xf32>
    %squeeze3A_74 = vector.shape_cast %slice3A_73 : vector<1x8x2048xf32> to vector<8x2048xf32>
    %gt3A_75 = arith.cmpf ogt, %squeeze3A_74, %select_n3A_69 : vector<8x2048xf32>
    %select_n3A_76 = arith.select %gt3A_75, %squeeze3A_74, %select_n3A_69 : vector<8x2048xi1>, vector<8x2048xf32>
    %jit3A_77 = arith.constant 10 : i32
    %broadcast_in_dim3A_78 = vector.broadcast %jit3A_77 : i32 to vector<8x2048xi32>
    %select_n3A_79 = arith.select %gt3A_75, %broadcast_in_dim3A_78, %select_n3A_72 : vector<8x2048xi1>, vector<8x2048xi32>
    %slice3A_80 = vector.extract_strided_slice %reshape3A {offsets = [11, 0, 0], sizes = [1, 8, 2048], strides = [1, 1, 1]} : vector<256x8x2048xf32> to vector<1x8x2048xf32>
    %squeeze3A_81 = vector.shape_cast %slice3A_80 : vector<1x8x2048xf32> to vector<8x2048xf32>
    %gt3A_82 = arith.cmpf ogt, %squeeze3A_81, %select_n3A_76 : vector<8x2048xf32>
    %select_n3A_83 = arith.select %gt3A_82, %squeeze3A_81, %select_n3A_76 : vector<8x2048xi1>, vector<8x2048xf32>
    %jit3A_84 = arith.constant 11 : i32
    %broadcast_in_dim3A_85 = vector.broadcast %jit3A_84 : i32 to vector<8x2048xi32>
    %select_n3A_86 = arith.select %gt3A_82, %broadcast_in_dim3A_85, %select_n3A_79 : vector<8x2048xi1>, vector<8x2048xi32>
    %slice3A_87 = vector.extract_strided_slice %reshape3A {offsets = [12, 0, 0], sizes = [1, 8, 2048], strides = [1, 1, 1]} : vector<256x8x2048xf32> to vector<1x8x2048xf32>
    %squeeze3A_88 = vector.shape_cast %slice3A_87 : vector<1x8x2048xf32> to vector<8x2048xf32>
    %gt3A_89 = arith.cmpf ogt, %squeeze3A_88, %select_n3A_83 : vector<8x2048xf32>
    %select_n3A_90 = arith.select %gt3A_89, %squeeze3A_88, %select_n3A_83 : vector<8x2048xi1>, vector<8x2048xf32>
    %jit3A_91 = arith.constant 12 : i32
    %broadcast_in_dim3A_92 = vector.broadcast %jit3A_91 : i32 to vector<8x2048xi32>
    %select_n3A_93 = arith.select %gt3A_89, %broadcast_in_dim3A_92, %select_n3A_86 : vector<8x2048xi1>, vector<8x2048xi32>
    %slice3A_94 = vector.extract_strided_slice %reshape3A {offsets = [13, 0, 0], sizes = [1, 8, 2048], strides = [1, 1, 1]} : vector<256x8x2048xf32> to vector<1x8x2048xf32>
    %squeeze3A_95 = vector.shape_cast %slice3A_94 : vector<1x8x2048xf32> to vector<8x2048xf32>
    %gt3A_96 = arith.cmpf ogt, %squeeze3A_95, %select_n3A_90 : vector<8x2048xf32>
    %select_n3A_97 = arith.select %gt3A_96, %squeeze3A_95, %select_n3A_90 : vector<8x2048xi1>, vector<8x2048xf32>
    %jit3A_98 = arith.constant 13 : i32
    %broadcast_in_dim3A_99 = vector.broadcast %jit3A_98 : i32 to vector<8x2048xi32>
    %select_n3A_100 = arith.select %gt3A_96, %broadcast_in_dim3A_99, %select_n3A_93 : vector<8x2048xi1>, vector<8x2048xi32>
    %slice3A_101 = vector.extract_strided_slice %reshape3A {offsets = [14, 0, 0], sizes = [1, 8, 2048], strides = [1, 1, 1]} : vector<256x8x2048xf32> to vector<1x8x2048xf32>
    %squeeze3A_102 = vector.shape_cast %slice3A_101 : vector<1x8x2048xf32> to vector<8x2048xf32>
    %gt3A_103 = arith.cmpf ogt, %squeeze3A_102, %select_n3A_97 : vector<8x2048xf32>
    %select_n3A_104 = arith.select %gt3A_103, %squeeze3A_102, %select_n3A_97 : vector<8x2048xi1>, vector<8x2048xf32>
    %jit3A_105 = arith.constant 14 : i32
    %broadcast_in_dim3A_106 = vector.broadcast %jit3A_105 : i32 to vector<8x2048xi32>
    %select_n3A_107 = arith.select %gt3A_103, %broadcast_in_dim3A_106, %select_n3A_100 : vector<8x2048xi1>, vector<8x2048xi32>
    %slice3A_108 = vector.extract_strided_slice %reshape3A {offsets = [15, 0, 0], sizes = [1, 8, 2048], strides = [1, 1, 1]} : vector<256x8x2048xf32> to vector<1x8x2048xf32>
    %squeeze3A_109 = vector.shape_cast %slice3A_108 : vector<1x8x2048xf32> to vector<8x2048xf32>
    %gt3A_110 = arith.cmpf ogt, %squeeze3A_109, %select_n3A_104 : vector<8x2048xf32>
    %select_n3A_111 = arith.select %gt3A_110, %squeeze3A_109, %select_n3A_104 : vector<8x2048xi1>, vector<8x2048xf32>
    %jit3A_112 = arith.constant 15 : i32
    %broadcast_in_dim3A_113 = vector.broadcast %jit3A_112 : i32 to vector<8x2048xi32>
    %select_n3A_114 = arith.select %gt3A_110, %broadcast_in_dim3A_113, %select_n3A_107 : vector<8x2048xi1>, vector<8x2048xi32>
    %slice3A_115 = vector.extract_strided_slice %reshape3A {offsets = [16, 0, 0], sizes = [1, 8, 2048], strides = [1, 1, 1]} : vector<256x8x2048xf32> to vector<1x8x2048xf32>
    %squeeze3A_116 = vector.shape_cast %slice3A_115 : vector<1x8x2048xf32> to vector<8x2048xf32>
    %gt3A_117 = arith.cmpf ogt, %squeeze3A_116, %select_n3A_111 : vector<8x2048xf32>
    %select_n3A_118 = arith.select %gt3A_117, %squeeze3A_116, %select_n3A_111 : vector<8x2048xi1>, vector<8x2048xf32>
    %jit3A_119 = arith.constant 16 : i32
    %broadcast_in_dim3A_120 = vector.broadcast %jit3A_119 : i32 to vector<8x2048xi32>
    %select_n3A_121 = arith.select %gt3A_117, %broadcast_in_dim3A_120, %select_n3A_114 : vector<8x2048xi1>, vector<8x2048xi32>
    %slice3A_122 = vector.extract_strided_slice %reshape3A {offsets = [17, 0, 0], sizes = [1, 8, 2048], strides = [1, 1, 1]} : vector<256x8x2048xf32> to vector<1x8x2048xf32>
    %squeeze3A_123 = vector.shape_cast %slice3A_122 : vector<1x8x2048xf32> to vector<8x2048xf32>
    %gt3A_124 = arith.cmpf ogt, %squeeze3A_123, %select_n3A_118 : vector<8x2048xf32>
    %select_n3A_125 = arith.select %gt3A_124, %squeeze3A_123, %select_n3A_118 : vector<8x2048xi1>, vector<8x2048xf32>
    %jit3A_126 = arith.constant 17 : i32
    %broadcast_in_dim3A_127 = vector.broadcast %jit3A_126 : i32 to vector<8x2048xi32>
    %select_n3A_128 = arith.select %gt3A_124, %broadcast_in_dim3A_127, %select_n3A_121 : vector<8x2048xi1>, vector<8x2048xi32>
    %slice3A_129 = vector.extract_strided_slice %reshape3A {offsets = [18, 0, 0], sizes = [1, 8, 2048], strides = [1, 1, 1]} : vector<256x8x2048xf32> to vector<1x8x2048xf32>
    %squeeze3A_130 = vector.shape_cast %slice3A_129 : vector<1x8x2048xf32> to vector<8x2048xf32>
    %gt3A_131 = arith.cmpf ogt, %squeeze3A_130, %select_n3A_125 : vector<8x2048xf32>
    %select_n3A_132 = arith.select %gt3A_131, %squeeze3A_130, %select_n3A_125 : vector<8x2048xi1>, vector<8x2048xf32>
    %jit3A_133 = arith.constant 18 : i32
    %broadcast_in_dim3A_134 = vector.broadcast %jit3A_133 : i32 to vector<8x2048xi32>
    %select_n3A_135 = arith.select %gt3A_131, %broadcast_in_dim3A_134, %select_n3A_128 : vector<8x2048xi1>, vector<8x2048xi32>
    %slice3A_136 = vector.extract_strided_slice %reshape3A {offsets = [19, 0, 0], sizes = [1, 8, 2048], strides = [1, 1, 1]} : vector<256x8x2048xf32> to vector<1x8x2048xf32>
    %squeeze3A_137 = vector.shape_cast %slice3A_136 : vector<1x8x2048xf32> to vector<8x2048xf32>
    %gt3A_138 = arith.cmpf ogt, %squeeze3A_137, %select_n3A_132 : vector<8x2048xf32>
    %select_n3A_139 = arith.select %gt3A_138, %squeeze3A_137, %select_n3A_132 : vector<8x2048xi1>, vector<8x2048xf32>
    %jit3A_140 = arith.constant 19 : i32
    %broadcast_in_dim3A_141 = vector.broadcast %jit3A_140 : i32 to vector<8x2048xi32>
    %select_n3A_142 = arith.select %gt3A_138, %broadcast_in_dim3A_141, %select_n3A_135 : vector<8x2048xi1>, vector<8x2048xi32>
    %slice3A_143 = vector.extract_strided_slice %reshape3A {offsets = [20, 0, 0], sizes = [1, 8, 2048], strides = [1, 1, 1]} : vector<256x8x2048xf32> to vector<1x8x2048xf32>
    %squeeze3A_144 = vector.shape_cast %slice3A_143 : vector<1x8x2048xf32> to vector<8x2048xf32>
    %gt3A_145 = arith.cmpf ogt, %squeeze3A_144, %select_n3A_139 : vector<8x2048xf32>
    %select_n3A_146 = arith.select %gt3A_145, %squeeze3A_144, %select_n3A_139 : vector<8x2048xi1>, vector<8x2048xf32>
    %jit3A_147 = arith.constant 20 : i32
    %broadcast_in_dim3A_148 = vector.broadcast %jit3A_147 : i32 to vector<8x2048xi32>
    %select_n3A_149 = arith.select %gt3A_145, %broadcast_in_dim3A_148, %select_n3A_142 : vector<8x2048xi1>, vector<8x2048xi32>
    %slice3A_150 = vector.extract_strided_slice %reshape3A {offsets = [21, 0, 0], sizes = [1, 8, 2048], strides = [1, 1, 1]} : vector<256x8x2048xf32> to vector<1x8x2048xf32>
    %squeeze3A_151 = vector.shape_cast %slice3A_150 : vector<1x8x2048xf32> to vector<8x2048xf32>
    %gt3A_152 = arith.cmpf ogt, %squeeze3A_151, %select_n3A_146 : vector<8x2048xf32>
    %select_n3A_153 = arith.select %gt3A_152, %squeeze3A_151, %select_n3A_146 : vector<8x2048xi1>, vector<8x2048xf32>
    %jit3A_154 = arith.constant 21 : i32
    %broadcast_in_dim3A_155 = vector.broadcast %jit3A_154 : i32 to vector<8x2048xi32>
    %select_n3A_156 = arith.select %gt3A_152, %broadcast_in_dim3A_155, %select_n3A_149 : vector<8x2048xi1>, vector<8x2048xi32>
    %slice3A_157 = vector.extract_strided_slice %reshape3A {offsets = [22, 0, 0], sizes = [1, 8, 2048], strides = [1, 1, 1]} : vector<256x8x2048xf32> to vector<1x8x2048xf32>
    %squeeze3A_158 = vector.shape_cast %slice3A_157 : vector<1x8x2048xf32> to vector<8x2048xf32>
    %gt3A_159 = arith.cmpf ogt, %squeeze3A_158, %select_n3A_153 : vector<8x2048xf32>
    %select_n3A_160 = arith.select %gt3A_159, %squeeze3A_158, %select_n3A_153 : vector<8x2048xi1>, vector<8x2048xf32>
    %jit3A_161 = arith.constant 22 : i32
    %broadcast_in_dim3A_162 = vector.broadcast %jit3A_161 : i32 to vector<8x2048xi32>
    %select_n3A_163 = arith.select %gt3A_159, %broadcast_in_dim3A_162, %select_n3A_156 : vector<8x2048xi1>, vector<8x2048xi32>
    %slice3A_164 = vector.extract_strided_slice %reshape3A {offsets = [23, 0, 0], sizes = [1, 8, 2048], strides = [1, 1, 1]} : vector<256x8x2048xf32> to vector<1x8x2048xf32>
    %squeeze3A_165 = vector.shape_cast %slice3A_164 : vector<1x8x2048xf32> to vector<8x2048xf32>
    %gt3A_166 = arith.cmpf ogt, %squeeze3A_165, %select_n3A_160 : vector<8x2048xf32>
    %select_n3A_167 = arith.select %gt3A_166, %squeeze3A_165, %select_n3A_160 : vector<8x2048xi1>, vector<8x2048xf32>
    %jit3A_168 = arith.constant 23 : i32
    %broadcast_in_dim3A_169 = vector.broadcast %jit3A_168 : i32 to vector<8x2048xi32>
    %select_n3A_170 = arith.select %gt3A_166, %broadcast_in_dim3A_169, %select_n3A_163 : vector<8x2048xi1>, vector<8x2048xi32>
    %slice3A_171 = vector.extract_strided_slice %reshape3A {offsets = [24, 0, 0], sizes = [1, 8, 2048], strides = [1, 1, 1]} : vector<256x8x2048xf32> to vector<1x8x2048xf32>
    %squeeze3A_172 = vector.shape_cast %slice3A_171 : vector<1x8x2048xf32> to vector<8x2048xf32>
    %gt3A_173 = arith.cmpf ogt, %squeeze3A_172, %select_n3A_167 : vector<8x2048xf32>
    %select_n3A_174 = arith.select %gt3A_173, %squeeze3A_172, %select_n3A_167 : vector<8x2048xi1>, vector<8x2048xf32>
    %jit3A_175 = arith.constant 24 : i32
    %broadcast_in_dim3A_176 = vector.broadcast %jit3A_175 : i32 to vector<8x2048xi32>
    %select_n3A_177 = arith.select %gt3A_173, %broadcast_in_dim3A_176, %select_n3A_170 : vector<8x2048xi1>, vector<8x2048xi32>
    %slice3A_178 = vector.extract_strided_slice %reshape3A {offsets = [25, 0, 0], sizes = [1, 8, 2048], strides = [1, 1, 1]} : vector<256x8x2048xf32> to vector<1x8x2048xf32>
    %squeeze3A_179 = vector.shape_cast %slice3A_178 : vector<1x8x2048xf32> to vector<8x2048xf32>
    %gt3A_180 = arith.cmpf ogt, %squeeze3A_179, %select_n3A_174 : vector<8x2048xf32>
    %select_n3A_181 = arith.select %gt3A_180, %squeeze3A_179, %select_n3A_174 : vector<8x2048xi1>, vector<8x2048xf32>
    %jit3A_182 = arith.constant 25 : i32
    %broadcast_in_dim3A_183 = vector.broadcast %jit3A_182 : i32 to vector<8x2048xi32>
    %select_n3A_184 = arith.select %gt3A_180, %broadcast_in_dim3A_183, %select_n3A_177 : vector<8x2048xi1>, vector<8x2048xi32>
    %slice3A_185 = vector.extract_strided_slice %reshape3A {offsets = [26, 0, 0], sizes = [1, 8, 2048], strides = [1, 1, 1]} : vector<256x8x2048xf32> to vector<1x8x2048xf32>
    %squeeze3A_186 = vector.shape_cast %slice3A_185 : vector<1x8x2048xf32> to vector<8x2048xf32>
    %gt3A_187 = arith.cmpf ogt, %squeeze3A_186, %select_n3A_181 : vector<8x2048xf32>
    %select_n3A_188 = arith.select %gt3A_187, %squeeze3A_186, %select_n3A_181 : vector<8x2048xi1>, vector<8x2048xf32>
    %jit3A_189 = arith.constant 26 : i32
    %broadcast_in_dim3A_190 = vector.broadcast %jit3A_189 : i32 to vector<8x2048xi32>
    %select_n3A_191 = arith.select %gt3A_187, %broadcast_in_dim3A_190, %select_n3A_184 : vector<8x2048xi1>, vector<8x2048xi32>
    %slice3A_192 = vector.extract_strided_slice %reshape3A {offsets = [27, 0, 0], sizes = [1, 8, 2048], strides = [1, 1, 1]} : vector<256x8x2048xf32> to vector<1x8x2048xf32>
    %squeeze3A_193 = vector.shape_cast %slice3A_192 : vector<1x8x2048xf32> to vector<8x2048xf32>
    %gt3A_194 = arith.cmpf ogt, %squeeze3A_193, %select_n3A_188 : vector<8x2048xf32>
    %select_n3A_195 = arith.select %gt3A_194, %squeeze3A_193, %select_n3A_188 : vector<8x2048xi1>, vector<8x2048xf32>
    %jit3A_196 = arith.constant 27 : i32
    %broadcast_in_dim3A_197 = vector.broadcast %jit3A_196 : i32 to vector<8x2048xi32>
    %select_n3A_198 = arith.select %gt3A_194, %broadcast_in_dim3A_197, %select_n3A_191 : vector<8x2048xi1>, vector<8x2048xi32>
    %slice3A_199 = vector.extract_strided_slice %reshape3A {offsets = [28, 0, 0], sizes = [1, 8, 2048], strides = [1, 1, 1]} : vector<256x8x2048xf32> to vector<1x8x2048xf32>
    %squeeze3A_200 = vector.shape_cast %slice3A_199 : vector<1x8x2048xf32> to vector<8x2048xf32>
    %gt3A_201 = arith.cmpf ogt, %squeeze3A_200, %select_n3A_195 : vector<8x2048xf32>
    %select_n3A_202 = arith.select %gt3A_201, %squeeze3A_200, %select_n3A_195 : vector<8x2048xi1>, vector<8x2048xf32>
    %jit3A_203 = arith.constant 28 : i32
    %broadcast_in_dim3A_204 = vector.broadcast %jit3A_203 : i32 to vector<8x2048xi32>
    %select_n3A_205 = arith.select %gt3A_201, %broadcast_in_dim3A_204, %select_n3A_198 : vector<8x2048xi1>, vector<8x2048xi32>
    %slice3A_206 = vector.extract_strided_slice %reshape3A {offsets = [29, 0, 0], sizes = [1, 8, 2048], strides = [1, 1, 1]} : vector<256x8x2048xf32> to vector<1x8x2048xf32>
    %squeeze3A_207 = vector.shape_cast %slice3A_206 : vector<1x8x2048xf32> to vector<8x2048xf32>
    %gt3A_208 = arith.cmpf ogt, %squeeze3A_207, %select_n3A_202 : vector<8x2048xf32>
    %select_n3A_209 = arith.select %gt3A_208, %squeeze3A_207, %select_n3A_202 : vector<8x2048xi1>, vector<8x2048xf32>
    %jit3A_210 = arith.constant 29 : i32
    %broadcast_in_dim3A_211 = vector.broadcast %jit3A_210 : i32 to vector<8x2048xi32>
    %select_n3A_212 = arith.select %gt3A_208, %broadcast_in_dim3A_211, %select_n3A_205 : vector<8x2048xi1>, vector<8x2048xi32>
    %slice3A_213 = vector.extract_strided_slice %reshape3A {offsets = [30, 0, 0], sizes = [1, 8, 2048], strides = [1, 1, 1]} : vector<256x8x2048xf32> to vector<1x8x2048xf32>
    %squeeze3A_214 = vector.shape_cast %slice3A_213 : vector<1x8x2048xf32> to vector<8x2048xf32>
    %gt3A_215 = arith.cmpf ogt, %squeeze3A_214, %select_n3A_209 : vector<8x2048xf32>
    %select_n3A_216 = arith.select %gt3A_215, %squeeze3A_214, %select_n3A_209 : vector<8x2048xi1>, vector<8x2048xf32>
    %jit3A_217 = arith.constant 30 : i32
    %broadcast_in_dim3A_218 = vector.broadcast %jit3A_217 : i32 to vector<8x2048xi32>
    %select_n3A_219 = arith.select %gt3A_215, %broadcast_in_dim3A_218, %select_n3A_212 : vector<8x2048xi1>, vector<8x2048xi32>
    %slice3A_220 = vector.extract_strided_slice %reshape3A {offsets = [31, 0, 0], sizes = [1, 8, 2048], strides = [1, 1, 1]} : vector<256x8x2048xf32> to vector<1x8x2048xf32>
    %squeeze3A_221 = vector.shape_cast %slice3A_220 : vector<1x8x2048xf32> to vector<8x2048xf32>
    %gt3A_222 = arith.cmpf ogt, %squeeze3A_221, %select_n3A_216 : vector<8x2048xf32>
    %select_n3A_223 = arith.select %gt3A_222, %squeeze3A_221, %select_n3A_216 : vector<8x2048xi1>, vector<8x2048xf32>
    %jit3A_224 = arith.constant 31 : i32
    %broadcast_in_dim3A_225 = vector.broadcast %jit3A_224 : i32 to vector<8x2048xi32>
    %select_n3A_226 = arith.select %gt3A_222, %broadcast_in_dim3A_225, %select_n3A_219 : vector<8x2048xi1>, vector<8x2048xi32>
    %slice3A_227 = vector.extract_strided_slice %reshape3A {offsets = [32, 0, 0], sizes = [1, 8, 2048], strides = [1, 1, 1]} : vector<256x8x2048xf32> to vector<1x8x2048xf32>
    %squeeze3A_228 = vector.shape_cast %slice3A_227 : vector<1x8x2048xf32> to vector<8x2048xf32>
    %gt3A_229 = arith.cmpf ogt, %squeeze3A_228, %select_n3A_223 : vector<8x2048xf32>
    %select_n3A_230 = arith.select %gt3A_229, %squeeze3A_228, %select_n3A_223 : vector<8x2048xi1>, vector<8x2048xf32>
    %jit3A_231 = arith.constant 32 : i32
    %broadcast_in_dim3A_232 = vector.broadcast %jit3A_231 : i32 to vector<8x2048xi32>
    %select_n3A_233 = arith.select %gt3A_229, %broadcast_in_dim3A_232, %select_n3A_226 : vector<8x2048xi1>, vector<8x2048xi32>
    %slice3A_234 = vector.extract_strided_slice %reshape3A {offsets = [33, 0, 0], sizes = [1, 8, 2048], strides = [1, 1, 1]} : vector<256x8x2048xf32> to vector<1x8x2048xf32>
    %squeeze3A_235 = vector.shape_cast %slice3A_234 : vector<1x8x2048xf32> to vector<8x2048xf32>
    %gt3A_236 = arith.cmpf ogt, %squeeze3A_235, %select_n3A_230 : vector<8x2048xf32>
    %select_n3A_237 = arith.select %gt3A_236, %squeeze3A_235, %select_n3A_230 : vector<8x2048xi1>, vector<8x2048xf32>
    %jit3A_238 = arith.constant 33 : i32
    %broadcast_in_dim3A_239 = vector.broadcast %jit3A_238 : i32 to vector<8x2048xi32>
    %select_n3A_240 = arith.select %gt3A_236, %broadcast_in_dim3A_239, %select_n3A_233 : vector<8x2048xi1>, vector<8x2048xi32>
    %slice3A_241 = vector.extract_strided_slice %reshape3A {offsets = [34, 0, 0], sizes = [1, 8, 2048], strides = [1, 1, 1]} : vector<256x8x2048xf32> to vector<1x8x2048xf32>
    %squeeze3A_242 = vector.shape_cast %slice3A_241 : vector<1x8x2048xf32> to vector<8x2048xf32>
    %gt3A_243 = arith.cmpf ogt, %squeeze3A_242, %select_n3A_237 : vector<8x2048xf32>
    %select_n3A_244 = arith.select %gt3A_243, %squeeze3A_242, %select_n3A_237 : vector<8x2048xi1>, vector<8x2048xf32>
    %jit3A_245 = arith.constant 34 : i32
    %broadcast_in_dim3A_246 = vector.broadcast %jit3A_245 : i32 to vector<8x2048xi32>
    %select_n3A_247 = arith.select %gt3A_243, %broadcast_in_dim3A_246, %select_n3A_240 : vector<8x2048xi1>, vector<8x2048xi32>
    %slice3A_248 = vector.extract_strided_slice %reshape3A {offsets = [35, 0, 0], sizes = [1, 8, 2048], strides = [1, 1, 1]} : vector<256x8x2048xf32> to vector<1x8x2048xf32>
    %squeeze3A_249 = vector.shape_cast %slice3A_248 : vector<1x8x2048xf32> to vector<8x2048xf32>
    %gt3A_250 = arith.cmpf ogt, %squeeze3A_249, %select_n3A_244 : vector<8x2048xf32>
    %select_n3A_251 = arith.select %gt3A_250, %squeeze3A_249, %select_n3A_244 : vector<8x2048xi1>, vector<8x2048xf32>
    %jit3A_252 = arith.constant 35 : i32
    %broadcast_in_dim3A_253 = vector.broadcast %jit3A_252 : i32 to vector<8x2048xi32>
    %select_n3A_254 = arith.select %gt3A_250, %broadcast_in_dim3A_253, %select_n3A_247 : vector<8x2048xi1>, vector<8x2048xi32>
    %slice3A_255 = vector.extract_strided_slice %reshape3A {offsets = [36, 0, 0], sizes = [1, 8, 2048], strides = [1, 1, 1]} : vector<256x8x2048xf32> to vector<1x8x2048xf32>
    %squeeze3A_256 = vector.shape_cast %slice3A_255 : vector<1x8x2048xf32> to vector<8x2048xf32>
    %gt3A_257 = arith.cmpf ogt, %squeeze3A_256, %select_n3A_251 : vector<8x2048xf32>
    %select_n3A_258 = arith.select %gt3A_257, %squeeze3A_256, %select_n3A_251 : vector<8x2048xi1>, vector<8x2048xf32>
    %jit3A_259 = arith.constant 36 : i32
    %broadcast_in_dim3A_260 = vector.broadcast %jit3A_259 : i32 to vector<8x2048xi32>
    %select_n3A_261 = arith.select %gt3A_257, %broadcast_in_dim3A_260, %select_n3A_254 : vector<8x2048xi1>, vector<8x2048xi32>
    %slice3A_262 = vector.extract_strided_slice %reshape3A {offsets = [37, 0, 0], sizes = [1, 8, 2048], strides = [1, 1, 1]} : vector<256x8x2048xf32> to vector<1x8x2048xf32>
    %squeeze3A_263 = vector.shape_cast %slice3A_262 : vector<1x8x2048xf32> to vector<8x2048xf32>
    %gt3A_264 = arith.cmpf ogt, %squeeze3A_263, %select_n3A_258 : vector<8x2048xf32>
    %select_n3A_265 = arith.select %gt3A_264, %squeeze3A_263, %select_n3A_258 : vector<8x2048xi1>, vector<8x2048xf32>
    %jit3A_266 = arith.constant 37 : i32
    %broadcast_in_dim3A_267 = vector.broadcast %jit3A_266 : i32 to vector<8x2048xi32>
    %select_n3A_268 = arith.select %gt3A_264, %broadcast_in_dim3A_267, %select_n3A_261 : vector<8x2048xi1>, vector<8x2048xi32>
    %slice3A_269 = vector.extract_strided_slice %reshape3A {offsets = [38, 0, 0], sizes = [1, 8, 2048], strides = [1, 1, 1]} : vector<256x8x2048xf32> to vector<1x8x2048xf32>
    %squeeze3A_270 = vector.shape_cast %slice3A_269 : vector<1x8x2048xf32> to vector<8x2048xf32>
    %gt3A_271 = arith.cmpf ogt, %squeeze3A_270, %select_n3A_265 : vector<8x2048xf32>
    %select_n3A_272 = arith.select %gt3A_271, %squeeze3A_270, %select_n3A_265 : vector<8x2048xi1>, vector<8x2048xf32>
    %jit3A_273 = arith.constant 38 : i32
    %broadcast_in_dim3A_274 = vector.broadcast %jit3A_273 : i32 to vector<8x2048xi32>
    %select_n3A_275 = arith.select %gt3A_271, %broadcast_in_dim3A_274, %select_n3A_268 : vector<8x2048xi1>, vector<8x2048xi32>
    %slice3A_276 = vector.extract_strided_slice %reshape3A {offsets = [39, 0, 0], sizes = [1, 8, 2048], strides = [1, 1, 1]} : vector<256x8x2048xf32> to vector<1x8x2048xf32>
    %squeeze3A_277 = vector.shape_cast %slice3A_276 : vector<1x8x2048xf32> to vector<8x2048xf32>
    %gt3A_278 = arith.cmpf ogt, %squeeze3A_277, %select_n3A_272 : vector<8x2048xf32>
    %select_n3A_279 = arith.select %gt3A_278, %squeeze3A_277, %select_n3A_272 : vector<8x2048xi1>, vector<8x2048xf32>
    %jit3A_280 = arith.constant 39 : i32
    %broadcast_in_dim3A_281 = vector.broadcast %jit3A_280 : i32 to vector<8x2048xi32>
    %select_n3A_282 = arith.select %gt3A_278, %broadcast_in_dim3A_281, %select_n3A_275 : vector<8x2048xi1>, vector<8x2048xi32>
    %slice3A_283 = vector.extract_strided_slice %reshape3A {offsets = [40, 0, 0], sizes = [1, 8, 2048], strides = [1, 1, 1]} : vector<256x8x2048xf32> to vector<1x8x2048xf32>
    %squeeze3A_284 = vector.shape_cast %slice3A_283 : vector<1x8x2048xf32> to vector<8x2048xf32>
    %gt3A_285 = arith.cmpf ogt, %squeeze3A_284, %select_n3A_279 : vector<8x2048xf32>
    %select_n3A_286 = arith.select %gt3A_285, %squeeze3A_284, %select_n3A_279 : vector<8x2048xi1>, vector<8x2048xf32>
    %jit3A_287 = arith.constant 40 : i32
    %broadcast_in_dim3A_288 = vector.broadcast %jit3A_287 : i32 to vector<8x2048xi32>
    %select_n3A_289 = arith.select %gt3A_285, %broadcast_in_dim3A_288, %select_n3A_282 : vector<8x2048xi1>, vector<8x2048xi32>
    %slice3A_290 = vector.extract_strided_slice %reshape3A {offsets = [41, 0, 0], sizes = [1, 8, 2048], strides = [1, 1, 1]} : vector<256x8x2048xf32> to vector<1x8x2048xf32>
    %squeeze3A_291 = vector.shape_cast %slice3A_290 : vector<1x8x2048xf32> to vector<8x2048xf32>
    %gt3A_292 = arith.cmpf ogt, %squeeze3A_291, %select_n3A_286 : vector<8x2048xf32>
    %select_n3A_293 = arith.select %gt3A_292, %squeeze3A_291, %select_n3A_286 : vector<8x2048xi1>, vector<8x2048xf32>
    %jit3A_294 = arith.constant 41 : i32
    %broadcast_in_dim3A_295 = vector.broadcast %jit3A_294 : i32 to vector<8x2048xi32>
    %select_n3A_296 = arith.select %gt3A_292, %broadcast_in_dim3A_295, %select_n3A_289 : vector<8x2048xi1>, vector<8x2048xi32>
    %slice3A_297 = vector.extract_strided_slice %reshape3A {offsets = [42, 0, 0], sizes = [1, 8, 2048], strides = [1, 1, 1]} : vector<256x8x2048xf32> to vector<1x8x2048xf32>
    %squeeze3A_298 = vector.shape_cast %slice3A_297 : vector<1x8x2048xf32> to vector<8x2048xf32>
    %gt3A_299 = arith.cmpf ogt, %squeeze3A_298, %select_n3A_293 : vector<8x2048xf32>
    %select_n3A_300 = arith.select %gt3A_299, %squeeze3A_298, %select_n3A_293 : vector<8x2048xi1>, vector<8x2048xf32>
    %jit3A_301 = arith.constant 42 : i32
    %broadcast_in_dim3A_302 = vector.broadcast %jit3A_301 : i32 to vector<8x2048xi32>
    %select_n3A_303 = arith.select %gt3A_299, %broadcast_in_dim3A_302, %select_n3A_296 : vector<8x2048xi1>, vector<8x2048xi32>
    %slice3A_304 = vector.extract_strided_slice %reshape3A {offsets = [43, 0, 0], sizes = [1, 8, 2048], strides = [1, 1, 1]} : vector<256x8x2048xf32> to vector<1x8x2048xf32>
    %squeeze3A_305 = vector.shape_cast %slice3A_304 : vector<1x8x2048xf32> to vector<8x2048xf32>
    %gt3A_306 = arith.cmpf ogt, %squeeze3A_305, %select_n3A_300 : vector<8x2048xf32>
    %select_n3A_307 = arith.select %gt3A_306, %squeeze3A_305, %select_n3A_300 : vector<8x2048xi1>, vector<8x2048xf32>
    %jit3A_308 = arith.constant 43 : i32
    %broadcast_in_dim3A_309 = vector.broadcast %jit3A_308 : i32 to vector<8x2048xi32>
    %select_n3A_310 = arith.select %gt3A_306, %broadcast_in_dim3A_309, %select_n3A_303 : vector<8x2048xi1>, vector<8x2048xi32>
    %slice3A_311 = vector.extract_strided_slice %reshape3A {offsets = [44, 0, 0], sizes = [1, 8, 2048], strides = [1, 1, 1]} : vector<256x8x2048xf32> to vector<1x8x2048xf32>
    %squeeze3A_312 = vector.shape_cast %slice3A_311 : vector<1x8x2048xf32> to vector<8x2048xf32>
    %gt3A_313 = arith.cmpf ogt, %squeeze3A_312, %select_n3A_307 : vector<8x2048xf32>
    %select_n3A_314 = arith.select %gt3A_313, %squeeze3A_312, %select_n3A_307 : vector<8x2048xi1>, vector<8x2048xf32>
    %jit3A_315 = arith.constant 44 : i32
    %broadcast_in_dim3A_316 = vector.broadcast %jit3A_315 : i32 to vector<8x2048xi32>
    %select_n3A_317 = arith.select %gt3A_313, %broadcast_in_dim3A_316, %select_n3A_310 : vector<8x2048xi1>, vector<8x2048xi32>
    %slice3A_318 = vector.extract_strided_slice %reshape3A {offsets = [45, 0, 0], sizes = [1, 8, 2048], strides = [1, 1, 1]} : vector<256x8x2048xf32> to vector<1x8x2048xf32>
    %squeeze3A_319 = vector.shape_cast %slice3A_318 : vector<1x8x2048xf32> to vector<8x2048xf32>
    %gt3A_320 = arith.cmpf ogt, %squeeze3A_319, %select_n3A_314 : vector<8x2048xf32>
    %select_n3A_321 = arith.select %gt3A_320, %squeeze3A_319, %select_n3A_314 : vector<8x2048xi1>, vector<8x2048xf32>
    %jit3A_322 = arith.constant 45 : i32
    %broadcast_in_dim3A_323 = vector.broadcast %jit3A_322 : i32 to vector<8x2048xi32>
    %select_n3A_324 = arith.select %gt3A_320, %broadcast_in_dim3A_323, %select_n3A_317 : vector<8x2048xi1>, vector<8x2048xi32>
    %slice3A_325 = vector.extract_strided_slice %reshape3A {offsets = [46, 0, 0], sizes = [1, 8, 2048], strides = [1, 1, 1]} : vector<256x8x2048xf32> to vector<1x8x2048xf32>
    %squeeze3A_326 = vector.shape_cast %slice3A_325 : vector<1x8x2048xf32> to vector<8x2048xf32>
    %gt3A_327 = arith.cmpf ogt, %squeeze3A_326, %select_n3A_321 : vector<8x2048xf32>
    %select_n3A_328 = arith.select %gt3A_327, %squeeze3A_326, %select_n3A_321 : vector<8x2048xi1>, vector<8x2048xf32>
    %jit3A_329 = arith.constant 46 : i32
    %broadcast_in_dim3A_330 = vector.broadcast %jit3A_329 : i32 to vector<8x2048xi32>
    %select_n3A_331 = arith.select %gt3A_327, %broadcast_in_dim3A_330, %select_n3A_324 : vector<8x2048xi1>, vector<8x2048xi32>
    %slice3A_332 = vector.extract_strided_slice %reshape3A {offsets = [47, 0, 0], sizes = [1, 8, 2048], strides = [1, 1, 1]} : vector<256x8x2048xf32> to vector<1x8x2048xf32>
    %squeeze3A_333 = vector.shape_cast %slice3A_332 : vector<1x8x2048xf32> to vector<8x2048xf32>
    %gt3A_334 = arith.cmpf ogt, %squeeze3A_333, %select_n3A_328 : vector<8x2048xf32>
    %select_n3A_335 = arith.select %gt3A_334, %squeeze3A_333, %select_n3A_328 : vector<8x2048xi1>, vector<8x2048xf32>
    %jit3A_336 = arith.constant 47 : i32
    %broadcast_in_dim3A_337 = vector.broadcast %jit3A_336 : i32 to vector<8x2048xi32>
    %select_n3A_338 = arith.select %gt3A_334, %broadcast_in_dim3A_337, %select_n3A_331 : vector<8x2048xi1>, vector<8x2048xi32>
    %slice3A_339 = vector.extract_strided_slice %reshape3A {offsets = [48, 0, 0], sizes = [1, 8, 2048], strides = [1, 1, 1]} : vector<256x8x2048xf32> to vector<1x8x2048xf32>
    %squeeze3A_340 = vector.shape_cast %slice3A_339 : vector<1x8x2048xf32> to vector<8x2048xf32>
    %gt3A_341 = arith.cmpf ogt, %squeeze3A_340, %select_n3A_335 : vector<8x2048xf32>
    %select_n3A_342 = arith.select %gt3A_341, %squeeze3A_340, %select_n3A_335 : vector<8x2048xi1>, vector<8x2048xf32>
    %jit3A_343 = arith.constant 48 : i32
    %broadcast_in_dim3A_344 = vector.broadcast %jit3A_343 : i32 to vector<8x2048xi32>
    %select_n3A_345 = arith.select %gt3A_341, %broadcast_in_dim3A_344, %select_n3A_338 : vector<8x2048xi1>, vector<8x2048xi32>
    %slice3A_346 = vector.extract_strided_slice %reshape3A {offsets = [49, 0, 0], sizes = [1, 8, 2048], strides = [1, 1, 1]} : vector<256x8x2048xf32> to vector<1x8x2048xf32>
    %squeeze3A_347 = vector.shape_cast %slice3A_346 : vector<1x8x2048xf32> to vector<8x2048xf32>
    %gt3A_348 = arith.cmpf ogt, %squeeze3A_347, %select_n3A_342 : vector<8x2048xf32>
    %select_n3A_349 = arith.select %gt3A_348, %squeeze3A_347, %select_n3A_342 : vector<8x2048xi1>, vector<8x2048xf32>
    %jit3A_350 = arith.constant 49 : i32
    %broadcast_in_dim3A_351 = vector.broadcast %jit3A_350 : i32 to vector<8x2048xi32>
    %select_n3A_352 = arith.select %gt3A_348, %broadcast_in_dim3A_351, %select_n3A_345 : vector<8x2048xi1>, vector<8x2048xi32>
    %slice3A_353 = vector.extract_strided_slice %reshape3A {offsets = [50, 0, 0], sizes = [1, 8, 2048], strides = [1, 1, 1]} : vector<256x8x2048xf32> to vector<1x8x2048xf32>
    %squeeze3A_354 = vector.shape_cast %slice3A_353 : vector<1x8x2048xf32> to vector<8x2048xf32>
    %gt3A_355 = arith.cmpf ogt, %squeeze3A_354, %select_n3A_349 : vector<8x2048xf32>
    %select_n3A_356 = arith.select %gt3A_355, %squeeze3A_354, %select_n3A_349 : vector<8x2048xi1>, vector<8x2048xf32>
    %jit3A_357 = arith.constant 50 : i32
    %broadcast_in_dim3A_358 = vector.broadcast %jit3A_357 : i32 to vector<8x2048xi32>
    %select_n3A_359 = arith.select %gt3A_355, %broadcast_in_dim3A_358, %select_n3A_352 : vector<8x2048xi1>, vector<8x2048xi32>
    %slice3A_360 = vector.extract_strided_slice %reshape3A {offsets = [51, 0, 0], sizes = [1, 8, 2048], strides = [1, 1, 1]} : vector<256x8x2048xf32> to vector<1x8x2048xf32>
    %squeeze3A_361 = vector.shape_cast %slice3A_360 : vector<1x8x2048xf32> to vector<8x2048xf32>
    %gt3A_362 = arith.cmpf ogt, %squeeze3A_361, %select_n3A_356 : vector<8x2048xf32>
    %select_n3A_363 = arith.select %gt3A_362, %squeeze3A_361, %select_n3A_356 : vector<8x2048xi1>, vector<8x2048xf32>
    %jit3A_364 = arith.constant 51 : i32
    %broadcast_in_dim3A_365 = vector.broadcast %jit3A_364 : i32 to vector<8x2048xi32>
    %select_n3A_366 = arith.select %gt3A_362, %broadcast_in_dim3A_365, %select_n3A_359 : vector<8x2048xi1>, vector<8x2048xi32>
    %slice3A_367 = vector.extract_strided_slice %reshape3A {offsets = [52, 0, 0], sizes = [1, 8, 2048], strides = [1, 1, 1]} : vector<256x8x2048xf32> to vector<1x8x2048xf32>
    %squeeze3A_368 = vector.shape_cast %slice3A_367 : vector<1x8x2048xf32> to vector<8x2048xf32>
    %gt3A_369 = arith.cmpf ogt, %squeeze3A_368, %select_n3A_363 : vector<8x2048xf32>
    %select_n3A_370 = arith.select %gt3A_369, %squeeze3A_368, %select_n3A_363 : vector<8x2048xi1>, vector<8x2048xf32>
    %jit3A_371 = arith.constant 52 : i32
    %broadcast_in_dim3A_372 = vector.broadcast %jit3A_371 : i32 to vector<8x2048xi32>
    %select_n3A_373 = arith.select %gt3A_369, %broadcast_in_dim3A_372, %select_n3A_366 : vector<8x2048xi1>, vector<8x2048xi32>
    %slice3A_374 = vector.extract_strided_slice %reshape3A {offsets = [53, 0, 0], sizes = [1, 8, 2048], strides = [1, 1, 1]} : vector<256x8x2048xf32> to vector<1x8x2048xf32>
    %squeeze3A_375 = vector.shape_cast %slice3A_374 : vector<1x8x2048xf32> to vector<8x2048xf32>
    %gt3A_376 = arith.cmpf ogt, %squeeze3A_375, %select_n3A_370 : vector<8x2048xf32>
    %select_n3A_377 = arith.select %gt3A_376, %squeeze3A_375, %select_n3A_370 : vector<8x2048xi1>, vector<8x2048xf32>
    %jit3A_378 = arith.constant 53 : i32
    %broadcast_in_dim3A_379 = vector.broadcast %jit3A_378 : i32 to vector<8x2048xi32>
    %select_n3A_380 = arith.select %gt3A_376, %broadcast_in_dim3A_379, %select_n3A_373 : vector<8x2048xi1>, vector<8x2048xi32>
    %slice3A_381 = vector.extract_strided_slice %reshape3A {offsets = [54, 0, 0], sizes = [1, 8, 2048], strides = [1, 1, 1]} : vector<256x8x2048xf32> to vector<1x8x2048xf32>
    %squeeze3A_382 = vector.shape_cast %slice3A_381 : vector<1x8x2048xf32> to vector<8x2048xf32>
    %gt3A_383 = arith.cmpf ogt, %squeeze3A_382, %select_n3A_377 : vector<8x2048xf32>
    %select_n3A_384 = arith.select %gt3A_383, %squeeze3A_382, %select_n3A_377 : vector<8x2048xi1>, vector<8x2048xf32>
    %jit3A_385 = arith.constant 54 : i32
    %broadcast_in_dim3A_386 = vector.broadcast %jit3A_385 : i32 to vector<8x2048xi32>
    %select_n3A_387 = arith.select %gt3A_383, %broadcast_in_dim3A_386, %select_n3A_380 : vector<8x2048xi1>, vector<8x2048xi32>
    %slice3A_388 = vector.extract_strided_slice %reshape3A {offsets = [55, 0, 0], sizes = [1, 8, 2048], strides = [1, 1, 1]} : vector<256x8x2048xf32> to vector<1x8x2048xf32>
    %squeeze3A_389 = vector.shape_cast %slice3A_388 : vector<1x8x2048xf32> to vector<8x2048xf32>
    %gt3A_390 = arith.cmpf ogt, %squeeze3A_389, %select_n3A_384 : vector<8x2048xf32>
    %select_n3A_391 = arith.select %gt3A_390, %squeeze3A_389, %select_n3A_384 : vector<8x2048xi1>, vector<8x2048xf32>
    %jit3A_392 = arith.constant 55 : i32
    %broadcast_in_dim3A_393 = vector.broadcast %jit3A_392 : i32 to vector<8x2048xi32>
    %select_n3A_394 = arith.select %gt3A_390, %broadcast_in_dim3A_393, %select_n3A_387 : vector<8x2048xi1>, vector<8x2048xi32>
    %slice3A_395 = vector.extract_strided_slice %reshape3A {offsets = [56, 0, 0], sizes = [1, 8, 2048], strides = [1, 1, 1]} : vector<256x8x2048xf32> to vector<1x8x2048xf32>
    %squeeze3A_396 = vector.shape_cast %slice3A_395 : vector<1x8x2048xf32> to vector<8x2048xf32>
    %gt3A_397 = arith.cmpf ogt, %squeeze3A_396, %select_n3A_391 : vector<8x2048xf32>
    %select_n3A_398 = arith.select %gt3A_397, %squeeze3A_396, %select_n3A_391 : vector<8x2048xi1>, vector<8x2048xf32>
    %jit3A_399 = arith.constant 56 : i32
    %broadcast_in_dim3A_400 = vector.broadcast %jit3A_399 : i32 to vector<8x2048xi32>
    %select_n3A_401 = arith.select %gt3A_397, %broadcast_in_dim3A_400, %select_n3A_394 : vector<8x2048xi1>, vector<8x2048xi32>
    %slice3A_402 = vector.extract_strided_slice %reshape3A {offsets = [57, 0, 0], sizes = [1, 8, 2048], strides = [1, 1, 1]} : vector<256x8x2048xf32> to vector<1x8x2048xf32>
    %squeeze3A_403 = vector.shape_cast %slice3A_402 : vector<1x8x2048xf32> to vector<8x2048xf32>
    %gt3A_404 = arith.cmpf ogt, %squeeze3A_403, %select_n3A_398 : vector<8x2048xf32>
    %select_n3A_405 = arith.select %gt3A_404, %squeeze3A_403, %select_n3A_398 : vector<8x2048xi1>, vector<8x2048xf32>
    %jit3A_406 = arith.constant 57 : i32
    %broadcast_in_dim3A_407 = vector.broadcast %jit3A_406 : i32 to vector<8x2048xi32>
    %select_n3A_408 = arith.select %gt3A_404, %broadcast_in_dim3A_407, %select_n3A_401 : vector<8x2048xi1>, vector<8x2048xi32>
    %slice3A_409 = vector.extract_strided_slice %reshape3A {offsets = [58, 0, 0], sizes = [1, 8, 2048], strides = [1, 1, 1]} : vector<256x8x2048xf32> to vector<1x8x2048xf32>
    %squeeze3A_410 = vector.shape_cast %slice3A_409 : vector<1x8x2048xf32> to vector<8x2048xf32>
    %gt3A_411 = arith.cmpf ogt, %squeeze3A_410, %select_n3A_405 : vector<8x2048xf32>
    %select_n3A_412 = arith.select %gt3A_411, %squeeze3A_410, %select_n3A_405 : vector<8x2048xi1>, vector<8x2048xf32>
    %jit3A_413 = arith.constant 58 : i32
    %broadcast_in_dim3A_414 = vector.broadcast %jit3A_413 : i32 to vector<8x2048xi32>
    %select_n3A_415 = arith.select %gt3A_411, %broadcast_in_dim3A_414, %select_n3A_408 : vector<8x2048xi1>, vector<8x2048xi32>
    %slice3A_416 = vector.extract_strided_slice %reshape3A {offsets = [59, 0, 0], sizes = [1, 8, 2048], strides = [1, 1, 1]} : vector<256x8x2048xf32> to vector<1x8x2048xf32>
    %squeeze3A_417 = vector.shape_cast %slice3A_416 : vector<1x8x2048xf32> to vector<8x2048xf32>
    %gt3A_418 = arith.cmpf ogt, %squeeze3A_417, %select_n3A_412 : vector<8x2048xf32>
    %select_n3A_419 = arith.select %gt3A_418, %squeeze3A_417, %select_n3A_412 : vector<8x2048xi1>, vector<8x2048xf32>
    %jit3A_420 = arith.constant 59 : i32
    %broadcast_in_dim3A_421 = vector.broadcast %jit3A_420 : i32 to vector<8x2048xi32>
    %select_n3A_422 = arith.select %gt3A_418, %broadcast_in_dim3A_421, %select_n3A_415 : vector<8x2048xi1>, vector<8x2048xi32>
    %slice3A_423 = vector.extract_strided_slice %reshape3A {offsets = [60, 0, 0], sizes = [1, 8, 2048], strides = [1, 1, 1]} : vector<256x8x2048xf32> to vector<1x8x2048xf32>
    %squeeze3A_424 = vector.shape_cast %slice3A_423 : vector<1x8x2048xf32> to vector<8x2048xf32>
    %gt3A_425 = arith.cmpf ogt, %squeeze3A_424, %select_n3A_419 : vector<8x2048xf32>
    %select_n3A_426 = arith.select %gt3A_425, %squeeze3A_424, %select_n3A_419 : vector<8x2048xi1>, vector<8x2048xf32>
    %jit3A_427 = arith.constant 60 : i32
    %broadcast_in_dim3A_428 = vector.broadcast %jit3A_427 : i32 to vector<8x2048xi32>
    %select_n3A_429 = arith.select %gt3A_425, %broadcast_in_dim3A_428, %select_n3A_422 : vector<8x2048xi1>, vector<8x2048xi32>
    %slice3A_430 = vector.extract_strided_slice %reshape3A {offsets = [61, 0, 0], sizes = [1, 8, 2048], strides = [1, 1, 1]} : vector<256x8x2048xf32> to vector<1x8x2048xf32>
    %squeeze3A_431 = vector.shape_cast %slice3A_430 : vector<1x8x2048xf32> to vector<8x2048xf32>
    %gt3A_432 = arith.cmpf ogt, %squeeze3A_431, %select_n3A_426 : vector<8x2048xf32>
    %select_n3A_433 = arith.select %gt3A_432, %squeeze3A_431, %select_n3A_426 : vector<8x2048xi1>, vector<8x2048xf32>
    %jit3A_434 = arith.constant 61 : i32
    %broadcast_in_dim3A_435 = vector.broadcast %jit3A_434 : i32 to vector<8x2048xi32>
    %select_n3A_436 = arith.select %gt3A_432, %broadcast_in_dim3A_435, %select_n3A_429 : vector<8x2048xi1>, vector<8x2048xi32>
    %slice3A_437 = vector.extract_strided_slice %reshape3A {offsets = [62, 0, 0], sizes = [1, 8, 2048], strides = [1, 1, 1]} : vector<256x8x2048xf32> to vector<1x8x2048xf32>
    %squeeze3A_438 = vector.shape_cast %slice3A_437 : vector<1x8x2048xf32> to vector<8x2048xf32>
    %gt3A_439 = arith.cmpf ogt, %squeeze3A_438, %select_n3A_433 : vector<8x2048xf32>
    %select_n3A_440 = arith.select %gt3A_439, %squeeze3A_438, %select_n3A_433 : vector<8x2048xi1>, vector<8x2048xf32>
    %jit3A_441 = arith.constant 62 : i32
    %broadcast_in_dim3A_442 = vector.broadcast %jit3A_441 : i32 to vector<8x2048xi32>
    %select_n3A_443 = arith.select %gt3A_439, %broadcast_in_dim3A_442, %select_n3A_436 : vector<8x2048xi1>, vector<8x2048xi32>
    %slice3A_444 = vector.extract_strided_slice %reshape3A {offsets = [63, 0, 0], sizes = [1, 8, 2048], strides = [1, 1, 1]} : vector<256x8x2048xf32> to vector<1x8x2048xf32>
    %squeeze3A_445 = vector.shape_cast %slice3A_444 : vector<1x8x2048xf32> to vector<8x2048xf32>
    %gt3A_446 = arith.cmpf ogt, %squeeze3A_445, %select_n3A_440 : vector<8x2048xf32>
    %select_n3A_447 = arith.select %gt3A_446, %squeeze3A_445, %select_n3A_440 : vector<8x2048xi1>, vector<8x2048xf32>
    %jit3A_448 = arith.constant 63 : i32
    %broadcast_in_dim3A_449 = vector.broadcast %jit3A_448 : i32 to vector<8x2048xi32>
    %select_n3A_450 = arith.select %gt3A_446, %broadcast_in_dim3A_449, %select_n3A_443 : vector<8x2048xi1>, vector<8x2048xi32>
    %slice3A_451 = vector.extract_strided_slice %reshape3A {offsets = [64, 0, 0], sizes = [1, 8, 2048], strides = [1, 1, 1]} : vector<256x8x2048xf32> to vector<1x8x2048xf32>
    %squeeze3A_452 = vector.shape_cast %slice3A_451 : vector<1x8x2048xf32> to vector<8x2048xf32>
    %gt3A_453 = arith.cmpf ogt, %squeeze3A_452, %select_n3A_447 : vector<8x2048xf32>
    %select_n3A_454 = arith.select %gt3A_453, %squeeze3A_452, %select_n3A_447 : vector<8x2048xi1>, vector<8x2048xf32>
    %jit3A_455 = arith.constant 64 : i32
    %broadcast_in_dim3A_456 = vector.broadcast %jit3A_455 : i32 to vector<8x2048xi32>
    %select_n3A_457 = arith.select %gt3A_453, %broadcast_in_dim3A_456, %select_n3A_450 : vector<8x2048xi1>, vector<8x2048xi32>
    %slice3A_458 = vector.extract_strided_slice %reshape3A {offsets = [65, 0, 0], sizes = [1, 8, 2048], strides = [1, 1, 1]} : vector<256x8x2048xf32> to vector<1x8x2048xf32>
    %squeeze3A_459 = vector.shape_cast %slice3A_458 : vector<1x8x2048xf32> to vector<8x2048xf32>
    %gt3A_460 = arith.cmpf ogt, %squeeze3A_459, %select_n3A_454 : vector<8x2048xf32>
    %select_n3A_461 = arith.select %gt3A_460, %squeeze3A_459, %select_n3A_454 : vector<8x2048xi1>, vector<8x2048xf32>
    %jit3A_462 = arith.constant 65 : i32
    %broadcast_in_dim3A_463 = vector.broadcast %jit3A_462 : i32 to vector<8x2048xi32>
    %select_n3A_464 = arith.select %gt3A_460, %broadcast_in_dim3A_463, %select_n3A_457 : vector<8x2048xi1>, vector<8x2048xi32>
    %slice3A_465 = vector.extract_strided_slice %reshape3A {offsets = [66, 0, 0], sizes = [1, 8, 2048], strides = [1, 1, 1]} : vector<256x8x2048xf32> to vector<1x8x2048xf32>
    %squeeze3A_466 = vector.shape_cast %slice3A_465 : vector<1x8x2048xf32> to vector<8x2048xf32>
    %gt3A_467 = arith.cmpf ogt, %squeeze3A_466, %select_n3A_461 : vector<8x2048xf32>
    %select_n3A_468 = arith.select %gt3A_467, %squeeze3A_466, %select_n3A_461 : vector<8x2048xi1>, vector<8x2048xf32>
    %jit3A_469 = arith.constant 66 : i32
    %broadcast_in_dim3A_470 = vector.broadcast %jit3A_469 : i32 to vector<8x2048xi32>
    %select_n3A_471 = arith.select %gt3A_467, %broadcast_in_dim3A_470, %select_n3A_464 : vector<8x2048xi1>, vector<8x2048xi32>
    %slice3A_472 = vector.extract_strided_slice %reshape3A {offsets = [67, 0, 0], sizes = [1, 8, 2048], strides = [1, 1, 1]} : vector<256x8x2048xf32> to vector<1x8x2048xf32>
    %squeeze3A_473 = vector.shape_cast %slice3A_472 : vector<1x8x2048xf32> to vector<8x2048xf32>
    %gt3A_474 = arith.cmpf ogt, %squeeze3A_473, %select_n3A_468 : vector<8x2048xf32>
    %select_n3A_475 = arith.select %gt3A_474, %squeeze3A_473, %select_n3A_468 : vector<8x2048xi1>, vector<8x2048xf32>
    %jit3A_476 = arith.constant 67 : i32
    %broadcast_in_dim3A_477 = vector.broadcast %jit3A_476 : i32 to vector<8x2048xi32>
    %select_n3A_478 = arith.select %gt3A_474, %broadcast_in_dim3A_477, %select_n3A_471 : vector<8x2048xi1>, vector<8x2048xi32>
    %slice3A_479 = vector.extract_strided_slice %reshape3A {offsets = [68, 0, 0], sizes = [1, 8, 2048], strides = [1, 1, 1]} : vector<256x8x2048xf32> to vector<1x8x2048xf32>
    %squeeze3A_480 = vector.shape_cast %slice3A_479 : vector<1x8x2048xf32> to vector<8x2048xf32>
    %gt3A_481 = arith.cmpf ogt, %squeeze3A_480, %select_n3A_475 : vector<8x2048xf32>
    %select_n3A_482 = arith.select %gt3A_481, %squeeze3A_480, %select_n3A_475 : vector<8x2048xi1>, vector<8x2048xf32>
    %jit3A_483 = arith.constant 68 : i32
    %broadcast_in_dim3A_484 = vector.broadcast %jit3A_483 : i32 to vector<8x2048xi32>
    %select_n3A_485 = arith.select %gt3A_481, %broadcast_in_dim3A_484, %select_n3A_478 : vector<8x2048xi1>, vector<8x2048xi32>
    %slice3A_486 = vector.extract_strided_slice %reshape3A {offsets = [69, 0, 0], sizes = [1, 8, 2048], strides = [1, 1, 1]} : vector<256x8x2048xf32> to vector<1x8x2048xf32>
    %squeeze3A_487 = vector.shape_cast %slice3A_486 : vector<1x8x2048xf32> to vector<8x2048xf32>
    %gt3A_488 = arith.cmpf ogt, %squeeze3A_487, %select_n3A_482 : vector<8x2048xf32>
    %select_n3A_489 = arith.select %gt3A_488, %squeeze3A_487, %select_n3A_482 : vector<8x2048xi1>, vector<8x2048xf32>
    %jit3A_490 = arith.constant 69 : i32
    %broadcast_in_dim3A_491 = vector.broadcast %jit3A_490 : i32 to vector<8x2048xi32>
    %select_n3A_492 = arith.select %gt3A_488, %broadcast_in_dim3A_491, %select_n3A_485 : vector<8x2048xi1>, vector<8x2048xi32>
    %slice3A_493 = vector.extract_strided_slice %reshape3A {offsets = [70, 0, 0], sizes = [1, 8, 2048], strides = [1, 1, 1]} : vector<256x8x2048xf32> to vector<1x8x2048xf32>
    %squeeze3A_494 = vector.shape_cast %slice3A_493 : vector<1x8x2048xf32> to vector<8x2048xf32>
    %gt3A_495 = arith.cmpf ogt, %squeeze3A_494, %select_n3A_489 : vector<8x2048xf32>
    %select_n3A_496 = arith.select %gt3A_495, %squeeze3A_494, %select_n3A_489 : vector<8x2048xi1>, vector<8x2048xf32>
    %jit3A_497 = arith.constant 70 : i32
    %broadcast_in_dim3A_498 = vector.broadcast %jit3A_497 : i32 to vector<8x2048xi32>
    %select_n3A_499 = arith.select %gt3A_495, %broadcast_in_dim3A_498, %select_n3A_492 : vector<8x2048xi1>, vector<8x2048xi32>
    %slice3A_500 = vector.extract_strided_slice %reshape3A {offsets = [71, 0, 0], sizes = [1, 8, 2048], strides = [1, 1, 1]} : vector<256x8x2048xf32> to vector<1x8x2048xf32>
    %squeeze3A_501 = vector.shape_cast %slice3A_500 : vector<1x8x2048xf32> to vector<8x2048xf32>
    %gt3A_502 = arith.cmpf ogt, %squeeze3A_501, %select_n3A_496 : vector<8x2048xf32>
    %select_n3A_503 = arith.select %gt3A_502, %squeeze3A_501, %select_n3A_496 : vector<8x2048xi1>, vector<8x2048xf32>
    %jit3A_504 = arith.constant 71 : i32
    %broadcast_in_dim3A_505 = vector.broadcast %jit3A_504 : i32 to vector<8x2048xi32>
    %select_n3A_506 = arith.select %gt3A_502, %broadcast_in_dim3A_505, %select_n3A_499 : vector<8x2048xi1>, vector<8x2048xi32>
    %slice3A_507 = vector.extract_strided_slice %reshape3A {offsets = [72, 0, 0], sizes = [1, 8, 2048], strides = [1, 1, 1]} : vector<256x8x2048xf32> to vector<1x8x2048xf32>
    %squeeze3A_508 = vector.shape_cast %slice3A_507 : vector<1x8x2048xf32> to vector<8x2048xf32>
    %gt3A_509 = arith.cmpf ogt, %squeeze3A_508, %select_n3A_503 : vector<8x2048xf32>
    %select_n3A_510 = arith.select %gt3A_509, %squeeze3A_508, %select_n3A_503 : vector<8x2048xi1>, vector<8x2048xf32>
    %jit3A_511 = arith.constant 72 : i32
    %broadcast_in_dim3A_512 = vector.broadcast %jit3A_511 : i32 to vector<8x2048xi32>
    %select_n3A_513 = arith.select %gt3A_509, %broadcast_in_dim3A_512, %select_n3A_506 : vector<8x2048xi1>, vector<8x2048xi32>
    %slice3A_514 = vector.extract_strided_slice %reshape3A {offsets = [73, 0, 0], sizes = [1, 8, 2048], strides = [1, 1, 1]} : vector<256x8x2048xf32> to vector<1x8x2048xf32>
    %squeeze3A_515 = vector.shape_cast %slice3A_514 : vector<1x8x2048xf32> to vector<8x2048xf32>
    %gt3A_516 = arith.cmpf ogt, %squeeze3A_515, %select_n3A_510 : vector<8x2048xf32>
    %select_n3A_517 = arith.select %gt3A_516, %squeeze3A_515, %select_n3A_510 : vector<8x2048xi1>, vector<8x2048xf32>
    %jit3A_518 = arith.constant 73 : i32
    %broadcast_in_dim3A_519 = vector.broadcast %jit3A_518 : i32 to vector<8x2048xi32>
    %select_n3A_520 = arith.select %gt3A_516, %broadcast_in_dim3A_519, %select_n3A_513 : vector<8x2048xi1>, vector<8x2048xi32>
    %slice3A_521 = vector.extract_strided_slice %reshape3A {offsets = [74, 0, 0], sizes = [1, 8, 2048], strides = [1, 1, 1]} : vector<256x8x2048xf32> to vector<1x8x2048xf32>
    %squeeze3A_522 = vector.shape_cast %slice3A_521 : vector<1x8x2048xf32> to vector<8x2048xf32>
    %gt3A_523 = arith.cmpf ogt, %squeeze3A_522, %select_n3A_517 : vector<8x2048xf32>
    %select_n3A_524 = arith.select %gt3A_523, %squeeze3A_522, %select_n3A_517 : vector<8x2048xi1>, vector<8x2048xf32>
    %jit3A_525 = arith.constant 74 : i32
    %broadcast_in_dim3A_526 = vector.broadcast %jit3A_525 : i32 to vector<8x2048xi32>
    %select_n3A_527 = arith.select %gt3A_523, %broadcast_in_dim3A_526, %select_n3A_520 : vector<8x2048xi1>, vector<8x2048xi32>
    %slice3A_528 = vector.extract_strided_slice %reshape3A {offsets = [75, 0, 0], sizes = [1, 8, 2048], strides = [1, 1, 1]} : vector<256x8x2048xf32> to vector<1x8x2048xf32>
    %squeeze3A_529 = vector.shape_cast %slice3A_528 : vector<1x8x2048xf32> to vector<8x2048xf32>
    %gt3A_530 = arith.cmpf ogt, %squeeze3A_529, %select_n3A_524 : vector<8x2048xf32>
    %select_n3A_531 = arith.select %gt3A_530, %squeeze3A_529, %select_n3A_524 : vector<8x2048xi1>, vector<8x2048xf32>
    %jit3A_532 = arith.constant 75 : i32
    %broadcast_in_dim3A_533 = vector.broadcast %jit3A_532 : i32 to vector<8x2048xi32>
    %select_n3A_534 = arith.select %gt3A_530, %broadcast_in_dim3A_533, %select_n3A_527 : vector<8x2048xi1>, vector<8x2048xi32>
    %slice3A_535 = vector.extract_strided_slice %reshape3A {offsets = [76, 0, 0], sizes = [1, 8, 2048], strides = [1, 1, 1]} : vector<256x8x2048xf32> to vector<1x8x2048xf32>
    %squeeze3A_536 = vector.shape_cast %slice3A_535 : vector<1x8x2048xf32> to vector<8x2048xf32>
    %gt3A_537 = arith.cmpf ogt, %squeeze3A_536, %select_n3A_531 : vector<8x2048xf32>
    %select_n3A_538 = arith.select %gt3A_537, %squeeze3A_536, %select_n3A_531 : vector<8x2048xi1>, vector<8x2048xf32>
    %jit3A_539 = arith.constant 76 : i32
    %broadcast_in_dim3A_540 = vector.broadcast %jit3A_539 : i32 to vector<8x2048xi32>
    %select_n3A_541 = arith.select %gt3A_537, %broadcast_in_dim3A_540, %select_n3A_534 : vector<8x2048xi1>, vector<8x2048xi32>
    %slice3A_542 = vector.extract_strided_slice %reshape3A {offsets = [77, 0, 0], sizes = [1, 8, 2048], strides = [1, 1, 1]} : vector<256x8x2048xf32> to vector<1x8x2048xf32>
    %squeeze3A_543 = vector.shape_cast %slice3A_542 : vector<1x8x2048xf32> to vector<8x2048xf32>
    %gt3A_544 = arith.cmpf ogt, %squeeze3A_543, %select_n3A_538 : vector<8x2048xf32>
    %select_n3A_545 = arith.select %gt3A_544, %squeeze3A_543, %select_n3A_538 : vector<8x2048xi1>, vector<8x2048xf32>
    %jit3A_546 = arith.constant 77 : i32
    %broadcast_in_dim3A_547 = vector.broadcast %jit3A_546 : i32 to vector<8x2048xi32>
    %select_n3A_548 = arith.select %gt3A_544, %broadcast_in_dim3A_547, %select_n3A_541 : vector<8x2048xi1>, vector<8x2048xi32>
    %slice3A_549 = vector.extract_strided_slice %reshape3A {offsets = [78, 0, 0], sizes = [1, 8, 2048], strides = [1, 1, 1]} : vector<256x8x2048xf32> to vector<1x8x2048xf32>
    %squeeze3A_550 = vector.shape_cast %slice3A_549 : vector<1x8x2048xf32> to vector<8x2048xf32>
    %gt3A_551 = arith.cmpf ogt, %squeeze3A_550, %select_n3A_545 : vector<8x2048xf32>
    %select_n3A_552 = arith.select %gt3A_551, %squeeze3A_550, %select_n3A_545 : vector<8x2048xi1>, vector<8x2048xf32>
    %jit3A_553 = arith.constant 78 : i32
    %broadcast_in_dim3A_554 = vector.broadcast %jit3A_553 : i32 to vector<8x2048xi32>
    %select_n3A_555 = arith.select %gt3A_551, %broadcast_in_dim3A_554, %select_n3A_548 : vector<8x2048xi1>, vector<8x2048xi32>
    %slice3A_556 = vector.extract_strided_slice %reshape3A {offsets = [79, 0, 0], sizes = [1, 8, 2048], strides = [1, 1, 1]} : vector<256x8x2048xf32> to vector<1x8x2048xf32>
    %squeeze3A_557 = vector.shape_cast %slice3A_556 : vector<1x8x2048xf32> to vector<8x2048xf32>
    %gt3A_558 = arith.cmpf ogt, %squeeze3A_557, %select_n3A_552 : vector<8x2048xf32>
    %select_n3A_559 = arith.select %gt3A_558, %squeeze3A_557, %select_n3A_552 : vector<8x2048xi1>, vector<8x2048xf32>
    %jit3A_560 = arith.constant 79 : i32
    %broadcast_in_dim3A_561 = vector.broadcast %jit3A_560 : i32 to vector<8x2048xi32>
    %select_n3A_562 = arith.select %gt3A_558, %broadcast_in_dim3A_561, %select_n3A_555 : vector<8x2048xi1>, vector<8x2048xi32>
    %slice3A_563 = vector.extract_strided_slice %reshape3A {offsets = [80, 0, 0], sizes = [1, 8, 2048], strides = [1, 1, 1]} : vector<256x8x2048xf32> to vector<1x8x2048xf32>
    %squeeze3A_564 = vector.shape_cast %slice3A_563 : vector<1x8x2048xf32> to vector<8x2048xf32>
    %gt3A_565 = arith.cmpf ogt, %squeeze3A_564, %select_n3A_559 : vector<8x2048xf32>
    %select_n3A_566 = arith.select %gt3A_565, %squeeze3A_564, %select_n3A_559 : vector<8x2048xi1>, vector<8x2048xf32>
    %jit3A_567 = arith.constant 80 : i32
    %broadcast_in_dim3A_568 = vector.broadcast %jit3A_567 : i32 to vector<8x2048xi32>
    %select_n3A_569 = arith.select %gt3A_565, %broadcast_in_dim3A_568, %select_n3A_562 : vector<8x2048xi1>, vector<8x2048xi32>
    %slice3A_570 = vector.extract_strided_slice %reshape3A {offsets = [81, 0, 0], sizes = [1, 8, 2048], strides = [1, 1, 1]} : vector<256x8x2048xf32> to vector<1x8x2048xf32>
    %squeeze3A_571 = vector.shape_cast %slice3A_570 : vector<1x8x2048xf32> to vector<8x2048xf32>
    %gt3A_572 = arith.cmpf ogt, %squeeze3A_571, %select_n3A_566 : vector<8x2048xf32>
    %select_n3A_573 = arith.select %gt3A_572, %squeeze3A_571, %select_n3A_566 : vector<8x2048xi1>, vector<8x2048xf32>
    %jit3A_574 = arith.constant 81 : i32
    %broadcast_in_dim3A_575 = vector.broadcast %jit3A_574 : i32 to vector<8x2048xi32>
    %select_n3A_576 = arith.select %gt3A_572, %broadcast_in_dim3A_575, %select_n3A_569 : vector<8x2048xi1>, vector<8x2048xi32>
    %slice3A_577 = vector.extract_strided_slice %reshape3A {offsets = [82, 0, 0], sizes = [1, 8, 2048], strides = [1, 1, 1]} : vector<256x8x2048xf32> to vector<1x8x2048xf32>
    %squeeze3A_578 = vector.shape_cast %slice3A_577 : vector<1x8x2048xf32> to vector<8x2048xf32>
    %gt3A_579 = arith.cmpf ogt, %squeeze3A_578, %select_n3A_573 : vector<8x2048xf32>
    %select_n3A_580 = arith.select %gt3A_579, %squeeze3A_578, %select_n3A_573 : vector<8x2048xi1>, vector<8x2048xf32>
    %jit3A_581 = arith.constant 82 : i32
    %broadcast_in_dim3A_582 = vector.broadcast %jit3A_581 : i32 to vector<8x2048xi32>
    %select_n3A_583 = arith.select %gt3A_579, %broadcast_in_dim3A_582, %select_n3A_576 : vector<8x2048xi1>, vector<8x2048xi32>
    %slice3A_584 = vector.extract_strided_slice %reshape3A {offsets = [83, 0, 0], sizes = [1, 8, 2048], strides = [1, 1, 1]} : vector<256x8x2048xf32> to vector<1x8x2048xf32>
    %squeeze3A_585 = vector.shape_cast %slice3A_584 : vector<1x8x2048xf32> to vector<8x2048xf32>
    %gt3A_586 = arith.cmpf ogt, %squeeze3A_585, %select_n3A_580 : vector<8x2048xf32>
    %select_n3A_587 = arith.select %gt3A_586, %squeeze3A_585, %select_n3A_580 : vector<8x2048xi1>, vector<8x2048xf32>
    %jit3A_588 = arith.constant 83 : i32
    %broadcast_in_dim3A_589 = vector.broadcast %jit3A_588 : i32 to vector<8x2048xi32>
    %select_n3A_590 = arith.select %gt3A_586, %broadcast_in_dim3A_589, %select_n3A_583 : vector<8x2048xi1>, vector<8x2048xi32>
    %slice3A_591 = vector.extract_strided_slice %reshape3A {offsets = [84, 0, 0], sizes = [1, 8, 2048], strides = [1, 1, 1]} : vector<256x8x2048xf32> to vector<1x8x2048xf32>
    %squeeze3A_592 = vector.shape_cast %slice3A_591 : vector<1x8x2048xf32> to vector<8x2048xf32>
    %gt3A_593 = arith.cmpf ogt, %squeeze3A_592, %select_n3A_587 : vector<8x2048xf32>
    %select_n3A_594 = arith.select %gt3A_593, %squeeze3A_592, %select_n3A_587 : vector<8x2048xi1>, vector<8x2048xf32>
    %jit3A_595 = arith.constant 84 : i32
    %broadcast_in_dim3A_596 = vector.broadcast %jit3A_595 : i32 to vector<8x2048xi32>
    %select_n3A_597 = arith.select %gt3A_593, %broadcast_in_dim3A_596, %select_n3A_590 : vector<8x2048xi1>, vector<8x2048xi32>
    %slice3A_598 = vector.extract_strided_slice %reshape3A {offsets = [85, 0, 0], sizes = [1, 8, 2048], strides = [1, 1, 1]} : vector<256x8x2048xf32> to vector<1x8x2048xf32>
    %squeeze3A_599 = vector.shape_cast %slice3A_598 : vector<1x8x2048xf32> to vector<8x2048xf32>
    %gt3A_600 = arith.cmpf ogt, %squeeze3A_599, %select_n3A_594 : vector<8x2048xf32>
    %select_n3A_601 = arith.select %gt3A_600, %squeeze3A_599, %select_n3A_594 : vector<8x2048xi1>, vector<8x2048xf32>
    %jit3A_602 = arith.constant 85 : i32
    %broadcast_in_dim3A_603 = vector.broadcast %jit3A_602 : i32 to vector<8x2048xi32>
    %select_n3A_604 = arith.select %gt3A_600, %broadcast_in_dim3A_603, %select_n3A_597 : vector<8x2048xi1>, vector<8x2048xi32>
    %slice3A_605 = vector.extract_strided_slice %reshape3A {offsets = [86, 0, 0], sizes = [1, 8, 2048], strides = [1, 1, 1]} : vector<256x8x2048xf32> to vector<1x8x2048xf32>
    %squeeze3A_606 = vector.shape_cast %slice3A_605 : vector<1x8x2048xf32> to vector<8x2048xf32>
    %gt3A_607 = arith.cmpf ogt, %squeeze3A_606, %select_n3A_601 : vector<8x2048xf32>
    %select_n3A_608 = arith.select %gt3A_607, %squeeze3A_606, %select_n3A_601 : vector<8x2048xi1>, vector<8x2048xf32>
    %jit3A_609 = arith.constant 86 : i32
    %broadcast_in_dim3A_610 = vector.broadcast %jit3A_609 : i32 to vector<8x2048xi32>
    %select_n3A_611 = arith.select %gt3A_607, %broadcast_in_dim3A_610, %select_n3A_604 : vector<8x2048xi1>, vector<8x2048xi32>
    %slice3A_612 = vector.extract_strided_slice %reshape3A {offsets = [87, 0, 0], sizes = [1, 8, 2048], strides = [1, 1, 1]} : vector<256x8x2048xf32> to vector<1x8x2048xf32>
    %squeeze3A_613 = vector.shape_cast %slice3A_612 : vector<1x8x2048xf32> to vector<8x2048xf32>
    %gt3A_614 = arith.cmpf ogt, %squeeze3A_613, %select_n3A_608 : vector<8x2048xf32>
    %select_n3A_615 = arith.select %gt3A_614, %squeeze3A_613, %select_n3A_608 : vector<8x2048xi1>, vector<8x2048xf32>
    %jit3A_616 = arith.constant 87 : i32
    %broadcast_in_dim3A_617 = vector.broadcast %jit3A_616 : i32 to vector<8x2048xi32>
    %select_n3A_618 = arith.select %gt3A_614, %broadcast_in_dim3A_617, %select_n3A_611 : vector<8x2048xi1>, vector<8x2048xi32>
    %slice3A_619 = vector.extract_strided_slice %reshape3A {offsets = [88, 0, 0], sizes = [1, 8, 2048], strides = [1, 1, 1]} : vector<256x8x2048xf32> to vector<1x8x2048xf32>
    %squeeze3A_620 = vector.shape_cast %slice3A_619 : vector<1x8x2048xf32> to vector<8x2048xf32>
    %gt3A_621 = arith.cmpf ogt, %squeeze3A_620, %select_n3A_615 : vector<8x2048xf32>
    %select_n3A_622 = arith.select %gt3A_621, %squeeze3A_620, %select_n3A_615 : vector<8x2048xi1>, vector<8x2048xf32>
    %jit3A_623 = arith.constant 88 : i32
    %broadcast_in_dim3A_624 = vector.broadcast %jit3A_623 : i32 to vector<8x2048xi32>
    %select_n3A_625 = arith.select %gt3A_621, %broadcast_in_dim3A_624, %select_n3A_618 : vector<8x2048xi1>, vector<8x2048xi32>
    %slice3A_626 = vector.extract_strided_slice %reshape3A {offsets = [89, 0, 0], sizes = [1, 8, 2048], strides = [1, 1, 1]} : vector<256x8x2048xf32> to vector<1x8x2048xf32>
    %squeeze3A_627 = vector.shape_cast %slice3A_626 : vector<1x8x2048xf32> to vector<8x2048xf32>
    %gt3A_628 = arith.cmpf ogt, %squeeze3A_627, %select_n3A_622 : vector<8x2048xf32>
    %select_n3A_629 = arith.select %gt3A_628, %squeeze3A_627, %select_n3A_622 : vector<8x2048xi1>, vector<8x2048xf32>
    %jit3A_630 = arith.constant 89 : i32
    %broadcast_in_dim3A_631 = vector.broadcast %jit3A_630 : i32 to vector<8x2048xi32>
    %select_n3A_632 = arith.select %gt3A_628, %broadcast_in_dim3A_631, %select_n3A_625 : vector<8x2048xi1>, vector<8x2048xi32>
    %slice3A_633 = vector.extract_strided_slice %reshape3A {offsets = [90, 0, 0], sizes = [1, 8, 2048], strides = [1, 1, 1]} : vector<256x8x2048xf32> to vector<1x8x2048xf32>
    %squeeze3A_634 = vector.shape_cast %slice3A_633 : vector<1x8x2048xf32> to vector<8x2048xf32>
    %gt3A_635 = arith.cmpf ogt, %squeeze3A_634, %select_n3A_629 : vector<8x2048xf32>
    %select_n3A_636 = arith.select %gt3A_635, %squeeze3A_634, %select_n3A_629 : vector<8x2048xi1>, vector<8x2048xf32>
    %jit3A_637 = arith.constant 90 : i32
    %broadcast_in_dim3A_638 = vector.broadcast %jit3A_637 : i32 to vector<8x2048xi32>
    %select_n3A_639 = arith.select %gt3A_635, %broadcast_in_dim3A_638, %select_n3A_632 : vector<8x2048xi1>, vector<8x2048xi32>
    %slice3A_640 = vector.extract_strided_slice %reshape3A {offsets = [91, 0, 0], sizes = [1, 8, 2048], strides = [1, 1, 1]} : vector<256x8x2048xf32> to vector<1x8x2048xf32>
    %squeeze3A_641 = vector.shape_cast %slice3A_640 : vector<1x8x2048xf32> to vector<8x2048xf32>
    %gt3A_642 = arith.cmpf ogt, %squeeze3A_641, %select_n3A_636 : vector<8x2048xf32>
    %select_n3A_643 = arith.select %gt3A_642, %squeeze3A_641, %select_n3A_636 : vector<8x2048xi1>, vector<8x2048xf32>
    %jit3A_644 = arith.constant 91 : i32
    %broadcast_in_dim3A_645 = vector.broadcast %jit3A_644 : i32 to vector<8x2048xi32>
    %select_n3A_646 = arith.select %gt3A_642, %broadcast_in_dim3A_645, %select_n3A_639 : vector<8x2048xi1>, vector<8x2048xi32>
    %slice3A_647 = vector.extract_strided_slice %reshape3A {offsets = [92, 0, 0], sizes = [1, 8, 2048], strides = [1, 1, 1]} : vector<256x8x2048xf32> to vector<1x8x2048xf32>
    %squeeze3A_648 = vector.shape_cast %slice3A_647 : vector<1x8x2048xf32> to vector<8x2048xf32>
    %gt3A_649 = arith.cmpf ogt, %squeeze3A_648, %select_n3A_643 : vector<8x2048xf32>
    %select_n3A_650 = arith.select %gt3A_649, %squeeze3A_648, %select_n3A_643 : vector<8x2048xi1>, vector<8x2048xf32>
    %jit3A_651 = arith.constant 92 : i32
    %broadcast_in_dim3A_652 = vector.broadcast %jit3A_651 : i32 to vector<8x2048xi32>
    %select_n3A_653 = arith.select %gt3A_649, %broadcast_in_dim3A_652, %select_n3A_646 : vector<8x2048xi1>, vector<8x2048xi32>
    %slice3A_654 = vector.extract_strided_slice %reshape3A {offsets = [93, 0, 0], sizes = [1, 8, 2048], strides = [1, 1, 1]} : vector<256x8x2048xf32> to vector<1x8x2048xf32>
    %squeeze3A_655 = vector.shape_cast %slice3A_654 : vector<1x8x2048xf32> to vector<8x2048xf32>
    %gt3A_656 = arith.cmpf ogt, %squeeze3A_655, %select_n3A_650 : vector<8x2048xf32>
    %select_n3A_657 = arith.select %gt3A_656, %squeeze3A_655, %select_n3A_650 : vector<8x2048xi1>, vector<8x2048xf32>
    %jit3A_658 = arith.constant 93 : i32
    %broadcast_in_dim3A_659 = vector.broadcast %jit3A_658 : i32 to vector<8x2048xi32>
    %select_n3A_660 = arith.select %gt3A_656, %broadcast_in_dim3A_659, %select_n3A_653 : vector<8x2048xi1>, vector<8x2048xi32>
    %slice3A_661 = vector.extract_strided_slice %reshape3A {offsets = [94, 0, 0], sizes = [1, 8, 2048], strides = [1, 1, 1]} : vector<256x8x2048xf32> to vector<1x8x2048xf32>
    %squeeze3A_662 = vector.shape_cast %slice3A_661 : vector<1x8x2048xf32> to vector<8x2048xf32>
    %gt3A_663 = arith.cmpf ogt, %squeeze3A_662, %select_n3A_657 : vector<8x2048xf32>
    %select_n3A_664 = arith.select %gt3A_663, %squeeze3A_662, %select_n3A_657 : vector<8x2048xi1>, vector<8x2048xf32>
    %jit3A_665 = arith.constant 94 : i32
    %broadcast_in_dim3A_666 = vector.broadcast %jit3A_665 : i32 to vector<8x2048xi32>
    %select_n3A_667 = arith.select %gt3A_663, %broadcast_in_dim3A_666, %select_n3A_660 : vector<8x2048xi1>, vector<8x2048xi32>
    %slice3A_668 = vector.extract_strided_slice %reshape3A {offsets = [95, 0, 0], sizes = [1, 8, 2048], strides = [1, 1, 1]} : vector<256x8x2048xf32> to vector<1x8x2048xf32>
    %squeeze3A_669 = vector.shape_cast %slice3A_668 : vector<1x8x2048xf32> to vector<8x2048xf32>
    %gt3A_670 = arith.cmpf ogt, %squeeze3A_669, %select_n3A_664 : vector<8x2048xf32>
    %select_n3A_671 = arith.select %gt3A_670, %squeeze3A_669, %select_n3A_664 : vector<8x2048xi1>, vector<8x2048xf32>
    %jit3A_672 = arith.constant 95 : i32
    %broadcast_in_dim3A_673 = vector.broadcast %jit3A_672 : i32 to vector<8x2048xi32>
    %select_n3A_674 = arith.select %gt3A_670, %broadcast_in_dim3A_673, %select_n3A_667 : vector<8x2048xi1>, vector<8x2048xi32>
    %slice3A_675 = vector.extract_strided_slice %reshape3A {offsets = [96, 0, 0], sizes = [1, 8, 2048], strides = [1, 1, 1]} : vector<256x8x2048xf32> to vector<1x8x2048xf32>
    %squeeze3A_676 = vector.shape_cast %slice3A_675 : vector<1x8x2048xf32> to vector<8x2048xf32>
    %gt3A_677 = arith.cmpf ogt, %squeeze3A_676, %select_n3A_671 : vector<8x2048xf32>
    %select_n3A_678 = arith.select %gt3A_677, %squeeze3A_676, %select_n3A_671 : vector<8x2048xi1>, vector<8x2048xf32>
    %jit3A_679 = arith.constant 96 : i32
    %broadcast_in_dim3A_680 = vector.broadcast %jit3A_679 : i32 to vector<8x2048xi32>
    %select_n3A_681 = arith.select %gt3A_677, %broadcast_in_dim3A_680, %select_n3A_674 : vector<8x2048xi1>, vector<8x2048xi32>
    %slice3A_682 = vector.extract_strided_slice %reshape3A {offsets = [97, 0, 0], sizes = [1, 8, 2048], strides = [1, 1, 1]} : vector<256x8x2048xf32> to vector<1x8x2048xf32>
    %squeeze3A_683 = vector.shape_cast %slice3A_682 : vector<1x8x2048xf32> to vector<8x2048xf32>
    %gt3A_684 = arith.cmpf ogt, %squeeze3A_683, %select_n3A_678 : vector<8x2048xf32>
    %select_n3A_685 = arith.select %gt3A_684, %squeeze3A_683, %select_n3A_678 : vector<8x2048xi1>, vector<8x2048xf32>
    %jit3A_686 = arith.constant 97 : i32
    %broadcast_in_dim3A_687 = vector.broadcast %jit3A_686 : i32 to vector<8x2048xi32>
    %select_n3A_688 = arith.select %gt3A_684, %broadcast_in_dim3A_687, %select_n3A_681 : vector<8x2048xi1>, vector<8x2048xi32>
    %slice3A_689 = vector.extract_strided_slice %reshape3A {offsets = [98, 0, 0], sizes = [1, 8, 2048], strides = [1, 1, 1]} : vector<256x8x2048xf32> to vector<1x8x2048xf32>
    %squeeze3A_690 = vector.shape_cast %slice3A_689 : vector<1x8x2048xf32> to vector<8x2048xf32>
    %gt3A_691 = arith.cmpf ogt, %squeeze3A_690, %select_n3A_685 : vector<8x2048xf32>
    %select_n3A_692 = arith.select %gt3A_691, %squeeze3A_690, %select_n3A_685 : vector<8x2048xi1>, vector<8x2048xf32>
    %jit3A_693 = arith.constant 98 : i32
    %broadcast_in_dim3A_694 = vector.broadcast %jit3A_693 : i32 to vector<8x2048xi32>
    %select_n3A_695 = arith.select %gt3A_691, %broadcast_in_dim3A_694, %select_n3A_688 : vector<8x2048xi1>, vector<8x2048xi32>
    %slice3A_696 = vector.extract_strided_slice %reshape3A {offsets = [99, 0, 0], sizes = [1, 8, 2048], strides = [1, 1, 1]} : vector<256x8x2048xf32> to vector<1x8x2048xf32>
    %squeeze3A_697 = vector.shape_cast %slice3A_696 : vector<1x8x2048xf32> to vector<8x2048xf32>
    %gt3A_698 = arith.cmpf ogt, %squeeze3A_697, %select_n3A_692 : vector<8x2048xf32>
    %select_n3A_699 = arith.select %gt3A_698, %squeeze3A_697, %select_n3A_692 : vector<8x2048xi1>, vector<8x2048xf32>
    %jit3A_700 = arith.constant 99 : i32
    %broadcast_in_dim3A_701 = vector.broadcast %jit3A_700 : i32 to vector<8x2048xi32>
    %select_n3A_702 = arith.select %gt3A_698, %broadcast_in_dim3A_701, %select_n3A_695 : vector<8x2048xi1>, vector<8x2048xi32>
    %slice3A_703 = vector.extract_strided_slice %reshape3A {offsets = [100, 0, 0], sizes = [1, 8, 2048], strides = [1, 1, 1]} : vector<256x8x2048xf32> to vector<1x8x2048xf32>
    %squeeze3A_704 = vector.shape_cast %slice3A_703 : vector<1x8x2048xf32> to vector<8x2048xf32>
    %gt3A_705 = arith.cmpf ogt, %squeeze3A_704, %select_n3A_699 : vector<8x2048xf32>
    %select_n3A_706 = arith.select %gt3A_705, %squeeze3A_704, %select_n3A_699 : vector<8x2048xi1>, vector<8x2048xf32>
    %jit3A_707 = arith.constant 100 : i32
    %broadcast_in_dim3A_708 = vector.broadcast %jit3A_707 : i32 to vector<8x2048xi32>
    %select_n3A_709 = arith.select %gt3A_705, %broadcast_in_dim3A_708, %select_n3A_702 : vector<8x2048xi1>, vector<8x2048xi32>
    %slice3A_710 = vector.extract_strided_slice %reshape3A {offsets = [101, 0, 0], sizes = [1, 8, 2048], strides = [1, 1, 1]} : vector<256x8x2048xf32> to vector<1x8x2048xf32>
    %squeeze3A_711 = vector.shape_cast %slice3A_710 : vector<1x8x2048xf32> to vector<8x2048xf32>
    %gt3A_712 = arith.cmpf ogt, %squeeze3A_711, %select_n3A_706 : vector<8x2048xf32>
    %select_n3A_713 = arith.select %gt3A_712, %squeeze3A_711, %select_n3A_706 : vector<8x2048xi1>, vector<8x2048xf32>
    %jit3A_714 = arith.constant 101 : i32
    %broadcast_in_dim3A_715 = vector.broadcast %jit3A_714 : i32 to vector<8x2048xi32>
    %select_n3A_716 = arith.select %gt3A_712, %broadcast_in_dim3A_715, %select_n3A_709 : vector<8x2048xi1>, vector<8x2048xi32>
    %slice3A_717 = vector.extract_strided_slice %reshape3A {offsets = [102, 0, 0], sizes = [1, 8, 2048], strides = [1, 1, 1]} : vector<256x8x2048xf32> to vector<1x8x2048xf32>
    %squeeze3A_718 = vector.shape_cast %slice3A_717 : vector<1x8x2048xf32> to vector<8x2048xf32>
    %gt3A_719 = arith.cmpf ogt, %squeeze3A_718, %select_n3A_713 : vector<8x2048xf32>
    %select_n3A_720 = arith.select %gt3A_719, %squeeze3A_718, %select_n3A_713 : vector<8x2048xi1>, vector<8x2048xf32>
    %jit3A_721 = arith.constant 102 : i32
    %broadcast_in_dim3A_722 = vector.broadcast %jit3A_721 : i32 to vector<8x2048xi32>
    %select_n3A_723 = arith.select %gt3A_719, %broadcast_in_dim3A_722, %select_n3A_716 : vector<8x2048xi1>, vector<8x2048xi32>
    %slice3A_724 = vector.extract_strided_slice %reshape3A {offsets = [103, 0, 0], sizes = [1, 8, 2048], strides = [1, 1, 1]} : vector<256x8x2048xf32> to vector<1x8x2048xf32>
    %squeeze3A_725 = vector.shape_cast %slice3A_724 : vector<1x8x2048xf32> to vector<8x2048xf32>
    %gt3A_726 = arith.cmpf ogt, %squeeze3A_725, %select_n3A_720 : vector<8x2048xf32>
    %select_n3A_727 = arith.select %gt3A_726, %squeeze3A_725, %select_n3A_720 : vector<8x2048xi1>, vector<8x2048xf32>
    %jit3A_728 = arith.constant 103 : i32
    %broadcast_in_dim3A_729 = vector.broadcast %jit3A_728 : i32 to vector<8x2048xi32>
    %select_n3A_730 = arith.select %gt3A_726, %broadcast_in_dim3A_729, %select_n3A_723 : vector<8x2048xi1>, vector<8x2048xi32>
    %slice3A_731 = vector.extract_strided_slice %reshape3A {offsets = [104, 0, 0], sizes = [1, 8, 2048], strides = [1, 1, 1]} : vector<256x8x2048xf32> to vector<1x8x2048xf32>
    %squeeze3A_732 = vector.shape_cast %slice3A_731 : vector<1x8x2048xf32> to vector<8x2048xf32>
    %gt3A_733 = arith.cmpf ogt, %squeeze3A_732, %select_n3A_727 : vector<8x2048xf32>
    %select_n3A_734 = arith.select %gt3A_733, %squeeze3A_732, %select_n3A_727 : vector<8x2048xi1>, vector<8x2048xf32>
    %jit3A_735 = arith.constant 104 : i32
    %broadcast_in_dim3A_736 = vector.broadcast %jit3A_735 : i32 to vector<8x2048xi32>
    %select_n3A_737 = arith.select %gt3A_733, %broadcast_in_dim3A_736, %select_n3A_730 : vector<8x2048xi1>, vector<8x2048xi32>
    %slice3A_738 = vector.extract_strided_slice %reshape3A {offsets = [105, 0, 0], sizes = [1, 8, 2048], strides = [1, 1, 1]} : vector<256x8x2048xf32> to vector<1x8x2048xf32>
    %squeeze3A_739 = vector.shape_cast %slice3A_738 : vector<1x8x2048xf32> to vector<8x2048xf32>
    %gt3A_740 = arith.cmpf ogt, %squeeze3A_739, %select_n3A_734 : vector<8x2048xf32>
    %select_n3A_741 = arith.select %gt3A_740, %squeeze3A_739, %select_n3A_734 : vector<8x2048xi1>, vector<8x2048xf32>
    %jit3A_742 = arith.constant 105 : i32
    %broadcast_in_dim3A_743 = vector.broadcast %jit3A_742 : i32 to vector<8x2048xi32>
    %select_n3A_744 = arith.select %gt3A_740, %broadcast_in_dim3A_743, %select_n3A_737 : vector<8x2048xi1>, vector<8x2048xi32>
    %slice3A_745 = vector.extract_strided_slice %reshape3A {offsets = [106, 0, 0], sizes = [1, 8, 2048], strides = [1, 1, 1]} : vector<256x8x2048xf32> to vector<1x8x2048xf32>
    %squeeze3A_746 = vector.shape_cast %slice3A_745 : vector<1x8x2048xf32> to vector<8x2048xf32>
    %gt3A_747 = arith.cmpf ogt, %squeeze3A_746, %select_n3A_741 : vector<8x2048xf32>
    %select_n3A_748 = arith.select %gt3A_747, %squeeze3A_746, %select_n3A_741 : vector<8x2048xi1>, vector<8x2048xf32>
    %jit3A_749 = arith.constant 106 : i32
    %broadcast_in_dim3A_750 = vector.broadcast %jit3A_749 : i32 to vector<8x2048xi32>
    %select_n3A_751 = arith.select %gt3A_747, %broadcast_in_dim3A_750, %select_n3A_744 : vector<8x2048xi1>, vector<8x2048xi32>
    %slice3A_752 = vector.extract_strided_slice %reshape3A {offsets = [107, 0, 0], sizes = [1, 8, 2048], strides = [1, 1, 1]} : vector<256x8x2048xf32> to vector<1x8x2048xf32>
    %squeeze3A_753 = vector.shape_cast %slice3A_752 : vector<1x8x2048xf32> to vector<8x2048xf32>
    %gt3A_754 = arith.cmpf ogt, %squeeze3A_753, %select_n3A_748 : vector<8x2048xf32>
    %select_n3A_755 = arith.select %gt3A_754, %squeeze3A_753, %select_n3A_748 : vector<8x2048xi1>, vector<8x2048xf32>
    %jit3A_756 = arith.constant 107 : i32
    %broadcast_in_dim3A_757 = vector.broadcast %jit3A_756 : i32 to vector<8x2048xi32>
    %select_n3A_758 = arith.select %gt3A_754, %broadcast_in_dim3A_757, %select_n3A_751 : vector<8x2048xi1>, vector<8x2048xi32>
    %slice3A_759 = vector.extract_strided_slice %reshape3A {offsets = [108, 0, 0], sizes = [1, 8, 2048], strides = [1, 1, 1]} : vector<256x8x2048xf32> to vector<1x8x2048xf32>
    %squeeze3A_760 = vector.shape_cast %slice3A_759 : vector<1x8x2048xf32> to vector<8x2048xf32>
    %gt3A_761 = arith.cmpf ogt, %squeeze3A_760, %select_n3A_755 : vector<8x2048xf32>
    %select_n3A_762 = arith.select %gt3A_761, %squeeze3A_760, %select_n3A_755 : vector<8x2048xi1>, vector<8x2048xf32>
    %jit3A_763 = arith.constant 108 : i32
    %broadcast_in_dim3A_764 = vector.broadcast %jit3A_763 : i32 to vector<8x2048xi32>
    %select_n3A_765 = arith.select %gt3A_761, %broadcast_in_dim3A_764, %select_n3A_758 : vector<8x2048xi1>, vector<8x2048xi32>
    %slice3A_766 = vector.extract_strided_slice %reshape3A {offsets = [109, 0, 0], sizes = [1, 8, 2048], strides = [1, 1, 1]} : vector<256x8x2048xf32> to vector<1x8x2048xf32>
    %squeeze3A_767 = vector.shape_cast %slice3A_766 : vector<1x8x2048xf32> to vector<8x2048xf32>
    %gt3A_768 = arith.cmpf ogt, %squeeze3A_767, %select_n3A_762 : vector<8x2048xf32>
    %select_n3A_769 = arith.select %gt3A_768, %squeeze3A_767, %select_n3A_762 : vector<8x2048xi1>, vector<8x2048xf32>
    %jit3A_770 = arith.constant 109 : i32
    %broadcast_in_dim3A_771 = vector.broadcast %jit3A_770 : i32 to vector<8x2048xi32>
    %select_n3A_772 = arith.select %gt3A_768, %broadcast_in_dim3A_771, %select_n3A_765 : vector<8x2048xi1>, vector<8x2048xi32>
    %slice3A_773 = vector.extract_strided_slice %reshape3A {offsets = [110, 0, 0], sizes = [1, 8, 2048], strides = [1, 1, 1]} : vector<256x8x2048xf32> to vector<1x8x2048xf32>
    %squeeze3A_774 = vector.shape_cast %slice3A_773 : vector<1x8x2048xf32> to vector<8x2048xf32>
    %gt3A_775 = arith.cmpf ogt, %squeeze3A_774, %select_n3A_769 : vector<8x2048xf32>
    %select_n3A_776 = arith.select %gt3A_775, %squeeze3A_774, %select_n3A_769 : vector<8x2048xi1>, vector<8x2048xf32>
    %jit3A_777 = arith.constant 110 : i32
    %broadcast_in_dim3A_778 = vector.broadcast %jit3A_777 : i32 to vector<8x2048xi32>
    %select_n3A_779 = arith.select %gt3A_775, %broadcast_in_dim3A_778, %select_n3A_772 : vector<8x2048xi1>, vector<8x2048xi32>
    %slice3A_780 = vector.extract_strided_slice %reshape3A {offsets = [111, 0, 0], sizes = [1, 8, 2048], strides = [1, 1, 1]} : vector<256x8x2048xf32> to vector<1x8x2048xf32>
    %squeeze3A_781 = vector.shape_cast %slice3A_780 : vector<1x8x2048xf32> to vector<8x2048xf32>
    %gt3A_782 = arith.cmpf ogt, %squeeze3A_781, %select_n3A_776 : vector<8x2048xf32>
    %select_n3A_783 = arith.select %gt3A_782, %squeeze3A_781, %select_n3A_776 : vector<8x2048xi1>, vector<8x2048xf32>
    %jit3A_784 = arith.constant 111 : i32
    %broadcast_in_dim3A_785 = vector.broadcast %jit3A_784 : i32 to vector<8x2048xi32>
    %select_n3A_786 = arith.select %gt3A_782, %broadcast_in_dim3A_785, %select_n3A_779 : vector<8x2048xi1>, vector<8x2048xi32>
    %slice3A_787 = vector.extract_strided_slice %reshape3A {offsets = [112, 0, 0], sizes = [1, 8, 2048], strides = [1, 1, 1]} : vector<256x8x2048xf32> to vector<1x8x2048xf32>
    %squeeze3A_788 = vector.shape_cast %slice3A_787 : vector<1x8x2048xf32> to vector<8x2048xf32>
    %gt3A_789 = arith.cmpf ogt, %squeeze3A_788, %select_n3A_783 : vector<8x2048xf32>
    %select_n3A_790 = arith.select %gt3A_789, %squeeze3A_788, %select_n3A_783 : vector<8x2048xi1>, vector<8x2048xf32>
    %jit3A_791 = arith.constant 112 : i32
    %broadcast_in_dim3A_792 = vector.broadcast %jit3A_791 : i32 to vector<8x2048xi32>
    %select_n3A_793 = arith.select %gt3A_789, %broadcast_in_dim3A_792, %select_n3A_786 : vector<8x2048xi1>, vector<8x2048xi32>
    %slice3A_794 = vector.extract_strided_slice %reshape3A {offsets = [113, 0, 0], sizes = [1, 8, 2048], strides = [1, 1, 1]} : vector<256x8x2048xf32> to vector<1x8x2048xf32>
    %squeeze3A_795 = vector.shape_cast %slice3A_794 : vector<1x8x2048xf32> to vector<8x2048xf32>
    %gt3A_796 = arith.cmpf ogt, %squeeze3A_795, %select_n3A_790 : vector<8x2048xf32>
    %select_n3A_797 = arith.select %gt3A_796, %squeeze3A_795, %select_n3A_790 : vector<8x2048xi1>, vector<8x2048xf32>
    %jit3A_798 = arith.constant 113 : i32
    %broadcast_in_dim3A_799 = vector.broadcast %jit3A_798 : i32 to vector<8x2048xi32>
    %select_n3A_800 = arith.select %gt3A_796, %broadcast_in_dim3A_799, %select_n3A_793 : vector<8x2048xi1>, vector<8x2048xi32>
    %slice3A_801 = vector.extract_strided_slice %reshape3A {offsets = [114, 0, 0], sizes = [1, 8, 2048], strides = [1, 1, 1]} : vector<256x8x2048xf32> to vector<1x8x2048xf32>
    %squeeze3A_802 = vector.shape_cast %slice3A_801 : vector<1x8x2048xf32> to vector<8x2048xf32>
    %gt3A_803 = arith.cmpf ogt, %squeeze3A_802, %select_n3A_797 : vector<8x2048xf32>
    %select_n3A_804 = arith.select %gt3A_803, %squeeze3A_802, %select_n3A_797 : vector<8x2048xi1>, vector<8x2048xf32>
    %jit3A_805 = arith.constant 114 : i32
    %broadcast_in_dim3A_806 = vector.broadcast %jit3A_805 : i32 to vector<8x2048xi32>
    %select_n3A_807 = arith.select %gt3A_803, %broadcast_in_dim3A_806, %select_n3A_800 : vector<8x2048xi1>, vector<8x2048xi32>
    %slice3A_808 = vector.extract_strided_slice %reshape3A {offsets = [115, 0, 0], sizes = [1, 8, 2048], strides = [1, 1, 1]} : vector<256x8x2048xf32> to vector<1x8x2048xf32>
    %squeeze3A_809 = vector.shape_cast %slice3A_808 : vector<1x8x2048xf32> to vector<8x2048xf32>
    %gt3A_810 = arith.cmpf ogt, %squeeze3A_809, %select_n3A_804 : vector<8x2048xf32>
    %select_n3A_811 = arith.select %gt3A_810, %squeeze3A_809, %select_n3A_804 : vector<8x2048xi1>, vector<8x2048xf32>
    %jit3A_812 = arith.constant 115 : i32
    %broadcast_in_dim3A_813 = vector.broadcast %jit3A_812 : i32 to vector<8x2048xi32>
    %select_n3A_814 = arith.select %gt3A_810, %broadcast_in_dim3A_813, %select_n3A_807 : vector<8x2048xi1>, vector<8x2048xi32>
    %slice3A_815 = vector.extract_strided_slice %reshape3A {offsets = [116, 0, 0], sizes = [1, 8, 2048], strides = [1, 1, 1]} : vector<256x8x2048xf32> to vector<1x8x2048xf32>
    %squeeze3A_816 = vector.shape_cast %slice3A_815 : vector<1x8x2048xf32> to vector<8x2048xf32>
    %gt3A_817 = arith.cmpf ogt, %squeeze3A_816, %select_n3A_811 : vector<8x2048xf32>
    %select_n3A_818 = arith.select %gt3A_817, %squeeze3A_816, %select_n3A_811 : vector<8x2048xi1>, vector<8x2048xf32>
    %jit3A_819 = arith.constant 116 : i32
    %broadcast_in_dim3A_820 = vector.broadcast %jit3A_819 : i32 to vector<8x2048xi32>
    %select_n3A_821 = arith.select %gt3A_817, %broadcast_in_dim3A_820, %select_n3A_814 : vector<8x2048xi1>, vector<8x2048xi32>
    %slice3A_822 = vector.extract_strided_slice %reshape3A {offsets = [117, 0, 0], sizes = [1, 8, 2048], strides = [1, 1, 1]} : vector<256x8x2048xf32> to vector<1x8x2048xf32>
    %squeeze3A_823 = vector.shape_cast %slice3A_822 : vector<1x8x2048xf32> to vector<8x2048xf32>
    %gt3A_824 = arith.cmpf ogt, %squeeze3A_823, %select_n3A_818 : vector<8x2048xf32>
    %select_n3A_825 = arith.select %gt3A_824, %squeeze3A_823, %select_n3A_818 : vector<8x2048xi1>, vector<8x2048xf32>
    %jit3A_826 = arith.constant 117 : i32
    %broadcast_in_dim3A_827 = vector.broadcast %jit3A_826 : i32 to vector<8x2048xi32>
    %select_n3A_828 = arith.select %gt3A_824, %broadcast_in_dim3A_827, %select_n3A_821 : vector<8x2048xi1>, vector<8x2048xi32>
    %slice3A_829 = vector.extract_strided_slice %reshape3A {offsets = [118, 0, 0], sizes = [1, 8, 2048], strides = [1, 1, 1]} : vector<256x8x2048xf32> to vector<1x8x2048xf32>
    %squeeze3A_830 = vector.shape_cast %slice3A_829 : vector<1x8x2048xf32> to vector<8x2048xf32>
    %gt3A_831 = arith.cmpf ogt, %squeeze3A_830, %select_n3A_825 : vector<8x2048xf32>
    %select_n3A_832 = arith.select %gt3A_831, %squeeze3A_830, %select_n3A_825 : vector<8x2048xi1>, vector<8x2048xf32>
    %jit3A_833 = arith.constant 118 : i32
    %broadcast_in_dim3A_834 = vector.broadcast %jit3A_833 : i32 to vector<8x2048xi32>
    %select_n3A_835 = arith.select %gt3A_831, %broadcast_in_dim3A_834, %select_n3A_828 : vector<8x2048xi1>, vector<8x2048xi32>
    %slice3A_836 = vector.extract_strided_slice %reshape3A {offsets = [119, 0, 0], sizes = [1, 8, 2048], strides = [1, 1, 1]} : vector<256x8x2048xf32> to vector<1x8x2048xf32>
    %squeeze3A_837 = vector.shape_cast %slice3A_836 : vector<1x8x2048xf32> to vector<8x2048xf32>
    %gt3A_838 = arith.cmpf ogt, %squeeze3A_837, %select_n3A_832 : vector<8x2048xf32>
    %select_n3A_839 = arith.select %gt3A_838, %squeeze3A_837, %select_n3A_832 : vector<8x2048xi1>, vector<8x2048xf32>
    %jit3A_840 = arith.constant 119 : i32
    %broadcast_in_dim3A_841 = vector.broadcast %jit3A_840 : i32 to vector<8x2048xi32>
    %select_n3A_842 = arith.select %gt3A_838, %broadcast_in_dim3A_841, %select_n3A_835 : vector<8x2048xi1>, vector<8x2048xi32>
    %slice3A_843 = vector.extract_strided_slice %reshape3A {offsets = [120, 0, 0], sizes = [1, 8, 2048], strides = [1, 1, 1]} : vector<256x8x2048xf32> to vector<1x8x2048xf32>
    %squeeze3A_844 = vector.shape_cast %slice3A_843 : vector<1x8x2048xf32> to vector<8x2048xf32>
    %gt3A_845 = arith.cmpf ogt, %squeeze3A_844, %select_n3A_839 : vector<8x2048xf32>
    %select_n3A_846 = arith.select %gt3A_845, %squeeze3A_844, %select_n3A_839 : vector<8x2048xi1>, vector<8x2048xf32>
    %jit3A_847 = arith.constant 120 : i32
    %broadcast_in_dim3A_848 = vector.broadcast %jit3A_847 : i32 to vector<8x2048xi32>
    %select_n3A_849 = arith.select %gt3A_845, %broadcast_in_dim3A_848, %select_n3A_842 : vector<8x2048xi1>, vector<8x2048xi32>
    %slice3A_850 = vector.extract_strided_slice %reshape3A {offsets = [121, 0, 0], sizes = [1, 8, 2048], strides = [1, 1, 1]} : vector<256x8x2048xf32> to vector<1x8x2048xf32>
    %squeeze3A_851 = vector.shape_cast %slice3A_850 : vector<1x8x2048xf32> to vector<8x2048xf32>
    %gt3A_852 = arith.cmpf ogt, %squeeze3A_851, %select_n3A_846 : vector<8x2048xf32>
    %select_n3A_853 = arith.select %gt3A_852, %squeeze3A_851, %select_n3A_846 : vector<8x2048xi1>, vector<8x2048xf32>
    %jit3A_854 = arith.constant 121 : i32
    %broadcast_in_dim3A_855 = vector.broadcast %jit3A_854 : i32 to vector<8x2048xi32>
    %select_n3A_856 = arith.select %gt3A_852, %broadcast_in_dim3A_855, %select_n3A_849 : vector<8x2048xi1>, vector<8x2048xi32>
    %slice3A_857 = vector.extract_strided_slice %reshape3A {offsets = [122, 0, 0], sizes = [1, 8, 2048], strides = [1, 1, 1]} : vector<256x8x2048xf32> to vector<1x8x2048xf32>
    %squeeze3A_858 = vector.shape_cast %slice3A_857 : vector<1x8x2048xf32> to vector<8x2048xf32>
    %gt3A_859 = arith.cmpf ogt, %squeeze3A_858, %select_n3A_853 : vector<8x2048xf32>
    %select_n3A_860 = arith.select %gt3A_859, %squeeze3A_858, %select_n3A_853 : vector<8x2048xi1>, vector<8x2048xf32>
    %jit3A_861 = arith.constant 122 : i32
    %broadcast_in_dim3A_862 = vector.broadcast %jit3A_861 : i32 to vector<8x2048xi32>
    %select_n3A_863 = arith.select %gt3A_859, %broadcast_in_dim3A_862, %select_n3A_856 : vector<8x2048xi1>, vector<8x2048xi32>
    %slice3A_864 = vector.extract_strided_slice %reshape3A {offsets = [123, 0, 0], sizes = [1, 8, 2048], strides = [1, 1, 1]} : vector<256x8x2048xf32> to vector<1x8x2048xf32>
    %squeeze3A_865 = vector.shape_cast %slice3A_864 : vector<1x8x2048xf32> to vector<8x2048xf32>
    %gt3A_866 = arith.cmpf ogt, %squeeze3A_865, %select_n3A_860 : vector<8x2048xf32>
    %select_n3A_867 = arith.select %gt3A_866, %squeeze3A_865, %select_n3A_860 : vector<8x2048xi1>, vector<8x2048xf32>
    %jit3A_868 = arith.constant 123 : i32
    %broadcast_in_dim3A_869 = vector.broadcast %jit3A_868 : i32 to vector<8x2048xi32>
    %select_n3A_870 = arith.select %gt3A_866, %broadcast_in_dim3A_869, %select_n3A_863 : vector<8x2048xi1>, vector<8x2048xi32>
    %slice3A_871 = vector.extract_strided_slice %reshape3A {offsets = [124, 0, 0], sizes = [1, 8, 2048], strides = [1, 1, 1]} : vector<256x8x2048xf32> to vector<1x8x2048xf32>
    %squeeze3A_872 = vector.shape_cast %slice3A_871 : vector<1x8x2048xf32> to vector<8x2048xf32>
    %gt3A_873 = arith.cmpf ogt, %squeeze3A_872, %select_n3A_867 : vector<8x2048xf32>
    %select_n3A_874 = arith.select %gt3A_873, %squeeze3A_872, %select_n3A_867 : vector<8x2048xi1>, vector<8x2048xf32>
    %jit3A_875 = arith.constant 124 : i32
    %broadcast_in_dim3A_876 = vector.broadcast %jit3A_875 : i32 to vector<8x2048xi32>
    %select_n3A_877 = arith.select %gt3A_873, %broadcast_in_dim3A_876, %select_n3A_870 : vector<8x2048xi1>, vector<8x2048xi32>
    %slice3A_878 = vector.extract_strided_slice %reshape3A {offsets = [125, 0, 0], sizes = [1, 8, 2048], strides = [1, 1, 1]} : vector<256x8x2048xf32> to vector<1x8x2048xf32>
    %squeeze3A_879 = vector.shape_cast %slice3A_878 : vector<1x8x2048xf32> to vector<8x2048xf32>
    %gt3A_880 = arith.cmpf ogt, %squeeze3A_879, %select_n3A_874 : vector<8x2048xf32>
    %select_n3A_881 = arith.select %gt3A_880, %squeeze3A_879, %select_n3A_874 : vector<8x2048xi1>, vector<8x2048xf32>
    %jit3A_882 = arith.constant 125 : i32
    %broadcast_in_dim3A_883 = vector.broadcast %jit3A_882 : i32 to vector<8x2048xi32>
    %select_n3A_884 = arith.select %gt3A_880, %broadcast_in_dim3A_883, %select_n3A_877 : vector<8x2048xi1>, vector<8x2048xi32>
    %slice3A_885 = vector.extract_strided_slice %reshape3A {offsets = [126, 0, 0], sizes = [1, 8, 2048], strides = [1, 1, 1]} : vector<256x8x2048xf32> to vector<1x8x2048xf32>
    %squeeze3A_886 = vector.shape_cast %slice3A_885 : vector<1x8x2048xf32> to vector<8x2048xf32>
    %gt3A_887 = arith.cmpf ogt, %squeeze3A_886, %select_n3A_881 : vector<8x2048xf32>
    %select_n3A_888 = arith.select %gt3A_887, %squeeze3A_886, %select_n3A_881 : vector<8x2048xi1>, vector<8x2048xf32>
    %jit3A_889 = arith.constant 126 : i32
    %broadcast_in_dim3A_890 = vector.broadcast %jit3A_889 : i32 to vector<8x2048xi32>
    %select_n3A_891 = arith.select %gt3A_887, %broadcast_in_dim3A_890, %select_n3A_884 : vector<8x2048xi1>, vector<8x2048xi32>
    %slice3A_892 = vector.extract_strided_slice %reshape3A {offsets = [127, 0, 0], sizes = [1, 8, 2048], strides = [1, 1, 1]} : vector<256x8x2048xf32> to vector<1x8x2048xf32>
    %squeeze3A_893 = vector.shape_cast %slice3A_892 : vector<1x8x2048xf32> to vector<8x2048xf32>
    %gt3A_894 = arith.cmpf ogt, %squeeze3A_893, %select_n3A_888 : vector<8x2048xf32>
    %select_n3A_895 = arith.select %gt3A_894, %squeeze3A_893, %select_n3A_888 : vector<8x2048xi1>, vector<8x2048xf32>
    %jit3A_896 = arith.constant 127 : i32
    %broadcast_in_dim3A_897 = vector.broadcast %jit3A_896 : i32 to vector<8x2048xi32>
    %select_n3A_898 = arith.select %gt3A_894, %broadcast_in_dim3A_897, %select_n3A_891 : vector<8x2048xi1>, vector<8x2048xi32>
    %slice3A_899 = vector.extract_strided_slice %reshape3A {offsets = [128, 0, 0], sizes = [1, 8, 2048], strides = [1, 1, 1]} : vector<256x8x2048xf32> to vector<1x8x2048xf32>
    %squeeze3A_900 = vector.shape_cast %slice3A_899 : vector<1x8x2048xf32> to vector<8x2048xf32>
    %gt3A_901 = arith.cmpf ogt, %squeeze3A_900, %select_n3A_895 : vector<8x2048xf32>
    %select_n3A_902 = arith.select %gt3A_901, %squeeze3A_900, %select_n3A_895 : vector<8x2048xi1>, vector<8x2048xf32>
    %jit3A_903 = arith.constant 128 : i32
    %broadcast_in_dim3A_904 = vector.broadcast %jit3A_903 : i32 to vector<8x2048xi32>
    %select_n3A_905 = arith.select %gt3A_901, %broadcast_in_dim3A_904, %select_n3A_898 : vector<8x2048xi1>, vector<8x2048xi32>
    %slice3A_906 = vector.extract_strided_slice %reshape3A {offsets = [129, 0, 0], sizes = [1, 8, 2048], strides = [1, 1, 1]} : vector<256x8x2048xf32> to vector<1x8x2048xf32>
    %squeeze3A_907 = vector.shape_cast %slice3A_906 : vector<1x8x2048xf32> to vector<8x2048xf32>
    %gt3A_908 = arith.cmpf ogt, %squeeze3A_907, %select_n3A_902 : vector<8x2048xf32>
    %select_n3A_909 = arith.select %gt3A_908, %squeeze3A_907, %select_n3A_902 : vector<8x2048xi1>, vector<8x2048xf32>
    %jit3A_910 = arith.constant 129 : i32
    %broadcast_in_dim3A_911 = vector.broadcast %jit3A_910 : i32 to vector<8x2048xi32>
    %select_n3A_912 = arith.select %gt3A_908, %broadcast_in_dim3A_911, %select_n3A_905 : vector<8x2048xi1>, vector<8x2048xi32>
    %slice3A_913 = vector.extract_strided_slice %reshape3A {offsets = [130, 0, 0], sizes = [1, 8, 2048], strides = [1, 1, 1]} : vector<256x8x2048xf32> to vector<1x8x2048xf32>
    %squeeze3A_914 = vector.shape_cast %slice3A_913 : vector<1x8x2048xf32> to vector<8x2048xf32>
    %gt3A_915 = arith.cmpf ogt, %squeeze3A_914, %select_n3A_909 : vector<8x2048xf32>
    %select_n3A_916 = arith.select %gt3A_915, %squeeze3A_914, %select_n3A_909 : vector<8x2048xi1>, vector<8x2048xf32>
    %jit3A_917 = arith.constant 130 : i32
    %broadcast_in_dim3A_918 = vector.broadcast %jit3A_917 : i32 to vector<8x2048xi32>
    %select_n3A_919 = arith.select %gt3A_915, %broadcast_in_dim3A_918, %select_n3A_912 : vector<8x2048xi1>, vector<8x2048xi32>
    %slice3A_920 = vector.extract_strided_slice %reshape3A {offsets = [131, 0, 0], sizes = [1, 8, 2048], strides = [1, 1, 1]} : vector<256x8x2048xf32> to vector<1x8x2048xf32>
    %squeeze3A_921 = vector.shape_cast %slice3A_920 : vector<1x8x2048xf32> to vector<8x2048xf32>
    %gt3A_922 = arith.cmpf ogt, %squeeze3A_921, %select_n3A_916 : vector<8x2048xf32>
    %select_n3A_923 = arith.select %gt3A_922, %squeeze3A_921, %select_n3A_916 : vector<8x2048xi1>, vector<8x2048xf32>
    %jit3A_924 = arith.constant 131 : i32
    %broadcast_in_dim3A_925 = vector.broadcast %jit3A_924 : i32 to vector<8x2048xi32>
    %select_n3A_926 = arith.select %gt3A_922, %broadcast_in_dim3A_925, %select_n3A_919 : vector<8x2048xi1>, vector<8x2048xi32>
    %slice3A_927 = vector.extract_strided_slice %reshape3A {offsets = [132, 0, 0], sizes = [1, 8, 2048], strides = [1, 1, 1]} : vector<256x8x2048xf32> to vector<1x8x2048xf32>
    %squeeze3A_928 = vector.shape_cast %slice3A_927 : vector<1x8x2048xf32> to vector<8x2048xf32>
    %gt3A_929 = arith.cmpf ogt, %squeeze3A_928, %select_n3A_923 : vector<8x2048xf32>
    %select_n3A_930 = arith.select %gt3A_929, %squeeze3A_928, %select_n3A_923 : vector<8x2048xi1>, vector<8x2048xf32>
    %jit3A_931 = arith.constant 132 : i32
    %broadcast_in_dim3A_932 = vector.broadcast %jit3A_931 : i32 to vector<8x2048xi32>
    %select_n3A_933 = arith.select %gt3A_929, %broadcast_in_dim3A_932, %select_n3A_926 : vector<8x2048xi1>, vector<8x2048xi32>
    %slice3A_934 = vector.extract_strided_slice %reshape3A {offsets = [133, 0, 0], sizes = [1, 8, 2048], strides = [1, 1, 1]} : vector<256x8x2048xf32> to vector<1x8x2048xf32>
    %squeeze3A_935 = vector.shape_cast %slice3A_934 : vector<1x8x2048xf32> to vector<8x2048xf32>
    %gt3A_936 = arith.cmpf ogt, %squeeze3A_935, %select_n3A_930 : vector<8x2048xf32>
    %select_n3A_937 = arith.select %gt3A_936, %squeeze3A_935, %select_n3A_930 : vector<8x2048xi1>, vector<8x2048xf32>
    %jit3A_938 = arith.constant 133 : i32
    %broadcast_in_dim3A_939 = vector.broadcast %jit3A_938 : i32 to vector<8x2048xi32>
    %select_n3A_940 = arith.select %gt3A_936, %broadcast_in_dim3A_939, %select_n3A_933 : vector<8x2048xi1>, vector<8x2048xi32>
    %slice3A_941 = vector.extract_strided_slice %reshape3A {offsets = [134, 0, 0], sizes = [1, 8, 2048], strides = [1, 1, 1]} : vector<256x8x2048xf32> to vector<1x8x2048xf32>
    %squeeze3A_942 = vector.shape_cast %slice3A_941 : vector<1x8x2048xf32> to vector<8x2048xf32>
    %gt3A_943 = arith.cmpf ogt, %squeeze3A_942, %select_n3A_937 : vector<8x2048xf32>
    %select_n3A_944 = arith.select %gt3A_943, %squeeze3A_942, %select_n3A_937 : vector<8x2048xi1>, vector<8x2048xf32>
    %jit3A_945 = arith.constant 134 : i32
    %broadcast_in_dim3A_946 = vector.broadcast %jit3A_945 : i32 to vector<8x2048xi32>
    %select_n3A_947 = arith.select %gt3A_943, %broadcast_in_dim3A_946, %select_n3A_940 : vector<8x2048xi1>, vector<8x2048xi32>
    %slice3A_948 = vector.extract_strided_slice %reshape3A {offsets = [135, 0, 0], sizes = [1, 8, 2048], strides = [1, 1, 1]} : vector<256x8x2048xf32> to vector<1x8x2048xf32>
    %squeeze3A_949 = vector.shape_cast %slice3A_948 : vector<1x8x2048xf32> to vector<8x2048xf32>
    %gt3A_950 = arith.cmpf ogt, %squeeze3A_949, %select_n3A_944 : vector<8x2048xf32>
    %select_n3A_951 = arith.select %gt3A_950, %squeeze3A_949, %select_n3A_944 : vector<8x2048xi1>, vector<8x2048xf32>
    %jit3A_952 = arith.constant 135 : i32
    %broadcast_in_dim3A_953 = vector.broadcast %jit3A_952 : i32 to vector<8x2048xi32>
    %select_n3A_954 = arith.select %gt3A_950, %broadcast_in_dim3A_953, %select_n3A_947 : vector<8x2048xi1>, vector<8x2048xi32>
    %slice3A_955 = vector.extract_strided_slice %reshape3A {offsets = [136, 0, 0], sizes = [1, 8, 2048], strides = [1, 1, 1]} : vector<256x8x2048xf32> to vector<1x8x2048xf32>
    %squeeze3A_956 = vector.shape_cast %slice3A_955 : vector<1x8x2048xf32> to vector<8x2048xf32>
    %gt3A_957 = arith.cmpf ogt, %squeeze3A_956, %select_n3A_951 : vector<8x2048xf32>
    %select_n3A_958 = arith.select %gt3A_957, %squeeze3A_956, %select_n3A_951 : vector<8x2048xi1>, vector<8x2048xf32>
    %jit3A_959 = arith.constant 136 : i32
    %broadcast_in_dim3A_960 = vector.broadcast %jit3A_959 : i32 to vector<8x2048xi32>
    %select_n3A_961 = arith.select %gt3A_957, %broadcast_in_dim3A_960, %select_n3A_954 : vector<8x2048xi1>, vector<8x2048xi32>
    %slice3A_962 = vector.extract_strided_slice %reshape3A {offsets = [137, 0, 0], sizes = [1, 8, 2048], strides = [1, 1, 1]} : vector<256x8x2048xf32> to vector<1x8x2048xf32>
    %squeeze3A_963 = vector.shape_cast %slice3A_962 : vector<1x8x2048xf32> to vector<8x2048xf32>
    %gt3A_964 = arith.cmpf ogt, %squeeze3A_963, %select_n3A_958 : vector<8x2048xf32>
    %select_n3A_965 = arith.select %gt3A_964, %squeeze3A_963, %select_n3A_958 : vector<8x2048xi1>, vector<8x2048xf32>
    %jit3A_966 = arith.constant 137 : i32
    %broadcast_in_dim3A_967 = vector.broadcast %jit3A_966 : i32 to vector<8x2048xi32>
    %select_n3A_968 = arith.select %gt3A_964, %broadcast_in_dim3A_967, %select_n3A_961 : vector<8x2048xi1>, vector<8x2048xi32>
    %slice3A_969 = vector.extract_strided_slice %reshape3A {offsets = [138, 0, 0], sizes = [1, 8, 2048], strides = [1, 1, 1]} : vector<256x8x2048xf32> to vector<1x8x2048xf32>
    %squeeze3A_970 = vector.shape_cast %slice3A_969 : vector<1x8x2048xf32> to vector<8x2048xf32>
    %gt3A_971 = arith.cmpf ogt, %squeeze3A_970, %select_n3A_965 : vector<8x2048xf32>
    %select_n3A_972 = arith.select %gt3A_971, %squeeze3A_970, %select_n3A_965 : vector<8x2048xi1>, vector<8x2048xf32>
    %jit3A_973 = arith.constant 138 : i32
    %broadcast_in_dim3A_974 = vector.broadcast %jit3A_973 : i32 to vector<8x2048xi32>
    %select_n3A_975 = arith.select %gt3A_971, %broadcast_in_dim3A_974, %select_n3A_968 : vector<8x2048xi1>, vector<8x2048xi32>
    %slice3A_976 = vector.extract_strided_slice %reshape3A {offsets = [139, 0, 0], sizes = [1, 8, 2048], strides = [1, 1, 1]} : vector<256x8x2048xf32> to vector<1x8x2048xf32>
    %squeeze3A_977 = vector.shape_cast %slice3A_976 : vector<1x8x2048xf32> to vector<8x2048xf32>
    %gt3A_978 = arith.cmpf ogt, %squeeze3A_977, %select_n3A_972 : vector<8x2048xf32>
    %select_n3A_979 = arith.select %gt3A_978, %squeeze3A_977, %select_n3A_972 : vector<8x2048xi1>, vector<8x2048xf32>
    %jit3A_980 = arith.constant 139 : i32
    %broadcast_in_dim3A_981 = vector.broadcast %jit3A_980 : i32 to vector<8x2048xi32>
    %select_n3A_982 = arith.select %gt3A_978, %broadcast_in_dim3A_981, %select_n3A_975 : vector<8x2048xi1>, vector<8x2048xi32>
    %slice3A_983 = vector.extract_strided_slice %reshape3A {offsets = [140, 0, 0], sizes = [1, 8, 2048], strides = [1, 1, 1]} : vector<256x8x2048xf32> to vector<1x8x2048xf32>
    %squeeze3A_984 = vector.shape_cast %slice3A_983 : vector<1x8x2048xf32> to vector<8x2048xf32>
    %gt3A_985 = arith.cmpf ogt, %squeeze3A_984, %select_n3A_979 : vector<8x2048xf32>
    %select_n3A_986 = arith.select %gt3A_985, %squeeze3A_984, %select_n3A_979 : vector<8x2048xi1>, vector<8x2048xf32>
    %jit3A_987 = arith.constant 140 : i32
    %broadcast_in_dim3A_988 = vector.broadcast %jit3A_987 : i32 to vector<8x2048xi32>
    %select_n3A_989 = arith.select %gt3A_985, %broadcast_in_dim3A_988, %select_n3A_982 : vector<8x2048xi1>, vector<8x2048xi32>
    %slice3A_990 = vector.extract_strided_slice %reshape3A {offsets = [141, 0, 0], sizes = [1, 8, 2048], strides = [1, 1, 1]} : vector<256x8x2048xf32> to vector<1x8x2048xf32>
    %squeeze3A_991 = vector.shape_cast %slice3A_990 : vector<1x8x2048xf32> to vector<8x2048xf32>
    %gt3A_992 = arith.cmpf ogt, %squeeze3A_991, %select_n3A_986 : vector<8x2048xf32>
    %select_n3A_993 = arith.select %gt3A_992, %squeeze3A_991, %select_n3A_986 : vector<8x2048xi1>, vector<8x2048xf32>
    %jit3A_994 = arith.constant 141 : i32
    %broadcast_in_dim3A_995 = vector.broadcast %jit3A_994 : i32 to vector<8x2048xi32>
    %select_n3A_996 = arith.select %gt3A_992, %broadcast_in_dim3A_995, %select_n3A_989 : vector<8x2048xi1>, vector<8x2048xi32>
    %slice3A_997 = vector.extract_strided_slice %reshape3A {offsets = [142, 0, 0], sizes = [1, 8, 2048], strides = [1, 1, 1]} : vector<256x8x2048xf32> to vector<1x8x2048xf32>
    %squeeze3A_998 = vector.shape_cast %slice3A_997 : vector<1x8x2048xf32> to vector<8x2048xf32>
    %gt3A_999 = arith.cmpf ogt, %squeeze3A_998, %select_n3A_993 : vector<8x2048xf32>
    %select_n3A_1000 = arith.select %gt3A_999, %squeeze3A_998, %select_n3A_993 : vector<8x2048xi1>, vector<8x2048xf32>
    %jit3A_1001 = arith.constant 142 : i32
    %broadcast_in_dim3A_1002 = vector.broadcast %jit3A_1001 : i32 to vector<8x2048xi32>
    %select_n3A_1003 = arith.select %gt3A_999, %broadcast_in_dim3A_1002, %select_n3A_996 : vector<8x2048xi1>, vector<8x2048xi32>
    %slice3A_1004 = vector.extract_strided_slice %reshape3A {offsets = [143, 0, 0], sizes = [1, 8, 2048], strides = [1, 1, 1]} : vector<256x8x2048xf32> to vector<1x8x2048xf32>
    %squeeze3A_1005 = vector.shape_cast %slice3A_1004 : vector<1x8x2048xf32> to vector<8x2048xf32>
    %gt3A_1006 = arith.cmpf ogt, %squeeze3A_1005, %select_n3A_1000 : vector<8x2048xf32>
    %select_n3A_1007 = arith.select %gt3A_1006, %squeeze3A_1005, %select_n3A_1000 : vector<8x2048xi1>, vector<8x2048xf32>
    %jit3A_1008 = arith.constant 143 : i32
    %broadcast_in_dim3A_1009 = vector.broadcast %jit3A_1008 : i32 to vector<8x2048xi32>
    %select_n3A_1010 = arith.select %gt3A_1006, %broadcast_in_dim3A_1009, %select_n3A_1003 : vector<8x2048xi1>, vector<8x2048xi32>
    %slice3A_1011 = vector.extract_strided_slice %reshape3A {offsets = [144, 0, 0], sizes = [1, 8, 2048], strides = [1, 1, 1]} : vector<256x8x2048xf32> to vector<1x8x2048xf32>
    %squeeze3A_1012 = vector.shape_cast %slice3A_1011 : vector<1x8x2048xf32> to vector<8x2048xf32>
    %gt3A_1013 = arith.cmpf ogt, %squeeze3A_1012, %select_n3A_1007 : vector<8x2048xf32>
    %select_n3A_1014 = arith.select %gt3A_1013, %squeeze3A_1012, %select_n3A_1007 : vector<8x2048xi1>, vector<8x2048xf32>
    %jit3A_1015 = arith.constant 144 : i32
    %broadcast_in_dim3A_1016 = vector.broadcast %jit3A_1015 : i32 to vector<8x2048xi32>
    %select_n3A_1017 = arith.select %gt3A_1013, %broadcast_in_dim3A_1016, %select_n3A_1010 : vector<8x2048xi1>, vector<8x2048xi32>
    %slice3A_1018 = vector.extract_strided_slice %reshape3A {offsets = [145, 0, 0], sizes = [1, 8, 2048], strides = [1, 1, 1]} : vector<256x8x2048xf32> to vector<1x8x2048xf32>
    %squeeze3A_1019 = vector.shape_cast %slice3A_1018 : vector<1x8x2048xf32> to vector<8x2048xf32>
    %gt3A_1020 = arith.cmpf ogt, %squeeze3A_1019, %select_n3A_1014 : vector<8x2048xf32>
    %select_n3A_1021 = arith.select %gt3A_1020, %squeeze3A_1019, %select_n3A_1014 : vector<8x2048xi1>, vector<8x2048xf32>
    %jit3A_1022 = arith.constant 145 : i32
    %broadcast_in_dim3A_1023 = vector.broadcast %jit3A_1022 : i32 to vector<8x2048xi32>
    %select_n3A_1024 = arith.select %gt3A_1020, %broadcast_in_dim3A_1023, %select_n3A_1017 : vector<8x2048xi1>, vector<8x2048xi32>
    %slice3A_1025 = vector.extract_strided_slice %reshape3A {offsets = [146, 0, 0], sizes = [1, 8, 2048], strides = [1, 1, 1]} : vector<256x8x2048xf32> to vector<1x8x2048xf32>
    %squeeze3A_1026 = vector.shape_cast %slice3A_1025 : vector<1x8x2048xf32> to vector<8x2048xf32>
    %gt3A_1027 = arith.cmpf ogt, %squeeze3A_1026, %select_n3A_1021 : vector<8x2048xf32>
    %select_n3A_1028 = arith.select %gt3A_1027, %squeeze3A_1026, %select_n3A_1021 : vector<8x2048xi1>, vector<8x2048xf32>
    %jit3A_1029 = arith.constant 146 : i32
    %broadcast_in_dim3A_1030 = vector.broadcast %jit3A_1029 : i32 to vector<8x2048xi32>
    %select_n3A_1031 = arith.select %gt3A_1027, %broadcast_in_dim3A_1030, %select_n3A_1024 : vector<8x2048xi1>, vector<8x2048xi32>
    %slice3A_1032 = vector.extract_strided_slice %reshape3A {offsets = [147, 0, 0], sizes = [1, 8, 2048], strides = [1, 1, 1]} : vector<256x8x2048xf32> to vector<1x8x2048xf32>
    %squeeze3A_1033 = vector.shape_cast %slice3A_1032 : vector<1x8x2048xf32> to vector<8x2048xf32>
    %gt3A_1034 = arith.cmpf ogt, %squeeze3A_1033, %select_n3A_1028 : vector<8x2048xf32>
    %select_n3A_1035 = arith.select %gt3A_1034, %squeeze3A_1033, %select_n3A_1028 : vector<8x2048xi1>, vector<8x2048xf32>
    %jit3A_1036 = arith.constant 147 : i32
    %broadcast_in_dim3A_1037 = vector.broadcast %jit3A_1036 : i32 to vector<8x2048xi32>
    %select_n3A_1038 = arith.select %gt3A_1034, %broadcast_in_dim3A_1037, %select_n3A_1031 : vector<8x2048xi1>, vector<8x2048xi32>
    %slice3A_1039 = vector.extract_strided_slice %reshape3A {offsets = [148, 0, 0], sizes = [1, 8, 2048], strides = [1, 1, 1]} : vector<256x8x2048xf32> to vector<1x8x2048xf32>
    %squeeze3A_1040 = vector.shape_cast %slice3A_1039 : vector<1x8x2048xf32> to vector<8x2048xf32>
    %gt3A_1041 = arith.cmpf ogt, %squeeze3A_1040, %select_n3A_1035 : vector<8x2048xf32>
    %select_n3A_1042 = arith.select %gt3A_1041, %squeeze3A_1040, %select_n3A_1035 : vector<8x2048xi1>, vector<8x2048xf32>
    %jit3A_1043 = arith.constant 148 : i32
    %broadcast_in_dim3A_1044 = vector.broadcast %jit3A_1043 : i32 to vector<8x2048xi32>
    %select_n3A_1045 = arith.select %gt3A_1041, %broadcast_in_dim3A_1044, %select_n3A_1038 : vector<8x2048xi1>, vector<8x2048xi32>
    %slice3A_1046 = vector.extract_strided_slice %reshape3A {offsets = [149, 0, 0], sizes = [1, 8, 2048], strides = [1, 1, 1]} : vector<256x8x2048xf32> to vector<1x8x2048xf32>
    %squeeze3A_1047 = vector.shape_cast %slice3A_1046 : vector<1x8x2048xf32> to vector<8x2048xf32>
    %gt3A_1048 = arith.cmpf ogt, %squeeze3A_1047, %select_n3A_1042 : vector<8x2048xf32>
    %select_n3A_1049 = arith.select %gt3A_1048, %squeeze3A_1047, %select_n3A_1042 : vector<8x2048xi1>, vector<8x2048xf32>
    %jit3A_1050 = arith.constant 149 : i32
    %broadcast_in_dim3A_1051 = vector.broadcast %jit3A_1050 : i32 to vector<8x2048xi32>
    %select_n3A_1052 = arith.select %gt3A_1048, %broadcast_in_dim3A_1051, %select_n3A_1045 : vector<8x2048xi1>, vector<8x2048xi32>
    %slice3A_1053 = vector.extract_strided_slice %reshape3A {offsets = [150, 0, 0], sizes = [1, 8, 2048], strides = [1, 1, 1]} : vector<256x8x2048xf32> to vector<1x8x2048xf32>
    %squeeze3A_1054 = vector.shape_cast %slice3A_1053 : vector<1x8x2048xf32> to vector<8x2048xf32>
    %gt3A_1055 = arith.cmpf ogt, %squeeze3A_1054, %select_n3A_1049 : vector<8x2048xf32>
    %select_n3A_1056 = arith.select %gt3A_1055, %squeeze3A_1054, %select_n3A_1049 : vector<8x2048xi1>, vector<8x2048xf32>
    %jit3A_1057 = arith.constant 150 : i32
    %broadcast_in_dim3A_1058 = vector.broadcast %jit3A_1057 : i32 to vector<8x2048xi32>
    %select_n3A_1059 = arith.select %gt3A_1055, %broadcast_in_dim3A_1058, %select_n3A_1052 : vector<8x2048xi1>, vector<8x2048xi32>
    %slice3A_1060 = vector.extract_strided_slice %reshape3A {offsets = [151, 0, 0], sizes = [1, 8, 2048], strides = [1, 1, 1]} : vector<256x8x2048xf32> to vector<1x8x2048xf32>
    %squeeze3A_1061 = vector.shape_cast %slice3A_1060 : vector<1x8x2048xf32> to vector<8x2048xf32>
    %gt3A_1062 = arith.cmpf ogt, %squeeze3A_1061, %select_n3A_1056 : vector<8x2048xf32>
    %select_n3A_1063 = arith.select %gt3A_1062, %squeeze3A_1061, %select_n3A_1056 : vector<8x2048xi1>, vector<8x2048xf32>
    %jit3A_1064 = arith.constant 151 : i32
    %broadcast_in_dim3A_1065 = vector.broadcast %jit3A_1064 : i32 to vector<8x2048xi32>
    %select_n3A_1066 = arith.select %gt3A_1062, %broadcast_in_dim3A_1065, %select_n3A_1059 : vector<8x2048xi1>, vector<8x2048xi32>
    %slice3A_1067 = vector.extract_strided_slice %reshape3A {offsets = [152, 0, 0], sizes = [1, 8, 2048], strides = [1, 1, 1]} : vector<256x8x2048xf32> to vector<1x8x2048xf32>
    %squeeze3A_1068 = vector.shape_cast %slice3A_1067 : vector<1x8x2048xf32> to vector<8x2048xf32>
    %gt3A_1069 = arith.cmpf ogt, %squeeze3A_1068, %select_n3A_1063 : vector<8x2048xf32>
    %select_n3A_1070 = arith.select %gt3A_1069, %squeeze3A_1068, %select_n3A_1063 : vector<8x2048xi1>, vector<8x2048xf32>
    %jit3A_1071 = arith.constant 152 : i32
    %broadcast_in_dim3A_1072 = vector.broadcast %jit3A_1071 : i32 to vector<8x2048xi32>
    %select_n3A_1073 = arith.select %gt3A_1069, %broadcast_in_dim3A_1072, %select_n3A_1066 : vector<8x2048xi1>, vector<8x2048xi32>
    %slice3A_1074 = vector.extract_strided_slice %reshape3A {offsets = [153, 0, 0], sizes = [1, 8, 2048], strides = [1, 1, 1]} : vector<256x8x2048xf32> to vector<1x8x2048xf32>
    %squeeze3A_1075 = vector.shape_cast %slice3A_1074 : vector<1x8x2048xf32> to vector<8x2048xf32>
    %gt3A_1076 = arith.cmpf ogt, %squeeze3A_1075, %select_n3A_1070 : vector<8x2048xf32>
    %select_n3A_1077 = arith.select %gt3A_1076, %squeeze3A_1075, %select_n3A_1070 : vector<8x2048xi1>, vector<8x2048xf32>
    %jit3A_1078 = arith.constant 153 : i32
    %broadcast_in_dim3A_1079 = vector.broadcast %jit3A_1078 : i32 to vector<8x2048xi32>
    %select_n3A_1080 = arith.select %gt3A_1076, %broadcast_in_dim3A_1079, %select_n3A_1073 : vector<8x2048xi1>, vector<8x2048xi32>
    %slice3A_1081 = vector.extract_strided_slice %reshape3A {offsets = [154, 0, 0], sizes = [1, 8, 2048], strides = [1, 1, 1]} : vector<256x8x2048xf32> to vector<1x8x2048xf32>
    %squeeze3A_1082 = vector.shape_cast %slice3A_1081 : vector<1x8x2048xf32> to vector<8x2048xf32>
    %gt3A_1083 = arith.cmpf ogt, %squeeze3A_1082, %select_n3A_1077 : vector<8x2048xf32>
    %select_n3A_1084 = arith.select %gt3A_1083, %squeeze3A_1082, %select_n3A_1077 : vector<8x2048xi1>, vector<8x2048xf32>
    %jit3A_1085 = arith.constant 154 : i32
    %broadcast_in_dim3A_1086 = vector.broadcast %jit3A_1085 : i32 to vector<8x2048xi32>
    %select_n3A_1087 = arith.select %gt3A_1083, %broadcast_in_dim3A_1086, %select_n3A_1080 : vector<8x2048xi1>, vector<8x2048xi32>
    %slice3A_1088 = vector.extract_strided_slice %reshape3A {offsets = [155, 0, 0], sizes = [1, 8, 2048], strides = [1, 1, 1]} : vector<256x8x2048xf32> to vector<1x8x2048xf32>
    %squeeze3A_1089 = vector.shape_cast %slice3A_1088 : vector<1x8x2048xf32> to vector<8x2048xf32>
    %gt3A_1090 = arith.cmpf ogt, %squeeze3A_1089, %select_n3A_1084 : vector<8x2048xf32>
    %select_n3A_1091 = arith.select %gt3A_1090, %squeeze3A_1089, %select_n3A_1084 : vector<8x2048xi1>, vector<8x2048xf32>
    %jit3A_1092 = arith.constant 155 : i32
    %broadcast_in_dim3A_1093 = vector.broadcast %jit3A_1092 : i32 to vector<8x2048xi32>
    %select_n3A_1094 = arith.select %gt3A_1090, %broadcast_in_dim3A_1093, %select_n3A_1087 : vector<8x2048xi1>, vector<8x2048xi32>
    %slice3A_1095 = vector.extract_strided_slice %reshape3A {offsets = [156, 0, 0], sizes = [1, 8, 2048], strides = [1, 1, 1]} : vector<256x8x2048xf32> to vector<1x8x2048xf32>
    %squeeze3A_1096 = vector.shape_cast %slice3A_1095 : vector<1x8x2048xf32> to vector<8x2048xf32>
    %gt3A_1097 = arith.cmpf ogt, %squeeze3A_1096, %select_n3A_1091 : vector<8x2048xf32>
    %select_n3A_1098 = arith.select %gt3A_1097, %squeeze3A_1096, %select_n3A_1091 : vector<8x2048xi1>, vector<8x2048xf32>
    %jit3A_1099 = arith.constant 156 : i32
    %broadcast_in_dim3A_1100 = vector.broadcast %jit3A_1099 : i32 to vector<8x2048xi32>
    %select_n3A_1101 = arith.select %gt3A_1097, %broadcast_in_dim3A_1100, %select_n3A_1094 : vector<8x2048xi1>, vector<8x2048xi32>
    %slice3A_1102 = vector.extract_strided_slice %reshape3A {offsets = [157, 0, 0], sizes = [1, 8, 2048], strides = [1, 1, 1]} : vector<256x8x2048xf32> to vector<1x8x2048xf32>
    %squeeze3A_1103 = vector.shape_cast %slice3A_1102 : vector<1x8x2048xf32> to vector<8x2048xf32>
    %gt3A_1104 = arith.cmpf ogt, %squeeze3A_1103, %select_n3A_1098 : vector<8x2048xf32>
    %select_n3A_1105 = arith.select %gt3A_1104, %squeeze3A_1103, %select_n3A_1098 : vector<8x2048xi1>, vector<8x2048xf32>
    %jit3A_1106 = arith.constant 157 : i32
    %broadcast_in_dim3A_1107 = vector.broadcast %jit3A_1106 : i32 to vector<8x2048xi32>
    %select_n3A_1108 = arith.select %gt3A_1104, %broadcast_in_dim3A_1107, %select_n3A_1101 : vector<8x2048xi1>, vector<8x2048xi32>
    %slice3A_1109 = vector.extract_strided_slice %reshape3A {offsets = [158, 0, 0], sizes = [1, 8, 2048], strides = [1, 1, 1]} : vector<256x8x2048xf32> to vector<1x8x2048xf32>
    %squeeze3A_1110 = vector.shape_cast %slice3A_1109 : vector<1x8x2048xf32> to vector<8x2048xf32>
    %gt3A_1111 = arith.cmpf ogt, %squeeze3A_1110, %select_n3A_1105 : vector<8x2048xf32>
    %select_n3A_1112 = arith.select %gt3A_1111, %squeeze3A_1110, %select_n3A_1105 : vector<8x2048xi1>, vector<8x2048xf32>
    %jit3A_1113 = arith.constant 158 : i32
    %broadcast_in_dim3A_1114 = vector.broadcast %jit3A_1113 : i32 to vector<8x2048xi32>
    %select_n3A_1115 = arith.select %gt3A_1111, %broadcast_in_dim3A_1114, %select_n3A_1108 : vector<8x2048xi1>, vector<8x2048xi32>
    %slice3A_1116 = vector.extract_strided_slice %reshape3A {offsets = [159, 0, 0], sizes = [1, 8, 2048], strides = [1, 1, 1]} : vector<256x8x2048xf32> to vector<1x8x2048xf32>
    %squeeze3A_1117 = vector.shape_cast %slice3A_1116 : vector<1x8x2048xf32> to vector<8x2048xf32>
    %gt3A_1118 = arith.cmpf ogt, %squeeze3A_1117, %select_n3A_1112 : vector<8x2048xf32>
    %select_n3A_1119 = arith.select %gt3A_1118, %squeeze3A_1117, %select_n3A_1112 : vector<8x2048xi1>, vector<8x2048xf32>
    %jit3A_1120 = arith.constant 159 : i32
    %broadcast_in_dim3A_1121 = vector.broadcast %jit3A_1120 : i32 to vector<8x2048xi32>
    %select_n3A_1122 = arith.select %gt3A_1118, %broadcast_in_dim3A_1121, %select_n3A_1115 : vector<8x2048xi1>, vector<8x2048xi32>
    %slice3A_1123 = vector.extract_strided_slice %reshape3A {offsets = [160, 0, 0], sizes = [1, 8, 2048], strides = [1, 1, 1]} : vector<256x8x2048xf32> to vector<1x8x2048xf32>
    %squeeze3A_1124 = vector.shape_cast %slice3A_1123 : vector<1x8x2048xf32> to vector<8x2048xf32>
    %gt3A_1125 = arith.cmpf ogt, %squeeze3A_1124, %select_n3A_1119 : vector<8x2048xf32>
    %select_n3A_1126 = arith.select %gt3A_1125, %squeeze3A_1124, %select_n3A_1119 : vector<8x2048xi1>, vector<8x2048xf32>
    %jit3A_1127 = arith.constant 160 : i32
    %broadcast_in_dim3A_1128 = vector.broadcast %jit3A_1127 : i32 to vector<8x2048xi32>
    %select_n3A_1129 = arith.select %gt3A_1125, %broadcast_in_dim3A_1128, %select_n3A_1122 : vector<8x2048xi1>, vector<8x2048xi32>
    %slice3A_1130 = vector.extract_strided_slice %reshape3A {offsets = [161, 0, 0], sizes = [1, 8, 2048], strides = [1, 1, 1]} : vector<256x8x2048xf32> to vector<1x8x2048xf32>
    %squeeze3A_1131 = vector.shape_cast %slice3A_1130 : vector<1x8x2048xf32> to vector<8x2048xf32>
    %gt3A_1132 = arith.cmpf ogt, %squeeze3A_1131, %select_n3A_1126 : vector<8x2048xf32>
    %select_n3A_1133 = arith.select %gt3A_1132, %squeeze3A_1131, %select_n3A_1126 : vector<8x2048xi1>, vector<8x2048xf32>
    %jit3A_1134 = arith.constant 161 : i32
    %broadcast_in_dim3A_1135 = vector.broadcast %jit3A_1134 : i32 to vector<8x2048xi32>
    %select_n3A_1136 = arith.select %gt3A_1132, %broadcast_in_dim3A_1135, %select_n3A_1129 : vector<8x2048xi1>, vector<8x2048xi32>
    %slice3A_1137 = vector.extract_strided_slice %reshape3A {offsets = [162, 0, 0], sizes = [1, 8, 2048], strides = [1, 1, 1]} : vector<256x8x2048xf32> to vector<1x8x2048xf32>
    %squeeze3A_1138 = vector.shape_cast %slice3A_1137 : vector<1x8x2048xf32> to vector<8x2048xf32>
    %gt3A_1139 = arith.cmpf ogt, %squeeze3A_1138, %select_n3A_1133 : vector<8x2048xf32>
    %select_n3A_1140 = arith.select %gt3A_1139, %squeeze3A_1138, %select_n3A_1133 : vector<8x2048xi1>, vector<8x2048xf32>
    %jit3A_1141 = arith.constant 162 : i32
    %broadcast_in_dim3A_1142 = vector.broadcast %jit3A_1141 : i32 to vector<8x2048xi32>
    %select_n3A_1143 = arith.select %gt3A_1139, %broadcast_in_dim3A_1142, %select_n3A_1136 : vector<8x2048xi1>, vector<8x2048xi32>
    %slice3A_1144 = vector.extract_strided_slice %reshape3A {offsets = [163, 0, 0], sizes = [1, 8, 2048], strides = [1, 1, 1]} : vector<256x8x2048xf32> to vector<1x8x2048xf32>
    %squeeze3A_1145 = vector.shape_cast %slice3A_1144 : vector<1x8x2048xf32> to vector<8x2048xf32>
    %gt3A_1146 = arith.cmpf ogt, %squeeze3A_1145, %select_n3A_1140 : vector<8x2048xf32>
    %select_n3A_1147 = arith.select %gt3A_1146, %squeeze3A_1145, %select_n3A_1140 : vector<8x2048xi1>, vector<8x2048xf32>
    %jit3A_1148 = arith.constant 163 : i32
    %broadcast_in_dim3A_1149 = vector.broadcast %jit3A_1148 : i32 to vector<8x2048xi32>
    %select_n3A_1150 = arith.select %gt3A_1146, %broadcast_in_dim3A_1149, %select_n3A_1143 : vector<8x2048xi1>, vector<8x2048xi32>
    %slice3A_1151 = vector.extract_strided_slice %reshape3A {offsets = [164, 0, 0], sizes = [1, 8, 2048], strides = [1, 1, 1]} : vector<256x8x2048xf32> to vector<1x8x2048xf32>
    %squeeze3A_1152 = vector.shape_cast %slice3A_1151 : vector<1x8x2048xf32> to vector<8x2048xf32>
    %gt3A_1153 = arith.cmpf ogt, %squeeze3A_1152, %select_n3A_1147 : vector<8x2048xf32>
    %select_n3A_1154 = arith.select %gt3A_1153, %squeeze3A_1152, %select_n3A_1147 : vector<8x2048xi1>, vector<8x2048xf32>
    %jit3A_1155 = arith.constant 164 : i32
    %broadcast_in_dim3A_1156 = vector.broadcast %jit3A_1155 : i32 to vector<8x2048xi32>
    %select_n3A_1157 = arith.select %gt3A_1153, %broadcast_in_dim3A_1156, %select_n3A_1150 : vector<8x2048xi1>, vector<8x2048xi32>
    %slice3A_1158 = vector.extract_strided_slice %reshape3A {offsets = [165, 0, 0], sizes = [1, 8, 2048], strides = [1, 1, 1]} : vector<256x8x2048xf32> to vector<1x8x2048xf32>
    %squeeze3A_1159 = vector.shape_cast %slice3A_1158 : vector<1x8x2048xf32> to vector<8x2048xf32>
    %gt3A_1160 = arith.cmpf ogt, %squeeze3A_1159, %select_n3A_1154 : vector<8x2048xf32>
    %select_n3A_1161 = arith.select %gt3A_1160, %squeeze3A_1159, %select_n3A_1154 : vector<8x2048xi1>, vector<8x2048xf32>
    %jit3A_1162 = arith.constant 165 : i32
    %broadcast_in_dim3A_1163 = vector.broadcast %jit3A_1162 : i32 to vector<8x2048xi32>
    %select_n3A_1164 = arith.select %gt3A_1160, %broadcast_in_dim3A_1163, %select_n3A_1157 : vector<8x2048xi1>, vector<8x2048xi32>
    %slice3A_1165 = vector.extract_strided_slice %reshape3A {offsets = [166, 0, 0], sizes = [1, 8, 2048], strides = [1, 1, 1]} : vector<256x8x2048xf32> to vector<1x8x2048xf32>
    %squeeze3A_1166 = vector.shape_cast %slice3A_1165 : vector<1x8x2048xf32> to vector<8x2048xf32>
    %gt3A_1167 = arith.cmpf ogt, %squeeze3A_1166, %select_n3A_1161 : vector<8x2048xf32>
    %select_n3A_1168 = arith.select %gt3A_1167, %squeeze3A_1166, %select_n3A_1161 : vector<8x2048xi1>, vector<8x2048xf32>
    %jit3A_1169 = arith.constant 166 : i32
    %broadcast_in_dim3A_1170 = vector.broadcast %jit3A_1169 : i32 to vector<8x2048xi32>
    %select_n3A_1171 = arith.select %gt3A_1167, %broadcast_in_dim3A_1170, %select_n3A_1164 : vector<8x2048xi1>, vector<8x2048xi32>
    %slice3A_1172 = vector.extract_strided_slice %reshape3A {offsets = [167, 0, 0], sizes = [1, 8, 2048], strides = [1, 1, 1]} : vector<256x8x2048xf32> to vector<1x8x2048xf32>
    %squeeze3A_1173 = vector.shape_cast %slice3A_1172 : vector<1x8x2048xf32> to vector<8x2048xf32>
    %gt3A_1174 = arith.cmpf ogt, %squeeze3A_1173, %select_n3A_1168 : vector<8x2048xf32>
    %select_n3A_1175 = arith.select %gt3A_1174, %squeeze3A_1173, %select_n3A_1168 : vector<8x2048xi1>, vector<8x2048xf32>
    %jit3A_1176 = arith.constant 167 : i32
    %broadcast_in_dim3A_1177 = vector.broadcast %jit3A_1176 : i32 to vector<8x2048xi32>
    %select_n3A_1178 = arith.select %gt3A_1174, %broadcast_in_dim3A_1177, %select_n3A_1171 : vector<8x2048xi1>, vector<8x2048xi32>
    %slice3A_1179 = vector.extract_strided_slice %reshape3A {offsets = [168, 0, 0], sizes = [1, 8, 2048], strides = [1, 1, 1]} : vector<256x8x2048xf32> to vector<1x8x2048xf32>
    %squeeze3A_1180 = vector.shape_cast %slice3A_1179 : vector<1x8x2048xf32> to vector<8x2048xf32>
    %gt3A_1181 = arith.cmpf ogt, %squeeze3A_1180, %select_n3A_1175 : vector<8x2048xf32>
    %select_n3A_1182 = arith.select %gt3A_1181, %squeeze3A_1180, %select_n3A_1175 : vector<8x2048xi1>, vector<8x2048xf32>
    %jit3A_1183 = arith.constant 168 : i32
    %broadcast_in_dim3A_1184 = vector.broadcast %jit3A_1183 : i32 to vector<8x2048xi32>
    %select_n3A_1185 = arith.select %gt3A_1181, %broadcast_in_dim3A_1184, %select_n3A_1178 : vector<8x2048xi1>, vector<8x2048xi32>
    %slice3A_1186 = vector.extract_strided_slice %reshape3A {offsets = [169, 0, 0], sizes = [1, 8, 2048], strides = [1, 1, 1]} : vector<256x8x2048xf32> to vector<1x8x2048xf32>
    %squeeze3A_1187 = vector.shape_cast %slice3A_1186 : vector<1x8x2048xf32> to vector<8x2048xf32>
    %gt3A_1188 = arith.cmpf ogt, %squeeze3A_1187, %select_n3A_1182 : vector<8x2048xf32>
    %select_n3A_1189 = arith.select %gt3A_1188, %squeeze3A_1187, %select_n3A_1182 : vector<8x2048xi1>, vector<8x2048xf32>
    %jit3A_1190 = arith.constant 169 : i32
    %broadcast_in_dim3A_1191 = vector.broadcast %jit3A_1190 : i32 to vector<8x2048xi32>
    %select_n3A_1192 = arith.select %gt3A_1188, %broadcast_in_dim3A_1191, %select_n3A_1185 : vector<8x2048xi1>, vector<8x2048xi32>
    %slice3A_1193 = vector.extract_strided_slice %reshape3A {offsets = [170, 0, 0], sizes = [1, 8, 2048], strides = [1, 1, 1]} : vector<256x8x2048xf32> to vector<1x8x2048xf32>
    %squeeze3A_1194 = vector.shape_cast %slice3A_1193 : vector<1x8x2048xf32> to vector<8x2048xf32>
    %gt3A_1195 = arith.cmpf ogt, %squeeze3A_1194, %select_n3A_1189 : vector<8x2048xf32>
    %select_n3A_1196 = arith.select %gt3A_1195, %squeeze3A_1194, %select_n3A_1189 : vector<8x2048xi1>, vector<8x2048xf32>
    %jit3A_1197 = arith.constant 170 : i32
    %broadcast_in_dim3A_1198 = vector.broadcast %jit3A_1197 : i32 to vector<8x2048xi32>
    %select_n3A_1199 = arith.select %gt3A_1195, %broadcast_in_dim3A_1198, %select_n3A_1192 : vector<8x2048xi1>, vector<8x2048xi32>
    %slice3A_1200 = vector.extract_strided_slice %reshape3A {offsets = [171, 0, 0], sizes = [1, 8, 2048], strides = [1, 1, 1]} : vector<256x8x2048xf32> to vector<1x8x2048xf32>
    %squeeze3A_1201 = vector.shape_cast %slice3A_1200 : vector<1x8x2048xf32> to vector<8x2048xf32>
    %gt3A_1202 = arith.cmpf ogt, %squeeze3A_1201, %select_n3A_1196 : vector<8x2048xf32>
    %select_n3A_1203 = arith.select %gt3A_1202, %squeeze3A_1201, %select_n3A_1196 : vector<8x2048xi1>, vector<8x2048xf32>
    %jit3A_1204 = arith.constant 171 : i32
    %broadcast_in_dim3A_1205 = vector.broadcast %jit3A_1204 : i32 to vector<8x2048xi32>
    %select_n3A_1206 = arith.select %gt3A_1202, %broadcast_in_dim3A_1205, %select_n3A_1199 : vector<8x2048xi1>, vector<8x2048xi32>
    %slice3A_1207 = vector.extract_strided_slice %reshape3A {offsets = [172, 0, 0], sizes = [1, 8, 2048], strides = [1, 1, 1]} : vector<256x8x2048xf32> to vector<1x8x2048xf32>
    %squeeze3A_1208 = vector.shape_cast %slice3A_1207 : vector<1x8x2048xf32> to vector<8x2048xf32>
    %gt3A_1209 = arith.cmpf ogt, %squeeze3A_1208, %select_n3A_1203 : vector<8x2048xf32>
    %select_n3A_1210 = arith.select %gt3A_1209, %squeeze3A_1208, %select_n3A_1203 : vector<8x2048xi1>, vector<8x2048xf32>
    %jit3A_1211 = arith.constant 172 : i32
    %broadcast_in_dim3A_1212 = vector.broadcast %jit3A_1211 : i32 to vector<8x2048xi32>
    %select_n3A_1213 = arith.select %gt3A_1209, %broadcast_in_dim3A_1212, %select_n3A_1206 : vector<8x2048xi1>, vector<8x2048xi32>
    %slice3A_1214 = vector.extract_strided_slice %reshape3A {offsets = [173, 0, 0], sizes = [1, 8, 2048], strides = [1, 1, 1]} : vector<256x8x2048xf32> to vector<1x8x2048xf32>
    %squeeze3A_1215 = vector.shape_cast %slice3A_1214 : vector<1x8x2048xf32> to vector<8x2048xf32>
    %gt3A_1216 = arith.cmpf ogt, %squeeze3A_1215, %select_n3A_1210 : vector<8x2048xf32>
    %select_n3A_1217 = arith.select %gt3A_1216, %squeeze3A_1215, %select_n3A_1210 : vector<8x2048xi1>, vector<8x2048xf32>
    %jit3A_1218 = arith.constant 173 : i32
    %broadcast_in_dim3A_1219 = vector.broadcast %jit3A_1218 : i32 to vector<8x2048xi32>
    %select_n3A_1220 = arith.select %gt3A_1216, %broadcast_in_dim3A_1219, %select_n3A_1213 : vector<8x2048xi1>, vector<8x2048xi32>
    %slice3A_1221 = vector.extract_strided_slice %reshape3A {offsets = [174, 0, 0], sizes = [1, 8, 2048], strides = [1, 1, 1]} : vector<256x8x2048xf32> to vector<1x8x2048xf32>
    %squeeze3A_1222 = vector.shape_cast %slice3A_1221 : vector<1x8x2048xf32> to vector<8x2048xf32>
    %gt3A_1223 = arith.cmpf ogt, %squeeze3A_1222, %select_n3A_1217 : vector<8x2048xf32>
    %select_n3A_1224 = arith.select %gt3A_1223, %squeeze3A_1222, %select_n3A_1217 : vector<8x2048xi1>, vector<8x2048xf32>
    %jit3A_1225 = arith.constant 174 : i32
    %broadcast_in_dim3A_1226 = vector.broadcast %jit3A_1225 : i32 to vector<8x2048xi32>
    %select_n3A_1227 = arith.select %gt3A_1223, %broadcast_in_dim3A_1226, %select_n3A_1220 : vector<8x2048xi1>, vector<8x2048xi32>
    %slice3A_1228 = vector.extract_strided_slice %reshape3A {offsets = [175, 0, 0], sizes = [1, 8, 2048], strides = [1, 1, 1]} : vector<256x8x2048xf32> to vector<1x8x2048xf32>
    %squeeze3A_1229 = vector.shape_cast %slice3A_1228 : vector<1x8x2048xf32> to vector<8x2048xf32>
    %gt3A_1230 = arith.cmpf ogt, %squeeze3A_1229, %select_n3A_1224 : vector<8x2048xf32>
    %select_n3A_1231 = arith.select %gt3A_1230, %squeeze3A_1229, %select_n3A_1224 : vector<8x2048xi1>, vector<8x2048xf32>
    %jit3A_1232 = arith.constant 175 : i32
    %broadcast_in_dim3A_1233 = vector.broadcast %jit3A_1232 : i32 to vector<8x2048xi32>
    %select_n3A_1234 = arith.select %gt3A_1230, %broadcast_in_dim3A_1233, %select_n3A_1227 : vector<8x2048xi1>, vector<8x2048xi32>
    %slice3A_1235 = vector.extract_strided_slice %reshape3A {offsets = [176, 0, 0], sizes = [1, 8, 2048], strides = [1, 1, 1]} : vector<256x8x2048xf32> to vector<1x8x2048xf32>
    %squeeze3A_1236 = vector.shape_cast %slice3A_1235 : vector<1x8x2048xf32> to vector<8x2048xf32>
    %gt3A_1237 = arith.cmpf ogt, %squeeze3A_1236, %select_n3A_1231 : vector<8x2048xf32>
    %select_n3A_1238 = arith.select %gt3A_1237, %squeeze3A_1236, %select_n3A_1231 : vector<8x2048xi1>, vector<8x2048xf32>
    %jit3A_1239 = arith.constant 176 : i32
    %broadcast_in_dim3A_1240 = vector.broadcast %jit3A_1239 : i32 to vector<8x2048xi32>
    %select_n3A_1241 = arith.select %gt3A_1237, %broadcast_in_dim3A_1240, %select_n3A_1234 : vector<8x2048xi1>, vector<8x2048xi32>
    %slice3A_1242 = vector.extract_strided_slice %reshape3A {offsets = [177, 0, 0], sizes = [1, 8, 2048], strides = [1, 1, 1]} : vector<256x8x2048xf32> to vector<1x8x2048xf32>
    %squeeze3A_1243 = vector.shape_cast %slice3A_1242 : vector<1x8x2048xf32> to vector<8x2048xf32>
    %gt3A_1244 = arith.cmpf ogt, %squeeze3A_1243, %select_n3A_1238 : vector<8x2048xf32>
    %select_n3A_1245 = arith.select %gt3A_1244, %squeeze3A_1243, %select_n3A_1238 : vector<8x2048xi1>, vector<8x2048xf32>
    %jit3A_1246 = arith.constant 177 : i32
    %broadcast_in_dim3A_1247 = vector.broadcast %jit3A_1246 : i32 to vector<8x2048xi32>
    %select_n3A_1248 = arith.select %gt3A_1244, %broadcast_in_dim3A_1247, %select_n3A_1241 : vector<8x2048xi1>, vector<8x2048xi32>
    %slice3A_1249 = vector.extract_strided_slice %reshape3A {offsets = [178, 0, 0], sizes = [1, 8, 2048], strides = [1, 1, 1]} : vector<256x8x2048xf32> to vector<1x8x2048xf32>
    %squeeze3A_1250 = vector.shape_cast %slice3A_1249 : vector<1x8x2048xf32> to vector<8x2048xf32>
    %gt3A_1251 = arith.cmpf ogt, %squeeze3A_1250, %select_n3A_1245 : vector<8x2048xf32>
    %select_n3A_1252 = arith.select %gt3A_1251, %squeeze3A_1250, %select_n3A_1245 : vector<8x2048xi1>, vector<8x2048xf32>
    %jit3A_1253 = arith.constant 178 : i32
    %broadcast_in_dim3A_1254 = vector.broadcast %jit3A_1253 : i32 to vector<8x2048xi32>
    %select_n3A_1255 = arith.select %gt3A_1251, %broadcast_in_dim3A_1254, %select_n3A_1248 : vector<8x2048xi1>, vector<8x2048xi32>
    %slice3A_1256 = vector.extract_strided_slice %reshape3A {offsets = [179, 0, 0], sizes = [1, 8, 2048], strides = [1, 1, 1]} : vector<256x8x2048xf32> to vector<1x8x2048xf32>
    %squeeze3A_1257 = vector.shape_cast %slice3A_1256 : vector<1x8x2048xf32> to vector<8x2048xf32>
    %gt3A_1258 = arith.cmpf ogt, %squeeze3A_1257, %select_n3A_1252 : vector<8x2048xf32>
    %select_n3A_1259 = arith.select %gt3A_1258, %squeeze3A_1257, %select_n3A_1252 : vector<8x2048xi1>, vector<8x2048xf32>
    %jit3A_1260 = arith.constant 179 : i32
    %broadcast_in_dim3A_1261 = vector.broadcast %jit3A_1260 : i32 to vector<8x2048xi32>
    %select_n3A_1262 = arith.select %gt3A_1258, %broadcast_in_dim3A_1261, %select_n3A_1255 : vector<8x2048xi1>, vector<8x2048xi32>
    %slice3A_1263 = vector.extract_strided_slice %reshape3A {offsets = [180, 0, 0], sizes = [1, 8, 2048], strides = [1, 1, 1]} : vector<256x8x2048xf32> to vector<1x8x2048xf32>
    %squeeze3A_1264 = vector.shape_cast %slice3A_1263 : vector<1x8x2048xf32> to vector<8x2048xf32>
    %gt3A_1265 = arith.cmpf ogt, %squeeze3A_1264, %select_n3A_1259 : vector<8x2048xf32>
    %select_n3A_1266 = arith.select %gt3A_1265, %squeeze3A_1264, %select_n3A_1259 : vector<8x2048xi1>, vector<8x2048xf32>
    %jit3A_1267 = arith.constant 180 : i32
    %broadcast_in_dim3A_1268 = vector.broadcast %jit3A_1267 : i32 to vector<8x2048xi32>
    %select_n3A_1269 = arith.select %gt3A_1265, %broadcast_in_dim3A_1268, %select_n3A_1262 : vector<8x2048xi1>, vector<8x2048xi32>
    %slice3A_1270 = vector.extract_strided_slice %reshape3A {offsets = [181, 0, 0], sizes = [1, 8, 2048], strides = [1, 1, 1]} : vector<256x8x2048xf32> to vector<1x8x2048xf32>
    %squeeze3A_1271 = vector.shape_cast %slice3A_1270 : vector<1x8x2048xf32> to vector<8x2048xf32>
    %gt3A_1272 = arith.cmpf ogt, %squeeze3A_1271, %select_n3A_1266 : vector<8x2048xf32>
    %select_n3A_1273 = arith.select %gt3A_1272, %squeeze3A_1271, %select_n3A_1266 : vector<8x2048xi1>, vector<8x2048xf32>
    %jit3A_1274 = arith.constant 181 : i32
    %broadcast_in_dim3A_1275 = vector.broadcast %jit3A_1274 : i32 to vector<8x2048xi32>
    %select_n3A_1276 = arith.select %gt3A_1272, %broadcast_in_dim3A_1275, %select_n3A_1269 : vector<8x2048xi1>, vector<8x2048xi32>
    %slice3A_1277 = vector.extract_strided_slice %reshape3A {offsets = [182, 0, 0], sizes = [1, 8, 2048], strides = [1, 1, 1]} : vector<256x8x2048xf32> to vector<1x8x2048xf32>
    %squeeze3A_1278 = vector.shape_cast %slice3A_1277 : vector<1x8x2048xf32> to vector<8x2048xf32>
    %gt3A_1279 = arith.cmpf ogt, %squeeze3A_1278, %select_n3A_1273 : vector<8x2048xf32>
    %select_n3A_1280 = arith.select %gt3A_1279, %squeeze3A_1278, %select_n3A_1273 : vector<8x2048xi1>, vector<8x2048xf32>
    %jit3A_1281 = arith.constant 182 : i32
    %broadcast_in_dim3A_1282 = vector.broadcast %jit3A_1281 : i32 to vector<8x2048xi32>
    %select_n3A_1283 = arith.select %gt3A_1279, %broadcast_in_dim3A_1282, %select_n3A_1276 : vector<8x2048xi1>, vector<8x2048xi32>
    %slice3A_1284 = vector.extract_strided_slice %reshape3A {offsets = [183, 0, 0], sizes = [1, 8, 2048], strides = [1, 1, 1]} : vector<256x8x2048xf32> to vector<1x8x2048xf32>
    %squeeze3A_1285 = vector.shape_cast %slice3A_1284 : vector<1x8x2048xf32> to vector<8x2048xf32>
    %gt3A_1286 = arith.cmpf ogt, %squeeze3A_1285, %select_n3A_1280 : vector<8x2048xf32>
    %select_n3A_1287 = arith.select %gt3A_1286, %squeeze3A_1285, %select_n3A_1280 : vector<8x2048xi1>, vector<8x2048xf32>
    %jit3A_1288 = arith.constant 183 : i32
    %broadcast_in_dim3A_1289 = vector.broadcast %jit3A_1288 : i32 to vector<8x2048xi32>
    %select_n3A_1290 = arith.select %gt3A_1286, %broadcast_in_dim3A_1289, %select_n3A_1283 : vector<8x2048xi1>, vector<8x2048xi32>
    %slice3A_1291 = vector.extract_strided_slice %reshape3A {offsets = [184, 0, 0], sizes = [1, 8, 2048], strides = [1, 1, 1]} : vector<256x8x2048xf32> to vector<1x8x2048xf32>
    %squeeze3A_1292 = vector.shape_cast %slice3A_1291 : vector<1x8x2048xf32> to vector<8x2048xf32>
    %gt3A_1293 = arith.cmpf ogt, %squeeze3A_1292, %select_n3A_1287 : vector<8x2048xf32>
    %select_n3A_1294 = arith.select %gt3A_1293, %squeeze3A_1292, %select_n3A_1287 : vector<8x2048xi1>, vector<8x2048xf32>
    %jit3A_1295 = arith.constant 184 : i32
    %broadcast_in_dim3A_1296 = vector.broadcast %jit3A_1295 : i32 to vector<8x2048xi32>
    %select_n3A_1297 = arith.select %gt3A_1293, %broadcast_in_dim3A_1296, %select_n3A_1290 : vector<8x2048xi1>, vector<8x2048xi32>
    %slice3A_1298 = vector.extract_strided_slice %reshape3A {offsets = [185, 0, 0], sizes = [1, 8, 2048], strides = [1, 1, 1]} : vector<256x8x2048xf32> to vector<1x8x2048xf32>
    %squeeze3A_1299 = vector.shape_cast %slice3A_1298 : vector<1x8x2048xf32> to vector<8x2048xf32>
    %gt3A_1300 = arith.cmpf ogt, %squeeze3A_1299, %select_n3A_1294 : vector<8x2048xf32>
    %select_n3A_1301 = arith.select %gt3A_1300, %squeeze3A_1299, %select_n3A_1294 : vector<8x2048xi1>, vector<8x2048xf32>
    %jit3A_1302 = arith.constant 185 : i32
    %broadcast_in_dim3A_1303 = vector.broadcast %jit3A_1302 : i32 to vector<8x2048xi32>
    %select_n3A_1304 = arith.select %gt3A_1300, %broadcast_in_dim3A_1303, %select_n3A_1297 : vector<8x2048xi1>, vector<8x2048xi32>
    %slice3A_1305 = vector.extract_strided_slice %reshape3A {offsets = [186, 0, 0], sizes = [1, 8, 2048], strides = [1, 1, 1]} : vector<256x8x2048xf32> to vector<1x8x2048xf32>
    %squeeze3A_1306 = vector.shape_cast %slice3A_1305 : vector<1x8x2048xf32> to vector<8x2048xf32>
    %gt3A_1307 = arith.cmpf ogt, %squeeze3A_1306, %select_n3A_1301 : vector<8x2048xf32>
    %select_n3A_1308 = arith.select %gt3A_1307, %squeeze3A_1306, %select_n3A_1301 : vector<8x2048xi1>, vector<8x2048xf32>
    %jit3A_1309 = arith.constant 186 : i32
    %broadcast_in_dim3A_1310 = vector.broadcast %jit3A_1309 : i32 to vector<8x2048xi32>
    %select_n3A_1311 = arith.select %gt3A_1307, %broadcast_in_dim3A_1310, %select_n3A_1304 : vector<8x2048xi1>, vector<8x2048xi32>
    %slice3A_1312 = vector.extract_strided_slice %reshape3A {offsets = [187, 0, 0], sizes = [1, 8, 2048], strides = [1, 1, 1]} : vector<256x8x2048xf32> to vector<1x8x2048xf32>
    %squeeze3A_1313 = vector.shape_cast %slice3A_1312 : vector<1x8x2048xf32> to vector<8x2048xf32>
    %gt3A_1314 = arith.cmpf ogt, %squeeze3A_1313, %select_n3A_1308 : vector<8x2048xf32>
    %select_n3A_1315 = arith.select %gt3A_1314, %squeeze3A_1313, %select_n3A_1308 : vector<8x2048xi1>, vector<8x2048xf32>
    %jit3A_1316 = arith.constant 187 : i32
    %broadcast_in_dim3A_1317 = vector.broadcast %jit3A_1316 : i32 to vector<8x2048xi32>
    %select_n3A_1318 = arith.select %gt3A_1314, %broadcast_in_dim3A_1317, %select_n3A_1311 : vector<8x2048xi1>, vector<8x2048xi32>
    %slice3A_1319 = vector.extract_strided_slice %reshape3A {offsets = [188, 0, 0], sizes = [1, 8, 2048], strides = [1, 1, 1]} : vector<256x8x2048xf32> to vector<1x8x2048xf32>
    %squeeze3A_1320 = vector.shape_cast %slice3A_1319 : vector<1x8x2048xf32> to vector<8x2048xf32>
    %gt3A_1321 = arith.cmpf ogt, %squeeze3A_1320, %select_n3A_1315 : vector<8x2048xf32>
    %select_n3A_1322 = arith.select %gt3A_1321, %squeeze3A_1320, %select_n3A_1315 : vector<8x2048xi1>, vector<8x2048xf32>
    %jit3A_1323 = arith.constant 188 : i32
    %broadcast_in_dim3A_1324 = vector.broadcast %jit3A_1323 : i32 to vector<8x2048xi32>
    %select_n3A_1325 = arith.select %gt3A_1321, %broadcast_in_dim3A_1324, %select_n3A_1318 : vector<8x2048xi1>, vector<8x2048xi32>
    %slice3A_1326 = vector.extract_strided_slice %reshape3A {offsets = [189, 0, 0], sizes = [1, 8, 2048], strides = [1, 1, 1]} : vector<256x8x2048xf32> to vector<1x8x2048xf32>
    %squeeze3A_1327 = vector.shape_cast %slice3A_1326 : vector<1x8x2048xf32> to vector<8x2048xf32>
    %gt3A_1328 = arith.cmpf ogt, %squeeze3A_1327, %select_n3A_1322 : vector<8x2048xf32>
    %select_n3A_1329 = arith.select %gt3A_1328, %squeeze3A_1327, %select_n3A_1322 : vector<8x2048xi1>, vector<8x2048xf32>
    %jit3A_1330 = arith.constant 189 : i32
    %broadcast_in_dim3A_1331 = vector.broadcast %jit3A_1330 : i32 to vector<8x2048xi32>
    %select_n3A_1332 = arith.select %gt3A_1328, %broadcast_in_dim3A_1331, %select_n3A_1325 : vector<8x2048xi1>, vector<8x2048xi32>
    %slice3A_1333 = vector.extract_strided_slice %reshape3A {offsets = [190, 0, 0], sizes = [1, 8, 2048], strides = [1, 1, 1]} : vector<256x8x2048xf32> to vector<1x8x2048xf32>
    %squeeze3A_1334 = vector.shape_cast %slice3A_1333 : vector<1x8x2048xf32> to vector<8x2048xf32>
    %gt3A_1335 = arith.cmpf ogt, %squeeze3A_1334, %select_n3A_1329 : vector<8x2048xf32>
    %select_n3A_1336 = arith.select %gt3A_1335, %squeeze3A_1334, %select_n3A_1329 : vector<8x2048xi1>, vector<8x2048xf32>
    %jit3A_1337 = arith.constant 190 : i32
    %broadcast_in_dim3A_1338 = vector.broadcast %jit3A_1337 : i32 to vector<8x2048xi32>
    %select_n3A_1339 = arith.select %gt3A_1335, %broadcast_in_dim3A_1338, %select_n3A_1332 : vector<8x2048xi1>, vector<8x2048xi32>
    %slice3A_1340 = vector.extract_strided_slice %reshape3A {offsets = [191, 0, 0], sizes = [1, 8, 2048], strides = [1, 1, 1]} : vector<256x8x2048xf32> to vector<1x8x2048xf32>
    %squeeze3A_1341 = vector.shape_cast %slice3A_1340 : vector<1x8x2048xf32> to vector<8x2048xf32>
    %gt3A_1342 = arith.cmpf ogt, %squeeze3A_1341, %select_n3A_1336 : vector<8x2048xf32>
    %select_n3A_1343 = arith.select %gt3A_1342, %squeeze3A_1341, %select_n3A_1336 : vector<8x2048xi1>, vector<8x2048xf32>
    %jit3A_1344 = arith.constant 191 : i32
    %broadcast_in_dim3A_1345 = vector.broadcast %jit3A_1344 : i32 to vector<8x2048xi32>
    %select_n3A_1346 = arith.select %gt3A_1342, %broadcast_in_dim3A_1345, %select_n3A_1339 : vector<8x2048xi1>, vector<8x2048xi32>
    %slice3A_1347 = vector.extract_strided_slice %reshape3A {offsets = [192, 0, 0], sizes = [1, 8, 2048], strides = [1, 1, 1]} : vector<256x8x2048xf32> to vector<1x8x2048xf32>
    %squeeze3A_1348 = vector.shape_cast %slice3A_1347 : vector<1x8x2048xf32> to vector<8x2048xf32>
    %gt3A_1349 = arith.cmpf ogt, %squeeze3A_1348, %select_n3A_1343 : vector<8x2048xf32>
    %select_n3A_1350 = arith.select %gt3A_1349, %squeeze3A_1348, %select_n3A_1343 : vector<8x2048xi1>, vector<8x2048xf32>
    %jit3A_1351 = arith.constant 192 : i32
    %broadcast_in_dim3A_1352 = vector.broadcast %jit3A_1351 : i32 to vector<8x2048xi32>
    %select_n3A_1353 = arith.select %gt3A_1349, %broadcast_in_dim3A_1352, %select_n3A_1346 : vector<8x2048xi1>, vector<8x2048xi32>
    %slice3A_1354 = vector.extract_strided_slice %reshape3A {offsets = [193, 0, 0], sizes = [1, 8, 2048], strides = [1, 1, 1]} : vector<256x8x2048xf32> to vector<1x8x2048xf32>
    %squeeze3A_1355 = vector.shape_cast %slice3A_1354 : vector<1x8x2048xf32> to vector<8x2048xf32>
    %gt3A_1356 = arith.cmpf ogt, %squeeze3A_1355, %select_n3A_1350 : vector<8x2048xf32>
    %select_n3A_1357 = arith.select %gt3A_1356, %squeeze3A_1355, %select_n3A_1350 : vector<8x2048xi1>, vector<8x2048xf32>
    %jit3A_1358 = arith.constant 193 : i32
    %broadcast_in_dim3A_1359 = vector.broadcast %jit3A_1358 : i32 to vector<8x2048xi32>
    %select_n3A_1360 = arith.select %gt3A_1356, %broadcast_in_dim3A_1359, %select_n3A_1353 : vector<8x2048xi1>, vector<8x2048xi32>
    %slice3A_1361 = vector.extract_strided_slice %reshape3A {offsets = [194, 0, 0], sizes = [1, 8, 2048], strides = [1, 1, 1]} : vector<256x8x2048xf32> to vector<1x8x2048xf32>
    %squeeze3A_1362 = vector.shape_cast %slice3A_1361 : vector<1x8x2048xf32> to vector<8x2048xf32>
    %gt3A_1363 = arith.cmpf ogt, %squeeze3A_1362, %select_n3A_1357 : vector<8x2048xf32>
    %select_n3A_1364 = arith.select %gt3A_1363, %squeeze3A_1362, %select_n3A_1357 : vector<8x2048xi1>, vector<8x2048xf32>
    %jit3A_1365 = arith.constant 194 : i32
    %broadcast_in_dim3A_1366 = vector.broadcast %jit3A_1365 : i32 to vector<8x2048xi32>
    %select_n3A_1367 = arith.select %gt3A_1363, %broadcast_in_dim3A_1366, %select_n3A_1360 : vector<8x2048xi1>, vector<8x2048xi32>
    %slice3A_1368 = vector.extract_strided_slice %reshape3A {offsets = [195, 0, 0], sizes = [1, 8, 2048], strides = [1, 1, 1]} : vector<256x8x2048xf32> to vector<1x8x2048xf32>
    %squeeze3A_1369 = vector.shape_cast %slice3A_1368 : vector<1x8x2048xf32> to vector<8x2048xf32>
    %gt3A_1370 = arith.cmpf ogt, %squeeze3A_1369, %select_n3A_1364 : vector<8x2048xf32>
    %select_n3A_1371 = arith.select %gt3A_1370, %squeeze3A_1369, %select_n3A_1364 : vector<8x2048xi1>, vector<8x2048xf32>
    %jit3A_1372 = arith.constant 195 : i32
    %broadcast_in_dim3A_1373 = vector.broadcast %jit3A_1372 : i32 to vector<8x2048xi32>
    %select_n3A_1374 = arith.select %gt3A_1370, %broadcast_in_dim3A_1373, %select_n3A_1367 : vector<8x2048xi1>, vector<8x2048xi32>
    %slice3A_1375 = vector.extract_strided_slice %reshape3A {offsets = [196, 0, 0], sizes = [1, 8, 2048], strides = [1, 1, 1]} : vector<256x8x2048xf32> to vector<1x8x2048xf32>
    %squeeze3A_1376 = vector.shape_cast %slice3A_1375 : vector<1x8x2048xf32> to vector<8x2048xf32>
    %gt3A_1377 = arith.cmpf ogt, %squeeze3A_1376, %select_n3A_1371 : vector<8x2048xf32>
    %select_n3A_1378 = arith.select %gt3A_1377, %squeeze3A_1376, %select_n3A_1371 : vector<8x2048xi1>, vector<8x2048xf32>
    %jit3A_1379 = arith.constant 196 : i32
    %broadcast_in_dim3A_1380 = vector.broadcast %jit3A_1379 : i32 to vector<8x2048xi32>
    %select_n3A_1381 = arith.select %gt3A_1377, %broadcast_in_dim3A_1380, %select_n3A_1374 : vector<8x2048xi1>, vector<8x2048xi32>
    %slice3A_1382 = vector.extract_strided_slice %reshape3A {offsets = [197, 0, 0], sizes = [1, 8, 2048], strides = [1, 1, 1]} : vector<256x8x2048xf32> to vector<1x8x2048xf32>
    %squeeze3A_1383 = vector.shape_cast %slice3A_1382 : vector<1x8x2048xf32> to vector<8x2048xf32>
    %gt3A_1384 = arith.cmpf ogt, %squeeze3A_1383, %select_n3A_1378 : vector<8x2048xf32>
    %select_n3A_1385 = arith.select %gt3A_1384, %squeeze3A_1383, %select_n3A_1378 : vector<8x2048xi1>, vector<8x2048xf32>
    %jit3A_1386 = arith.constant 197 : i32
    %broadcast_in_dim3A_1387 = vector.broadcast %jit3A_1386 : i32 to vector<8x2048xi32>
    %select_n3A_1388 = arith.select %gt3A_1384, %broadcast_in_dim3A_1387, %select_n3A_1381 : vector<8x2048xi1>, vector<8x2048xi32>
    %slice3A_1389 = vector.extract_strided_slice %reshape3A {offsets = [198, 0, 0], sizes = [1, 8, 2048], strides = [1, 1, 1]} : vector<256x8x2048xf32> to vector<1x8x2048xf32>
    %squeeze3A_1390 = vector.shape_cast %slice3A_1389 : vector<1x8x2048xf32> to vector<8x2048xf32>
    %gt3A_1391 = arith.cmpf ogt, %squeeze3A_1390, %select_n3A_1385 : vector<8x2048xf32>
    %select_n3A_1392 = arith.select %gt3A_1391, %squeeze3A_1390, %select_n3A_1385 : vector<8x2048xi1>, vector<8x2048xf32>
    %jit3A_1393 = arith.constant 198 : i32
    %broadcast_in_dim3A_1394 = vector.broadcast %jit3A_1393 : i32 to vector<8x2048xi32>
    %select_n3A_1395 = arith.select %gt3A_1391, %broadcast_in_dim3A_1394, %select_n3A_1388 : vector<8x2048xi1>, vector<8x2048xi32>
    %slice3A_1396 = vector.extract_strided_slice %reshape3A {offsets = [199, 0, 0], sizes = [1, 8, 2048], strides = [1, 1, 1]} : vector<256x8x2048xf32> to vector<1x8x2048xf32>
    %squeeze3A_1397 = vector.shape_cast %slice3A_1396 : vector<1x8x2048xf32> to vector<8x2048xf32>
    %gt3A_1398 = arith.cmpf ogt, %squeeze3A_1397, %select_n3A_1392 : vector<8x2048xf32>
    %select_n3A_1399 = arith.select %gt3A_1398, %squeeze3A_1397, %select_n3A_1392 : vector<8x2048xi1>, vector<8x2048xf32>
    %jit3A_1400 = arith.constant 199 : i32
    %broadcast_in_dim3A_1401 = vector.broadcast %jit3A_1400 : i32 to vector<8x2048xi32>
    %select_n3A_1402 = arith.select %gt3A_1398, %broadcast_in_dim3A_1401, %select_n3A_1395 : vector<8x2048xi1>, vector<8x2048xi32>
    %slice3A_1403 = vector.extract_strided_slice %reshape3A {offsets = [200, 0, 0], sizes = [1, 8, 2048], strides = [1, 1, 1]} : vector<256x8x2048xf32> to vector<1x8x2048xf32>
    %squeeze3A_1404 = vector.shape_cast %slice3A_1403 : vector<1x8x2048xf32> to vector<8x2048xf32>
    %gt3A_1405 = arith.cmpf ogt, %squeeze3A_1404, %select_n3A_1399 : vector<8x2048xf32>
    %select_n3A_1406 = arith.select %gt3A_1405, %squeeze3A_1404, %select_n3A_1399 : vector<8x2048xi1>, vector<8x2048xf32>
    %jit3A_1407 = arith.constant 200 : i32
    %broadcast_in_dim3A_1408 = vector.broadcast %jit3A_1407 : i32 to vector<8x2048xi32>
    %select_n3A_1409 = arith.select %gt3A_1405, %broadcast_in_dim3A_1408, %select_n3A_1402 : vector<8x2048xi1>, vector<8x2048xi32>
    %slice3A_1410 = vector.extract_strided_slice %reshape3A {offsets = [201, 0, 0], sizes = [1, 8, 2048], strides = [1, 1, 1]} : vector<256x8x2048xf32> to vector<1x8x2048xf32>
    %squeeze3A_1411 = vector.shape_cast %slice3A_1410 : vector<1x8x2048xf32> to vector<8x2048xf32>
    %gt3A_1412 = arith.cmpf ogt, %squeeze3A_1411, %select_n3A_1406 : vector<8x2048xf32>
    %select_n3A_1413 = arith.select %gt3A_1412, %squeeze3A_1411, %select_n3A_1406 : vector<8x2048xi1>, vector<8x2048xf32>
    %jit3A_1414 = arith.constant 201 : i32
    %broadcast_in_dim3A_1415 = vector.broadcast %jit3A_1414 : i32 to vector<8x2048xi32>
    %select_n3A_1416 = arith.select %gt3A_1412, %broadcast_in_dim3A_1415, %select_n3A_1409 : vector<8x2048xi1>, vector<8x2048xi32>
    %slice3A_1417 = vector.extract_strided_slice %reshape3A {offsets = [202, 0, 0], sizes = [1, 8, 2048], strides = [1, 1, 1]} : vector<256x8x2048xf32> to vector<1x8x2048xf32>
    %squeeze3A_1418 = vector.shape_cast %slice3A_1417 : vector<1x8x2048xf32> to vector<8x2048xf32>
    %gt3A_1419 = arith.cmpf ogt, %squeeze3A_1418, %select_n3A_1413 : vector<8x2048xf32>
    %select_n3A_1420 = arith.select %gt3A_1419, %squeeze3A_1418, %select_n3A_1413 : vector<8x2048xi1>, vector<8x2048xf32>
    %jit3A_1421 = arith.constant 202 : i32
    %broadcast_in_dim3A_1422 = vector.broadcast %jit3A_1421 : i32 to vector<8x2048xi32>
    %select_n3A_1423 = arith.select %gt3A_1419, %broadcast_in_dim3A_1422, %select_n3A_1416 : vector<8x2048xi1>, vector<8x2048xi32>
    %slice3A_1424 = vector.extract_strided_slice %reshape3A {offsets = [203, 0, 0], sizes = [1, 8, 2048], strides = [1, 1, 1]} : vector<256x8x2048xf32> to vector<1x8x2048xf32>
    %squeeze3A_1425 = vector.shape_cast %slice3A_1424 : vector<1x8x2048xf32> to vector<8x2048xf32>
    %gt3A_1426 = arith.cmpf ogt, %squeeze3A_1425, %select_n3A_1420 : vector<8x2048xf32>
    %select_n3A_1427 = arith.select %gt3A_1426, %squeeze3A_1425, %select_n3A_1420 : vector<8x2048xi1>, vector<8x2048xf32>
    %jit3A_1428 = arith.constant 203 : i32
    %broadcast_in_dim3A_1429 = vector.broadcast %jit3A_1428 : i32 to vector<8x2048xi32>
    %select_n3A_1430 = arith.select %gt3A_1426, %broadcast_in_dim3A_1429, %select_n3A_1423 : vector<8x2048xi1>, vector<8x2048xi32>
    %slice3A_1431 = vector.extract_strided_slice %reshape3A {offsets = [204, 0, 0], sizes = [1, 8, 2048], strides = [1, 1, 1]} : vector<256x8x2048xf32> to vector<1x8x2048xf32>
    %squeeze3A_1432 = vector.shape_cast %slice3A_1431 : vector<1x8x2048xf32> to vector<8x2048xf32>
    %gt3A_1433 = arith.cmpf ogt, %squeeze3A_1432, %select_n3A_1427 : vector<8x2048xf32>
    %select_n3A_1434 = arith.select %gt3A_1433, %squeeze3A_1432, %select_n3A_1427 : vector<8x2048xi1>, vector<8x2048xf32>
    %jit3A_1435 = arith.constant 204 : i32
    %broadcast_in_dim3A_1436 = vector.broadcast %jit3A_1435 : i32 to vector<8x2048xi32>
    %select_n3A_1437 = arith.select %gt3A_1433, %broadcast_in_dim3A_1436, %select_n3A_1430 : vector<8x2048xi1>, vector<8x2048xi32>
    %slice3A_1438 = vector.extract_strided_slice %reshape3A {offsets = [205, 0, 0], sizes = [1, 8, 2048], strides = [1, 1, 1]} : vector<256x8x2048xf32> to vector<1x8x2048xf32>
    %squeeze3A_1439 = vector.shape_cast %slice3A_1438 : vector<1x8x2048xf32> to vector<8x2048xf32>
    %gt3A_1440 = arith.cmpf ogt, %squeeze3A_1439, %select_n3A_1434 : vector<8x2048xf32>
    %select_n3A_1441 = arith.select %gt3A_1440, %squeeze3A_1439, %select_n3A_1434 : vector<8x2048xi1>, vector<8x2048xf32>
    %jit3A_1442 = arith.constant 205 : i32
    %broadcast_in_dim3A_1443 = vector.broadcast %jit3A_1442 : i32 to vector<8x2048xi32>
    %select_n3A_1444 = arith.select %gt3A_1440, %broadcast_in_dim3A_1443, %select_n3A_1437 : vector<8x2048xi1>, vector<8x2048xi32>
    %slice3A_1445 = vector.extract_strided_slice %reshape3A {offsets = [206, 0, 0], sizes = [1, 8, 2048], strides = [1, 1, 1]} : vector<256x8x2048xf32> to vector<1x8x2048xf32>
    %squeeze3A_1446 = vector.shape_cast %slice3A_1445 : vector<1x8x2048xf32> to vector<8x2048xf32>
    %gt3A_1447 = arith.cmpf ogt, %squeeze3A_1446, %select_n3A_1441 : vector<8x2048xf32>
    %select_n3A_1448 = arith.select %gt3A_1447, %squeeze3A_1446, %select_n3A_1441 : vector<8x2048xi1>, vector<8x2048xf32>
    %jit3A_1449 = arith.constant 206 : i32
    %broadcast_in_dim3A_1450 = vector.broadcast %jit3A_1449 : i32 to vector<8x2048xi32>
    %select_n3A_1451 = arith.select %gt3A_1447, %broadcast_in_dim3A_1450, %select_n3A_1444 : vector<8x2048xi1>, vector<8x2048xi32>
    %slice3A_1452 = vector.extract_strided_slice %reshape3A {offsets = [207, 0, 0], sizes = [1, 8, 2048], strides = [1, 1, 1]} : vector<256x8x2048xf32> to vector<1x8x2048xf32>
    %squeeze3A_1453 = vector.shape_cast %slice3A_1452 : vector<1x8x2048xf32> to vector<8x2048xf32>
    %gt3A_1454 = arith.cmpf ogt, %squeeze3A_1453, %select_n3A_1448 : vector<8x2048xf32>
    %select_n3A_1455 = arith.select %gt3A_1454, %squeeze3A_1453, %select_n3A_1448 : vector<8x2048xi1>, vector<8x2048xf32>
    %jit3A_1456 = arith.constant 207 : i32
    %broadcast_in_dim3A_1457 = vector.broadcast %jit3A_1456 : i32 to vector<8x2048xi32>
    %select_n3A_1458 = arith.select %gt3A_1454, %broadcast_in_dim3A_1457, %select_n3A_1451 : vector<8x2048xi1>, vector<8x2048xi32>
    %slice3A_1459 = vector.extract_strided_slice %reshape3A {offsets = [208, 0, 0], sizes = [1, 8, 2048], strides = [1, 1, 1]} : vector<256x8x2048xf32> to vector<1x8x2048xf32>
    %squeeze3A_1460 = vector.shape_cast %slice3A_1459 : vector<1x8x2048xf32> to vector<8x2048xf32>
    %gt3A_1461 = arith.cmpf ogt, %squeeze3A_1460, %select_n3A_1455 : vector<8x2048xf32>
    %select_n3A_1462 = arith.select %gt3A_1461, %squeeze3A_1460, %select_n3A_1455 : vector<8x2048xi1>, vector<8x2048xf32>
    %jit3A_1463 = arith.constant 208 : i32
    %broadcast_in_dim3A_1464 = vector.broadcast %jit3A_1463 : i32 to vector<8x2048xi32>
    %select_n3A_1465 = arith.select %gt3A_1461, %broadcast_in_dim3A_1464, %select_n3A_1458 : vector<8x2048xi1>, vector<8x2048xi32>
    %slice3A_1466 = vector.extract_strided_slice %reshape3A {offsets = [209, 0, 0], sizes = [1, 8, 2048], strides = [1, 1, 1]} : vector<256x8x2048xf32> to vector<1x8x2048xf32>
    %squeeze3A_1467 = vector.shape_cast %slice3A_1466 : vector<1x8x2048xf32> to vector<8x2048xf32>
    %gt3A_1468 = arith.cmpf ogt, %squeeze3A_1467, %select_n3A_1462 : vector<8x2048xf32>
    %select_n3A_1469 = arith.select %gt3A_1468, %squeeze3A_1467, %select_n3A_1462 : vector<8x2048xi1>, vector<8x2048xf32>
    %jit3A_1470 = arith.constant 209 : i32
    %broadcast_in_dim3A_1471 = vector.broadcast %jit3A_1470 : i32 to vector<8x2048xi32>
    %select_n3A_1472 = arith.select %gt3A_1468, %broadcast_in_dim3A_1471, %select_n3A_1465 : vector<8x2048xi1>, vector<8x2048xi32>
    %slice3A_1473 = vector.extract_strided_slice %reshape3A {offsets = [210, 0, 0], sizes = [1, 8, 2048], strides = [1, 1, 1]} : vector<256x8x2048xf32> to vector<1x8x2048xf32>
    %squeeze3A_1474 = vector.shape_cast %slice3A_1473 : vector<1x8x2048xf32> to vector<8x2048xf32>
    %gt3A_1475 = arith.cmpf ogt, %squeeze3A_1474, %select_n3A_1469 : vector<8x2048xf32>
    %select_n3A_1476 = arith.select %gt3A_1475, %squeeze3A_1474, %select_n3A_1469 : vector<8x2048xi1>, vector<8x2048xf32>
    %jit3A_1477 = arith.constant 210 : i32
    %broadcast_in_dim3A_1478 = vector.broadcast %jit3A_1477 : i32 to vector<8x2048xi32>
    %select_n3A_1479 = arith.select %gt3A_1475, %broadcast_in_dim3A_1478, %select_n3A_1472 : vector<8x2048xi1>, vector<8x2048xi32>
    %slice3A_1480 = vector.extract_strided_slice %reshape3A {offsets = [211, 0, 0], sizes = [1, 8, 2048], strides = [1, 1, 1]} : vector<256x8x2048xf32> to vector<1x8x2048xf32>
    %squeeze3A_1481 = vector.shape_cast %slice3A_1480 : vector<1x8x2048xf32> to vector<8x2048xf32>
    %gt3A_1482 = arith.cmpf ogt, %squeeze3A_1481, %select_n3A_1476 : vector<8x2048xf32>
    %select_n3A_1483 = arith.select %gt3A_1482, %squeeze3A_1481, %select_n3A_1476 : vector<8x2048xi1>, vector<8x2048xf32>
    %jit3A_1484 = arith.constant 211 : i32
    %broadcast_in_dim3A_1485 = vector.broadcast %jit3A_1484 : i32 to vector<8x2048xi32>
    %select_n3A_1486 = arith.select %gt3A_1482, %broadcast_in_dim3A_1485, %select_n3A_1479 : vector<8x2048xi1>, vector<8x2048xi32>
    %slice3A_1487 = vector.extract_strided_slice %reshape3A {offsets = [212, 0, 0], sizes = [1, 8, 2048], strides = [1, 1, 1]} : vector<256x8x2048xf32> to vector<1x8x2048xf32>
    %squeeze3A_1488 = vector.shape_cast %slice3A_1487 : vector<1x8x2048xf32> to vector<8x2048xf32>
    %gt3A_1489 = arith.cmpf ogt, %squeeze3A_1488, %select_n3A_1483 : vector<8x2048xf32>
    %select_n3A_1490 = arith.select %gt3A_1489, %squeeze3A_1488, %select_n3A_1483 : vector<8x2048xi1>, vector<8x2048xf32>
    %jit3A_1491 = arith.constant 212 : i32
    %broadcast_in_dim3A_1492 = vector.broadcast %jit3A_1491 : i32 to vector<8x2048xi32>
    %select_n3A_1493 = arith.select %gt3A_1489, %broadcast_in_dim3A_1492, %select_n3A_1486 : vector<8x2048xi1>, vector<8x2048xi32>
    %slice3A_1494 = vector.extract_strided_slice %reshape3A {offsets = [213, 0, 0], sizes = [1, 8, 2048], strides = [1, 1, 1]} : vector<256x8x2048xf32> to vector<1x8x2048xf32>
    %squeeze3A_1495 = vector.shape_cast %slice3A_1494 : vector<1x8x2048xf32> to vector<8x2048xf32>
    %gt3A_1496 = arith.cmpf ogt, %squeeze3A_1495, %select_n3A_1490 : vector<8x2048xf32>
    %select_n3A_1497 = arith.select %gt3A_1496, %squeeze3A_1495, %select_n3A_1490 : vector<8x2048xi1>, vector<8x2048xf32>
    %jit3A_1498 = arith.constant 213 : i32
    %broadcast_in_dim3A_1499 = vector.broadcast %jit3A_1498 : i32 to vector<8x2048xi32>
    %select_n3A_1500 = arith.select %gt3A_1496, %broadcast_in_dim3A_1499, %select_n3A_1493 : vector<8x2048xi1>, vector<8x2048xi32>
    %slice3A_1501 = vector.extract_strided_slice %reshape3A {offsets = [214, 0, 0], sizes = [1, 8, 2048], strides = [1, 1, 1]} : vector<256x8x2048xf32> to vector<1x8x2048xf32>
    %squeeze3A_1502 = vector.shape_cast %slice3A_1501 : vector<1x8x2048xf32> to vector<8x2048xf32>
    %gt3A_1503 = arith.cmpf ogt, %squeeze3A_1502, %select_n3A_1497 : vector<8x2048xf32>
    %select_n3A_1504 = arith.select %gt3A_1503, %squeeze3A_1502, %select_n3A_1497 : vector<8x2048xi1>, vector<8x2048xf32>
    %jit3A_1505 = arith.constant 214 : i32
    %broadcast_in_dim3A_1506 = vector.broadcast %jit3A_1505 : i32 to vector<8x2048xi32>
    %select_n3A_1507 = arith.select %gt3A_1503, %broadcast_in_dim3A_1506, %select_n3A_1500 : vector<8x2048xi1>, vector<8x2048xi32>
    %slice3A_1508 = vector.extract_strided_slice %reshape3A {offsets = [215, 0, 0], sizes = [1, 8, 2048], strides = [1, 1, 1]} : vector<256x8x2048xf32> to vector<1x8x2048xf32>
    %squeeze3A_1509 = vector.shape_cast %slice3A_1508 : vector<1x8x2048xf32> to vector<8x2048xf32>
    %gt3A_1510 = arith.cmpf ogt, %squeeze3A_1509, %select_n3A_1504 : vector<8x2048xf32>
    %select_n3A_1511 = arith.select %gt3A_1510, %squeeze3A_1509, %select_n3A_1504 : vector<8x2048xi1>, vector<8x2048xf32>
    %jit3A_1512 = arith.constant 215 : i32
    %broadcast_in_dim3A_1513 = vector.broadcast %jit3A_1512 : i32 to vector<8x2048xi32>
    %select_n3A_1514 = arith.select %gt3A_1510, %broadcast_in_dim3A_1513, %select_n3A_1507 : vector<8x2048xi1>, vector<8x2048xi32>
    %slice3A_1515 = vector.extract_strided_slice %reshape3A {offsets = [216, 0, 0], sizes = [1, 8, 2048], strides = [1, 1, 1]} : vector<256x8x2048xf32> to vector<1x8x2048xf32>
    %squeeze3A_1516 = vector.shape_cast %slice3A_1515 : vector<1x8x2048xf32> to vector<8x2048xf32>
    %gt3A_1517 = arith.cmpf ogt, %squeeze3A_1516, %select_n3A_1511 : vector<8x2048xf32>
    %select_n3A_1518 = arith.select %gt3A_1517, %squeeze3A_1516, %select_n3A_1511 : vector<8x2048xi1>, vector<8x2048xf32>
    %jit3A_1519 = arith.constant 216 : i32
    %broadcast_in_dim3A_1520 = vector.broadcast %jit3A_1519 : i32 to vector<8x2048xi32>
    %select_n3A_1521 = arith.select %gt3A_1517, %broadcast_in_dim3A_1520, %select_n3A_1514 : vector<8x2048xi1>, vector<8x2048xi32>
    %slice3A_1522 = vector.extract_strided_slice %reshape3A {offsets = [217, 0, 0], sizes = [1, 8, 2048], strides = [1, 1, 1]} : vector<256x8x2048xf32> to vector<1x8x2048xf32>
    %squeeze3A_1523 = vector.shape_cast %slice3A_1522 : vector<1x8x2048xf32> to vector<8x2048xf32>
    %gt3A_1524 = arith.cmpf ogt, %squeeze3A_1523, %select_n3A_1518 : vector<8x2048xf32>
    %select_n3A_1525 = arith.select %gt3A_1524, %squeeze3A_1523, %select_n3A_1518 : vector<8x2048xi1>, vector<8x2048xf32>
    %jit3A_1526 = arith.constant 217 : i32
    %broadcast_in_dim3A_1527 = vector.broadcast %jit3A_1526 : i32 to vector<8x2048xi32>
    %select_n3A_1528 = arith.select %gt3A_1524, %broadcast_in_dim3A_1527, %select_n3A_1521 : vector<8x2048xi1>, vector<8x2048xi32>
    %slice3A_1529 = vector.extract_strided_slice %reshape3A {offsets = [218, 0, 0], sizes = [1, 8, 2048], strides = [1, 1, 1]} : vector<256x8x2048xf32> to vector<1x8x2048xf32>
    %squeeze3A_1530 = vector.shape_cast %slice3A_1529 : vector<1x8x2048xf32> to vector<8x2048xf32>
    %gt3A_1531 = arith.cmpf ogt, %squeeze3A_1530, %select_n3A_1525 : vector<8x2048xf32>
    %select_n3A_1532 = arith.select %gt3A_1531, %squeeze3A_1530, %select_n3A_1525 : vector<8x2048xi1>, vector<8x2048xf32>
    %jit3A_1533 = arith.constant 218 : i32
    %broadcast_in_dim3A_1534 = vector.broadcast %jit3A_1533 : i32 to vector<8x2048xi32>
    %select_n3A_1535 = arith.select %gt3A_1531, %broadcast_in_dim3A_1534, %select_n3A_1528 : vector<8x2048xi1>, vector<8x2048xi32>
    %slice3A_1536 = vector.extract_strided_slice %reshape3A {offsets = [219, 0, 0], sizes = [1, 8, 2048], strides = [1, 1, 1]} : vector<256x8x2048xf32> to vector<1x8x2048xf32>
    %squeeze3A_1537 = vector.shape_cast %slice3A_1536 : vector<1x8x2048xf32> to vector<8x2048xf32>
    %gt3A_1538 = arith.cmpf ogt, %squeeze3A_1537, %select_n3A_1532 : vector<8x2048xf32>
    %select_n3A_1539 = arith.select %gt3A_1538, %squeeze3A_1537, %select_n3A_1532 : vector<8x2048xi1>, vector<8x2048xf32>
    %jit3A_1540 = arith.constant 219 : i32
    %broadcast_in_dim3A_1541 = vector.broadcast %jit3A_1540 : i32 to vector<8x2048xi32>
    %select_n3A_1542 = arith.select %gt3A_1538, %broadcast_in_dim3A_1541, %select_n3A_1535 : vector<8x2048xi1>, vector<8x2048xi32>
    %slice3A_1543 = vector.extract_strided_slice %reshape3A {offsets = [220, 0, 0], sizes = [1, 8, 2048], strides = [1, 1, 1]} : vector<256x8x2048xf32> to vector<1x8x2048xf32>
    %squeeze3A_1544 = vector.shape_cast %slice3A_1543 : vector<1x8x2048xf32> to vector<8x2048xf32>
    %gt3A_1545 = arith.cmpf ogt, %squeeze3A_1544, %select_n3A_1539 : vector<8x2048xf32>
    %select_n3A_1546 = arith.select %gt3A_1545, %squeeze3A_1544, %select_n3A_1539 : vector<8x2048xi1>, vector<8x2048xf32>
    %jit3A_1547 = arith.constant 220 : i32
    %broadcast_in_dim3A_1548 = vector.broadcast %jit3A_1547 : i32 to vector<8x2048xi32>
    %select_n3A_1549 = arith.select %gt3A_1545, %broadcast_in_dim3A_1548, %select_n3A_1542 : vector<8x2048xi1>, vector<8x2048xi32>
    %slice3A_1550 = vector.extract_strided_slice %reshape3A {offsets = [221, 0, 0], sizes = [1, 8, 2048], strides = [1, 1, 1]} : vector<256x8x2048xf32> to vector<1x8x2048xf32>
    %squeeze3A_1551 = vector.shape_cast %slice3A_1550 : vector<1x8x2048xf32> to vector<8x2048xf32>
    %gt3A_1552 = arith.cmpf ogt, %squeeze3A_1551, %select_n3A_1546 : vector<8x2048xf32>
    %select_n3A_1553 = arith.select %gt3A_1552, %squeeze3A_1551, %select_n3A_1546 : vector<8x2048xi1>, vector<8x2048xf32>
    %jit3A_1554 = arith.constant 221 : i32
    %broadcast_in_dim3A_1555 = vector.broadcast %jit3A_1554 : i32 to vector<8x2048xi32>
    %select_n3A_1556 = arith.select %gt3A_1552, %broadcast_in_dim3A_1555, %select_n3A_1549 : vector<8x2048xi1>, vector<8x2048xi32>
    %slice3A_1557 = vector.extract_strided_slice %reshape3A {offsets = [222, 0, 0], sizes = [1, 8, 2048], strides = [1, 1, 1]} : vector<256x8x2048xf32> to vector<1x8x2048xf32>
    %squeeze3A_1558 = vector.shape_cast %slice3A_1557 : vector<1x8x2048xf32> to vector<8x2048xf32>
    %gt3A_1559 = arith.cmpf ogt, %squeeze3A_1558, %select_n3A_1553 : vector<8x2048xf32>
    %select_n3A_1560 = arith.select %gt3A_1559, %squeeze3A_1558, %select_n3A_1553 : vector<8x2048xi1>, vector<8x2048xf32>
    %jit3A_1561 = arith.constant 222 : i32
    %broadcast_in_dim3A_1562 = vector.broadcast %jit3A_1561 : i32 to vector<8x2048xi32>
    %select_n3A_1563 = arith.select %gt3A_1559, %broadcast_in_dim3A_1562, %select_n3A_1556 : vector<8x2048xi1>, vector<8x2048xi32>
    %slice3A_1564 = vector.extract_strided_slice %reshape3A {offsets = [223, 0, 0], sizes = [1, 8, 2048], strides = [1, 1, 1]} : vector<256x8x2048xf32> to vector<1x8x2048xf32>
    %squeeze3A_1565 = vector.shape_cast %slice3A_1564 : vector<1x8x2048xf32> to vector<8x2048xf32>
    %gt3A_1566 = arith.cmpf ogt, %squeeze3A_1565, %select_n3A_1560 : vector<8x2048xf32>
    %select_n3A_1567 = arith.select %gt3A_1566, %squeeze3A_1565, %select_n3A_1560 : vector<8x2048xi1>, vector<8x2048xf32>
    %jit3A_1568 = arith.constant 223 : i32
    %broadcast_in_dim3A_1569 = vector.broadcast %jit3A_1568 : i32 to vector<8x2048xi32>
    %select_n3A_1570 = arith.select %gt3A_1566, %broadcast_in_dim3A_1569, %select_n3A_1563 : vector<8x2048xi1>, vector<8x2048xi32>
    %slice3A_1571 = vector.extract_strided_slice %reshape3A {offsets = [224, 0, 0], sizes = [1, 8, 2048], strides = [1, 1, 1]} : vector<256x8x2048xf32> to vector<1x8x2048xf32>
    %squeeze3A_1572 = vector.shape_cast %slice3A_1571 : vector<1x8x2048xf32> to vector<8x2048xf32>
    %gt3A_1573 = arith.cmpf ogt, %squeeze3A_1572, %select_n3A_1567 : vector<8x2048xf32>
    %select_n3A_1574 = arith.select %gt3A_1573, %squeeze3A_1572, %select_n3A_1567 : vector<8x2048xi1>, vector<8x2048xf32>
    %jit3A_1575 = arith.constant 224 : i32
    %broadcast_in_dim3A_1576 = vector.broadcast %jit3A_1575 : i32 to vector<8x2048xi32>
    %select_n3A_1577 = arith.select %gt3A_1573, %broadcast_in_dim3A_1576, %select_n3A_1570 : vector<8x2048xi1>, vector<8x2048xi32>
    %slice3A_1578 = vector.extract_strided_slice %reshape3A {offsets = [225, 0, 0], sizes = [1, 8, 2048], strides = [1, 1, 1]} : vector<256x8x2048xf32> to vector<1x8x2048xf32>
    %squeeze3A_1579 = vector.shape_cast %slice3A_1578 : vector<1x8x2048xf32> to vector<8x2048xf32>
    %gt3A_1580 = arith.cmpf ogt, %squeeze3A_1579, %select_n3A_1574 : vector<8x2048xf32>
    %select_n3A_1581 = arith.select %gt3A_1580, %squeeze3A_1579, %select_n3A_1574 : vector<8x2048xi1>, vector<8x2048xf32>
    %jit3A_1582 = arith.constant 225 : i32
    %broadcast_in_dim3A_1583 = vector.broadcast %jit3A_1582 : i32 to vector<8x2048xi32>
    %select_n3A_1584 = arith.select %gt3A_1580, %broadcast_in_dim3A_1583, %select_n3A_1577 : vector<8x2048xi1>, vector<8x2048xi32>
    %slice3A_1585 = vector.extract_strided_slice %reshape3A {offsets = [226, 0, 0], sizes = [1, 8, 2048], strides = [1, 1, 1]} : vector<256x8x2048xf32> to vector<1x8x2048xf32>
    %squeeze3A_1586 = vector.shape_cast %slice3A_1585 : vector<1x8x2048xf32> to vector<8x2048xf32>
    %gt3A_1587 = arith.cmpf ogt, %squeeze3A_1586, %select_n3A_1581 : vector<8x2048xf32>
    %select_n3A_1588 = arith.select %gt3A_1587, %squeeze3A_1586, %select_n3A_1581 : vector<8x2048xi1>, vector<8x2048xf32>
    %jit3A_1589 = arith.constant 226 : i32
    %broadcast_in_dim3A_1590 = vector.broadcast %jit3A_1589 : i32 to vector<8x2048xi32>
    %select_n3A_1591 = arith.select %gt3A_1587, %broadcast_in_dim3A_1590, %select_n3A_1584 : vector<8x2048xi1>, vector<8x2048xi32>
    %slice3A_1592 = vector.extract_strided_slice %reshape3A {offsets = [227, 0, 0], sizes = [1, 8, 2048], strides = [1, 1, 1]} : vector<256x8x2048xf32> to vector<1x8x2048xf32>
    %squeeze3A_1593 = vector.shape_cast %slice3A_1592 : vector<1x8x2048xf32> to vector<8x2048xf32>
    %gt3A_1594 = arith.cmpf ogt, %squeeze3A_1593, %select_n3A_1588 : vector<8x2048xf32>
    %select_n3A_1595 = arith.select %gt3A_1594, %squeeze3A_1593, %select_n3A_1588 : vector<8x2048xi1>, vector<8x2048xf32>
    %jit3A_1596 = arith.constant 227 : i32
    %broadcast_in_dim3A_1597 = vector.broadcast %jit3A_1596 : i32 to vector<8x2048xi32>
    %select_n3A_1598 = arith.select %gt3A_1594, %broadcast_in_dim3A_1597, %select_n3A_1591 : vector<8x2048xi1>, vector<8x2048xi32>
    %slice3A_1599 = vector.extract_strided_slice %reshape3A {offsets = [228, 0, 0], sizes = [1, 8, 2048], strides = [1, 1, 1]} : vector<256x8x2048xf32> to vector<1x8x2048xf32>
    %squeeze3A_1600 = vector.shape_cast %slice3A_1599 : vector<1x8x2048xf32> to vector<8x2048xf32>
    %gt3A_1601 = arith.cmpf ogt, %squeeze3A_1600, %select_n3A_1595 : vector<8x2048xf32>
    %select_n3A_1602 = arith.select %gt3A_1601, %squeeze3A_1600, %select_n3A_1595 : vector<8x2048xi1>, vector<8x2048xf32>
    %jit3A_1603 = arith.constant 228 : i32
    %broadcast_in_dim3A_1604 = vector.broadcast %jit3A_1603 : i32 to vector<8x2048xi32>
    %select_n3A_1605 = arith.select %gt3A_1601, %broadcast_in_dim3A_1604, %select_n3A_1598 : vector<8x2048xi1>, vector<8x2048xi32>
    %slice3A_1606 = vector.extract_strided_slice %reshape3A {offsets = [229, 0, 0], sizes = [1, 8, 2048], strides = [1, 1, 1]} : vector<256x8x2048xf32> to vector<1x8x2048xf32>
    %squeeze3A_1607 = vector.shape_cast %slice3A_1606 : vector<1x8x2048xf32> to vector<8x2048xf32>
    %gt3A_1608 = arith.cmpf ogt, %squeeze3A_1607, %select_n3A_1602 : vector<8x2048xf32>
    %select_n3A_1609 = arith.select %gt3A_1608, %squeeze3A_1607, %select_n3A_1602 : vector<8x2048xi1>, vector<8x2048xf32>
    %jit3A_1610 = arith.constant 229 : i32
    %broadcast_in_dim3A_1611 = vector.broadcast %jit3A_1610 : i32 to vector<8x2048xi32>
    %select_n3A_1612 = arith.select %gt3A_1608, %broadcast_in_dim3A_1611, %select_n3A_1605 : vector<8x2048xi1>, vector<8x2048xi32>
    %slice3A_1613 = vector.extract_strided_slice %reshape3A {offsets = [230, 0, 0], sizes = [1, 8, 2048], strides = [1, 1, 1]} : vector<256x8x2048xf32> to vector<1x8x2048xf32>
    %squeeze3A_1614 = vector.shape_cast %slice3A_1613 : vector<1x8x2048xf32> to vector<8x2048xf32>
    %gt3A_1615 = arith.cmpf ogt, %squeeze3A_1614, %select_n3A_1609 : vector<8x2048xf32>
    %select_n3A_1616 = arith.select %gt3A_1615, %squeeze3A_1614, %select_n3A_1609 : vector<8x2048xi1>, vector<8x2048xf32>
    %jit3A_1617 = arith.constant 230 : i32
    %broadcast_in_dim3A_1618 = vector.broadcast %jit3A_1617 : i32 to vector<8x2048xi32>
    %select_n3A_1619 = arith.select %gt3A_1615, %broadcast_in_dim3A_1618, %select_n3A_1612 : vector<8x2048xi1>, vector<8x2048xi32>
    %slice3A_1620 = vector.extract_strided_slice %reshape3A {offsets = [231, 0, 0], sizes = [1, 8, 2048], strides = [1, 1, 1]} : vector<256x8x2048xf32> to vector<1x8x2048xf32>
    %squeeze3A_1621 = vector.shape_cast %slice3A_1620 : vector<1x8x2048xf32> to vector<8x2048xf32>
    %gt3A_1622 = arith.cmpf ogt, %squeeze3A_1621, %select_n3A_1616 : vector<8x2048xf32>
    %select_n3A_1623 = arith.select %gt3A_1622, %squeeze3A_1621, %select_n3A_1616 : vector<8x2048xi1>, vector<8x2048xf32>
    %jit3A_1624 = arith.constant 231 : i32
    %broadcast_in_dim3A_1625 = vector.broadcast %jit3A_1624 : i32 to vector<8x2048xi32>
    %select_n3A_1626 = arith.select %gt3A_1622, %broadcast_in_dim3A_1625, %select_n3A_1619 : vector<8x2048xi1>, vector<8x2048xi32>
    %slice3A_1627 = vector.extract_strided_slice %reshape3A {offsets = [232, 0, 0], sizes = [1, 8, 2048], strides = [1, 1, 1]} : vector<256x8x2048xf32> to vector<1x8x2048xf32>
    %squeeze3A_1628 = vector.shape_cast %slice3A_1627 : vector<1x8x2048xf32> to vector<8x2048xf32>
    %gt3A_1629 = arith.cmpf ogt, %squeeze3A_1628, %select_n3A_1623 : vector<8x2048xf32>
    %select_n3A_1630 = arith.select %gt3A_1629, %squeeze3A_1628, %select_n3A_1623 : vector<8x2048xi1>, vector<8x2048xf32>
    %jit3A_1631 = arith.constant 232 : i32
    %broadcast_in_dim3A_1632 = vector.broadcast %jit3A_1631 : i32 to vector<8x2048xi32>
    %select_n3A_1633 = arith.select %gt3A_1629, %broadcast_in_dim3A_1632, %select_n3A_1626 : vector<8x2048xi1>, vector<8x2048xi32>
    %slice3A_1634 = vector.extract_strided_slice %reshape3A {offsets = [233, 0, 0], sizes = [1, 8, 2048], strides = [1, 1, 1]} : vector<256x8x2048xf32> to vector<1x8x2048xf32>
    %squeeze3A_1635 = vector.shape_cast %slice3A_1634 : vector<1x8x2048xf32> to vector<8x2048xf32>
    %gt3A_1636 = arith.cmpf ogt, %squeeze3A_1635, %select_n3A_1630 : vector<8x2048xf32>
    %select_n3A_1637 = arith.select %gt3A_1636, %squeeze3A_1635, %select_n3A_1630 : vector<8x2048xi1>, vector<8x2048xf32>
    %jit3A_1638 = arith.constant 233 : i32
    %broadcast_in_dim3A_1639 = vector.broadcast %jit3A_1638 : i32 to vector<8x2048xi32>
    %select_n3A_1640 = arith.select %gt3A_1636, %broadcast_in_dim3A_1639, %select_n3A_1633 : vector<8x2048xi1>, vector<8x2048xi32>
    %slice3A_1641 = vector.extract_strided_slice %reshape3A {offsets = [234, 0, 0], sizes = [1, 8, 2048], strides = [1, 1, 1]} : vector<256x8x2048xf32> to vector<1x8x2048xf32>
    %squeeze3A_1642 = vector.shape_cast %slice3A_1641 : vector<1x8x2048xf32> to vector<8x2048xf32>
    %gt3A_1643 = arith.cmpf ogt, %squeeze3A_1642, %select_n3A_1637 : vector<8x2048xf32>
    %select_n3A_1644 = arith.select %gt3A_1643, %squeeze3A_1642, %select_n3A_1637 : vector<8x2048xi1>, vector<8x2048xf32>
    %jit3A_1645 = arith.constant 234 : i32
    %broadcast_in_dim3A_1646 = vector.broadcast %jit3A_1645 : i32 to vector<8x2048xi32>
    %select_n3A_1647 = arith.select %gt3A_1643, %broadcast_in_dim3A_1646, %select_n3A_1640 : vector<8x2048xi1>, vector<8x2048xi32>
    %slice3A_1648 = vector.extract_strided_slice %reshape3A {offsets = [235, 0, 0], sizes = [1, 8, 2048], strides = [1, 1, 1]} : vector<256x8x2048xf32> to vector<1x8x2048xf32>
    %squeeze3A_1649 = vector.shape_cast %slice3A_1648 : vector<1x8x2048xf32> to vector<8x2048xf32>
    %gt3A_1650 = arith.cmpf ogt, %squeeze3A_1649, %select_n3A_1644 : vector<8x2048xf32>
    %select_n3A_1651 = arith.select %gt3A_1650, %squeeze3A_1649, %select_n3A_1644 : vector<8x2048xi1>, vector<8x2048xf32>
    %jit3A_1652 = arith.constant 235 : i32
    %broadcast_in_dim3A_1653 = vector.broadcast %jit3A_1652 : i32 to vector<8x2048xi32>
    %select_n3A_1654 = arith.select %gt3A_1650, %broadcast_in_dim3A_1653, %select_n3A_1647 : vector<8x2048xi1>, vector<8x2048xi32>
    %slice3A_1655 = vector.extract_strided_slice %reshape3A {offsets = [236, 0, 0], sizes = [1, 8, 2048], strides = [1, 1, 1]} : vector<256x8x2048xf32> to vector<1x8x2048xf32>
    %squeeze3A_1656 = vector.shape_cast %slice3A_1655 : vector<1x8x2048xf32> to vector<8x2048xf32>
    %gt3A_1657 = arith.cmpf ogt, %squeeze3A_1656, %select_n3A_1651 : vector<8x2048xf32>
    %select_n3A_1658 = arith.select %gt3A_1657, %squeeze3A_1656, %select_n3A_1651 : vector<8x2048xi1>, vector<8x2048xf32>
    %jit3A_1659 = arith.constant 236 : i32
    %broadcast_in_dim3A_1660 = vector.broadcast %jit3A_1659 : i32 to vector<8x2048xi32>
    %select_n3A_1661 = arith.select %gt3A_1657, %broadcast_in_dim3A_1660, %select_n3A_1654 : vector<8x2048xi1>, vector<8x2048xi32>
    %slice3A_1662 = vector.extract_strided_slice %reshape3A {offsets = [237, 0, 0], sizes = [1, 8, 2048], strides = [1, 1, 1]} : vector<256x8x2048xf32> to vector<1x8x2048xf32>
    %squeeze3A_1663 = vector.shape_cast %slice3A_1662 : vector<1x8x2048xf32> to vector<8x2048xf32>
    %gt3A_1664 = arith.cmpf ogt, %squeeze3A_1663, %select_n3A_1658 : vector<8x2048xf32>
    %select_n3A_1665 = arith.select %gt3A_1664, %squeeze3A_1663, %select_n3A_1658 : vector<8x2048xi1>, vector<8x2048xf32>
    %jit3A_1666 = arith.constant 237 : i32
    %broadcast_in_dim3A_1667 = vector.broadcast %jit3A_1666 : i32 to vector<8x2048xi32>
    %select_n3A_1668 = arith.select %gt3A_1664, %broadcast_in_dim3A_1667, %select_n3A_1661 : vector<8x2048xi1>, vector<8x2048xi32>
    %slice3A_1669 = vector.extract_strided_slice %reshape3A {offsets = [238, 0, 0], sizes = [1, 8, 2048], strides = [1, 1, 1]} : vector<256x8x2048xf32> to vector<1x8x2048xf32>
    %squeeze3A_1670 = vector.shape_cast %slice3A_1669 : vector<1x8x2048xf32> to vector<8x2048xf32>
    %gt3A_1671 = arith.cmpf ogt, %squeeze3A_1670, %select_n3A_1665 : vector<8x2048xf32>
    %select_n3A_1672 = arith.select %gt3A_1671, %squeeze3A_1670, %select_n3A_1665 : vector<8x2048xi1>, vector<8x2048xf32>
    %jit3A_1673 = arith.constant 238 : i32
    %broadcast_in_dim3A_1674 = vector.broadcast %jit3A_1673 : i32 to vector<8x2048xi32>
    %select_n3A_1675 = arith.select %gt3A_1671, %broadcast_in_dim3A_1674, %select_n3A_1668 : vector<8x2048xi1>, vector<8x2048xi32>
    %slice3A_1676 = vector.extract_strided_slice %reshape3A {offsets = [239, 0, 0], sizes = [1, 8, 2048], strides = [1, 1, 1]} : vector<256x8x2048xf32> to vector<1x8x2048xf32>
    %squeeze3A_1677 = vector.shape_cast %slice3A_1676 : vector<1x8x2048xf32> to vector<8x2048xf32>
    %gt3A_1678 = arith.cmpf ogt, %squeeze3A_1677, %select_n3A_1672 : vector<8x2048xf32>
    %select_n3A_1679 = arith.select %gt3A_1678, %squeeze3A_1677, %select_n3A_1672 : vector<8x2048xi1>, vector<8x2048xf32>
    %jit3A_1680 = arith.constant 239 : i32
    %broadcast_in_dim3A_1681 = vector.broadcast %jit3A_1680 : i32 to vector<8x2048xi32>
    %select_n3A_1682 = arith.select %gt3A_1678, %broadcast_in_dim3A_1681, %select_n3A_1675 : vector<8x2048xi1>, vector<8x2048xi32>
    %slice3A_1683 = vector.extract_strided_slice %reshape3A {offsets = [240, 0, 0], sizes = [1, 8, 2048], strides = [1, 1, 1]} : vector<256x8x2048xf32> to vector<1x8x2048xf32>
    %squeeze3A_1684 = vector.shape_cast %slice3A_1683 : vector<1x8x2048xf32> to vector<8x2048xf32>
    %gt3A_1685 = arith.cmpf ogt, %squeeze3A_1684, %select_n3A_1679 : vector<8x2048xf32>
    %select_n3A_1686 = arith.select %gt3A_1685, %squeeze3A_1684, %select_n3A_1679 : vector<8x2048xi1>, vector<8x2048xf32>
    %jit3A_1687 = arith.constant 240 : i32
    %broadcast_in_dim3A_1688 = vector.broadcast %jit3A_1687 : i32 to vector<8x2048xi32>
    %select_n3A_1689 = arith.select %gt3A_1685, %broadcast_in_dim3A_1688, %select_n3A_1682 : vector<8x2048xi1>, vector<8x2048xi32>
    %slice3A_1690 = vector.extract_strided_slice %reshape3A {offsets = [241, 0, 0], sizes = [1, 8, 2048], strides = [1, 1, 1]} : vector<256x8x2048xf32> to vector<1x8x2048xf32>
    %squeeze3A_1691 = vector.shape_cast %slice3A_1690 : vector<1x8x2048xf32> to vector<8x2048xf32>
    %gt3A_1692 = arith.cmpf ogt, %squeeze3A_1691, %select_n3A_1686 : vector<8x2048xf32>
    %select_n3A_1693 = arith.select %gt3A_1692, %squeeze3A_1691, %select_n3A_1686 : vector<8x2048xi1>, vector<8x2048xf32>
    %jit3A_1694 = arith.constant 241 : i32
    %broadcast_in_dim3A_1695 = vector.broadcast %jit3A_1694 : i32 to vector<8x2048xi32>
    %select_n3A_1696 = arith.select %gt3A_1692, %broadcast_in_dim3A_1695, %select_n3A_1689 : vector<8x2048xi1>, vector<8x2048xi32>
    %slice3A_1697 = vector.extract_strided_slice %reshape3A {offsets = [242, 0, 0], sizes = [1, 8, 2048], strides = [1, 1, 1]} : vector<256x8x2048xf32> to vector<1x8x2048xf32>
    %squeeze3A_1698 = vector.shape_cast %slice3A_1697 : vector<1x8x2048xf32> to vector<8x2048xf32>
    %gt3A_1699 = arith.cmpf ogt, %squeeze3A_1698, %select_n3A_1693 : vector<8x2048xf32>
    %select_n3A_1700 = arith.select %gt3A_1699, %squeeze3A_1698, %select_n3A_1693 : vector<8x2048xi1>, vector<8x2048xf32>
    %jit3A_1701 = arith.constant 242 : i32
    %broadcast_in_dim3A_1702 = vector.broadcast %jit3A_1701 : i32 to vector<8x2048xi32>
    %select_n3A_1703 = arith.select %gt3A_1699, %broadcast_in_dim3A_1702, %select_n3A_1696 : vector<8x2048xi1>, vector<8x2048xi32>
    %slice3A_1704 = vector.extract_strided_slice %reshape3A {offsets = [243, 0, 0], sizes = [1, 8, 2048], strides = [1, 1, 1]} : vector<256x8x2048xf32> to vector<1x8x2048xf32>
    %squeeze3A_1705 = vector.shape_cast %slice3A_1704 : vector<1x8x2048xf32> to vector<8x2048xf32>
    %gt3A_1706 = arith.cmpf ogt, %squeeze3A_1705, %select_n3A_1700 : vector<8x2048xf32>
    %select_n3A_1707 = arith.select %gt3A_1706, %squeeze3A_1705, %select_n3A_1700 : vector<8x2048xi1>, vector<8x2048xf32>
    %jit3A_1708 = arith.constant 243 : i32
    %broadcast_in_dim3A_1709 = vector.broadcast %jit3A_1708 : i32 to vector<8x2048xi32>
    %select_n3A_1710 = arith.select %gt3A_1706, %broadcast_in_dim3A_1709, %select_n3A_1703 : vector<8x2048xi1>, vector<8x2048xi32>
    %slice3A_1711 = vector.extract_strided_slice %reshape3A {offsets = [244, 0, 0], sizes = [1, 8, 2048], strides = [1, 1, 1]} : vector<256x8x2048xf32> to vector<1x8x2048xf32>
    %squeeze3A_1712 = vector.shape_cast %slice3A_1711 : vector<1x8x2048xf32> to vector<8x2048xf32>
    %gt3A_1713 = arith.cmpf ogt, %squeeze3A_1712, %select_n3A_1707 : vector<8x2048xf32>
    %select_n3A_1714 = arith.select %gt3A_1713, %squeeze3A_1712, %select_n3A_1707 : vector<8x2048xi1>, vector<8x2048xf32>
    %jit3A_1715 = arith.constant 244 : i32
    %broadcast_in_dim3A_1716 = vector.broadcast %jit3A_1715 : i32 to vector<8x2048xi32>
    %select_n3A_1717 = arith.select %gt3A_1713, %broadcast_in_dim3A_1716, %select_n3A_1710 : vector<8x2048xi1>, vector<8x2048xi32>
    %slice3A_1718 = vector.extract_strided_slice %reshape3A {offsets = [245, 0, 0], sizes = [1, 8, 2048], strides = [1, 1, 1]} : vector<256x8x2048xf32> to vector<1x8x2048xf32>
    %squeeze3A_1719 = vector.shape_cast %slice3A_1718 : vector<1x8x2048xf32> to vector<8x2048xf32>
    %gt3A_1720 = arith.cmpf ogt, %squeeze3A_1719, %select_n3A_1714 : vector<8x2048xf32>
    %select_n3A_1721 = arith.select %gt3A_1720, %squeeze3A_1719, %select_n3A_1714 : vector<8x2048xi1>, vector<8x2048xf32>
    %jit3A_1722 = arith.constant 245 : i32
    %broadcast_in_dim3A_1723 = vector.broadcast %jit3A_1722 : i32 to vector<8x2048xi32>
    %select_n3A_1724 = arith.select %gt3A_1720, %broadcast_in_dim3A_1723, %select_n3A_1717 : vector<8x2048xi1>, vector<8x2048xi32>
    %slice3A_1725 = vector.extract_strided_slice %reshape3A {offsets = [246, 0, 0], sizes = [1, 8, 2048], strides = [1, 1, 1]} : vector<256x8x2048xf32> to vector<1x8x2048xf32>
    %squeeze3A_1726 = vector.shape_cast %slice3A_1725 : vector<1x8x2048xf32> to vector<8x2048xf32>
    %gt3A_1727 = arith.cmpf ogt, %squeeze3A_1726, %select_n3A_1721 : vector<8x2048xf32>
    %select_n3A_1728 = arith.select %gt3A_1727, %squeeze3A_1726, %select_n3A_1721 : vector<8x2048xi1>, vector<8x2048xf32>
    %jit3A_1729 = arith.constant 246 : i32
    %broadcast_in_dim3A_1730 = vector.broadcast %jit3A_1729 : i32 to vector<8x2048xi32>
    %select_n3A_1731 = arith.select %gt3A_1727, %broadcast_in_dim3A_1730, %select_n3A_1724 : vector<8x2048xi1>, vector<8x2048xi32>
    %slice3A_1732 = vector.extract_strided_slice %reshape3A {offsets = [247, 0, 0], sizes = [1, 8, 2048], strides = [1, 1, 1]} : vector<256x8x2048xf32> to vector<1x8x2048xf32>
    %squeeze3A_1733 = vector.shape_cast %slice3A_1732 : vector<1x8x2048xf32> to vector<8x2048xf32>
    %gt3A_1734 = arith.cmpf ogt, %squeeze3A_1733, %select_n3A_1728 : vector<8x2048xf32>
    %select_n3A_1735 = arith.select %gt3A_1734, %squeeze3A_1733, %select_n3A_1728 : vector<8x2048xi1>, vector<8x2048xf32>
    %jit3A_1736 = arith.constant 247 : i32
    %broadcast_in_dim3A_1737 = vector.broadcast %jit3A_1736 : i32 to vector<8x2048xi32>
    %select_n3A_1738 = arith.select %gt3A_1734, %broadcast_in_dim3A_1737, %select_n3A_1731 : vector<8x2048xi1>, vector<8x2048xi32>
    %slice3A_1739 = vector.extract_strided_slice %reshape3A {offsets = [248, 0, 0], sizes = [1, 8, 2048], strides = [1, 1, 1]} : vector<256x8x2048xf32> to vector<1x8x2048xf32>
    %squeeze3A_1740 = vector.shape_cast %slice3A_1739 : vector<1x8x2048xf32> to vector<8x2048xf32>
    %gt3A_1741 = arith.cmpf ogt, %squeeze3A_1740, %select_n3A_1735 : vector<8x2048xf32>
    %select_n3A_1742 = arith.select %gt3A_1741, %squeeze3A_1740, %select_n3A_1735 : vector<8x2048xi1>, vector<8x2048xf32>
    %jit3A_1743 = arith.constant 248 : i32
    %broadcast_in_dim3A_1744 = vector.broadcast %jit3A_1743 : i32 to vector<8x2048xi32>
    %select_n3A_1745 = arith.select %gt3A_1741, %broadcast_in_dim3A_1744, %select_n3A_1738 : vector<8x2048xi1>, vector<8x2048xi32>
    %slice3A_1746 = vector.extract_strided_slice %reshape3A {offsets = [249, 0, 0], sizes = [1, 8, 2048], strides = [1, 1, 1]} : vector<256x8x2048xf32> to vector<1x8x2048xf32>
    %squeeze3A_1747 = vector.shape_cast %slice3A_1746 : vector<1x8x2048xf32> to vector<8x2048xf32>
    %gt3A_1748 = arith.cmpf ogt, %squeeze3A_1747, %select_n3A_1742 : vector<8x2048xf32>
    %select_n3A_1749 = arith.select %gt3A_1748, %squeeze3A_1747, %select_n3A_1742 : vector<8x2048xi1>, vector<8x2048xf32>
    %jit3A_1750 = arith.constant 249 : i32
    %broadcast_in_dim3A_1751 = vector.broadcast %jit3A_1750 : i32 to vector<8x2048xi32>
    %select_n3A_1752 = arith.select %gt3A_1748, %broadcast_in_dim3A_1751, %select_n3A_1745 : vector<8x2048xi1>, vector<8x2048xi32>
    %slice3A_1753 = vector.extract_strided_slice %reshape3A {offsets = [250, 0, 0], sizes = [1, 8, 2048], strides = [1, 1, 1]} : vector<256x8x2048xf32> to vector<1x8x2048xf32>
    %squeeze3A_1754 = vector.shape_cast %slice3A_1753 : vector<1x8x2048xf32> to vector<8x2048xf32>
    %gt3A_1755 = arith.cmpf ogt, %squeeze3A_1754, %select_n3A_1749 : vector<8x2048xf32>
    %select_n3A_1756 = arith.select %gt3A_1755, %squeeze3A_1754, %select_n3A_1749 : vector<8x2048xi1>, vector<8x2048xf32>
    %jit3A_1757 = arith.constant 250 : i32
    %broadcast_in_dim3A_1758 = vector.broadcast %jit3A_1757 : i32 to vector<8x2048xi32>
    %select_n3A_1759 = arith.select %gt3A_1755, %broadcast_in_dim3A_1758, %select_n3A_1752 : vector<8x2048xi1>, vector<8x2048xi32>
    %slice3A_1760 = vector.extract_strided_slice %reshape3A {offsets = [251, 0, 0], sizes = [1, 8, 2048], strides = [1, 1, 1]} : vector<256x8x2048xf32> to vector<1x8x2048xf32>
    %squeeze3A_1761 = vector.shape_cast %slice3A_1760 : vector<1x8x2048xf32> to vector<8x2048xf32>
    %gt3A_1762 = arith.cmpf ogt, %squeeze3A_1761, %select_n3A_1756 : vector<8x2048xf32>
    %select_n3A_1763 = arith.select %gt3A_1762, %squeeze3A_1761, %select_n3A_1756 : vector<8x2048xi1>, vector<8x2048xf32>
    %jit3A_1764 = arith.constant 251 : i32
    %broadcast_in_dim3A_1765 = vector.broadcast %jit3A_1764 : i32 to vector<8x2048xi32>
    %select_n3A_1766 = arith.select %gt3A_1762, %broadcast_in_dim3A_1765, %select_n3A_1759 : vector<8x2048xi1>, vector<8x2048xi32>
    %slice3A_1767 = vector.extract_strided_slice %reshape3A {offsets = [252, 0, 0], sizes = [1, 8, 2048], strides = [1, 1, 1]} : vector<256x8x2048xf32> to vector<1x8x2048xf32>
    %squeeze3A_1768 = vector.shape_cast %slice3A_1767 : vector<1x8x2048xf32> to vector<8x2048xf32>
    %gt3A_1769 = arith.cmpf ogt, %squeeze3A_1768, %select_n3A_1763 : vector<8x2048xf32>
    %select_n3A_1770 = arith.select %gt3A_1769, %squeeze3A_1768, %select_n3A_1763 : vector<8x2048xi1>, vector<8x2048xf32>
    %jit3A_1771 = arith.constant 252 : i32
    %broadcast_in_dim3A_1772 = vector.broadcast %jit3A_1771 : i32 to vector<8x2048xi32>
    %select_n3A_1773 = arith.select %gt3A_1769, %broadcast_in_dim3A_1772, %select_n3A_1766 : vector<8x2048xi1>, vector<8x2048xi32>
    %slice3A_1774 = vector.extract_strided_slice %reshape3A {offsets = [253, 0, 0], sizes = [1, 8, 2048], strides = [1, 1, 1]} : vector<256x8x2048xf32> to vector<1x8x2048xf32>
    %squeeze3A_1775 = vector.shape_cast %slice3A_1774 : vector<1x8x2048xf32> to vector<8x2048xf32>
    %gt3A_1776 = arith.cmpf ogt, %squeeze3A_1775, %select_n3A_1770 : vector<8x2048xf32>
    %select_n3A_1777 = arith.select %gt3A_1776, %squeeze3A_1775, %select_n3A_1770 : vector<8x2048xi1>, vector<8x2048xf32>
    %jit3A_1778 = arith.constant 253 : i32
    %broadcast_in_dim3A_1779 = vector.broadcast %jit3A_1778 : i32 to vector<8x2048xi32>
    %select_n3A_1780 = arith.select %gt3A_1776, %broadcast_in_dim3A_1779, %select_n3A_1773 : vector<8x2048xi1>, vector<8x2048xi32>
    %slice3A_1781 = vector.extract_strided_slice %reshape3A {offsets = [254, 0, 0], sizes = [1, 8, 2048], strides = [1, 1, 1]} : vector<256x8x2048xf32> to vector<1x8x2048xf32>
    %squeeze3A_1782 = vector.shape_cast %slice3A_1781 : vector<1x8x2048xf32> to vector<8x2048xf32>
    %gt3A_1783 = arith.cmpf ogt, %squeeze3A_1782, %select_n3A_1777 : vector<8x2048xf32>
    %select_n3A_1784 = arith.select %gt3A_1783, %squeeze3A_1782, %select_n3A_1777 : vector<8x2048xi1>, vector<8x2048xf32>
    %jit3A_1785 = arith.constant 254 : i32
    %broadcast_in_dim3A_1786 = vector.broadcast %jit3A_1785 : i32 to vector<8x2048xi32>
    %select_n3A_1787 = arith.select %gt3A_1783, %broadcast_in_dim3A_1786, %select_n3A_1780 : vector<8x2048xi1>, vector<8x2048xi32>
    %slice3A_1788 = vector.extract_strided_slice %reshape3A {offsets = [255, 0, 0], sizes = [1, 8, 2048], strides = [1, 1, 1]} : vector<256x8x2048xf32> to vector<1x8x2048xf32>
    %squeeze3A_1789 = vector.shape_cast %slice3A_1788 : vector<1x8x2048xf32> to vector<8x2048xf32>
    %gt3A_1790 = arith.cmpf ogt, %squeeze3A_1789, %select_n3A_1784 : vector<8x2048xf32>
    %select_n3A_1791 = arith.select %gt3A_1790, %squeeze3A_1789, %select_n3A_1784 : vector<8x2048xi1>, vector<8x2048xf32>
    %jit3A_1792 = arith.constant 255 : i32
    %broadcast_in_dim3A_1793 = vector.broadcast %jit3A_1792 : i32 to vector<8x2048xi32>
    %select_n3A_1794 = arith.select %gt3A_1790, %broadcast_in_dim3A_1793, %select_n3A_1787 : vector<8x2048xi1>, vector<8x2048xi32>
    %reduce_max3A = arith.constant dense<0xFF800000> : vector<2048xf32>
    %reduce_max3A_1795 = vector.multi_reduction <maximumf>, %select_n3A_1791, %reduce_max3A [0] : vector<8x2048xf32> to vector<2048xf32>
    %iota3A = tpu.iota {dimensions = array<i32: 0>} : vector<8x2048xi32>
    %broadcast_in_dim3A_1796 = vector.shape_cast %reduce_max3A_1795 : vector<2048xf32> to vector<1x2048xf32>
    %eq3A = vector.broadcast %broadcast_in_dim3A_1796 : vector<1x2048xf32> to vector<8x2048xf32>
    %eq3A_1797 = arith.cmpf oeq, %select_n3A_1791, %eq3A : vector<8x2048xf32>
    %mul3A = arith.constant 8 : i32
    %mul3A_1798 = vector.broadcast %mul3A : i32 to vector<8x2048xi32>
    %mul3A_1799 = arith.muli %select_n3A_1794, %mul3A_1798 : vector<8x2048xi32>
    %add3A = arith.addi %mul3A_1799, %iota3A : vector<8x2048xi32>
    %jit3A_1800 = arith.constant 2048 : i32
    %broadcast_in_dim3A_1801 = vector.broadcast %jit3A_1800 : i32 to vector<8x2048xi32>
    %select_n3A_1802 = arith.select %eq3A_1797, %add3A, %broadcast_in_dim3A_1801 : vector<8x2048xi1>, vector<8x2048xi32>
    %reduce_min3A = arith.constant dense<2147483647> : vector<2048xi32>
    %reduce_min3A_1803 = vector.multi_reduction <minsi>, %select_n3A_1802, %reduce_min3A [0] : vector<8x2048xi32> to vector<2048xi32>
    %swap3A = arith.constant 0 : index
    %swap3A_1804 = arith.constant 0 : index
    %swap3A_1805 = arith.constant 0 : index
    %swap3A_1806 = vector.load %arg3[%swap3A, %swap3A_1804, %swap3A_1805] : memref<1x1x2048xi32, #tpu.memory_space<vmem>>, vector<1x1x2048xi32>
    %swap3A_1807 = vector.shape_cast %swap3A_1806 : vector<1x1x2048xi32> to vector<2048xi32>
    %swap3A_1808 = vector.shape_cast %reduce_min3A_1803 : vector<2048xi32> to vector<1x1x2048xi32>
    tpu.vector_store %arg3[%swap3A, %swap3A_1804, %swap3A_1805], %swap3A_1808 {strides = array<i32>} : memref<1x1x2048xi32, #tpu.memory_space<vmem>>, vector<1x1x2048xi32>,
    %add3A_1809 = arith.constant 1.000000e+00 : f32
    %add3A_1810 = vector.broadcast %add3A_1809 : f32 to vector<2048xf32>
    %add3A_1811 = arith.addf %reduce_max3A_1795, %add3A_1810 : vector<2048xf32>
    %mul3A_1812 = arith.constant 5.000000e-01 : f32
    %mul3A_1813 = vector.broadcast %mul3A_1812 : f32 to vector<2048xf32>
    %mul3A_1814 = arith.mulf %add3A_1811, %mul3A_1813 : vector<2048xf32>
    %swap3A_1815 = arith.constant 0 : index
    %swap3A_1816 = arith.constant 0 : index
    %swap3A_1817 = arith.constant 0 : index
    %swap3A_1818 = vector.load %arg4[%swap3A_1815, %swap3A_1816, %swap3A_1817] : memref<1x1x2048xf32, #tpu.memory_space<vmem>>, vector<1x1x2048xf32>
    %swap3A_1819 = vector.shape_cast %swap3A_1818 : vector<1x1x2048xf32> to vector<2048xf32>
    %swap3A_1820 = vector.shape_cast %mul3A_1814 : vector<2048xf32> to vector<1x1x2048xf32>
    tpu.vector_store %arg4[%swap3A_1815, %swap3A_1816, %swap3A_1817], %swap3A_1820 {strides = array<i32>} : memref<1x1x2048xf32, #tpu.memory_space<vmem>>, vector<1x1x2048xf32>,
    %reshape3A_1821 = vector.shape_cast %dot_general3A_9 : vector<2048x2048xf32> to vector<256x8x2048xf32>
    %slice3A_1822 = vector.extract_strided_slice %reshape3A_1821 {offsets = [0, 0, 0], sizes = [1, 8, 2048], strides = [1, 1, 1]} : vector<256x8x2048xf32> to vector<1x8x2048xf32>
    %squeeze3A_1823 = vector.shape_cast %slice3A_1822 : vector<1x8x2048xf32> to vector<8x2048xf32>
    %broadcast_in_dim3A_1824 = arith.constant 0 : i32
    %broadcast_in_dim3A_1825 = vector.broadcast %broadcast_in_dim3A_1824 : i32 to vector<8x2048xi32>
    %slice3A_1826 = vector.extract_strided_slice %reshape3A_1821 {offsets = [1, 0, 0], sizes = [1, 8, 2048], strides = [1, 1, 1]} : vector<256x8x2048xf32> to vector<1x8x2048xf32>
    %squeeze3A_1827 = vector.shape_cast %slice3A_1826 : vector<1x8x2048xf32> to vector<8x2048xf32>
    %gt3A_1828 = arith.cmpf ogt, %squeeze3A_1827, %squeeze3A_1823 : vector<8x2048xf32>
    %select_n3A_1829 = arith.select %gt3A_1828, %squeeze3A_1827, %squeeze3A_1823 : vector<8x2048xi1>, vector<8x2048xf32>
    %jit3A_1830 = arith.constant 1 : i32
    %broadcast_in_dim3A_1831 = vector.broadcast %jit3A_1830 : i32 to vector<8x2048xi32>
    %select_n3A_1832 = arith.select %gt3A_1828, %broadcast_in_dim3A_1831, %broadcast_in_dim3A_1825 : vector<8x2048xi1>, vector<8x2048xi32>
    %slice3A_1833 = vector.extract_strided_slice %reshape3A_1821 {offsets = [2, 0, 0], sizes = [1, 8, 2048], strides = [1, 1, 1]} : vector<256x8x2048xf32> to vector<1x8x2048xf32>
    %squeeze3A_1834 = vector.shape_cast %slice3A_1833 : vector<1x8x2048xf32> to vector<8x2048xf32>
    %gt3A_1835 = arith.cmpf ogt, %squeeze3A_1834, %select_n3A_1829 : vector<8x2048xf32>
    %select_n3A_1836 = arith.select %gt3A_1835, %squeeze3A_1834, %select_n3A_1829 : vector<8x2048xi1>, vector<8x2048xf32>
    %jit3A_1837 = arith.constant 2 : i32
    %broadcast_in_dim3A_1838 = vector.broadcast %jit3A_1837 : i32 to vector<8x2048xi32>
    %select_n3A_1839 = arith.select %gt3A_1835, %broadcast_in_dim3A_1838, %select_n3A_1832 : vector<8x2048xi1>, vector<8x2048xi32>
    %slice3A_1840 = vector.extract_strided_slice %reshape3A_1821 {offsets = [3, 0, 0], sizes = [1, 8, 2048], strides = [1, 1, 1]} : vector<256x8x2048xf32> to vector<1x8x2048xf32>
    %squeeze3A_1841 = vector.shape_cast %slice3A_1840 : vector<1x8x2048xf32> to vector<8x2048xf32>
    %gt3A_1842 = arith.cmpf ogt, %squeeze3A_1841, %select_n3A_1836 : vector<8x2048xf32>
    %select_n3A_1843 = arith.select %gt3A_1842, %squeeze3A_1841, %select_n3A_1836 : vector<8x2048xi1>, vector<8x2048xf32>
    %jit3A_1844 = arith.constant 3 : i32
    %broadcast_in_dim3A_1845 = vector.broadcast %jit3A_1844 : i32 to vector<8x2048xi32>
    %select_n3A_1846 = arith.select %gt3A_1842, %broadcast_in_dim3A_1845, %select_n3A_1839 : vector<8x2048xi1>, vector<8x2048xi32>
    %slice3A_1847 = vector.extract_strided_slice %reshape3A_1821 {offsets = [4, 0, 0], sizes = [1, 8, 2048], strides = [1, 1, 1]} : vector<256x8x2048xf32> to vector<1x8x2048xf32>
    %squeeze3A_1848 = vector.shape_cast %slice3A_1847 : vector<1x8x2048xf32> to vector<8x2048xf32>
    %gt3A_1849 = arith.cmpf ogt, %squeeze3A_1848, %select_n3A_1843 : vector<8x2048xf32>
    %select_n3A_1850 = arith.select %gt3A_1849, %squeeze3A_1848, %select_n3A_1843 : vector<8x2048xi1>, vector<8x2048xf32>
    %jit3A_1851 = arith.constant 4 : i32
    %broadcast_in_dim3A_1852 = vector.broadcast %jit3A_1851 : i32 to vector<8x2048xi32>
    %select_n3A_1853 = arith.select %gt3A_1849, %broadcast_in_dim3A_1852, %select_n3A_1846 : vector<8x2048xi1>, vector<8x2048xi32>
    %slice3A_1854 = vector.extract_strided_slice %reshape3A_1821 {offsets = [5, 0, 0], sizes = [1, 8, 2048], strides = [1, 1, 1]} : vector<256x8x2048xf32> to vector<1x8x2048xf32>
    %squeeze3A_1855 = vector.shape_cast %slice3A_1854 : vector<1x8x2048xf32> to vector<8x2048xf32>
    %gt3A_1856 = arith.cmpf ogt, %squeeze3A_1855, %select_n3A_1850 : vector<8x2048xf32>
    %select_n3A_1857 = arith.select %gt3A_1856, %squeeze3A_1855, %select_n3A_1850 : vector<8x2048xi1>, vector<8x2048xf32>
    %jit3A_1858 = arith.constant 5 : i32
    %broadcast_in_dim3A_1859 = vector.broadcast %jit3A_1858 : i32 to vector<8x2048xi32>
    %select_n3A_1860 = arith.select %gt3A_1856, %broadcast_in_dim3A_1859, %select_n3A_1853 : vector<8x2048xi1>, vector<8x2048xi32>
    %slice3A_1861 = vector.extract_strided_slice %reshape3A_1821 {offsets = [6, 0, 0], sizes = [1, 8, 2048], strides = [1, 1, 1]} : vector<256x8x2048xf32> to vector<1x8x2048xf32>
    %squeeze3A_1862 = vector.shape_cast %slice3A_1861 : vector<1x8x2048xf32> to vector<8x2048xf32>
    %gt3A_1863 = arith.cmpf ogt, %squeeze3A_1862, %select_n3A_1857 : vector<8x2048xf32>
    %select_n3A_1864 = arith.select %gt3A_1863, %squeeze3A_1862, %select_n3A_1857 : vector<8x2048xi1>, vector<8x2048xf32>
    %jit3A_1865 = arith.constant 6 : i32
    %broadcast_in_dim3A_1866 = vector.broadcast %jit3A_1865 : i32 to vector<8x2048xi32>
    %select_n3A_1867 = arith.select %gt3A_1863, %broadcast_in_dim3A_1866, %select_n3A_1860 : vector<8x2048xi1>, vector<8x2048xi32>
    %slice3A_1868 = vector.extract_strided_slice %reshape3A_1821 {offsets = [7, 0, 0], sizes = [1, 8, 2048], strides = [1, 1, 1]} : vector<256x8x2048xf32> to vector<1x8x2048xf32>
    %squeeze3A_1869 = vector.shape_cast %slice3A_1868 : vector<1x8x2048xf32> to vector<8x2048xf32>
    %gt3A_1870 = arith.cmpf ogt, %squeeze3A_1869, %select_n3A_1864 : vector<8x2048xf32>
    %select_n3A_1871 = arith.select %gt3A_1870, %squeeze3A_1869, %select_n3A_1864 : vector<8x2048xi1>, vector<8x2048xf32>
    %jit3A_1872 = arith.constant 7 : i32
    %broadcast_in_dim3A_1873 = vector.broadcast %jit3A_1872 : i32 to vector<8x2048xi32>
    %select_n3A_1874 = arith.select %gt3A_1870, %broadcast_in_dim3A_1873, %select_n3A_1867 : vector<8x2048xi1>, vector<8x2048xi32>
    %slice3A_1875 = vector.extract_strided_slice %reshape3A_1821 {offsets = [8, 0, 0], sizes = [1, 8, 2048], strides = [1, 1, 1]} : vector<256x8x2048xf32> to vector<1x8x2048xf32>
    %squeeze3A_1876 = vector.shape_cast %slice3A_1875 : vector<1x8x2048xf32> to vector<8x2048xf32>
    %gt3A_1877 = arith.cmpf ogt, %squeeze3A_1876, %select_n3A_1871 : vector<8x2048xf32>
    %select_n3A_1878 = arith.select %gt3A_1877, %squeeze3A_1876, %select_n3A_1871 : vector<8x2048xi1>, vector<8x2048xf32>
    %jit3A_1879 = arith.constant 8 : i32
    %broadcast_in_dim3A_1880 = vector.broadcast %jit3A_1879 : i32 to vector<8x2048xi32>
    %select_n3A_1881 = arith.select %gt3A_1877, %broadcast_in_dim3A_1880, %select_n3A_1874 : vector<8x2048xi1>, vector<8x2048xi32>
    %slice3A_1882 = vector.extract_strided_slice %reshape3A_1821 {offsets = [9, 0, 0], sizes = [1, 8, 2048], strides = [1, 1, 1]} : vector<256x8x2048xf32> to vector<1x8x2048xf32>
    %squeeze3A_1883 = vector.shape_cast %slice3A_1882 : vector<1x8x2048xf32> to vector<8x2048xf32>
    %gt3A_1884 = arith.cmpf ogt, %squeeze3A_1883, %select_n3A_1878 : vector<8x2048xf32>
    %select_n3A_1885 = arith.select %gt3A_1884, %squeeze3A_1883, %select_n3A_1878 : vector<8x2048xi1>, vector<8x2048xf32>
    %jit3A_1886 = arith.constant 9 : i32
    %broadcast_in_dim3A_1887 = vector.broadcast %jit3A_1886 : i32 to vector<8x2048xi32>
    %select_n3A_1888 = arith.select %gt3A_1884, %broadcast_in_dim3A_1887, %select_n3A_1881 : vector<8x2048xi1>, vector<8x2048xi32>
    %slice3A_1889 = vector.extract_strided_slice %reshape3A_1821 {offsets = [10, 0, 0], sizes = [1, 8, 2048], strides = [1, 1, 1]} : vector<256x8x2048xf32> to vector<1x8x2048xf32>
    %squeeze3A_1890 = vector.shape_cast %slice3A_1889 : vector<1x8x2048xf32> to vector<8x2048xf32>
    %gt3A_1891 = arith.cmpf ogt, %squeeze3A_1890, %select_n3A_1885 : vector<8x2048xf32>
    %select_n3A_1892 = arith.select %gt3A_1891, %squeeze3A_1890, %select_n3A_1885 : vector<8x2048xi1>, vector<8x2048xf32>
    %jit3A_1893 = arith.constant 10 : i32
    %broadcast_in_dim3A_1894 = vector.broadcast %jit3A_1893 : i32 to vector<8x2048xi32>
    %select_n3A_1895 = arith.select %gt3A_1891, %broadcast_in_dim3A_1894, %select_n3A_1888 : vector<8x2048xi1>, vector<8x2048xi32>
    %slice3A_1896 = vector.extract_strided_slice %reshape3A_1821 {offsets = [11, 0, 0], sizes = [1, 8, 2048], strides = [1, 1, 1]} : vector<256x8x2048xf32> to vector<1x8x2048xf32>
    %squeeze3A_1897 = vector.shape_cast %slice3A_1896 : vector<1x8x2048xf32> to vector<8x2048xf32>
    %gt3A_1898 = arith.cmpf ogt, %squeeze3A_1897, %select_n3A_1892 : vector<8x2048xf32>
    %select_n3A_1899 = arith.select %gt3A_1898, %squeeze3A_1897, %select_n3A_1892 : vector<8x2048xi1>, vector<8x2048xf32>
    %jit3A_1900 = arith.constant 11 : i32
    %broadcast_in_dim3A_1901 = vector.broadcast %jit3A_1900 : i32 to vector<8x2048xi32>
    %select_n3A_1902 = arith.select %gt3A_1898, %broadcast_in_dim3A_1901, %select_n3A_1895 : vector<8x2048xi1>, vector<8x2048xi32>
    %slice3A_1903 = vector.extract_strided_slice %reshape3A_1821 {offsets = [12, 0, 0], sizes = [1, 8, 2048], strides = [1, 1, 1]} : vector<256x8x2048xf32> to vector<1x8x2048xf32>
    %squeeze3A_1904 = vector.shape_cast %slice3A_1903 : vector<1x8x2048xf32> to vector<8x2048xf32>
    %gt3A_1905 = arith.cmpf ogt, %squeeze3A_1904, %select_n3A_1899 : vector<8x2048xf32>
    %select_n3A_1906 = arith.select %gt3A_1905, %squeeze3A_1904, %select_n3A_1899 : vector<8x2048xi1>, vector<8x2048xf32>
    %jit3A_1907 = arith.constant 12 : i32
    %broadcast_in_dim3A_1908 = vector.broadcast %jit3A_1907 : i32 to vector<8x2048xi32>
    %select_n3A_1909 = arith.select %gt3A_1905, %broadcast_in_dim3A_1908, %select_n3A_1902 : vector<8x2048xi1>, vector<8x2048xi32>
    %slice3A_1910 = vector.extract_strided_slice %reshape3A_1821 {offsets = [13, 0, 0], sizes = [1, 8, 2048], strides = [1, 1, 1]} : vector<256x8x2048xf32> to vector<1x8x2048xf32>
    %squeeze3A_1911 = vector.shape_cast %slice3A_1910 : vector<1x8x2048xf32> to vector<8x2048xf32>
    %gt3A_1912 = arith.cmpf ogt, %squeeze3A_1911, %select_n3A_1906 : vector<8x2048xf32>
    %select_n3A_1913 = arith.select %gt3A_1912, %squeeze3A_1911, %select_n3A_1906 : vector<8x2048xi1>, vector<8x2048xf32>
    %jit3A_1914 = arith.constant 13 : i32
    %broadcast_in_dim3A_1915 = vector.broadcast %jit3A_1914 : i32 to vector<8x2048xi32>
    %select_n3A_1916 = arith.select %gt3A_1912, %broadcast_in_dim3A_1915, %select_n3A_1909 : vector<8x2048xi1>, vector<8x2048xi32>
    %slice3A_1917 = vector.extract_strided_slice %reshape3A_1821 {offsets = [14, 0, 0], sizes = [1, 8, 2048], strides = [1, 1, 1]} : vector<256x8x2048xf32> to vector<1x8x2048xf32>
    %squeeze3A_1918 = vector.shape_cast %slice3A_1917 : vector<1x8x2048xf32> to vector<8x2048xf32>
    %gt3A_1919 = arith.cmpf ogt, %squeeze3A_1918, %select_n3A_1913 : vector<8x2048xf32>
    %select_n3A_1920 = arith.select %gt3A_1919, %squeeze3A_1918, %select_n3A_1913 : vector<8x2048xi1>, vector<8x2048xf32>
    %jit3A_1921 = arith.constant 14 : i32
    %broadcast_in_dim3A_1922 = vector.broadcast %jit3A_1921 : i32 to vector<8x2048xi32>
    %select_n3A_1923 = arith.select %gt3A_1919, %broadcast_in_dim3A_1922, %select_n3A_1916 : vector<8x2048xi1>, vector<8x2048xi32>
    %slice3A_1924 = vector.extract_strided_slice %reshape3A_1821 {offsets = [15, 0, 0], sizes = [1, 8, 2048], strides = [1, 1, 1]} : vector<256x8x2048xf32> to vector<1x8x2048xf32>
    %squeeze3A_1925 = vector.shape_cast %slice3A_1924 : vector<1x8x2048xf32> to vector<8x2048xf32>
    %gt3A_1926 = arith.cmpf ogt, %squeeze3A_1925, %select_n3A_1920 : vector<8x2048xf32>
    %select_n3A_1927 = arith.select %gt3A_1926, %squeeze3A_1925, %select_n3A_1920 : vector<8x2048xi1>, vector<8x2048xf32>
    %jit3A_1928 = arith.constant 15 : i32
    %broadcast_in_dim3A_1929 = vector.broadcast %jit3A_1928 : i32 to vector<8x2048xi32>
    %select_n3A_1930 = arith.select %gt3A_1926, %broadcast_in_dim3A_1929, %select_n3A_1923 : vector<8x2048xi1>, vector<8x2048xi32>
    %slice3A_1931 = vector.extract_strided_slice %reshape3A_1821 {offsets = [16, 0, 0], sizes = [1, 8, 2048], strides = [1, 1, 1]} : vector<256x8x2048xf32> to vector<1x8x2048xf32>
    %squeeze3A_1932 = vector.shape_cast %slice3A_1931 : vector<1x8x2048xf32> to vector<8x2048xf32>
    %gt3A_1933 = arith.cmpf ogt, %squeeze3A_1932, %select_n3A_1927 : vector<8x2048xf32>
    %select_n3A_1934 = arith.select %gt3A_1933, %squeeze3A_1932, %select_n3A_1927 : vector<8x2048xi1>, vector<8x2048xf32>
    %jit3A_1935 = arith.constant 16 : i32
    %broadcast_in_dim3A_1936 = vector.broadcast %jit3A_1935 : i32 to vector<8x2048xi32>
    %select_n3A_1937 = arith.select %gt3A_1933, %broadcast_in_dim3A_1936, %select_n3A_1930 : vector<8x2048xi1>, vector<8x2048xi32>
    %slice3A_1938 = vector.extract_strided_slice %reshape3A_1821 {offsets = [17, 0, 0], sizes = [1, 8, 2048], strides = [1, 1, 1]} : vector<256x8x2048xf32> to vector<1x8x2048xf32>
    %squeeze3A_1939 = vector.shape_cast %slice3A_1938 : vector<1x8x2048xf32> to vector<8x2048xf32>
    %gt3A_1940 = arith.cmpf ogt, %squeeze3A_1939, %select_n3A_1934 : vector<8x2048xf32>
    %select_n3A_1941 = arith.select %gt3A_1940, %squeeze3A_1939, %select_n3A_1934 : vector<8x2048xi1>, vector<8x2048xf32>
    %jit3A_1942 = arith.constant 17 : i32
    %broadcast_in_dim3A_1943 = vector.broadcast %jit3A_1942 : i32 to vector<8x2048xi32>
    %select_n3A_1944 = arith.select %gt3A_1940, %broadcast_in_dim3A_1943, %select_n3A_1937 : vector<8x2048xi1>, vector<8x2048xi32>
    %slice3A_1945 = vector.extract_strided_slice %reshape3A_1821 {offsets = [18, 0, 0], sizes = [1, 8, 2048], strides = [1, 1, 1]} : vector<256x8x2048xf32> to vector<1x8x2048xf32>
    %squeeze3A_1946 = vector.shape_cast %slice3A_1945 : vector<1x8x2048xf32> to vector<8x2048xf32>
    %gt3A_1947 = arith.cmpf ogt, %squeeze3A_1946, %select_n3A_1941 : vector<8x2048xf32>
    %select_n3A_1948 = arith.select %gt3A_1947, %squeeze3A_1946, %select_n3A_1941 : vector<8x2048xi1>, vector<8x2048xf32>
    %jit3A_1949 = arith.constant 18 : i32
    %broadcast_in_dim3A_1950 = vector.broadcast %jit3A_1949 : i32 to vector<8x2048xi32>
    %select_n3A_1951 = arith.select %gt3A_1947, %broadcast_in_dim3A_1950, %select_n3A_1944 : vector<8x2048xi1>, vector<8x2048xi32>
    %slice3A_1952 = vector.extract_strided_slice %reshape3A_1821 {offsets = [19, 0, 0], sizes = [1, 8, 2048], strides = [1, 1, 1]} : vector<256x8x2048xf32> to vector<1x8x2048xf32>
    %squeeze3A_1953 = vector.shape_cast %slice3A_1952 : vector<1x8x2048xf32> to vector<8x2048xf32>
    %gt3A_1954 = arith.cmpf ogt, %squeeze3A_1953, %select_n3A_1948 : vector<8x2048xf32>
    %select_n3A_1955 = arith.select %gt3A_1954, %squeeze3A_1953, %select_n3A_1948 : vector<8x2048xi1>, vector<8x2048xf32>
    %jit3A_1956 = arith.constant 19 : i32
    %broadcast_in_dim3A_1957 = vector.broadcast %jit3A_1956 : i32 to vector<8x2048xi32>
    %select_n3A_1958 = arith.select %gt3A_1954, %broadcast_in_dim3A_1957, %select_n3A_1951 : vector<8x2048xi1>, vector<8x2048xi32>
    %slice3A_1959 = vector.extract_strided_slice %reshape3A_1821 {offsets = [20, 0, 0], sizes = [1, 8, 2048], strides = [1, 1, 1]} : vector<256x8x2048xf32> to vector<1x8x2048xf32>
    %squeeze3A_1960 = vector.shape_cast %slice3A_1959 : vector<1x8x2048xf32> to vector<8x2048xf32>
    %gt3A_1961 = arith.cmpf ogt, %squeeze3A_1960, %select_n3A_1955 : vector<8x2048xf32>
    %select_n3A_1962 = arith.select %gt3A_1961, %squeeze3A_1960, %select_n3A_1955 : vector<8x2048xi1>, vector<8x2048xf32>
    %jit3A_1963 = arith.constant 20 : i32
    %broadcast_in_dim3A_1964 = vector.broadcast %jit3A_1963 : i32 to vector<8x2048xi32>
    %select_n3A_1965 = arith.select %gt3A_1961, %broadcast_in_dim3A_1964, %select_n3A_1958 : vector<8x2048xi1>, vector<8x2048xi32>
    %slice3A_1966 = vector.extract_strided_slice %reshape3A_1821 {offsets = [21, 0, 0], sizes = [1, 8, 2048], strides = [1, 1, 1]} : vector<256x8x2048xf32> to vector<1x8x2048xf32>
    %squeeze3A_1967 = vector.shape_cast %slice3A_1966 : vector<1x8x2048xf32> to vector<8x2048xf32>
    %gt3A_1968 = arith.cmpf ogt, %squeeze3A_1967, %select_n3A_1962 : vector<8x2048xf32>
    %select_n3A_1969 = arith.select %gt3A_1968, %squeeze3A_1967, %select_n3A_1962 : vector<8x2048xi1>, vector<8x2048xf32>
    %jit3A_1970 = arith.constant 21 : i32
    %broadcast_in_dim3A_1971 = vector.broadcast %jit3A_1970 : i32 to vector<8x2048xi32>
    %select_n3A_1972 = arith.select %gt3A_1968, %broadcast_in_dim3A_1971, %select_n3A_1965 : vector<8x2048xi1>, vector<8x2048xi32>
    %slice3A_1973 = vector.extract_strided_slice %reshape3A_1821 {offsets = [22, 0, 0], sizes = [1, 8, 2048], strides = [1, 1, 1]} : vector<256x8x2048xf32> to vector<1x8x2048xf32>
    %squeeze3A_1974 = vector.shape_cast %slice3A_1973 : vector<1x8x2048xf32> to vector<8x2048xf32>
    %gt3A_1975 = arith.cmpf ogt, %squeeze3A_1974, %select_n3A_1969 : vector<8x2048xf32>
    %select_n3A_1976 = arith.select %gt3A_1975, %squeeze3A_1974, %select_n3A_1969 : vector<8x2048xi1>, vector<8x2048xf32>
    %jit3A_1977 = arith.constant 22 : i32
    %broadcast_in_dim3A_1978 = vector.broadcast %jit3A_1977 : i32 to vector<8x2048xi32>
    %select_n3A_1979 = arith.select %gt3A_1975, %broadcast_in_dim3A_1978, %select_n3A_1972 : vector<8x2048xi1>, vector<8x2048xi32>
    %slice3A_1980 = vector.extract_strided_slice %reshape3A_1821 {offsets = [23, 0, 0], sizes = [1, 8, 2048], strides = [1, 1, 1]} : vector<256x8x2048xf32> to vector<1x8x2048xf32>
    %squeeze3A_1981 = vector.shape_cast %slice3A_1980 : vector<1x8x2048xf32> to vector<8x2048xf32>
    %gt3A_1982 = arith.cmpf ogt, %squeeze3A_1981, %select_n3A_1976 : vector<8x2048xf32>
    %select_n3A_1983 = arith.select %gt3A_1982, %squeeze3A_1981, %select_n3A_1976 : vector<8x2048xi1>, vector<8x2048xf32>
    %jit3A_1984 = arith.constant 23 : i32
    %broadcast_in_dim3A_1985 = vector.broadcast %jit3A_1984 : i32 to vector<8x2048xi32>
    %select_n3A_1986 = arith.select %gt3A_1982, %broadcast_in_dim3A_1985, %select_n3A_1979 : vector<8x2048xi1>, vector<8x2048xi32>
    %slice3A_1987 = vector.extract_strided_slice %reshape3A_1821 {offsets = [24, 0, 0], sizes = [1, 8, 2048], strides = [1, 1, 1]} : vector<256x8x2048xf32> to vector<1x8x2048xf32>
    %squeeze3A_1988 = vector.shape_cast %slice3A_1987 : vector<1x8x2048xf32> to vector<8x2048xf32>
    %gt3A_1989 = arith.cmpf ogt, %squeeze3A_1988, %select_n3A_1983 : vector<8x2048xf32>
    %select_n3A_1990 = arith.select %gt3A_1989, %squeeze3A_1988, %select_n3A_1983 : vector<8x2048xi1>, vector<8x2048xf32>
    %jit3A_1991 = arith.constant 24 : i32
    %broadcast_in_dim3A_1992 = vector.broadcast %jit3A_1991 : i32 to vector<8x2048xi32>
    %select_n3A_1993 = arith.select %gt3A_1989, %broadcast_in_dim3A_1992, %select_n3A_1986 : vector<8x2048xi1>, vector<8x2048xi32>
    %slice3A_1994 = vector.extract_strided_slice %reshape3A_1821 {offsets = [25, 0, 0], sizes = [1, 8, 2048], strides = [1, 1, 1]} : vector<256x8x2048xf32> to vector<1x8x2048xf32>
    %squeeze3A_1995 = vector.shape_cast %slice3A_1994 : vector<1x8x2048xf32> to vector<8x2048xf32>
    %gt3A_1996 = arith.cmpf ogt, %squeeze3A_1995, %select_n3A_1990 : vector<8x2048xf32>
    %select_n3A_1997 = arith.select %gt3A_1996, %squeeze3A_1995, %select_n3A_1990 : vector<8x2048xi1>, vector<8x2048xf32>
    %jit3A_1998 = arith.constant 25 : i32
    %broadcast_in_dim3A_1999 = vector.broadcast %jit3A_1998 : i32 to vector<8x2048xi32>
    %select_n3A_2000 = arith.select %gt3A_1996, %broadcast_in_dim3A_1999, %select_n3A_1993 : vector<8x2048xi1>, vector<8x2048xi32>
    %slice3A_2001 = vector.extract_strided_slice %reshape3A_1821 {offsets = [26, 0, 0], sizes = [1, 8, 2048], strides = [1, 1, 1]} : vector<256x8x2048xf32> to vector<1x8x2048xf32>
    %squeeze3A_2002 = vector.shape_cast %slice3A_2001 : vector<1x8x2048xf32> to vector<8x2048xf32>
    %gt3A_2003 = arith.cmpf ogt, %squeeze3A_2002, %select_n3A_1997 : vector<8x2048xf32>
    %select_n3A_2004 = arith.select %gt3A_2003, %squeeze3A_2002, %select_n3A_1997 : vector<8x2048xi1>, vector<8x2048xf32>
    %jit3A_2005 = arith.constant 26 : i32
    %broadcast_in_dim3A_2006 = vector.broadcast %jit3A_2005 : i32 to vector<8x2048xi32>
    %select_n3A_2007 = arith.select %gt3A_2003, %broadcast_in_dim3A_2006, %select_n3A_2000 : vector<8x2048xi1>, vector<8x2048xi32>
    %slice3A_2008 = vector.extract_strided_slice %reshape3A_1821 {offsets = [27, 0, 0], sizes = [1, 8, 2048], strides = [1, 1, 1]} : vector<256x8x2048xf32> to vector<1x8x2048xf32>
    %squeeze3A_2009 = vector.shape_cast %slice3A_2008 : vector<1x8x2048xf32> to vector<8x2048xf32>
    %gt3A_2010 = arith.cmpf ogt, %squeeze3A_2009, %select_n3A_2004 : vector<8x2048xf32>
    %select_n3A_2011 = arith.select %gt3A_2010, %squeeze3A_2009, %select_n3A_2004 : vector<8x2048xi1>, vector<8x2048xf32>
    %jit3A_2012 = arith.constant 27 : i32
    %broadcast_in_dim3A_2013 = vector.broadcast %jit3A_2012 : i32 to vector<8x2048xi32>
    %select_n3A_2014 = arith.select %gt3A_2010, %broadcast_in_dim3A_2013, %select_n3A_2007 : vector<8x2048xi1>, vector<8x2048xi32>
    %slice3A_2015 = vector.extract_strided_slice %reshape3A_1821 {offsets = [28, 0, 0], sizes = [1, 8, 2048], strides = [1, 1, 1]} : vector<256x8x2048xf32> to vector<1x8x2048xf32>
    %squeeze3A_2016 = vector.shape_cast %slice3A_2015 : vector<1x8x2048xf32> to vector<8x2048xf32>
    %gt3A_2017 = arith.cmpf ogt, %squeeze3A_2016, %select_n3A_2011 : vector<8x2048xf32>
    %select_n3A_2018 = arith.select %gt3A_2017, %squeeze3A_2016, %select_n3A_2011 : vector<8x2048xi1>, vector<8x2048xf32>
    %jit3A_2019 = arith.constant 28 : i32
    %broadcast_in_dim3A_2020 = vector.broadcast %jit3A_2019 : i32 to vector<8x2048xi32>
    %select_n3A_2021 = arith.select %gt3A_2017, %broadcast_in_dim3A_2020, %select_n3A_2014 : vector<8x2048xi1>, vector<8x2048xi32>
    %slice3A_2022 = vector.extract_strided_slice %reshape3A_1821 {offsets = [29, 0, 0], sizes = [1, 8, 2048], strides = [1, 1, 1]} : vector<256x8x2048xf32> to vector<1x8x2048xf32>
    %squeeze3A_2023 = vector.shape_cast %slice3A_2022 : vector<1x8x2048xf32> to vector<8x2048xf32>
    %gt3A_2024 = arith.cmpf ogt, %squeeze3A_2023, %select_n3A_2018 : vector<8x2048xf32>
    %select_n3A_2025 = arith.select %gt3A_2024, %squeeze3A_2023, %select_n3A_2018 : vector<8x2048xi1>, vector<8x2048xf32>
    %jit3A_2026 = arith.constant 29 : i32
    %broadcast_in_dim3A_2027 = vector.broadcast %jit3A_2026 : i32 to vector<8x2048xi32>
    %select_n3A_2028 = arith.select %gt3A_2024, %broadcast_in_dim3A_2027, %select_n3A_2021 : vector<8x2048xi1>, vector<8x2048xi32>
    %slice3A_2029 = vector.extract_strided_slice %reshape3A_1821 {offsets = [30, 0, 0], sizes = [1, 8, 2048], strides = [1, 1, 1]} : vector<256x8x2048xf32> to vector<1x8x2048xf32>
    %squeeze3A_2030 = vector.shape_cast %slice3A_2029 : vector<1x8x2048xf32> to vector<8x2048xf32>
    %gt3A_2031 = arith.cmpf ogt, %squeeze3A_2030, %select_n3A_2025 : vector<8x2048xf32>
    %select_n3A_2032 = arith.select %gt3A_2031, %squeeze3A_2030, %select_n3A_2025 : vector<8x2048xi1>, vector<8x2048xf32>
    %jit3A_2033 = arith.constant 30 : i32
    %broadcast_in_dim3A_2034 = vector.broadcast %jit3A_2033 : i32 to vector<8x2048xi32>
    %select_n3A_2035 = arith.select %gt3A_2031, %broadcast_in_dim3A_2034, %select_n3A_2028 : vector<8x2048xi1>, vector<8x2048xi32>
    %slice3A_2036 = vector.extract_strided_slice %reshape3A_1821 {offsets = [31, 0, 0], sizes = [1, 8, 2048], strides = [1, 1, 1]} : vector<256x8x2048xf32> to vector<1x8x2048xf32>
    %squeeze3A_2037 = vector.shape_cast %slice3A_2036 : vector<1x8x2048xf32> to vector<8x2048xf32>
    %gt3A_2038 = arith.cmpf ogt, %squeeze3A_2037, %select_n3A_2032 : vector<8x2048xf32>
    %select_n3A_2039 = arith.select %gt3A_2038, %squeeze3A_2037, %select_n3A_2032 : vector<8x2048xi1>, vector<8x2048xf32>
    %jit3A_2040 = arith.constant 31 : i32
    %broadcast_in_dim3A_2041 = vector.broadcast %jit3A_2040 : i32 to vector<8x2048xi32>
    %select_n3A_2042 = arith.select %gt3A_2038, %broadcast_in_dim3A_2041, %select_n3A_2035 : vector<8x2048xi1>, vector<8x2048xi32>
    %slice3A_2043 = vector.extract_strided_slice %reshape3A_1821 {offsets = [32, 0, 0], sizes = [1, 8, 2048], strides = [1, 1, 1]} : vector<256x8x2048xf32> to vector<1x8x2048xf32>
    %squeeze3A_2044 = vector.shape_cast %slice3A_2043 : vector<1x8x2048xf32> to vector<8x2048xf32>
    %gt3A_2045 = arith.cmpf ogt, %squeeze3A_2044, %select_n3A_2039 : vector<8x2048xf32>
    %select_n3A_2046 = arith.select %gt3A_2045, %squeeze3A_2044, %select_n3A_2039 : vector<8x2048xi1>, vector<8x2048xf32>
    %jit3A_2047 = arith.constant 32 : i32
    %broadcast_in_dim3A_2048 = vector.broadcast %jit3A_2047 : i32 to vector<8x2048xi32>
    %select_n3A_2049 = arith.select %gt3A_2045, %broadcast_in_dim3A_2048, %select_n3A_2042 : vector<8x2048xi1>, vector<8x2048xi32>
    %slice3A_2050 = vector.extract_strided_slice %reshape3A_1821 {offsets = [33, 0, 0], sizes = [1, 8, 2048], strides = [1, 1, 1]} : vector<256x8x2048xf32> to vector<1x8x2048xf32>
    %squeeze3A_2051 = vector.shape_cast %slice3A_2050 : vector<1x8x2048xf32> to vector<8x2048xf32>
    %gt3A_2052 = arith.cmpf ogt, %squeeze3A_2051, %select_n3A_2046 : vector<8x2048xf32>
    %select_n3A_2053 = arith.select %gt3A_2052, %squeeze3A_2051, %select_n3A_2046 : vector<8x2048xi1>, vector<8x2048xf32>
    %jit3A_2054 = arith.constant 33 : i32
    %broadcast_in_dim3A_2055 = vector.broadcast %jit3A_2054 : i32 to vector<8x2048xi32>
    %select_n3A_2056 = arith.select %gt3A_2052, %broadcast_in_dim3A_2055, %select_n3A_2049 : vector<8x2048xi1>, vector<8x2048xi32>
    %slice3A_2057 = vector.extract_strided_slice %reshape3A_1821 {offsets = [34, 0, 0], sizes = [1, 8, 2048], strides = [1, 1, 1]} : vector<256x8x2048xf32> to vector<1x8x2048xf32>
    %squeeze3A_2058 = vector.shape_cast %slice3A_2057 : vector<1x8x2048xf32> to vector<8x2048xf32>
    %gt3A_2059 = arith.cmpf ogt, %squeeze3A_2058, %select_n3A_2053 : vector<8x2048xf32>
    %select_n3A_2060 = arith.select %gt3A_2059, %squeeze3A_2058, %select_n3A_2053 : vector<8x2048xi1>, vector<8x2048xf32>
    %jit3A_2061 = arith.constant 34 : i32
    %broadcast_in_dim3A_2062 = vector.broadcast %jit3A_2061 : i32 to vector<8x2048xi32>
    %select_n3A_2063 = arith.select %gt3A_2059, %broadcast_in_dim3A_2062, %select_n3A_2056 : vector<8x2048xi1>, vector<8x2048xi32>
    %slice3A_2064 = vector.extract_strided_slice %reshape3A_1821 {offsets = [35, 0, 0], sizes = [1, 8, 2048], strides = [1, 1, 1]} : vector<256x8x2048xf32> to vector<1x8x2048xf32>
    %squeeze3A_2065 = vector.shape_cast %slice3A_2064 : vector<1x8x2048xf32> to vector<8x2048xf32>
    %gt3A_2066 = arith.cmpf ogt, %squeeze3A_2065, %select_n3A_2060 : vector<8x2048xf32>
    %select_n3A_2067 = arith.select %gt3A_2066, %squeeze3A_2065, %select_n3A_2060 : vector<8x2048xi1>, vector<8x2048xf32>
    %jit3A_2068 = arith.constant 35 : i32
    %broadcast_in_dim3A_2069 = vector.broadcast %jit3A_2068 : i32 to vector<8x2048xi32>
    %select_n3A_2070 = arith.select %gt3A_2066, %broadcast_in_dim3A_2069, %select_n3A_2063 : vector<8x2048xi1>, vector<8x2048xi32>
    %slice3A_2071 = vector.extract_strided_slice %reshape3A_1821 {offsets = [36, 0, 0], sizes = [1, 8, 2048], strides = [1, 1, 1]} : vector<256x8x2048xf32> to vector<1x8x2048xf32>
    %squeeze3A_2072 = vector.shape_cast %slice3A_2071 : vector<1x8x2048xf32> to vector<8x2048xf32>
    %gt3A_2073 = arith.cmpf ogt, %squeeze3A_2072, %select_n3A_2067 : vector<8x2048xf32>
    %select_n3A_2074 = arith.select %gt3A_2073, %squeeze3A_2072, %select_n3A_2067 : vector<8x2048xi1>, vector<8x2048xf32>
    %jit3A_2075 = arith.constant 36 : i32
    %broadcast_in_dim3A_2076 = vector.broadcast %jit3A_2075 : i32 to vector<8x2048xi32>
    %select_n3A_2077 = arith.select %gt3A_2073, %broadcast_in_dim3A_2076, %select_n3A_2070 : vector<8x2048xi1>, vector<8x2048xi32>
    %slice3A_2078 = vector.extract_strided_slice %reshape3A_1821 {offsets = [37, 0, 0], sizes = [1, 8, 2048], strides = [1, 1, 1]} : vector<256x8x2048xf32> to vector<1x8x2048xf32>
    %squeeze3A_2079 = vector.shape_cast %slice3A_2078 : vector<1x8x2048xf32> to vector<8x2048xf32>
    %gt3A_2080 = arith.cmpf ogt, %squeeze3A_2079, %select_n3A_2074 : vector<8x2048xf32>
    %select_n3A_2081 = arith.select %gt3A_2080, %squeeze3A_2079, %select_n3A_2074 : vector<8x2048xi1>, vector<8x2048xf32>
    %jit3A_2082 = arith.constant 37 : i32
    %broadcast_in_dim3A_2083 = vector.broadcast %jit3A_2082 : i32 to vector<8x2048xi32>
    %select_n3A_2084 = arith.select %gt3A_2080, %broadcast_in_dim3A_2083, %select_n3A_2077 : vector<8x2048xi1>, vector<8x2048xi32>
    %slice3A_2085 = vector.extract_strided_slice %reshape3A_1821 {offsets = [38, 0, 0], sizes = [1, 8, 2048], strides = [1, 1, 1]} : vector<256x8x2048xf32> to vector<1x8x2048xf32>
    %squeeze3A_2086 = vector.shape_cast %slice3A_2085 : vector<1x8x2048xf32> to vector<8x2048xf32>
    %gt3A_2087 = arith.cmpf ogt, %squeeze3A_2086, %select_n3A_2081 : vector<8x2048xf32>
    %select_n3A_2088 = arith.select %gt3A_2087, %squeeze3A_2086, %select_n3A_2081 : vector<8x2048xi1>, vector<8x2048xf32>
    %jit3A_2089 = arith.constant 38 : i32
    %broadcast_in_dim3A_2090 = vector.broadcast %jit3A_2089 : i32 to vector<8x2048xi32>
    %select_n3A_2091 = arith.select %gt3A_2087, %broadcast_in_dim3A_2090, %select_n3A_2084 : vector<8x2048xi1>, vector<8x2048xi32>
    %slice3A_2092 = vector.extract_strided_slice %reshape3A_1821 {offsets = [39, 0, 0], sizes = [1, 8, 2048], strides = [1, 1, 1]} : vector<256x8x2048xf32> to vector<1x8x2048xf32>
    %squeeze3A_2093 = vector.shape_cast %slice3A_2092 : vector<1x8x2048xf32> to vector<8x2048xf32>
    %gt3A_2094 = arith.cmpf ogt, %squeeze3A_2093, %select_n3A_2088 : vector<8x2048xf32>
    %select_n3A_2095 = arith.select %gt3A_2094, %squeeze3A_2093, %select_n3A_2088 : vector<8x2048xi1>, vector<8x2048xf32>
    %jit3A_2096 = arith.constant 39 : i32
    %broadcast_in_dim3A_2097 = vector.broadcast %jit3A_2096 : i32 to vector<8x2048xi32>
    %select_n3A_2098 = arith.select %gt3A_2094, %broadcast_in_dim3A_2097, %select_n3A_2091 : vector<8x2048xi1>, vector<8x2048xi32>
    %slice3A_2099 = vector.extract_strided_slice %reshape3A_1821 {offsets = [40, 0, 0], sizes = [1, 8, 2048], strides = [1, 1, 1]} : vector<256x8x2048xf32> to vector<1x8x2048xf32>
    %squeeze3A_2100 = vector.shape_cast %slice3A_2099 : vector<1x8x2048xf32> to vector<8x2048xf32>
    %gt3A_2101 = arith.cmpf ogt, %squeeze3A_2100, %select_n3A_2095 : vector<8x2048xf32>
    %select_n3A_2102 = arith.select %gt3A_2101, %squeeze3A_2100, %select_n3A_2095 : vector<8x2048xi1>, vector<8x2048xf32>
    %jit3A_2103 = arith.constant 40 : i32
    %broadcast_in_dim3A_2104 = vector.broadcast %jit3A_2103 : i32 to vector<8x2048xi32>
    %select_n3A_2105 = arith.select %gt3A_2101, %broadcast_in_dim3A_2104, %select_n3A_2098 : vector<8x2048xi1>, vector<8x2048xi32>
    %slice3A_2106 = vector.extract_strided_slice %reshape3A_1821 {offsets = [41, 0, 0], sizes = [1, 8, 2048], strides = [1, 1, 1]} : vector<256x8x2048xf32> to vector<1x8x2048xf32>
    %squeeze3A_2107 = vector.shape_cast %slice3A_2106 : vector<1x8x2048xf32> to vector<8x2048xf32>
    %gt3A_2108 = arith.cmpf ogt, %squeeze3A_2107, %select_n3A_2102 : vector<8x2048xf32>
    %select_n3A_2109 = arith.select %gt3A_2108, %squeeze3A_2107, %select_n3A_2102 : vector<8x2048xi1>, vector<8x2048xf32>
    %jit3A_2110 = arith.constant 41 : i32
    %broadcast_in_dim3A_2111 = vector.broadcast %jit3A_2110 : i32 to vector<8x2048xi32>
    %select_n3A_2112 = arith.select %gt3A_2108, %broadcast_in_dim3A_2111, %select_n3A_2105 : vector<8x2048xi1>, vector<8x2048xi32>
    %slice3A_2113 = vector.extract_strided_slice %reshape3A_1821 {offsets = [42, 0, 0], sizes = [1, 8, 2048], strides = [1, 1, 1]} : vector<256x8x2048xf32> to vector<1x8x2048xf32>
    %squeeze3A_2114 = vector.shape_cast %slice3A_2113 : vector<1x8x2048xf32> to vector<8x2048xf32>
    %gt3A_2115 = arith.cmpf ogt, %squeeze3A_2114, %select_n3A_2109 : vector<8x2048xf32>
    %select_n3A_2116 = arith.select %gt3A_2115, %squeeze3A_2114, %select_n3A_2109 : vector<8x2048xi1>, vector<8x2048xf32>
    %jit3A_2117 = arith.constant 42 : i32
    %broadcast_in_dim3A_2118 = vector.broadcast %jit3A_2117 : i32 to vector<8x2048xi32>
    %select_n3A_2119 = arith.select %gt3A_2115, %broadcast_in_dim3A_2118, %select_n3A_2112 : vector<8x2048xi1>, vector<8x2048xi32>
    %slice3A_2120 = vector.extract_strided_slice %reshape3A_1821 {offsets = [43, 0, 0], sizes = [1, 8, 2048], strides = [1, 1, 1]} : vector<256x8x2048xf32> to vector<1x8x2048xf32>
    %squeeze3A_2121 = vector.shape_cast %slice3A_2120 : vector<1x8x2048xf32> to vector<8x2048xf32>
    %gt3A_2122 = arith.cmpf ogt, %squeeze3A_2121, %select_n3A_2116 : vector<8x2048xf32>
    %select_n3A_2123 = arith.select %gt3A_2122, %squeeze3A_2121, %select_n3A_2116 : vector<8x2048xi1>, vector<8x2048xf32>
    %jit3A_2124 = arith.constant 43 : i32
    %broadcast_in_dim3A_2125 = vector.broadcast %jit3A_2124 : i32 to vector<8x2048xi32>
    %select_n3A_2126 = arith.select %gt3A_2122, %broadcast_in_dim3A_2125, %select_n3A_2119 : vector<8x2048xi1>, vector<8x2048xi32>
    %slice3A_2127 = vector.extract_strided_slice %reshape3A_1821 {offsets = [44, 0, 0], sizes = [1, 8, 2048], strides = [1, 1, 1]} : vector<256x8x2048xf32> to vector<1x8x2048xf32>
    %squeeze3A_2128 = vector.shape_cast %slice3A_2127 : vector<1x8x2048xf32> to vector<8x2048xf32>
    %gt3A_2129 = arith.cmpf ogt, %squeeze3A_2128, %select_n3A_2123 : vector<8x2048xf32>
    %select_n3A_2130 = arith.select %gt3A_2129, %squeeze3A_2128, %select_n3A_2123 : vector<8x2048xi1>, vector<8x2048xf32>
    %jit3A_2131 = arith.constant 44 : i32
    %broadcast_in_dim3A_2132 = vector.broadcast %jit3A_2131 : i32 to vector<8x2048xi32>
    %select_n3A_2133 = arith.select %gt3A_2129, %broadcast_in_dim3A_2132, %select_n3A_2126 : vector<8x2048xi1>, vector<8x2048xi32>
    %slice3A_2134 = vector.extract_strided_slice %reshape3A_1821 {offsets = [45, 0, 0], sizes = [1, 8, 2048], strides = [1, 1, 1]} : vector<256x8x2048xf32> to vector<1x8x2048xf32>
    %squeeze3A_2135 = vector.shape_cast %slice3A_2134 : vector<1x8x2048xf32> to vector<8x2048xf32>
    %gt3A_2136 = arith.cmpf ogt, %squeeze3A_2135, %select_n3A_2130 : vector<8x2048xf32>
    %select_n3A_2137 = arith.select %gt3A_2136, %squeeze3A_2135, %select_n3A_2130 : vector<8x2048xi1>, vector<8x2048xf32>
    %jit3A_2138 = arith.constant 45 : i32
    %broadcast_in_dim3A_2139 = vector.broadcast %jit3A_2138 : i32 to vector<8x2048xi32>
    %select_n3A_2140 = arith.select %gt3A_2136, %broadcast_in_dim3A_2139, %select_n3A_2133 : vector<8x2048xi1>, vector<8x2048xi32>
    %slice3A_2141 = vector.extract_strided_slice %reshape3A_1821 {offsets = [46, 0, 0], sizes = [1, 8, 2048], strides = [1, 1, 1]} : vector<256x8x2048xf32> to vector<1x8x2048xf32>
    %squeeze3A_2142 = vector.shape_cast %slice3A_2141 : vector<1x8x2048xf32> to vector<8x2048xf32>
    %gt3A_2143 = arith.cmpf ogt, %squeeze3A_2142, %select_n3A_2137 : vector<8x2048xf32>
    %select_n3A_2144 = arith.select %gt3A_2143, %squeeze3A_2142, %select_n3A_2137 : vector<8x2048xi1>, vector<8x2048xf32>
    %jit3A_2145 = arith.constant 46 : i32
    %broadcast_in_dim3A_2146 = vector.broadcast %jit3A_2145 : i32 to vector<8x2048xi32>
    %select_n3A_2147 = arith.select %gt3A_2143, %broadcast_in_dim3A_2146, %select_n3A_2140 : vector<8x2048xi1>, vector<8x2048xi32>
    %slice3A_2148 = vector.extract_strided_slice %reshape3A_1821 {offsets = [47, 0, 0], sizes = [1, 8, 2048], strides = [1, 1, 1]} : vector<256x8x2048xf32> to vector<1x8x2048xf32>
    %squeeze3A_2149 = vector.shape_cast %slice3A_2148 : vector<1x8x2048xf32> to vector<8x2048xf32>
    %gt3A_2150 = arith.cmpf ogt, %squeeze3A_2149, %select_n3A_2144 : vector<8x2048xf32>
    %select_n3A_2151 = arith.select %gt3A_2150, %squeeze3A_2149, %select_n3A_2144 : vector<8x2048xi1>, vector<8x2048xf32>
    %jit3A_2152 = arith.constant 47 : i32
    %broadcast_in_dim3A_2153 = vector.broadcast %jit3A_2152 : i32 to vector<8x2048xi32>
    %select_n3A_2154 = arith.select %gt3A_2150, %broadcast_in_dim3A_2153, %select_n3A_2147 : vector<8x2048xi1>, vector<8x2048xi32>
    %slice3A_2155 = vector.extract_strided_slice %reshape3A_1821 {offsets = [48, 0, 0], sizes = [1, 8, 2048], strides = [1, 1, 1]} : vector<256x8x2048xf32> to vector<1x8x2048xf32>
    %squeeze3A_2156 = vector.shape_cast %slice3A_2155 : vector<1x8x2048xf32> to vector<8x2048xf32>
    %gt3A_2157 = arith.cmpf ogt, %squeeze3A_2156, %select_n3A_2151 : vector<8x2048xf32>
    %select_n3A_2158 = arith.select %gt3A_2157, %squeeze3A_2156, %select_n3A_2151 : vector<8x2048xi1>, vector<8x2048xf32>
    %jit3A_2159 = arith.constant 48 : i32
    %broadcast_in_dim3A_2160 = vector.broadcast %jit3A_2159 : i32 to vector<8x2048xi32>
    %select_n3A_2161 = arith.select %gt3A_2157, %broadcast_in_dim3A_2160, %select_n3A_2154 : vector<8x2048xi1>, vector<8x2048xi32>
    %slice3A_2162 = vector.extract_strided_slice %reshape3A_1821 {offsets = [49, 0, 0], sizes = [1, 8, 2048], strides = [1, 1, 1]} : vector<256x8x2048xf32> to vector<1x8x2048xf32>
    %squeeze3A_2163 = vector.shape_cast %slice3A_2162 : vector<1x8x2048xf32> to vector<8x2048xf32>
    %gt3A_2164 = arith.cmpf ogt, %squeeze3A_2163, %select_n3A_2158 : vector<8x2048xf32>
    %select_n3A_2165 = arith.select %gt3A_2164, %squeeze3A_2163, %select_n3A_2158 : vector<8x2048xi1>, vector<8x2048xf32>
    %jit3A_2166 = arith.constant 49 : i32
    %broadcast_in_dim3A_2167 = vector.broadcast %jit3A_2166 : i32 to vector<8x2048xi32>
    %select_n3A_2168 = arith.select %gt3A_2164, %broadcast_in_dim3A_2167, %select_n3A_2161 : vector<8x2048xi1>, vector<8x2048xi32>
    %slice3A_2169 = vector.extract_strided_slice %reshape3A_1821 {offsets = [50, 0, 0], sizes = [1, 8, 2048], strides = [1, 1, 1]} : vector<256x8x2048xf32> to vector<1x8x2048xf32>
    %squeeze3A_2170 = vector.shape_cast %slice3A_2169 : vector<1x8x2048xf32> to vector<8x2048xf32>
    %gt3A_2171 = arith.cmpf ogt, %squeeze3A_2170, %select_n3A_2165 : vector<8x2048xf32>
    %select_n3A_2172 = arith.select %gt3A_2171, %squeeze3A_2170, %select_n3A_2165 : vector<8x2048xi1>, vector<8x2048xf32>
    %jit3A_2173 = arith.constant 50 : i32
    %broadcast_in_dim3A_2174 = vector.broadcast %jit3A_2173 : i32 to vector<8x2048xi32>
    %select_n3A_2175 = arith.select %gt3A_2171, %broadcast_in_dim3A_2174, %select_n3A_2168 : vector<8x2048xi1>, vector<8x2048xi32>
    %slice3A_2176 = vector.extract_strided_slice %reshape3A_1821 {offsets = [51, 0, 0], sizes = [1, 8, 2048], strides = [1, 1, 1]} : vector<256x8x2048xf32> to vector<1x8x2048xf32>
    %squeeze3A_2177 = vector.shape_cast %slice3A_2176 : vector<1x8x2048xf32> to vector<8x2048xf32>
    %gt3A_2178 = arith.cmpf ogt, %squeeze3A_2177, %select_n3A_2172 : vector<8x2048xf32>
    %select_n3A_2179 = arith.select %gt3A_2178, %squeeze3A_2177, %select_n3A_2172 : vector<8x2048xi1>, vector<8x2048xf32>
    %jit3A_2180 = arith.constant 51 : i32
    %broadcast_in_dim3A_2181 = vector.broadcast %jit3A_2180 : i32 to vector<8x2048xi32>
    %select_n3A_2182 = arith.select %gt3A_2178, %broadcast_in_dim3A_2181, %select_n3A_2175 : vector<8x2048xi1>, vector<8x2048xi32>
    %slice3A_2183 = vector.extract_strided_slice %reshape3A_1821 {offsets = [52, 0, 0], sizes = [1, 8, 2048], strides = [1, 1, 1]} : vector<256x8x2048xf32> to vector<1x8x2048xf32>
    %squeeze3A_2184 = vector.shape_cast %slice3A_2183 : vector<1x8x2048xf32> to vector<8x2048xf32>
    %gt3A_2185 = arith.cmpf ogt, %squeeze3A_2184, %select_n3A_2179 : vector<8x2048xf32>
    %select_n3A_2186 = arith.select %gt3A_2185, %squeeze3A_2184, %select_n3A_2179 : vector<8x2048xi1>, vector<8x2048xf32>
    %jit3A_2187 = arith.constant 52 : i32
    %broadcast_in_dim3A_2188 = vector.broadcast %jit3A_2187 : i32 to vector<8x2048xi32>
    %select_n3A_2189 = arith.select %gt3A_2185, %broadcast_in_dim3A_2188, %select_n3A_2182 : vector<8x2048xi1>, vector<8x2048xi32>
    %slice3A_2190 = vector.extract_strided_slice %reshape3A_1821 {offsets = [53, 0, 0], sizes = [1, 8, 2048], strides = [1, 1, 1]} : vector<256x8x2048xf32> to vector<1x8x2048xf32>
    %squeeze3A_2191 = vector.shape_cast %slice3A_2190 : vector<1x8x2048xf32> to vector<8x2048xf32>
    %gt3A_2192 = arith.cmpf ogt, %squeeze3A_2191, %select_n3A_2186 : vector<8x2048xf32>
    %select_n3A_2193 = arith.select %gt3A_2192, %squeeze3A_2191, %select_n3A_2186 : vector<8x2048xi1>, vector<8x2048xf32>
    %jit3A_2194 = arith.constant 53 : i32
    %broadcast_in_dim3A_2195 = vector.broadcast %jit3A_2194 : i32 to vector<8x2048xi32>
    %select_n3A_2196 = arith.select %gt3A_2192, %broadcast_in_dim3A_2195, %select_n3A_2189 : vector<8x2048xi1>, vector<8x2048xi32>
    %slice3A_2197 = vector.extract_strided_slice %reshape3A_1821 {offsets = [54, 0, 0], sizes = [1, 8, 2048], strides = [1, 1, 1]} : vector<256x8x2048xf32> to vector<1x8x2048xf32>
    %squeeze3A_2198 = vector.shape_cast %slice3A_2197 : vector<1x8x2048xf32> to vector<8x2048xf32>
    %gt3A_2199 = arith.cmpf ogt, %squeeze3A_2198, %select_n3A_2193 : vector<8x2048xf32>
    %select_n3A_2200 = arith.select %gt3A_2199, %squeeze3A_2198, %select_n3A_2193 : vector<8x2048xi1>, vector<8x2048xf32>
    %jit3A_2201 = arith.constant 54 : i32
    %broadcast_in_dim3A_2202 = vector.broadcast %jit3A_2201 : i32 to vector<8x2048xi32>
    %select_n3A_2203 = arith.select %gt3A_2199, %broadcast_in_dim3A_2202, %select_n3A_2196 : vector<8x2048xi1>, vector<8x2048xi32>
    %slice3A_2204 = vector.extract_strided_slice %reshape3A_1821 {offsets = [55, 0, 0], sizes = [1, 8, 2048], strides = [1, 1, 1]} : vector<256x8x2048xf32> to vector<1x8x2048xf32>
    %squeeze3A_2205 = vector.shape_cast %slice3A_2204 : vector<1x8x2048xf32> to vector<8x2048xf32>
    %gt3A_2206 = arith.cmpf ogt, %squeeze3A_2205, %select_n3A_2200 : vector<8x2048xf32>
    %select_n3A_2207 = arith.select %gt3A_2206, %squeeze3A_2205, %select_n3A_2200 : vector<8x2048xi1>, vector<8x2048xf32>
    %jit3A_2208 = arith.constant 55 : i32
    %broadcast_in_dim3A_2209 = vector.broadcast %jit3A_2208 : i32 to vector<8x2048xi32>
    %select_n3A_2210 = arith.select %gt3A_2206, %broadcast_in_dim3A_2209, %select_n3A_2203 : vector<8x2048xi1>, vector<8x2048xi32>
    %slice3A_2211 = vector.extract_strided_slice %reshape3A_1821 {offsets = [56, 0, 0], sizes = [1, 8, 2048], strides = [1, 1, 1]} : vector<256x8x2048xf32> to vector<1x8x2048xf32>
    %squeeze3A_2212 = vector.shape_cast %slice3A_2211 : vector<1x8x2048xf32> to vector<8x2048xf32>
    %gt3A_2213 = arith.cmpf ogt, %squeeze3A_2212, %select_n3A_2207 : vector<8x2048xf32>
    %select_n3A_2214 = arith.select %gt3A_2213, %squeeze3A_2212, %select_n3A_2207 : vector<8x2048xi1>, vector<8x2048xf32>
    %jit3A_2215 = arith.constant 56 : i32
    %broadcast_in_dim3A_2216 = vector.broadcast %jit3A_2215 : i32 to vector<8x2048xi32>
    %select_n3A_2217 = arith.select %gt3A_2213, %broadcast_in_dim3A_2216, %select_n3A_2210 : vector<8x2048xi1>, vector<8x2048xi32>
    %slice3A_2218 = vector.extract_strided_slice %reshape3A_1821 {offsets = [57, 0, 0], sizes = [1, 8, 2048], strides = [1, 1, 1]} : vector<256x8x2048xf32> to vector<1x8x2048xf32>
    %squeeze3A_2219 = vector.shape_cast %slice3A_2218 : vector<1x8x2048xf32> to vector<8x2048xf32>
    %gt3A_2220 = arith.cmpf ogt, %squeeze3A_2219, %select_n3A_2214 : vector<8x2048xf32>
    %select_n3A_2221 = arith.select %gt3A_2220, %squeeze3A_2219, %select_n3A_2214 : vector<8x2048xi1>, vector<8x2048xf32>
    %jit3A_2222 = arith.constant 57 : i32
    %broadcast_in_dim3A_2223 = vector.broadcast %jit3A_2222 : i32 to vector<8x2048xi32>
    %select_n3A_2224 = arith.select %gt3A_2220, %broadcast_in_dim3A_2223, %select_n3A_2217 : vector<8x2048xi1>, vector<8x2048xi32>
    %slice3A_2225 = vector.extract_strided_slice %reshape3A_1821 {offsets = [58, 0, 0], sizes = [1, 8, 2048], strides = [1, 1, 1]} : vector<256x8x2048xf32> to vector<1x8x2048xf32>
    %squeeze3A_2226 = vector.shape_cast %slice3A_2225 : vector<1x8x2048xf32> to vector<8x2048xf32>
    %gt3A_2227 = arith.cmpf ogt, %squeeze3A_2226, %select_n3A_2221 : vector<8x2048xf32>
    %select_n3A_2228 = arith.select %gt3A_2227, %squeeze3A_2226, %select_n3A_2221 : vector<8x2048xi1>, vector<8x2048xf32>
    %jit3A_2229 = arith.constant 58 : i32
    %broadcast_in_dim3A_2230 = vector.broadcast %jit3A_2229 : i32 to vector<8x2048xi32>
    %select_n3A_2231 = arith.select %gt3A_2227, %broadcast_in_dim3A_2230, %select_n3A_2224 : vector<8x2048xi1>, vector<8x2048xi32>
    %slice3A_2232 = vector.extract_strided_slice %reshape3A_1821 {offsets = [59, 0, 0], sizes = [1, 8, 2048], strides = [1, 1, 1]} : vector<256x8x2048xf32> to vector<1x8x2048xf32>
    %squeeze3A_2233 = vector.shape_cast %slice3A_2232 : vector<1x8x2048xf32> to vector<8x2048xf32>
    %gt3A_2234 = arith.cmpf ogt, %squeeze3A_2233, %select_n3A_2228 : vector<8x2048xf32>
    %select_n3A_2235 = arith.select %gt3A_2234, %squeeze3A_2233, %select_n3A_2228 : vector<8x2048xi1>, vector<8x2048xf32>
    %jit3A_2236 = arith.constant 59 : i32
    %broadcast_in_dim3A_2237 = vector.broadcast %jit3A_2236 : i32 to vector<8x2048xi32>
    %select_n3A_2238 = arith.select %gt3A_2234, %broadcast_in_dim3A_2237, %select_n3A_2231 : vector<8x2048xi1>, vector<8x2048xi32>
    %slice3A_2239 = vector.extract_strided_slice %reshape3A_1821 {offsets = [60, 0, 0], sizes = [1, 8, 2048], strides = [1, 1, 1]} : vector<256x8x2048xf32> to vector<1x8x2048xf32>
    %squeeze3A_2240 = vector.shape_cast %slice3A_2239 : vector<1x8x2048xf32> to vector<8x2048xf32>
    %gt3A_2241 = arith.cmpf ogt, %squeeze3A_2240, %select_n3A_2235 : vector<8x2048xf32>
    %select_n3A_2242 = arith.select %gt3A_2241, %squeeze3A_2240, %select_n3A_2235 : vector<8x2048xi1>, vector<8x2048xf32>
    %jit3A_2243 = arith.constant 60 : i32
    %broadcast_in_dim3A_2244 = vector.broadcast %jit3A_2243 : i32 to vector<8x2048xi32>
    %select_n3A_2245 = arith.select %gt3A_2241, %broadcast_in_dim3A_2244, %select_n3A_2238 : vector<8x2048xi1>, vector<8x2048xi32>
    %slice3A_2246 = vector.extract_strided_slice %reshape3A_1821 {offsets = [61, 0, 0], sizes = [1, 8, 2048], strides = [1, 1, 1]} : vector<256x8x2048xf32> to vector<1x8x2048xf32>
    %squeeze3A_2247 = vector.shape_cast %slice3A_2246 : vector<1x8x2048xf32> to vector<8x2048xf32>
    %gt3A_2248 = arith.cmpf ogt, %squeeze3A_2247, %select_n3A_2242 : vector<8x2048xf32>
    %select_n3A_2249 = arith.select %gt3A_2248, %squeeze3A_2247, %select_n3A_2242 : vector<8x2048xi1>, vector<8x2048xf32>
    %jit3A_2250 = arith.constant 61 : i32
    %broadcast_in_dim3A_2251 = vector.broadcast %jit3A_2250 : i32 to vector<8x2048xi32>
    %select_n3A_2252 = arith.select %gt3A_2248, %broadcast_in_dim3A_2251, %select_n3A_2245 : vector<8x2048xi1>, vector<8x2048xi32>
    %slice3A_2253 = vector.extract_strided_slice %reshape3A_1821 {offsets = [62, 0, 0], sizes = [1, 8, 2048], strides = [1, 1, 1]} : vector<256x8x2048xf32> to vector<1x8x2048xf32>
    %squeeze3A_2254 = vector.shape_cast %slice3A_2253 : vector<1x8x2048xf32> to vector<8x2048xf32>
    %gt3A_2255 = arith.cmpf ogt, %squeeze3A_2254, %select_n3A_2249 : vector<8x2048xf32>
    %select_n3A_2256 = arith.select %gt3A_2255, %squeeze3A_2254, %select_n3A_2249 : vector<8x2048xi1>, vector<8x2048xf32>
    %jit3A_2257 = arith.constant 62 : i32
    %broadcast_in_dim3A_2258 = vector.broadcast %jit3A_2257 : i32 to vector<8x2048xi32>
    %select_n3A_2259 = arith.select %gt3A_2255, %broadcast_in_dim3A_2258, %select_n3A_2252 : vector<8x2048xi1>, vector<8x2048xi32>
    %slice3A_2260 = vector.extract_strided_slice %reshape3A_1821 {offsets = [63, 0, 0], sizes = [1, 8, 2048], strides = [1, 1, 1]} : vector<256x8x2048xf32> to vector<1x8x2048xf32>
    %squeeze3A_2261 = vector.shape_cast %slice3A_2260 : vector<1x8x2048xf32> to vector<8x2048xf32>
    %gt3A_2262 = arith.cmpf ogt, %squeeze3A_2261, %select_n3A_2256 : vector<8x2048xf32>
    %select_n3A_2263 = arith.select %gt3A_2262, %squeeze3A_2261, %select_n3A_2256 : vector<8x2048xi1>, vector<8x2048xf32>
    %jit3A_2264 = arith.constant 63 : i32
    %broadcast_in_dim3A_2265 = vector.broadcast %jit3A_2264 : i32 to vector<8x2048xi32>
    %select_n3A_2266 = arith.select %gt3A_2262, %broadcast_in_dim3A_2265, %select_n3A_2259 : vector<8x2048xi1>, vector<8x2048xi32>
    %slice3A_2267 = vector.extract_strided_slice %reshape3A_1821 {offsets = [64, 0, 0], sizes = [1, 8, 2048], strides = [1, 1, 1]} : vector<256x8x2048xf32> to vector<1x8x2048xf32>
    %squeeze3A_2268 = vector.shape_cast %slice3A_2267 : vector<1x8x2048xf32> to vector<8x2048xf32>
    %gt3A_2269 = arith.cmpf ogt, %squeeze3A_2268, %select_n3A_2263 : vector<8x2048xf32>
    %select_n3A_2270 = arith.select %gt3A_2269, %squeeze3A_2268, %select_n3A_2263 : vector<8x2048xi1>, vector<8x2048xf32>
    %jit3A_2271 = arith.constant 64 : i32
    %broadcast_in_dim3A_2272 = vector.broadcast %jit3A_2271 : i32 to vector<8x2048xi32>
    %select_n3A_2273 = arith.select %gt3A_2269, %broadcast_in_dim3A_2272, %select_n3A_2266 : vector<8x2048xi1>, vector<8x2048xi32>
    %slice3A_2274 = vector.extract_strided_slice %reshape3A_1821 {offsets = [65, 0, 0], sizes = [1, 8, 2048], strides = [1, 1, 1]} : vector<256x8x2048xf32> to vector<1x8x2048xf32>
    %squeeze3A_2275 = vector.shape_cast %slice3A_2274 : vector<1x8x2048xf32> to vector<8x2048xf32>
    %gt3A_2276 = arith.cmpf ogt, %squeeze3A_2275, %select_n3A_2270 : vector<8x2048xf32>
    %select_n3A_2277 = arith.select %gt3A_2276, %squeeze3A_2275, %select_n3A_2270 : vector<8x2048xi1>, vector<8x2048xf32>
    %jit3A_2278 = arith.constant 65 : i32
    %broadcast_in_dim3A_2279 = vector.broadcast %jit3A_2278 : i32 to vector<8x2048xi32>
    %select_n3A_2280 = arith.select %gt3A_2276, %broadcast_in_dim3A_2279, %select_n3A_2273 : vector<8x2048xi1>, vector<8x2048xi32>
    %slice3A_2281 = vector.extract_strided_slice %reshape3A_1821 {offsets = [66, 0, 0], sizes = [1, 8, 2048], strides = [1, 1, 1]} : vector<256x8x2048xf32> to vector<1x8x2048xf32>
    %squeeze3A_2282 = vector.shape_cast %slice3A_2281 : vector<1x8x2048xf32> to vector<8x2048xf32>
    %gt3A_2283 = arith.cmpf ogt, %squeeze3A_2282, %select_n3A_2277 : vector<8x2048xf32>
    %select_n3A_2284 = arith.select %gt3A_2283, %squeeze3A_2282, %select_n3A_2277 : vector<8x2048xi1>, vector<8x2048xf32>
    %jit3A_2285 = arith.constant 66 : i32
    %broadcast_in_dim3A_2286 = vector.broadcast %jit3A_2285 : i32 to vector<8x2048xi32>
    %select_n3A_2287 = arith.select %gt3A_2283, %broadcast_in_dim3A_2286, %select_n3A_2280 : vector<8x2048xi1>, vector<8x2048xi32>
    %slice3A_2288 = vector.extract_strided_slice %reshape3A_1821 {offsets = [67, 0, 0], sizes = [1, 8, 2048], strides = [1, 1, 1]} : vector<256x8x2048xf32> to vector<1x8x2048xf32>
    %squeeze3A_2289 = vector.shape_cast %slice3A_2288 : vector<1x8x2048xf32> to vector<8x2048xf32>
    %gt3A_2290 = arith.cmpf ogt, %squeeze3A_2289, %select_n3A_2284 : vector<8x2048xf32>
    %select_n3A_2291 = arith.select %gt3A_2290, %squeeze3A_2289, %select_n3A_2284 : vector<8x2048xi1>, vector<8x2048xf32>
    %jit3A_2292 = arith.constant 67 : i32
    %broadcast_in_dim3A_2293 = vector.broadcast %jit3A_2292 : i32 to vector<8x2048xi32>
    %select_n3A_2294 = arith.select %gt3A_2290, %broadcast_in_dim3A_2293, %select_n3A_2287 : vector<8x2048xi1>, vector<8x2048xi32>
    %slice3A_2295 = vector.extract_strided_slice %reshape3A_1821 {offsets = [68, 0, 0], sizes = [1, 8, 2048], strides = [1, 1, 1]} : vector<256x8x2048xf32> to vector<1x8x2048xf32>
    %squeeze3A_2296 = vector.shape_cast %slice3A_2295 : vector<1x8x2048xf32> to vector<8x2048xf32>
    %gt3A_2297 = arith.cmpf ogt, %squeeze3A_2296, %select_n3A_2291 : vector<8x2048xf32>
    %select_n3A_2298 = arith.select %gt3A_2297, %squeeze3A_2296, %select_n3A_2291 : vector<8x2048xi1>, vector<8x2048xf32>
    %jit3A_2299 = arith.constant 68 : i32
    %broadcast_in_dim3A_2300 = vector.broadcast %jit3A_2299 : i32 to vector<8x2048xi32>
    %select_n3A_2301 = arith.select %gt3A_2297, %broadcast_in_dim3A_2300, %select_n3A_2294 : vector<8x2048xi1>, vector<8x2048xi32>
    %slice3A_2302 = vector.extract_strided_slice %reshape3A_1821 {offsets = [69, 0, 0], sizes = [1, 8, 2048], strides = [1, 1, 1]} : vector<256x8x2048xf32> to vector<1x8x2048xf32>
    %squeeze3A_2303 = vector.shape_cast %slice3A_2302 : vector<1x8x2048xf32> to vector<8x2048xf32>
    %gt3A_2304 = arith.cmpf ogt, %squeeze3A_2303, %select_n3A_2298 : vector<8x2048xf32>
    %select_n3A_2305 = arith.select %gt3A_2304, %squeeze3A_2303, %select_n3A_2298 : vector<8x2048xi1>, vector<8x2048xf32>
    %jit3A_2306 = arith.constant 69 : i32
    %broadcast_in_dim3A_2307 = vector.broadcast %jit3A_2306 : i32 to vector<8x2048xi32>
    %select_n3A_2308 = arith.select %gt3A_2304, %broadcast_in_dim3A_2307, %select_n3A_2301 : vector<8x2048xi1>, vector<8x2048xi32>
    %slice3A_2309 = vector.extract_strided_slice %reshape3A_1821 {offsets = [70, 0, 0], sizes = [1, 8, 2048], strides = [1, 1, 1]} : vector<256x8x2048xf32> to vector<1x8x2048xf32>
    %squeeze3A_2310 = vector.shape_cast %slice3A_2309 : vector<1x8x2048xf32> to vector<8x2048xf32>
    %gt3A_2311 = arith.cmpf ogt, %squeeze3A_2310, %select_n3A_2305 : vector<8x2048xf32>
    %select_n3A_2312 = arith.select %gt3A_2311, %squeeze3A_2310, %select_n3A_2305 : vector<8x2048xi1>, vector<8x2048xf32>
    %jit3A_2313 = arith.constant 70 : i32
    %broadcast_in_dim3A_2314 = vector.broadcast %jit3A_2313 : i32 to vector<8x2048xi32>
    %select_n3A_2315 = arith.select %gt3A_2311, %broadcast_in_dim3A_2314, %select_n3A_2308 : vector<8x2048xi1>, vector<8x2048xi32>
    %slice3A_2316 = vector.extract_strided_slice %reshape3A_1821 {offsets = [71, 0, 0], sizes = [1, 8, 2048], strides = [1, 1, 1]} : vector<256x8x2048xf32> to vector<1x8x2048xf32>
    %squeeze3A_2317 = vector.shape_cast %slice3A_2316 : vector<1x8x2048xf32> to vector<8x2048xf32>
    %gt3A_2318 = arith.cmpf ogt, %squeeze3A_2317, %select_n3A_2312 : vector<8x2048xf32>
    %select_n3A_2319 = arith.select %gt3A_2318, %squeeze3A_2317, %select_n3A_2312 : vector<8x2048xi1>, vector<8x2048xf32>
    %jit3A_2320 = arith.constant 71 : i32
    %broadcast_in_dim3A_2321 = vector.broadcast %jit3A_2320 : i32 to vector<8x2048xi32>
    %select_n3A_2322 = arith.select %gt3A_2318, %broadcast_in_dim3A_2321, %select_n3A_2315 : vector<8x2048xi1>, vector<8x2048xi32>
    %slice3A_2323 = vector.extract_strided_slice %reshape3A_1821 {offsets = [72, 0, 0], sizes = [1, 8, 2048], strides = [1, 1, 1]} : vector<256x8x2048xf32> to vector<1x8x2048xf32>
    %squeeze3A_2324 = vector.shape_cast %slice3A_2323 : vector<1x8x2048xf32> to vector<8x2048xf32>
    %gt3A_2325 = arith.cmpf ogt, %squeeze3A_2324, %select_n3A_2319 : vector<8x2048xf32>
    %select_n3A_2326 = arith.select %gt3A_2325, %squeeze3A_2324, %select_n3A_2319 : vector<8x2048xi1>, vector<8x2048xf32>
    %jit3A_2327 = arith.constant 72 : i32
    %broadcast_in_dim3A_2328 = vector.broadcast %jit3A_2327 : i32 to vector<8x2048xi32>
    %select_n3A_2329 = arith.select %gt3A_2325, %broadcast_in_dim3A_2328, %select_n3A_2322 : vector<8x2048xi1>, vector<8x2048xi32>
    %slice3A_2330 = vector.extract_strided_slice %reshape3A_1821 {offsets = [73, 0, 0], sizes = [1, 8, 2048], strides = [1, 1, 1]} : vector<256x8x2048xf32> to vector<1x8x2048xf32>
    %squeeze3A_2331 = vector.shape_cast %slice3A_2330 : vector<1x8x2048xf32> to vector<8x2048xf32>
    %gt3A_2332 = arith.cmpf ogt, %squeeze3A_2331, %select_n3A_2326 : vector<8x2048xf32>
    %select_n3A_2333 = arith.select %gt3A_2332, %squeeze3A_2331, %select_n3A_2326 : vector<8x2048xi1>, vector<8x2048xf32>
    %jit3A_2334 = arith.constant 73 : i32
    %broadcast_in_dim3A_2335 = vector.broadcast %jit3A_2334 : i32 to vector<8x2048xi32>
    %select_n3A_2336 = arith.select %gt3A_2332, %broadcast_in_dim3A_2335, %select_n3A_2329 : vector<8x2048xi1>, vector<8x2048xi32>
    %slice3A_2337 = vector.extract_strided_slice %reshape3A_1821 {offsets = [74, 0, 0], sizes = [1, 8, 2048], strides = [1, 1, 1]} : vector<256x8x2048xf32> to vector<1x8x2048xf32>
    %squeeze3A_2338 = vector.shape_cast %slice3A_2337 : vector<1x8x2048xf32> to vector<8x2048xf32>
    %gt3A_2339 = arith.cmpf ogt, %squeeze3A_2338, %select_n3A_2333 : vector<8x2048xf32>
    %select_n3A_2340 = arith.select %gt3A_2339, %squeeze3A_2338, %select_n3A_2333 : vector<8x2048xi1>, vector<8x2048xf32>
    %jit3A_2341 = arith.constant 74 : i32
    %broadcast_in_dim3A_2342 = vector.broadcast %jit3A_2341 : i32 to vector<8x2048xi32>
    %select_n3A_2343 = arith.select %gt3A_2339, %broadcast_in_dim3A_2342, %select_n3A_2336 : vector<8x2048xi1>, vector<8x2048xi32>
    %slice3A_2344 = vector.extract_strided_slice %reshape3A_1821 {offsets = [75, 0, 0], sizes = [1, 8, 2048], strides = [1, 1, 1]} : vector<256x8x2048xf32> to vector<1x8x2048xf32>
    %squeeze3A_2345 = vector.shape_cast %slice3A_2344 : vector<1x8x2048xf32> to vector<8x2048xf32>
    %gt3A_2346 = arith.cmpf ogt, %squeeze3A_2345, %select_n3A_2340 : vector<8x2048xf32>
    %select_n3A_2347 = arith.select %gt3A_2346, %squeeze3A_2345, %select_n3A_2340 : vector<8x2048xi1>, vector<8x2048xf32>
    %jit3A_2348 = arith.constant 75 : i32
    %broadcast_in_dim3A_2349 = vector.broadcast %jit3A_2348 : i32 to vector<8x2048xi32>
    %select_n3A_2350 = arith.select %gt3A_2346, %broadcast_in_dim3A_2349, %select_n3A_2343 : vector<8x2048xi1>, vector<8x2048xi32>
    %slice3A_2351 = vector.extract_strided_slice %reshape3A_1821 {offsets = [76, 0, 0], sizes = [1, 8, 2048], strides = [1, 1, 1]} : vector<256x8x2048xf32> to vector<1x8x2048xf32>
    %squeeze3A_2352 = vector.shape_cast %slice3A_2351 : vector<1x8x2048xf32> to vector<8x2048xf32>
    %gt3A_2353 = arith.cmpf ogt, %squeeze3A_2352, %select_n3A_2347 : vector<8x2048xf32>
    %select_n3A_2354 = arith.select %gt3A_2353, %squeeze3A_2352, %select_n3A_2347 : vector<8x2048xi1>, vector<8x2048xf32>
    %jit3A_2355 = arith.constant 76 : i32
    %broadcast_in_dim3A_2356 = vector.broadcast %jit3A_2355 : i32 to vector<8x2048xi32>
    %select_n3A_2357 = arith.select %gt3A_2353, %broadcast_in_dim3A_2356, %select_n3A_2350 : vector<8x2048xi1>, vector<8x2048xi32>
    %slice3A_2358 = vector.extract_strided_slice %reshape3A_1821 {offsets = [77, 0, 0], sizes = [1, 8, 2048], strides = [1, 1, 1]} : vector<256x8x2048xf32> to vector<1x8x2048xf32>
    %squeeze3A_2359 = vector.shape_cast %slice3A_2358 : vector<1x8x2048xf32> to vector<8x2048xf32>
    %gt3A_2360 = arith.cmpf ogt, %squeeze3A_2359, %select_n3A_2354 : vector<8x2048xf32>
    %select_n3A_2361 = arith.select %gt3A_2360, %squeeze3A_2359, %select_n3A_2354 : vector<8x2048xi1>, vector<8x2048xf32>
    %jit3A_2362 = arith.constant 77 : i32
    %broadcast_in_dim3A_2363 = vector.broadcast %jit3A_2362 : i32 to vector<8x2048xi32>
    %select_n3A_2364 = arith.select %gt3A_2360, %broadcast_in_dim3A_2363, %select_n3A_2357 : vector<8x2048xi1>, vector<8x2048xi32>
    %slice3A_2365 = vector.extract_strided_slice %reshape3A_1821 {offsets = [78, 0, 0], sizes = [1, 8, 2048], strides = [1, 1, 1]} : vector<256x8x2048xf32> to vector<1x8x2048xf32>
    %squeeze3A_2366 = vector.shape_cast %slice3A_2365 : vector<1x8x2048xf32> to vector<8x2048xf32>
    %gt3A_2367 = arith.cmpf ogt, %squeeze3A_2366, %select_n3A_2361 : vector<8x2048xf32>
    %select_n3A_2368 = arith.select %gt3A_2367, %squeeze3A_2366, %select_n3A_2361 : vector<8x2048xi1>, vector<8x2048xf32>
    %jit3A_2369 = arith.constant 78 : i32
    %broadcast_in_dim3A_2370 = vector.broadcast %jit3A_2369 : i32 to vector<8x2048xi32>
    %select_n3A_2371 = arith.select %gt3A_2367, %broadcast_in_dim3A_2370, %select_n3A_2364 : vector<8x2048xi1>, vector<8x2048xi32>
    %slice3A_2372 = vector.extract_strided_slice %reshape3A_1821 {offsets = [79, 0, 0], sizes = [1, 8, 2048], strides = [1, 1, 1]} : vector<256x8x2048xf32> to vector<1x8x2048xf32>
    %squeeze3A_2373 = vector.shape_cast %slice3A_2372 : vector<1x8x2048xf32> to vector<8x2048xf32>
    %gt3A_2374 = arith.cmpf ogt, %squeeze3A_2373, %select_n3A_2368 : vector<8x2048xf32>
    %select_n3A_2375 = arith.select %gt3A_2374, %squeeze3A_2373, %select_n3A_2368 : vector<8x2048xi1>, vector<8x2048xf32>
    %jit3A_2376 = arith.constant 79 : i32
    %broadcast_in_dim3A_2377 = vector.broadcast %jit3A_2376 : i32 to vector<8x2048xi32>
    %select_n3A_2378 = arith.select %gt3A_2374, %broadcast_in_dim3A_2377, %select_n3A_2371 : vector<8x2048xi1>, vector<8x2048xi32>
    %slice3A_2379 = vector.extract_strided_slice %reshape3A_1821 {offsets = [80, 0, 0], sizes = [1, 8, 2048], strides = [1, 1, 1]} : vector<256x8x2048xf32> to vector<1x8x2048xf32>
    %squeeze3A_2380 = vector.shape_cast %slice3A_2379 : vector<1x8x2048xf32> to vector<8x2048xf32>
    %gt3A_2381 = arith.cmpf ogt, %squeeze3A_2380, %select_n3A_2375 : vector<8x2048xf32>
    %select_n3A_2382 = arith.select %gt3A_2381, %squeeze3A_2380, %select_n3A_2375 : vector<8x2048xi1>, vector<8x2048xf32>
    %jit3A_2383 = arith.constant 80 : i32
    %broadcast_in_dim3A_2384 = vector.broadcast %jit3A_2383 : i32 to vector<8x2048xi32>
    %select_n3A_2385 = arith.select %gt3A_2381, %broadcast_in_dim3A_2384, %select_n3A_2378 : vector<8x2048xi1>, vector<8x2048xi32>
    %slice3A_2386 = vector.extract_strided_slice %reshape3A_1821 {offsets = [81, 0, 0], sizes = [1, 8, 2048], strides = [1, 1, 1]} : vector<256x8x2048xf32> to vector<1x8x2048xf32>
    %squeeze3A_2387 = vector.shape_cast %slice3A_2386 : vector<1x8x2048xf32> to vector<8x2048xf32>
    %gt3A_2388 = arith.cmpf ogt, %squeeze3A_2387, %select_n3A_2382 : vector<8x2048xf32>
    %select_n3A_2389 = arith.select %gt3A_2388, %squeeze3A_2387, %select_n3A_2382 : vector<8x2048xi1>, vector<8x2048xf32>
    %jit3A_2390 = arith.constant 81 : i32
    %broadcast_in_dim3A_2391 = vector.broadcast %jit3A_2390 : i32 to vector<8x2048xi32>
    %select_n3A_2392 = arith.select %gt3A_2388, %broadcast_in_dim3A_2391, %select_n3A_2385 : vector<8x2048xi1>, vector<8x2048xi32>
    %slice3A_2393 = vector.extract_strided_slice %reshape3A_1821 {offsets = [82, 0, 0], sizes = [1, 8, 2048], strides = [1, 1, 1]} : vector<256x8x2048xf32> to vector<1x8x2048xf32>
    %squeeze3A_2394 = vector.shape_cast %slice3A_2393 : vector<1x8x2048xf32> to vector<8x2048xf32>
    %gt3A_2395 = arith.cmpf ogt, %squeeze3A_2394, %select_n3A_2389 : vector<8x2048xf32>
    %select_n3A_2396 = arith.select %gt3A_2395, %squeeze3A_2394, %select_n3A_2389 : vector<8x2048xi1>, vector<8x2048xf32>
    %jit3A_2397 = arith.constant 82 : i32
    %broadcast_in_dim3A_2398 = vector.broadcast %jit3A_2397 : i32 to vector<8x2048xi32>
    %select_n3A_2399 = arith.select %gt3A_2395, %broadcast_in_dim3A_2398, %select_n3A_2392 : vector<8x2048xi1>, vector<8x2048xi32>
    %slice3A_2400 = vector.extract_strided_slice %reshape3A_1821 {offsets = [83, 0, 0], sizes = [1, 8, 2048], strides = [1, 1, 1]} : vector<256x8x2048xf32> to vector<1x8x2048xf32>
    %squeeze3A_2401 = vector.shape_cast %slice3A_2400 : vector<1x8x2048xf32> to vector<8x2048xf32>
    %gt3A_2402 = arith.cmpf ogt, %squeeze3A_2401, %select_n3A_2396 : vector<8x2048xf32>
    %select_n3A_2403 = arith.select %gt3A_2402, %squeeze3A_2401, %select_n3A_2396 : vector<8x2048xi1>, vector<8x2048xf32>
    %jit3A_2404 = arith.constant 83 : i32
    %broadcast_in_dim3A_2405 = vector.broadcast %jit3A_2404 : i32 to vector<8x2048xi32>
    %select_n3A_2406 = arith.select %gt3A_2402, %broadcast_in_dim3A_2405, %select_n3A_2399 : vector<8x2048xi1>, vector<8x2048xi32>
    %slice3A_2407 = vector.extract_strided_slice %reshape3A_1821 {offsets = [84, 0, 0], sizes = [1, 8, 2048], strides = [1, 1, 1]} : vector<256x8x2048xf32> to vector<1x8x2048xf32>
    %squeeze3A_2408 = vector.shape_cast %slice3A_2407 : vector<1x8x2048xf32> to vector<8x2048xf32>
    %gt3A_2409 = arith.cmpf ogt, %squeeze3A_2408, %select_n3A_2403 : vector<8x2048xf32>
    %select_n3A_2410 = arith.select %gt3A_2409, %squeeze3A_2408, %select_n3A_2403 : vector<8x2048xi1>, vector<8x2048xf32>
    %jit3A_2411 = arith.constant 84 : i32
    %broadcast_in_dim3A_2412 = vector.broadcast %jit3A_2411 : i32 to vector<8x2048xi32>
    %select_n3A_2413 = arith.select %gt3A_2409, %broadcast_in_dim3A_2412, %select_n3A_2406 : vector<8x2048xi1>, vector<8x2048xi32>
    %slice3A_2414 = vector.extract_strided_slice %reshape3A_1821 {offsets = [85, 0, 0], sizes = [1, 8, 2048], strides = [1, 1, 1]} : vector<256x8x2048xf32> to vector<1x8x2048xf32>
    %squeeze3A_2415 = vector.shape_cast %slice3A_2414 : vector<1x8x2048xf32> to vector<8x2048xf32>
    %gt3A_2416 = arith.cmpf ogt, %squeeze3A_2415, %select_n3A_2410 : vector<8x2048xf32>
    %select_n3A_2417 = arith.select %gt3A_2416, %squeeze3A_2415, %select_n3A_2410 : vector<8x2048xi1>, vector<8x2048xf32>
    %jit3A_2418 = arith.constant 85 : i32
    %broadcast_in_dim3A_2419 = vector.broadcast %jit3A_2418 : i32 to vector<8x2048xi32>
    %select_n3A_2420 = arith.select %gt3A_2416, %broadcast_in_dim3A_2419, %select_n3A_2413 : vector<8x2048xi1>, vector<8x2048xi32>
    %slice3A_2421 = vector.extract_strided_slice %reshape3A_1821 {offsets = [86, 0, 0], sizes = [1, 8, 2048], strides = [1, 1, 1]} : vector<256x8x2048xf32> to vector<1x8x2048xf32>
    %squeeze3A_2422 = vector.shape_cast %slice3A_2421 : vector<1x8x2048xf32> to vector<8x2048xf32>
    %gt3A_2423 = arith.cmpf ogt, %squeeze3A_2422, %select_n3A_2417 : vector<8x2048xf32>
    %select_n3A_2424 = arith.select %gt3A_2423, %squeeze3A_2422, %select_n3A_2417 : vector<8x2048xi1>, vector<8x2048xf32>
    %jit3A_2425 = arith.constant 86 : i32
    %broadcast_in_dim3A_2426 = vector.broadcast %jit3A_2425 : i32 to vector<8x2048xi32>
    %select_n3A_2427 = arith.select %gt3A_2423, %broadcast_in_dim3A_2426, %select_n3A_2420 : vector<8x2048xi1>, vector<8x2048xi32>
    %slice3A_2428 = vector.extract_strided_slice %reshape3A_1821 {offsets = [87, 0, 0], sizes = [1, 8, 2048], strides = [1, 1, 1]} : vector<256x8x2048xf32> to vector<1x8x2048xf32>
    %squeeze3A_2429 = vector.shape_cast %slice3A_2428 : vector<1x8x2048xf32> to vector<8x2048xf32>
    %gt3A_2430 = arith.cmpf ogt, %squeeze3A_2429, %select_n3A_2424 : vector<8x2048xf32>
    %select_n3A_2431 = arith.select %gt3A_2430, %squeeze3A_2429, %select_n3A_2424 : vector<8x2048xi1>, vector<8x2048xf32>
    %jit3A_2432 = arith.constant 87 : i32
    %broadcast_in_dim3A_2433 = vector.broadcast %jit3A_2432 : i32 to vector<8x2048xi32>
    %select_n3A_2434 = arith.select %gt3A_2430, %broadcast_in_dim3A_2433, %select_n3A_2427 : vector<8x2048xi1>, vector<8x2048xi32>
    %slice3A_2435 = vector.extract_strided_slice %reshape3A_1821 {offsets = [88, 0, 0], sizes = [1, 8, 2048], strides = [1, 1, 1]} : vector<256x8x2048xf32> to vector<1x8x2048xf32>
    %squeeze3A_2436 = vector.shape_cast %slice3A_2435 : vector<1x8x2048xf32> to vector<8x2048xf32>
    %gt3A_2437 = arith.cmpf ogt, %squeeze3A_2436, %select_n3A_2431 : vector<8x2048xf32>
    %select_n3A_2438 = arith.select %gt3A_2437, %squeeze3A_2436, %select_n3A_2431 : vector<8x2048xi1>, vector<8x2048xf32>
    %jit3A_2439 = arith.constant 88 : i32
    %broadcast_in_dim3A_2440 = vector.broadcast %jit3A_2439 : i32 to vector<8x2048xi32>
    %select_n3A_2441 = arith.select %gt3A_2437, %broadcast_in_dim3A_2440, %select_n3A_2434 : vector<8x2048xi1>, vector<8x2048xi32>
    %slice3A_2442 = vector.extract_strided_slice %reshape3A_1821 {offsets = [89, 0, 0], sizes = [1, 8, 2048], strides = [1, 1, 1]} : vector<256x8x2048xf32> to vector<1x8x2048xf32>
    %squeeze3A_2443 = vector.shape_cast %slice3A_2442 : vector<1x8x2048xf32> to vector<8x2048xf32>
    %gt3A_2444 = arith.cmpf ogt, %squeeze3A_2443, %select_n3A_2438 : vector<8x2048xf32>
    %select_n3A_2445 = arith.select %gt3A_2444, %squeeze3A_2443, %select_n3A_2438 : vector<8x2048xi1>, vector<8x2048xf32>
    %jit3A_2446 = arith.constant 89 : i32
    %broadcast_in_dim3A_2447 = vector.broadcast %jit3A_2446 : i32 to vector<8x2048xi32>
    %select_n3A_2448 = arith.select %gt3A_2444, %broadcast_in_dim3A_2447, %select_n3A_2441 : vector<8x2048xi1>, vector<8x2048xi32>
    %slice3A_2449 = vector.extract_strided_slice %reshape3A_1821 {offsets = [90, 0, 0], sizes = [1, 8, 2048], strides = [1, 1, 1]} : vector<256x8x2048xf32> to vector<1x8x2048xf32>
    %squeeze3A_2450 = vector.shape_cast %slice3A_2449 : vector<1x8x2048xf32> to vector<8x2048xf32>
    %gt3A_2451 = arith.cmpf ogt, %squeeze3A_2450, %select_n3A_2445 : vector<8x2048xf32>
    %select_n3A_2452 = arith.select %gt3A_2451, %squeeze3A_2450, %select_n3A_2445 : vector<8x2048xi1>, vector<8x2048xf32>
    %jit3A_2453 = arith.constant 90 : i32
    %broadcast_in_dim3A_2454 = vector.broadcast %jit3A_2453 : i32 to vector<8x2048xi32>
    %select_n3A_2455 = arith.select %gt3A_2451, %broadcast_in_dim3A_2454, %select_n3A_2448 : vector<8x2048xi1>, vector<8x2048xi32>
    %slice3A_2456 = vector.extract_strided_slice %reshape3A_1821 {offsets = [91, 0, 0], sizes = [1, 8, 2048], strides = [1, 1, 1]} : vector<256x8x2048xf32> to vector<1x8x2048xf32>
    %squeeze3A_2457 = vector.shape_cast %slice3A_2456 : vector<1x8x2048xf32> to vector<8x2048xf32>
    %gt3A_2458 = arith.cmpf ogt, %squeeze3A_2457, %select_n3A_2452 : vector<8x2048xf32>
    %select_n3A_2459 = arith.select %gt3A_2458, %squeeze3A_2457, %select_n3A_2452 : vector<8x2048xi1>, vector<8x2048xf32>
    %jit3A_2460 = arith.constant 91 : i32
    %broadcast_in_dim3A_2461 = vector.broadcast %jit3A_2460 : i32 to vector<8x2048xi32>
    %select_n3A_2462 = arith.select %gt3A_2458, %broadcast_in_dim3A_2461, %select_n3A_2455 : vector<8x2048xi1>, vector<8x2048xi32>
    %slice3A_2463 = vector.extract_strided_slice %reshape3A_1821 {offsets = [92, 0, 0], sizes = [1, 8, 2048], strides = [1, 1, 1]} : vector<256x8x2048xf32> to vector<1x8x2048xf32>
    %squeeze3A_2464 = vector.shape_cast %slice3A_2463 : vector<1x8x2048xf32> to vector<8x2048xf32>
    %gt3A_2465 = arith.cmpf ogt, %squeeze3A_2464, %select_n3A_2459 : vector<8x2048xf32>
    %select_n3A_2466 = arith.select %gt3A_2465, %squeeze3A_2464, %select_n3A_2459 : vector<8x2048xi1>, vector<8x2048xf32>
    %jit3A_2467 = arith.constant 92 : i32
    %broadcast_in_dim3A_2468 = vector.broadcast %jit3A_2467 : i32 to vector<8x2048xi32>
    %select_n3A_2469 = arith.select %gt3A_2465, %broadcast_in_dim3A_2468, %select_n3A_2462 : vector<8x2048xi1>, vector<8x2048xi32>
    %slice3A_2470 = vector.extract_strided_slice %reshape3A_1821 {offsets = [93, 0, 0], sizes = [1, 8, 2048], strides = [1, 1, 1]} : vector<256x8x2048xf32> to vector<1x8x2048xf32>
    %squeeze3A_2471 = vector.shape_cast %slice3A_2470 : vector<1x8x2048xf32> to vector<8x2048xf32>
    %gt3A_2472 = arith.cmpf ogt, %squeeze3A_2471, %select_n3A_2466 : vector<8x2048xf32>
    %select_n3A_2473 = arith.select %gt3A_2472, %squeeze3A_2471, %select_n3A_2466 : vector<8x2048xi1>, vector<8x2048xf32>
    %jit3A_2474 = arith.constant 93 : i32
    %broadcast_in_dim3A_2475 = vector.broadcast %jit3A_2474 : i32 to vector<8x2048xi32>
    %select_n3A_2476 = arith.select %gt3A_2472, %broadcast_in_dim3A_2475, %select_n3A_2469 : vector<8x2048xi1>, vector<8x2048xi32>
    %slice3A_2477 = vector.extract_strided_slice %reshape3A_1821 {offsets = [94, 0, 0], sizes = [1, 8, 2048], strides = [1, 1, 1]} : vector<256x8x2048xf32> to vector<1x8x2048xf32>
    %squeeze3A_2478 = vector.shape_cast %slice3A_2477 : vector<1x8x2048xf32> to vector<8x2048xf32>
    %gt3A_2479 = arith.cmpf ogt, %squeeze3A_2478, %select_n3A_2473 : vector<8x2048xf32>
    %select_n3A_2480 = arith.select %gt3A_2479, %squeeze3A_2478, %select_n3A_2473 : vector<8x2048xi1>, vector<8x2048xf32>
    %jit3A_2481 = arith.constant 94 : i32
    %broadcast_in_dim3A_2482 = vector.broadcast %jit3A_2481 : i32 to vector<8x2048xi32>
    %select_n3A_2483 = arith.select %gt3A_2479, %broadcast_in_dim3A_2482, %select_n3A_2476 : vector<8x2048xi1>, vector<8x2048xi32>
    %slice3A_2484 = vector.extract_strided_slice %reshape3A_1821 {offsets = [95, 0, 0], sizes = [1, 8, 2048], strides = [1, 1, 1]} : vector<256x8x2048xf32> to vector<1x8x2048xf32>
    %squeeze3A_2485 = vector.shape_cast %slice3A_2484 : vector<1x8x2048xf32> to vector<8x2048xf32>
    %gt3A_2486 = arith.cmpf ogt, %squeeze3A_2485, %select_n3A_2480 : vector<8x2048xf32>
    %select_n3A_2487 = arith.select %gt3A_2486, %squeeze3A_2485, %select_n3A_2480 : vector<8x2048xi1>, vector<8x2048xf32>
    %jit3A_2488 = arith.constant 95 : i32
    %broadcast_in_dim3A_2489 = vector.broadcast %jit3A_2488 : i32 to vector<8x2048xi32>
    %select_n3A_2490 = arith.select %gt3A_2486, %broadcast_in_dim3A_2489, %select_n3A_2483 : vector<8x2048xi1>, vector<8x2048xi32>
    %slice3A_2491 = vector.extract_strided_slice %reshape3A_1821 {offsets = [96, 0, 0], sizes = [1, 8, 2048], strides = [1, 1, 1]} : vector<256x8x2048xf32> to vector<1x8x2048xf32>
    %squeeze3A_2492 = vector.shape_cast %slice3A_2491 : vector<1x8x2048xf32> to vector<8x2048xf32>
    %gt3A_2493 = arith.cmpf ogt, %squeeze3A_2492, %select_n3A_2487 : vector<8x2048xf32>
    %select_n3A_2494 = arith.select %gt3A_2493, %squeeze3A_2492, %select_n3A_2487 : vector<8x2048xi1>, vector<8x2048xf32>
    %jit3A_2495 = arith.constant 96 : i32
    %broadcast_in_dim3A_2496 = vector.broadcast %jit3A_2495 : i32 to vector<8x2048xi32>
    %select_n3A_2497 = arith.select %gt3A_2493, %broadcast_in_dim3A_2496, %select_n3A_2490 : vector<8x2048xi1>, vector<8x2048xi32>
    %slice3A_2498 = vector.extract_strided_slice %reshape3A_1821 {offsets = [97, 0, 0], sizes = [1, 8, 2048], strides = [1, 1, 1]} : vector<256x8x2048xf32> to vector<1x8x2048xf32>
    %squeeze3A_2499 = vector.shape_cast %slice3A_2498 : vector<1x8x2048xf32> to vector<8x2048xf32>
    %gt3A_2500 = arith.cmpf ogt, %squeeze3A_2499, %select_n3A_2494 : vector<8x2048xf32>
    %select_n3A_2501 = arith.select %gt3A_2500, %squeeze3A_2499, %select_n3A_2494 : vector<8x2048xi1>, vector<8x2048xf32>
    %jit3A_2502 = arith.constant 97 : i32
    %broadcast_in_dim3A_2503 = vector.broadcast %jit3A_2502 : i32 to vector<8x2048xi32>
    %select_n3A_2504 = arith.select %gt3A_2500, %broadcast_in_dim3A_2503, %select_n3A_2497 : vector<8x2048xi1>, vector<8x2048xi32>
    %slice3A_2505 = vector.extract_strided_slice %reshape3A_1821 {offsets = [98, 0, 0], sizes = [1, 8, 2048], strides = [1, 1, 1]} : vector<256x8x2048xf32> to vector<1x8x2048xf32>
    %squeeze3A_2506 = vector.shape_cast %slice3A_2505 : vector<1x8x2048xf32> to vector<8x2048xf32>
    %gt3A_2507 = arith.cmpf ogt, %squeeze3A_2506, %select_n3A_2501 : vector<8x2048xf32>
    %select_n3A_2508 = arith.select %gt3A_2507, %squeeze3A_2506, %select_n3A_2501 : vector<8x2048xi1>, vector<8x2048xf32>
    %jit3A_2509 = arith.constant 98 : i32
    %broadcast_in_dim3A_2510 = vector.broadcast %jit3A_2509 : i32 to vector<8x2048xi32>
    %select_n3A_2511 = arith.select %gt3A_2507, %broadcast_in_dim3A_2510, %select_n3A_2504 : vector<8x2048xi1>, vector<8x2048xi32>
    %slice3A_2512 = vector.extract_strided_slice %reshape3A_1821 {offsets = [99, 0, 0], sizes = [1, 8, 2048], strides = [1, 1, 1]} : vector<256x8x2048xf32> to vector<1x8x2048xf32>
    %squeeze3A_2513 = vector.shape_cast %slice3A_2512 : vector<1x8x2048xf32> to vector<8x2048xf32>
    %gt3A_2514 = arith.cmpf ogt, %squeeze3A_2513, %select_n3A_2508 : vector<8x2048xf32>
    %select_n3A_2515 = arith.select %gt3A_2514, %squeeze3A_2513, %select_n3A_2508 : vector<8x2048xi1>, vector<8x2048xf32>
    %jit3A_2516 = arith.constant 99 : i32
    %broadcast_in_dim3A_2517 = vector.broadcast %jit3A_2516 : i32 to vector<8x2048xi32>
    %select_n3A_2518 = arith.select %gt3A_2514, %broadcast_in_dim3A_2517, %select_n3A_2511 : vector<8x2048xi1>, vector<8x2048xi32>
    %slice3A_2519 = vector.extract_strided_slice %reshape3A_1821 {offsets = [100, 0, 0], sizes = [1, 8, 2048], strides = [1, 1, 1]} : vector<256x8x2048xf32> to vector<1x8x2048xf32>
    %squeeze3A_2520 = vector.shape_cast %slice3A_2519 : vector<1x8x2048xf32> to vector<8x2048xf32>
    %gt3A_2521 = arith.cmpf ogt, %squeeze3A_2520, %select_n3A_2515 : vector<8x2048xf32>
    %select_n3A_2522 = arith.select %gt3A_2521, %squeeze3A_2520, %select_n3A_2515 : vector<8x2048xi1>, vector<8x2048xf32>
    %jit3A_2523 = arith.constant 100 : i32
    %broadcast_in_dim3A_2524 = vector.broadcast %jit3A_2523 : i32 to vector<8x2048xi32>
    %select_n3A_2525 = arith.select %gt3A_2521, %broadcast_in_dim3A_2524, %select_n3A_2518 : vector<8x2048xi1>, vector<8x2048xi32>
    %slice3A_2526 = vector.extract_strided_slice %reshape3A_1821 {offsets = [101, 0, 0], sizes = [1, 8, 2048], strides = [1, 1, 1]} : vector<256x8x2048xf32> to vector<1x8x2048xf32>
    %squeeze3A_2527 = vector.shape_cast %slice3A_2526 : vector<1x8x2048xf32> to vector<8x2048xf32>
    %gt3A_2528 = arith.cmpf ogt, %squeeze3A_2527, %select_n3A_2522 : vector<8x2048xf32>
    %select_n3A_2529 = arith.select %gt3A_2528, %squeeze3A_2527, %select_n3A_2522 : vector<8x2048xi1>, vector<8x2048xf32>
    %jit3A_2530 = arith.constant 101 : i32
    %broadcast_in_dim3A_2531 = vector.broadcast %jit3A_2530 : i32 to vector<8x2048xi32>
    %select_n3A_2532 = arith.select %gt3A_2528, %broadcast_in_dim3A_2531, %select_n3A_2525 : vector<8x2048xi1>, vector<8x2048xi32>
    %slice3A_2533 = vector.extract_strided_slice %reshape3A_1821 {offsets = [102, 0, 0], sizes = [1, 8, 2048], strides = [1, 1, 1]} : vector<256x8x2048xf32> to vector<1x8x2048xf32>
    %squeeze3A_2534 = vector.shape_cast %slice3A_2533 : vector<1x8x2048xf32> to vector<8x2048xf32>
    %gt3A_2535 = arith.cmpf ogt, %squeeze3A_2534, %select_n3A_2529 : vector<8x2048xf32>
    %select_n3A_2536 = arith.select %gt3A_2535, %squeeze3A_2534, %select_n3A_2529 : vector<8x2048xi1>, vector<8x2048xf32>
    %jit3A_2537 = arith.constant 102 : i32
    %broadcast_in_dim3A_2538 = vector.broadcast %jit3A_2537 : i32 to vector<8x2048xi32>
    %select_n3A_2539 = arith.select %gt3A_2535, %broadcast_in_dim3A_2538, %select_n3A_2532 : vector<8x2048xi1>, vector<8x2048xi32>
    %slice3A_2540 = vector.extract_strided_slice %reshape3A_1821 {offsets = [103, 0, 0], sizes = [1, 8, 2048], strides = [1, 1, 1]} : vector<256x8x2048xf32> to vector<1x8x2048xf32>
    %squeeze3A_2541 = vector.shape_cast %slice3A_2540 : vector<1x8x2048xf32> to vector<8x2048xf32>
    %gt3A_2542 = arith.cmpf ogt, %squeeze3A_2541, %select_n3A_2536 : vector<8x2048xf32>
    %select_n3A_2543 = arith.select %gt3A_2542, %squeeze3A_2541, %select_n3A_2536 : vector<8x2048xi1>, vector<8x2048xf32>
    %jit3A_2544 = arith.constant 103 : i32
    %broadcast_in_dim3A_2545 = vector.broadcast %jit3A_2544 : i32 to vector<8x2048xi32>
    %select_n3A_2546 = arith.select %gt3A_2542, %broadcast_in_dim3A_2545, %select_n3A_2539 : vector<8x2048xi1>, vector<8x2048xi32>
    %slice3A_2547 = vector.extract_strided_slice %reshape3A_1821 {offsets = [104, 0, 0], sizes = [1, 8, 2048], strides = [1, 1, 1]} : vector<256x8x2048xf32> to vector<1x8x2048xf32>
    %squeeze3A_2548 = vector.shape_cast %slice3A_2547 : vector<1x8x2048xf32> to vector<8x2048xf32>
    %gt3A_2549 = arith.cmpf ogt, %squeeze3A_2548, %select_n3A_2543 : vector<8x2048xf32>
    %select_n3A_2550 = arith.select %gt3A_2549, %squeeze3A_2548, %select_n3A_2543 : vector<8x2048xi1>, vector<8x2048xf32>
    %jit3A_2551 = arith.constant 104 : i32
    %broadcast_in_dim3A_2552 = vector.broadcast %jit3A_2551 : i32 to vector<8x2048xi32>
    %select_n3A_2553 = arith.select %gt3A_2549, %broadcast_in_dim3A_2552, %select_n3A_2546 : vector<8x2048xi1>, vector<8x2048xi32>
    %slice3A_2554 = vector.extract_strided_slice %reshape3A_1821 {offsets = [105, 0, 0], sizes = [1, 8, 2048], strides = [1, 1, 1]} : vector<256x8x2048xf32> to vector<1x8x2048xf32>
    %squeeze3A_2555 = vector.shape_cast %slice3A_2554 : vector<1x8x2048xf32> to vector<8x2048xf32>
    %gt3A_2556 = arith.cmpf ogt, %squeeze3A_2555, %select_n3A_2550 : vector<8x2048xf32>
    %select_n3A_2557 = arith.select %gt3A_2556, %squeeze3A_2555, %select_n3A_2550 : vector<8x2048xi1>, vector<8x2048xf32>
    %jit3A_2558 = arith.constant 105 : i32
    %broadcast_in_dim3A_2559 = vector.broadcast %jit3A_2558 : i32 to vector<8x2048xi32>
    %select_n3A_2560 = arith.select %gt3A_2556, %broadcast_in_dim3A_2559, %select_n3A_2553 : vector<8x2048xi1>, vector<8x2048xi32>
    %slice3A_2561 = vector.extract_strided_slice %reshape3A_1821 {offsets = [106, 0, 0], sizes = [1, 8, 2048], strides = [1, 1, 1]} : vector<256x8x2048xf32> to vector<1x8x2048xf32>
    %squeeze3A_2562 = vector.shape_cast %slice3A_2561 : vector<1x8x2048xf32> to vector<8x2048xf32>
    %gt3A_2563 = arith.cmpf ogt, %squeeze3A_2562, %select_n3A_2557 : vector<8x2048xf32>
    %select_n3A_2564 = arith.select %gt3A_2563, %squeeze3A_2562, %select_n3A_2557 : vector<8x2048xi1>, vector<8x2048xf32>
    %jit3A_2565 = arith.constant 106 : i32
    %broadcast_in_dim3A_2566 = vector.broadcast %jit3A_2565 : i32 to vector<8x2048xi32>
    %select_n3A_2567 = arith.select %gt3A_2563, %broadcast_in_dim3A_2566, %select_n3A_2560 : vector<8x2048xi1>, vector<8x2048xi32>
    %slice3A_2568 = vector.extract_strided_slice %reshape3A_1821 {offsets = [107, 0, 0], sizes = [1, 8, 2048], strides = [1, 1, 1]} : vector<256x8x2048xf32> to vector<1x8x2048xf32>
    %squeeze3A_2569 = vector.shape_cast %slice3A_2568 : vector<1x8x2048xf32> to vector<8x2048xf32>
    %gt3A_2570 = arith.cmpf ogt, %squeeze3A_2569, %select_n3A_2564 : vector<8x2048xf32>
    %select_n3A_2571 = arith.select %gt3A_2570, %squeeze3A_2569, %select_n3A_2564 : vector<8x2048xi1>, vector<8x2048xf32>
    %jit3A_2572 = arith.constant 107 : i32
    %broadcast_in_dim3A_2573 = vector.broadcast %jit3A_2572 : i32 to vector<8x2048xi32>
    %select_n3A_2574 = arith.select %gt3A_2570, %broadcast_in_dim3A_2573, %select_n3A_2567 : vector<8x2048xi1>, vector<8x2048xi32>
    %slice3A_2575 = vector.extract_strided_slice %reshape3A_1821 {offsets = [108, 0, 0], sizes = [1, 8, 2048], strides = [1, 1, 1]} : vector<256x8x2048xf32> to vector<1x8x2048xf32>
    %squeeze3A_2576 = vector.shape_cast %slice3A_2575 : vector<1x8x2048xf32> to vector<8x2048xf32>
    %gt3A_2577 = arith.cmpf ogt, %squeeze3A_2576, %select_n3A_2571 : vector<8x2048xf32>
    %select_n3A_2578 = arith.select %gt3A_2577, %squeeze3A_2576, %select_n3A_2571 : vector<8x2048xi1>, vector<8x2048xf32>
    %jit3A_2579 = arith.constant 108 : i32
    %broadcast_in_dim3A_2580 = vector.broadcast %jit3A_2579 : i32 to vector<8x2048xi32>
    %select_n3A_2581 = arith.select %gt3A_2577, %broadcast_in_dim3A_2580, %select_n3A_2574 : vector<8x2048xi1>, vector<8x2048xi32>
    %slice3A_2582 = vector.extract_strided_slice %reshape3A_1821 {offsets = [109, 0, 0], sizes = [1, 8, 2048], strides = [1, 1, 1]} : vector<256x8x2048xf32> to vector<1x8x2048xf32>
    %squeeze3A_2583 = vector.shape_cast %slice3A_2582 : vector<1x8x2048xf32> to vector<8x2048xf32>
    %gt3A_2584 = arith.cmpf ogt, %squeeze3A_2583, %select_n3A_2578 : vector<8x2048xf32>
    %select_n3A_2585 = arith.select %gt3A_2584, %squeeze3A_2583, %select_n3A_2578 : vector<8x2048xi1>, vector<8x2048xf32>
    %jit3A_2586 = arith.constant 109 : i32
    %broadcast_in_dim3A_2587 = vector.broadcast %jit3A_2586 : i32 to vector<8x2048xi32>
    %select_n3A_2588 = arith.select %gt3A_2584, %broadcast_in_dim3A_2587, %select_n3A_2581 : vector<8x2048xi1>, vector<8x2048xi32>
    %slice3A_2589 = vector.extract_strided_slice %reshape3A_1821 {offsets = [110, 0, 0], sizes = [1, 8, 2048], strides = [1, 1, 1]} : vector<256x8x2048xf32> to vector<1x8x2048xf32>
    %squeeze3A_2590 = vector.shape_cast %slice3A_2589 : vector<1x8x2048xf32> to vector<8x2048xf32>
    %gt3A_2591 = arith.cmpf ogt, %squeeze3A_2590, %select_n3A_2585 : vector<8x2048xf32>
    %select_n3A_2592 = arith.select %gt3A_2591, %squeeze3A_2590, %select_n3A_2585 : vector<8x2048xi1>, vector<8x2048xf32>
    %jit3A_2593 = arith.constant 110 : i32
    %broadcast_in_dim3A_2594 = vector.broadcast %jit3A_2593 : i32 to vector<8x2048xi32>
    %select_n3A_2595 = arith.select %gt3A_2591, %broadcast_in_dim3A_2594, %select_n3A_2588 : vector<8x2048xi1>, vector<8x2048xi32>
    %slice3A_2596 = vector.extract_strided_slice %reshape3A_1821 {offsets = [111, 0, 0], sizes = [1, 8, 2048], strides = [1, 1, 1]} : vector<256x8x2048xf32> to vector<1x8x2048xf32>
    %squeeze3A_2597 = vector.shape_cast %slice3A_2596 : vector<1x8x2048xf32> to vector<8x2048xf32>
    %gt3A_2598 = arith.cmpf ogt, %squeeze3A_2597, %select_n3A_2592 : vector<8x2048xf32>
    %select_n3A_2599 = arith.select %gt3A_2598, %squeeze3A_2597, %select_n3A_2592 : vector<8x2048xi1>, vector<8x2048xf32>
    %jit3A_2600 = arith.constant 111 : i32
    %broadcast_in_dim3A_2601 = vector.broadcast %jit3A_2600 : i32 to vector<8x2048xi32>
    %select_n3A_2602 = arith.select %gt3A_2598, %broadcast_in_dim3A_2601, %select_n3A_2595 : vector<8x2048xi1>, vector<8x2048xi32>
    %slice3A_2603 = vector.extract_strided_slice %reshape3A_1821 {offsets = [112, 0, 0], sizes = [1, 8, 2048], strides = [1, 1, 1]} : vector<256x8x2048xf32> to vector<1x8x2048xf32>
    %squeeze3A_2604 = vector.shape_cast %slice3A_2603 : vector<1x8x2048xf32> to vector<8x2048xf32>
    %gt3A_2605 = arith.cmpf ogt, %squeeze3A_2604, %select_n3A_2599 : vector<8x2048xf32>
    %select_n3A_2606 = arith.select %gt3A_2605, %squeeze3A_2604, %select_n3A_2599 : vector<8x2048xi1>, vector<8x2048xf32>
    %jit3A_2607 = arith.constant 112 : i32
    %broadcast_in_dim3A_2608 = vector.broadcast %jit3A_2607 : i32 to vector<8x2048xi32>
    %select_n3A_2609 = arith.select %gt3A_2605, %broadcast_in_dim3A_2608, %select_n3A_2602 : vector<8x2048xi1>, vector<8x2048xi32>
    %slice3A_2610 = vector.extract_strided_slice %reshape3A_1821 {offsets = [113, 0, 0], sizes = [1, 8, 2048], strides = [1, 1, 1]} : vector<256x8x2048xf32> to vector<1x8x2048xf32>
    %squeeze3A_2611 = vector.shape_cast %slice3A_2610 : vector<1x8x2048xf32> to vector<8x2048xf32>
    %gt3A_2612 = arith.cmpf ogt, %squeeze3A_2611, %select_n3A_2606 : vector<8x2048xf32>
    %select_n3A_2613 = arith.select %gt3A_2612, %squeeze3A_2611, %select_n3A_2606 : vector<8x2048xi1>, vector<8x2048xf32>
    %jit3A_2614 = arith.constant 113 : i32
    %broadcast_in_dim3A_2615 = vector.broadcast %jit3A_2614 : i32 to vector<8x2048xi32>
    %select_n3A_2616 = arith.select %gt3A_2612, %broadcast_in_dim3A_2615, %select_n3A_2609 : vector<8x2048xi1>, vector<8x2048xi32>
    %slice3A_2617 = vector.extract_strided_slice %reshape3A_1821 {offsets = [114, 0, 0], sizes = [1, 8, 2048], strides = [1, 1, 1]} : vector<256x8x2048xf32> to vector<1x8x2048xf32>
    %squeeze3A_2618 = vector.shape_cast %slice3A_2617 : vector<1x8x2048xf32> to vector<8x2048xf32>
    %gt3A_2619 = arith.cmpf ogt, %squeeze3A_2618, %select_n3A_2613 : vector<8x2048xf32>
    %select_n3A_2620 = arith.select %gt3A_2619, %squeeze3A_2618, %select_n3A_2613 : vector<8x2048xi1>, vector<8x2048xf32>
    %jit3A_2621 = arith.constant 114 : i32
    %broadcast_in_dim3A_2622 = vector.broadcast %jit3A_2621 : i32 to vector<8x2048xi32>
    %select_n3A_2623 = arith.select %gt3A_2619, %broadcast_in_dim3A_2622, %select_n3A_2616 : vector<8x2048xi1>, vector<8x2048xi32>
    %slice3A_2624 = vector.extract_strided_slice %reshape3A_1821 {offsets = [115, 0, 0], sizes = [1, 8, 2048], strides = [1, 1, 1]} : vector<256x8x2048xf32> to vector<1x8x2048xf32>
    %squeeze3A_2625 = vector.shape_cast %slice3A_2624 : vector<1x8x2048xf32> to vector<8x2048xf32>
    %gt3A_2626 = arith.cmpf ogt, %squeeze3A_2625, %select_n3A_2620 : vector<8x2048xf32>
    %select_n3A_2627 = arith.select %gt3A_2626, %squeeze3A_2625, %select_n3A_2620 : vector<8x2048xi1>, vector<8x2048xf32>
    %jit3A_2628 = arith.constant 115 : i32
    %broadcast_in_dim3A_2629 = vector.broadcast %jit3A_2628 : i32 to vector<8x2048xi32>
    %select_n3A_2630 = arith.select %gt3A_2626, %broadcast_in_dim3A_2629, %select_n3A_2623 : vector<8x2048xi1>, vector<8x2048xi32>
    %slice3A_2631 = vector.extract_strided_slice %reshape3A_1821 {offsets = [116, 0, 0], sizes = [1, 8, 2048], strides = [1, 1, 1]} : vector<256x8x2048xf32> to vector<1x8x2048xf32>
    %squeeze3A_2632 = vector.shape_cast %slice3A_2631 : vector<1x8x2048xf32> to vector<8x2048xf32>
    %gt3A_2633 = arith.cmpf ogt, %squeeze3A_2632, %select_n3A_2627 : vector<8x2048xf32>
    %select_n3A_2634 = arith.select %gt3A_2633, %squeeze3A_2632, %select_n3A_2627 : vector<8x2048xi1>, vector<8x2048xf32>
    %jit3A_2635 = arith.constant 116 : i32
    %broadcast_in_dim3A_2636 = vector.broadcast %jit3A_2635 : i32 to vector<8x2048xi32>
    %select_n3A_2637 = arith.select %gt3A_2633, %broadcast_in_dim3A_2636, %select_n3A_2630 : vector<8x2048xi1>, vector<8x2048xi32>
    %slice3A_2638 = vector.extract_strided_slice %reshape3A_1821 {offsets = [117, 0, 0], sizes = [1, 8, 2048], strides = [1, 1, 1]} : vector<256x8x2048xf32> to vector<1x8x2048xf32>
    %squeeze3A_2639 = vector.shape_cast %slice3A_2638 : vector<1x8x2048xf32> to vector<8x2048xf32>
    %gt3A_2640 = arith.cmpf ogt, %squeeze3A_2639, %select_n3A_2634 : vector<8x2048xf32>
    %select_n3A_2641 = arith.select %gt3A_2640, %squeeze3A_2639, %select_n3A_2634 : vector<8x2048xi1>, vector<8x2048xf32>
    %jit3A_2642 = arith.constant 117 : i32
    %broadcast_in_dim3A_2643 = vector.broadcast %jit3A_2642 : i32 to vector<8x2048xi32>
    %select_n3A_2644 = arith.select %gt3A_2640, %broadcast_in_dim3A_2643, %select_n3A_2637 : vector<8x2048xi1>, vector<8x2048xi32>
    %slice3A_2645 = vector.extract_strided_slice %reshape3A_1821 {offsets = [118, 0, 0], sizes = [1, 8, 2048], strides = [1, 1, 1]} : vector<256x8x2048xf32> to vector<1x8x2048xf32>
    %squeeze3A_2646 = vector.shape_cast %slice3A_2645 : vector<1x8x2048xf32> to vector<8x2048xf32>
    %gt3A_2647 = arith.cmpf ogt, %squeeze3A_2646, %select_n3A_2641 : vector<8x2048xf32>
    %select_n3A_2648 = arith.select %gt3A_2647, %squeeze3A_2646, %select_n3A_2641 : vector<8x2048xi1>, vector<8x2048xf32>
    %jit3A_2649 = arith.constant 118 : i32
    %broadcast_in_dim3A_2650 = vector.broadcast %jit3A_2649 : i32 to vector<8x2048xi32>
    %select_n3A_2651 = arith.select %gt3A_2647, %broadcast_in_dim3A_2650, %select_n3A_2644 : vector<8x2048xi1>, vector<8x2048xi32>
    %slice3A_2652 = vector.extract_strided_slice %reshape3A_1821 {offsets = [119, 0, 0], sizes = [1, 8, 2048], strides = [1, 1, 1]} : vector<256x8x2048xf32> to vector<1x8x2048xf32>
    %squeeze3A_2653 = vector.shape_cast %slice3A_2652 : vector<1x8x2048xf32> to vector<8x2048xf32>
    %gt3A_2654 = arith.cmpf ogt, %squeeze3A_2653, %select_n3A_2648 : vector<8x2048xf32>
    %select_n3A_2655 = arith.select %gt3A_2654, %squeeze3A_2653, %select_n3A_2648 : vector<8x2048xi1>, vector<8x2048xf32>
    %jit3A_2656 = arith.constant 119 : i32
    %broadcast_in_dim3A_2657 = vector.broadcast %jit3A_2656 : i32 to vector<8x2048xi32>
    %select_n3A_2658 = arith.select %gt3A_2654, %broadcast_in_dim3A_2657, %select_n3A_2651 : vector<8x2048xi1>, vector<8x2048xi32>
    %slice3A_2659 = vector.extract_strided_slice %reshape3A_1821 {offsets = [120, 0, 0], sizes = [1, 8, 2048], strides = [1, 1, 1]} : vector<256x8x2048xf32> to vector<1x8x2048xf32>
    %squeeze3A_2660 = vector.shape_cast %slice3A_2659 : vector<1x8x2048xf32> to vector<8x2048xf32>
    %gt3A_2661 = arith.cmpf ogt, %squeeze3A_2660, %select_n3A_2655 : vector<8x2048xf32>
    %select_n3A_2662 = arith.select %gt3A_2661, %squeeze3A_2660, %select_n3A_2655 : vector<8x2048xi1>, vector<8x2048xf32>
    %jit3A_2663 = arith.constant 120 : i32
    %broadcast_in_dim3A_2664 = vector.broadcast %jit3A_2663 : i32 to vector<8x2048xi32>
    %select_n3A_2665 = arith.select %gt3A_2661, %broadcast_in_dim3A_2664, %select_n3A_2658 : vector<8x2048xi1>, vector<8x2048xi32>
    %slice3A_2666 = vector.extract_strided_slice %reshape3A_1821 {offsets = [121, 0, 0], sizes = [1, 8, 2048], strides = [1, 1, 1]} : vector<256x8x2048xf32> to vector<1x8x2048xf32>
    %squeeze3A_2667 = vector.shape_cast %slice3A_2666 : vector<1x8x2048xf32> to vector<8x2048xf32>
    %gt3A_2668 = arith.cmpf ogt, %squeeze3A_2667, %select_n3A_2662 : vector<8x2048xf32>
    %select_n3A_2669 = arith.select %gt3A_2668, %squeeze3A_2667, %select_n3A_2662 : vector<8x2048xi1>, vector<8x2048xf32>
    %jit3A_2670 = arith.constant 121 : i32
    %broadcast_in_dim3A_2671 = vector.broadcast %jit3A_2670 : i32 to vector<8x2048xi32>
    %select_n3A_2672 = arith.select %gt3A_2668, %broadcast_in_dim3A_2671, %select_n3A_2665 : vector<8x2048xi1>, vector<8x2048xi32>
    %slice3A_2673 = vector.extract_strided_slice %reshape3A_1821 {offsets = [122, 0, 0], sizes = [1, 8, 2048], strides = [1, 1, 1]} : vector<256x8x2048xf32> to vector<1x8x2048xf32>
    %squeeze3A_2674 = vector.shape_cast %slice3A_2673 : vector<1x8x2048xf32> to vector<8x2048xf32>
    %gt3A_2675 = arith.cmpf ogt, %squeeze3A_2674, %select_n3A_2669 : vector<8x2048xf32>
    %select_n3A_2676 = arith.select %gt3A_2675, %squeeze3A_2674, %select_n3A_2669 : vector<8x2048xi1>, vector<8x2048xf32>
    %jit3A_2677 = arith.constant 122 : i32
    %broadcast_in_dim3A_2678 = vector.broadcast %jit3A_2677 : i32 to vector<8x2048xi32>
    %select_n3A_2679 = arith.select %gt3A_2675, %broadcast_in_dim3A_2678, %select_n3A_2672 : vector<8x2048xi1>, vector<8x2048xi32>
    %slice3A_2680 = vector.extract_strided_slice %reshape3A_1821 {offsets = [123, 0, 0], sizes = [1, 8, 2048], strides = [1, 1, 1]} : vector<256x8x2048xf32> to vector<1x8x2048xf32>
    %squeeze3A_2681 = vector.shape_cast %slice3A_2680 : vector<1x8x2048xf32> to vector<8x2048xf32>
    %gt3A_2682 = arith.cmpf ogt, %squeeze3A_2681, %select_n3A_2676 : vector<8x2048xf32>
    %select_n3A_2683 = arith.select %gt3A_2682, %squeeze3A_2681, %select_n3A_2676 : vector<8x2048xi1>, vector<8x2048xf32>
    %jit3A_2684 = arith.constant 123 : i32
    %broadcast_in_dim3A_2685 = vector.broadcast %jit3A_2684 : i32 to vector<8x2048xi32>
    %select_n3A_2686 = arith.select %gt3A_2682, %broadcast_in_dim3A_2685, %select_n3A_2679 : vector<8x2048xi1>, vector<8x2048xi32>
    %slice3A_2687 = vector.extract_strided_slice %reshape3A_1821 {offsets = [124, 0, 0], sizes = [1, 8, 2048], strides = [1, 1, 1]} : vector<256x8x2048xf32> to vector<1x8x2048xf32>
    %squeeze3A_2688 = vector.shape_cast %slice3A_2687 : vector<1x8x2048xf32> to vector<8x2048xf32>
    %gt3A_2689 = arith.cmpf ogt, %squeeze3A_2688, %select_n3A_2683 : vector<8x2048xf32>
    %select_n3A_2690 = arith.select %gt3A_2689, %squeeze3A_2688, %select_n3A_2683 : vector<8x2048xi1>, vector<8x2048xf32>
    %jit3A_2691 = arith.constant 124 : i32
    %broadcast_in_dim3A_2692 = vector.broadcast %jit3A_2691 : i32 to vector<8x2048xi32>
    %select_n3A_2693 = arith.select %gt3A_2689, %broadcast_in_dim3A_2692, %select_n3A_2686 : vector<8x2048xi1>, vector<8x2048xi32>
    %slice3A_2694 = vector.extract_strided_slice %reshape3A_1821 {offsets = [125, 0, 0], sizes = [1, 8, 2048], strides = [1, 1, 1]} : vector<256x8x2048xf32> to vector<1x8x2048xf32>
    %squeeze3A_2695 = vector.shape_cast %slice3A_2694 : vector<1x8x2048xf32> to vector<8x2048xf32>
    %gt3A_2696 = arith.cmpf ogt, %squeeze3A_2695, %select_n3A_2690 : vector<8x2048xf32>
    %select_n3A_2697 = arith.select %gt3A_2696, %squeeze3A_2695, %select_n3A_2690 : vector<8x2048xi1>, vector<8x2048xf32>
    %jit3A_2698 = arith.constant 125 : i32
    %broadcast_in_dim3A_2699 = vector.broadcast %jit3A_2698 : i32 to vector<8x2048xi32>
    %select_n3A_2700 = arith.select %gt3A_2696, %broadcast_in_dim3A_2699, %select_n3A_2693 : vector<8x2048xi1>, vector<8x2048xi32>
    %slice3A_2701 = vector.extract_strided_slice %reshape3A_1821 {offsets = [126, 0, 0], sizes = [1, 8, 2048], strides = [1, 1, 1]} : vector<256x8x2048xf32> to vector<1x8x2048xf32>
    %squeeze3A_2702 = vector.shape_cast %slice3A_2701 : vector<1x8x2048xf32> to vector<8x2048xf32>
    %gt3A_2703 = arith.cmpf ogt, %squeeze3A_2702, %select_n3A_2697 : vector<8x2048xf32>
    %select_n3A_2704 = arith.select %gt3A_2703, %squeeze3A_2702, %select_n3A_2697 : vector<8x2048xi1>, vector<8x2048xf32>
    %jit3A_2705 = arith.constant 126 : i32
    %broadcast_in_dim3A_2706 = vector.broadcast %jit3A_2705 : i32 to vector<8x2048xi32>
    %select_n3A_2707 = arith.select %gt3A_2703, %broadcast_in_dim3A_2706, %select_n3A_2700 : vector<8x2048xi1>, vector<8x2048xi32>
    %slice3A_2708 = vector.extract_strided_slice %reshape3A_1821 {offsets = [127, 0, 0], sizes = [1, 8, 2048], strides = [1, 1, 1]} : vector<256x8x2048xf32> to vector<1x8x2048xf32>
    %squeeze3A_2709 = vector.shape_cast %slice3A_2708 : vector<1x8x2048xf32> to vector<8x2048xf32>
    %gt3A_2710 = arith.cmpf ogt, %squeeze3A_2709, %select_n3A_2704 : vector<8x2048xf32>
    %select_n3A_2711 = arith.select %gt3A_2710, %squeeze3A_2709, %select_n3A_2704 : vector<8x2048xi1>, vector<8x2048xf32>
    %jit3A_2712 = arith.constant 127 : i32
    %broadcast_in_dim3A_2713 = vector.broadcast %jit3A_2712 : i32 to vector<8x2048xi32>
    %select_n3A_2714 = arith.select %gt3A_2710, %broadcast_in_dim3A_2713, %select_n3A_2707 : vector<8x2048xi1>, vector<8x2048xi32>
    %slice3A_2715 = vector.extract_strided_slice %reshape3A_1821 {offsets = [128, 0, 0], sizes = [1, 8, 2048], strides = [1, 1, 1]} : vector<256x8x2048xf32> to vector<1x8x2048xf32>
    %squeeze3A_2716 = vector.shape_cast %slice3A_2715 : vector<1x8x2048xf32> to vector<8x2048xf32>
    %gt3A_2717 = arith.cmpf ogt, %squeeze3A_2716, %select_n3A_2711 : vector<8x2048xf32>
    %select_n3A_2718 = arith.select %gt3A_2717, %squeeze3A_2716, %select_n3A_2711 : vector<8x2048xi1>, vector<8x2048xf32>
    %jit3A_2719 = arith.constant 128 : i32
    %broadcast_in_dim3A_2720 = vector.broadcast %jit3A_2719 : i32 to vector<8x2048xi32>
    %select_n3A_2721 = arith.select %gt3A_2717, %broadcast_in_dim3A_2720, %select_n3A_2714 : vector<8x2048xi1>, vector<8x2048xi32>
    %slice3A_2722 = vector.extract_strided_slice %reshape3A_1821 {offsets = [129, 0, 0], sizes = [1, 8, 2048], strides = [1, 1, 1]} : vector<256x8x2048xf32> to vector<1x8x2048xf32>
    %squeeze3A_2723 = vector.shape_cast %slice3A_2722 : vector<1x8x2048xf32> to vector<8x2048xf32>
    %gt3A_2724 = arith.cmpf ogt, %squeeze3A_2723, %select_n3A_2718 : vector<8x2048xf32>
    %select_n3A_2725 = arith.select %gt3A_2724, %squeeze3A_2723, %select_n3A_2718 : vector<8x2048xi1>, vector<8x2048xf32>
    %jit3A_2726 = arith.constant 129 : i32
    %broadcast_in_dim3A_2727 = vector.broadcast %jit3A_2726 : i32 to vector<8x2048xi32>
    %select_n3A_2728 = arith.select %gt3A_2724, %broadcast_in_dim3A_2727, %select_n3A_2721 : vector<8x2048xi1>, vector<8x2048xi32>
    %slice3A_2729 = vector.extract_strided_slice %reshape3A_1821 {offsets = [130, 0, 0], sizes = [1, 8, 2048], strides = [1, 1, 1]} : vector<256x8x2048xf32> to vector<1x8x2048xf32>
    %squeeze3A_2730 = vector.shape_cast %slice3A_2729 : vector<1x8x2048xf32> to vector<8x2048xf32>
    %gt3A_2731 = arith.cmpf ogt, %squeeze3A_2730, %select_n3A_2725 : vector<8x2048xf32>
    %select_n3A_2732 = arith.select %gt3A_2731, %squeeze3A_2730, %select_n3A_2725 : vector<8x2048xi1>, vector<8x2048xf32>
    %jit3A_2733 = arith.constant 130 : i32
    %broadcast_in_dim3A_2734 = vector.broadcast %jit3A_2733 : i32 to vector<8x2048xi32>
    %select_n3A_2735 = arith.select %gt3A_2731, %broadcast_in_dim3A_2734, %select_n3A_2728 : vector<8x2048xi1>, vector<8x2048xi32>
    %slice3A_2736 = vector.extract_strided_slice %reshape3A_1821 {offsets = [131, 0, 0], sizes = [1, 8, 2048], strides = [1, 1, 1]} : vector<256x8x2048xf32> to vector<1x8x2048xf32>
    %squeeze3A_2737 = vector.shape_cast %slice3A_2736 : vector<1x8x2048xf32> to vector<8x2048xf32>
    %gt3A_2738 = arith.cmpf ogt, %squeeze3A_2737, %select_n3A_2732 : vector<8x2048xf32>
    %select_n3A_2739 = arith.select %gt3A_2738, %squeeze3A_2737, %select_n3A_2732 : vector<8x2048xi1>, vector<8x2048xf32>
    %jit3A_2740 = arith.constant 131 : i32
    %broadcast_in_dim3A_2741 = vector.broadcast %jit3A_2740 : i32 to vector<8x2048xi32>
    %select_n3A_2742 = arith.select %gt3A_2738, %broadcast_in_dim3A_2741, %select_n3A_2735 : vector<8x2048xi1>, vector<8x2048xi32>
    %slice3A_2743 = vector.extract_strided_slice %reshape3A_1821 {offsets = [132, 0, 0], sizes = [1, 8, 2048], strides = [1, 1, 1]} : vector<256x8x2048xf32> to vector<1x8x2048xf32>
    %squeeze3A_2744 = vector.shape_cast %slice3A_2743 : vector<1x8x2048xf32> to vector<8x2048xf32>
    %gt3A_2745 = arith.cmpf ogt, %squeeze3A_2744, %select_n3A_2739 : vector<8x2048xf32>
    %select_n3A_2746 = arith.select %gt3A_2745, %squeeze3A_2744, %select_n3A_2739 : vector<8x2048xi1>, vector<8x2048xf32>
    %jit3A_2747 = arith.constant 132 : i32
    %broadcast_in_dim3A_2748 = vector.broadcast %jit3A_2747 : i32 to vector<8x2048xi32>
    %select_n3A_2749 = arith.select %gt3A_2745, %broadcast_in_dim3A_2748, %select_n3A_2742 : vector<8x2048xi1>, vector<8x2048xi32>
    %slice3A_2750 = vector.extract_strided_slice %reshape3A_1821 {offsets = [133, 0, 0], sizes = [1, 8, 2048], strides = [1, 1, 1]} : vector<256x8x2048xf32> to vector<1x8x2048xf32>
    %squeeze3A_2751 = vector.shape_cast %slice3A_2750 : vector<1x8x2048xf32> to vector<8x2048xf32>
    %gt3A_2752 = arith.cmpf ogt, %squeeze3A_2751, %select_n3A_2746 : vector<8x2048xf32>
    %select_n3A_2753 = arith.select %gt3A_2752, %squeeze3A_2751, %select_n3A_2746 : vector<8x2048xi1>, vector<8x2048xf32>
    %jit3A_2754 = arith.constant 133 : i32
    %broadcast_in_dim3A_2755 = vector.broadcast %jit3A_2754 : i32 to vector<8x2048xi32>
    %select_n3A_2756 = arith.select %gt3A_2752, %broadcast_in_dim3A_2755, %select_n3A_2749 : vector<8x2048xi1>, vector<8x2048xi32>
    %slice3A_2757 = vector.extract_strided_slice %reshape3A_1821 {offsets = [134, 0, 0], sizes = [1, 8, 2048], strides = [1, 1, 1]} : vector<256x8x2048xf32> to vector<1x8x2048xf32>
    %squeeze3A_2758 = vector.shape_cast %slice3A_2757 : vector<1x8x2048xf32> to vector<8x2048xf32>
    %gt3A_2759 = arith.cmpf ogt, %squeeze3A_2758, %select_n3A_2753 : vector<8x2048xf32>
    %select_n3A_2760 = arith.select %gt3A_2759, %squeeze3A_2758, %select_n3A_2753 : vector<8x2048xi1>, vector<8x2048xf32>
    %jit3A_2761 = arith.constant 134 : i32
    %broadcast_in_dim3A_2762 = vector.broadcast %jit3A_2761 : i32 to vector<8x2048xi32>
    %select_n3A_2763 = arith.select %gt3A_2759, %broadcast_in_dim3A_2762, %select_n3A_2756 : vector<8x2048xi1>, vector<8x2048xi32>
    %slice3A_2764 = vector.extract_strided_slice %reshape3A_1821 {offsets = [135, 0, 0], sizes = [1, 8, 2048], strides = [1, 1, 1]} : vector<256x8x2048xf32> to vector<1x8x2048xf32>
    %squeeze3A_2765 = vector.shape_cast %slice3A_2764 : vector<1x8x2048xf32> to vector<8x2048xf32>
    %gt3A_2766 = arith.cmpf ogt, %squeeze3A_2765, %select_n3A_2760 : vector<8x2048xf32>
    %select_n3A_2767 = arith.select %gt3A_2766, %squeeze3A_2765, %select_n3A_2760 : vector<8x2048xi1>, vector<8x2048xf32>
    %jit3A_2768 = arith.constant 135 : i32
    %broadcast_in_dim3A_2769 = vector.broadcast %jit3A_2768 : i32 to vector<8x2048xi32>
    %select_n3A_2770 = arith.select %gt3A_2766, %broadcast_in_dim3A_2769, %select_n3A_2763 : vector<8x2048xi1>, vector<8x2048xi32>
    %slice3A_2771 = vector.extract_strided_slice %reshape3A_1821 {offsets = [136, 0, 0], sizes = [1, 8, 2048], strides = [1, 1, 1]} : vector<256x8x2048xf32> to vector<1x8x2048xf32>
    %squeeze3A_2772 = vector.shape_cast %slice3A_2771 : vector<1x8x2048xf32> to vector<8x2048xf32>
    %gt3A_2773 = arith.cmpf ogt, %squeeze3A_2772, %select_n3A_2767 : vector<8x2048xf32>
    %select_n3A_2774 = arith.select %gt3A_2773, %squeeze3A_2772, %select_n3A_2767 : vector<8x2048xi1>, vector<8x2048xf32>
    %jit3A_2775 = arith.constant 136 : i32
    %broadcast_in_dim3A_2776 = vector.broadcast %jit3A_2775 : i32 to vector<8x2048xi32>
    %select_n3A_2777 = arith.select %gt3A_2773, %broadcast_in_dim3A_2776, %select_n3A_2770 : vector<8x2048xi1>, vector<8x2048xi32>
    %slice3A_2778 = vector.extract_strided_slice %reshape3A_1821 {offsets = [137, 0, 0], sizes = [1, 8, 2048], strides = [1, 1, 1]} : vector<256x8x2048xf32> to vector<1x8x2048xf32>
    %squeeze3A_2779 = vector.shape_cast %slice3A_2778 : vector<1x8x2048xf32> to vector<8x2048xf32>
    %gt3A_2780 = arith.cmpf ogt, %squeeze3A_2779, %select_n3A_2774 : vector<8x2048xf32>
    %select_n3A_2781 = arith.select %gt3A_2780, %squeeze3A_2779, %select_n3A_2774 : vector<8x2048xi1>, vector<8x2048xf32>
    %jit3A_2782 = arith.constant 137 : i32
    %broadcast_in_dim3A_2783 = vector.broadcast %jit3A_2782 : i32 to vector<8x2048xi32>
    %select_n3A_2784 = arith.select %gt3A_2780, %broadcast_in_dim3A_2783, %select_n3A_2777 : vector<8x2048xi1>, vector<8x2048xi32>
    %slice3A_2785 = vector.extract_strided_slice %reshape3A_1821 {offsets = [138, 0, 0], sizes = [1, 8, 2048], strides = [1, 1, 1]} : vector<256x8x2048xf32> to vector<1x8x2048xf32>
    %squeeze3A_2786 = vector.shape_cast %slice3A_2785 : vector<1x8x2048xf32> to vector<8x2048xf32>
    %gt3A_2787 = arith.cmpf ogt, %squeeze3A_2786, %select_n3A_2781 : vector<8x2048xf32>
    %select_n3A_2788 = arith.select %gt3A_2787, %squeeze3A_2786, %select_n3A_2781 : vector<8x2048xi1>, vector<8x2048xf32>
    %jit3A_2789 = arith.constant 138 : i32
    %broadcast_in_dim3A_2790 = vector.broadcast %jit3A_2789 : i32 to vector<8x2048xi32>
    %select_n3A_2791 = arith.select %gt3A_2787, %broadcast_in_dim3A_2790, %select_n3A_2784 : vector<8x2048xi1>, vector<8x2048xi32>
    %slice3A_2792 = vector.extract_strided_slice %reshape3A_1821 {offsets = [139, 0, 0], sizes = [1, 8, 2048], strides = [1, 1, 1]} : vector<256x8x2048xf32> to vector<1x8x2048xf32>
    %squeeze3A_2793 = vector.shape_cast %slice3A_2792 : vector<1x8x2048xf32> to vector<8x2048xf32>
    %gt3A_2794 = arith.cmpf ogt, %squeeze3A_2793, %select_n3A_2788 : vector<8x2048xf32>
    %select_n3A_2795 = arith.select %gt3A_2794, %squeeze3A_2793, %select_n3A_2788 : vector<8x2048xi1>, vector<8x2048xf32>
    %jit3A_2796 = arith.constant 139 : i32
    %broadcast_in_dim3A_2797 = vector.broadcast %jit3A_2796 : i32 to vector<8x2048xi32>
    %select_n3A_2798 = arith.select %gt3A_2794, %broadcast_in_dim3A_2797, %select_n3A_2791 : vector<8x2048xi1>, vector<8x2048xi32>
    %slice3A_2799 = vector.extract_strided_slice %reshape3A_1821 {offsets = [140, 0, 0], sizes = [1, 8, 2048], strides = [1, 1, 1]} : vector<256x8x2048xf32> to vector<1x8x2048xf32>
    %squeeze3A_2800 = vector.shape_cast %slice3A_2799 : vector<1x8x2048xf32> to vector<8x2048xf32>
    %gt3A_2801 = arith.cmpf ogt, %squeeze3A_2800, %select_n3A_2795 : vector<8x2048xf32>
    %select_n3A_2802 = arith.select %gt3A_2801, %squeeze3A_2800, %select_n3A_2795 : vector<8x2048xi1>, vector<8x2048xf32>
    %jit3A_2803 = arith.constant 140 : i32
    %broadcast_in_dim3A_2804 = vector.broadcast %jit3A_2803 : i32 to vector<8x2048xi32>
    %select_n3A_2805 = arith.select %gt3A_2801, %broadcast_in_dim3A_2804, %select_n3A_2798 : vector<8x2048xi1>, vector<8x2048xi32>
    %slice3A_2806 = vector.extract_strided_slice %reshape3A_1821 {offsets = [141, 0, 0], sizes = [1, 8, 2048], strides = [1, 1, 1]} : vector<256x8x2048xf32> to vector<1x8x2048xf32>
    %squeeze3A_2807 = vector.shape_cast %slice3A_2806 : vector<1x8x2048xf32> to vector<8x2048xf32>
    %gt3A_2808 = arith.cmpf ogt, %squeeze3A_2807, %select_n3A_2802 : vector<8x2048xf32>
    %select_n3A_2809 = arith.select %gt3A_2808, %squeeze3A_2807, %select_n3A_2802 : vector<8x2048xi1>, vector<8x2048xf32>
    %jit3A_2810 = arith.constant 141 : i32
    %broadcast_in_dim3A_2811 = vector.broadcast %jit3A_2810 : i32 to vector<8x2048xi32>
    %select_n3A_2812 = arith.select %gt3A_2808, %broadcast_in_dim3A_2811, %select_n3A_2805 : vector<8x2048xi1>, vector<8x2048xi32>
    %slice3A_2813 = vector.extract_strided_slice %reshape3A_1821 {offsets = [142, 0, 0], sizes = [1, 8, 2048], strides = [1, 1, 1]} : vector<256x8x2048xf32> to vector<1x8x2048xf32>
    %squeeze3A_2814 = vector.shape_cast %slice3A_2813 : vector<1x8x2048xf32> to vector<8x2048xf32>
    %gt3A_2815 = arith.cmpf ogt, %squeeze3A_2814, %select_n3A_2809 : vector<8x2048xf32>
    %select_n3A_2816 = arith.select %gt3A_2815, %squeeze3A_2814, %select_n3A_2809 : vector<8x2048xi1>, vector<8x2048xf32>
    %jit3A_2817 = arith.constant 142 : i32
    %broadcast_in_dim3A_2818 = vector.broadcast %jit3A_2817 : i32 to vector<8x2048xi32>
    %select_n3A_2819 = arith.select %gt3A_2815, %broadcast_in_dim3A_2818, %select_n3A_2812 : vector<8x2048xi1>, vector<8x2048xi32>
    %slice3A_2820 = vector.extract_strided_slice %reshape3A_1821 {offsets = [143, 0, 0], sizes = [1, 8, 2048], strides = [1, 1, 1]} : vector<256x8x2048xf32> to vector<1x8x2048xf32>
    %squeeze3A_2821 = vector.shape_cast %slice3A_2820 : vector<1x8x2048xf32> to vector<8x2048xf32>
    %gt3A_2822 = arith.cmpf ogt, %squeeze3A_2821, %select_n3A_2816 : vector<8x2048xf32>
    %select_n3A_2823 = arith.select %gt3A_2822, %squeeze3A_2821, %select_n3A_2816 : vector<8x2048xi1>, vector<8x2048xf32>
    %jit3A_2824 = arith.constant 143 : i32
    %broadcast_in_dim3A_2825 = vector.broadcast %jit3A_2824 : i32 to vector<8x2048xi32>
    %select_n3A_2826 = arith.select %gt3A_2822, %broadcast_in_dim3A_2825, %select_n3A_2819 : vector<8x2048xi1>, vector<8x2048xi32>
    %slice3A_2827 = vector.extract_strided_slice %reshape3A_1821 {offsets = [144, 0, 0], sizes = [1, 8, 2048], strides = [1, 1, 1]} : vector<256x8x2048xf32> to vector<1x8x2048xf32>
    %squeeze3A_2828 = vector.shape_cast %slice3A_2827 : vector<1x8x2048xf32> to vector<8x2048xf32>
    %gt3A_2829 = arith.cmpf ogt, %squeeze3A_2828, %select_n3A_2823 : vector<8x2048xf32>
    %select_n3A_2830 = arith.select %gt3A_2829, %squeeze3A_2828, %select_n3A_2823 : vector<8x2048xi1>, vector<8x2048xf32>
    %jit3A_2831 = arith.constant 144 : i32
    %broadcast_in_dim3A_2832 = vector.broadcast %jit3A_2831 : i32 to vector<8x2048xi32>
    %select_n3A_2833 = arith.select %gt3A_2829, %broadcast_in_dim3A_2832, %select_n3A_2826 : vector<8x2048xi1>, vector<8x2048xi32>
    %slice3A_2834 = vector.extract_strided_slice %reshape3A_1821 {offsets = [145, 0, 0], sizes = [1, 8, 2048], strides = [1, 1, 1]} : vector<256x8x2048xf32> to vector<1x8x2048xf32>
    %squeeze3A_2835 = vector.shape_cast %slice3A_2834 : vector<1x8x2048xf32> to vector<8x2048xf32>
    %gt3A_2836 = arith.cmpf ogt, %squeeze3A_2835, %select_n3A_2830 : vector<8x2048xf32>
    %select_n3A_2837 = arith.select %gt3A_2836, %squeeze3A_2835, %select_n3A_2830 : vector<8x2048xi1>, vector<8x2048xf32>
    %jit3A_2838 = arith.constant 145 : i32
    %broadcast_in_dim3A_2839 = vector.broadcast %jit3A_2838 : i32 to vector<8x2048xi32>
    %select_n3A_2840 = arith.select %gt3A_2836, %broadcast_in_dim3A_2839, %select_n3A_2833 : vector<8x2048xi1>, vector<8x2048xi32>
    %slice3A_2841 = vector.extract_strided_slice %reshape3A_1821 {offsets = [146, 0, 0], sizes = [1, 8, 2048], strides = [1, 1, 1]} : vector<256x8x2048xf32> to vector<1x8x2048xf32>
    %squeeze3A_2842 = vector.shape_cast %slice3A_2841 : vector<1x8x2048xf32> to vector<8x2048xf32>
    %gt3A_2843 = arith.cmpf ogt, %squeeze3A_2842, %select_n3A_2837 : vector<8x2048xf32>
    %select_n3A_2844 = arith.select %gt3A_2843, %squeeze3A_2842, %select_n3A_2837 : vector<8x2048xi1>, vector<8x2048xf32>
    %jit3A_2845 = arith.constant 146 : i32
    %broadcast_in_dim3A_2846 = vector.broadcast %jit3A_2845 : i32 to vector<8x2048xi32>
    %select_n3A_2847 = arith.select %gt3A_2843, %broadcast_in_dim3A_2846, %select_n3A_2840 : vector<8x2048xi1>, vector<8x2048xi32>
    %slice3A_2848 = vector.extract_strided_slice %reshape3A_1821 {offsets = [147, 0, 0], sizes = [1, 8, 2048], strides = [1, 1, 1]} : vector<256x8x2048xf32> to vector<1x8x2048xf32>
    %squeeze3A_2849 = vector.shape_cast %slice3A_2848 : vector<1x8x2048xf32> to vector<8x2048xf32>
    %gt3A_2850 = arith.cmpf ogt, %squeeze3A_2849, %select_n3A_2844 : vector<8x2048xf32>
    %select_n3A_2851 = arith.select %gt3A_2850, %squeeze3A_2849, %select_n3A_2844 : vector<8x2048xi1>, vector<8x2048xf32>
    %jit3A_2852 = arith.constant 147 : i32
    %broadcast_in_dim3A_2853 = vector.broadcast %jit3A_2852 : i32 to vector<8x2048xi32>
    %select_n3A_2854 = arith.select %gt3A_2850, %broadcast_in_dim3A_2853, %select_n3A_2847 : vector<8x2048xi1>, vector<8x2048xi32>
    %slice3A_2855 = vector.extract_strided_slice %reshape3A_1821 {offsets = [148, 0, 0], sizes = [1, 8, 2048], strides = [1, 1, 1]} : vector<256x8x2048xf32> to vector<1x8x2048xf32>
    %squeeze3A_2856 = vector.shape_cast %slice3A_2855 : vector<1x8x2048xf32> to vector<8x2048xf32>
    %gt3A_2857 = arith.cmpf ogt, %squeeze3A_2856, %select_n3A_2851 : vector<8x2048xf32>
    %select_n3A_2858 = arith.select %gt3A_2857, %squeeze3A_2856, %select_n3A_2851 : vector<8x2048xi1>, vector<8x2048xf32>
    %jit3A_2859 = arith.constant 148 : i32
    %broadcast_in_dim3A_2860 = vector.broadcast %jit3A_2859 : i32 to vector<8x2048xi32>
    %select_n3A_2861 = arith.select %gt3A_2857, %broadcast_in_dim3A_2860, %select_n3A_2854 : vector<8x2048xi1>, vector<8x2048xi32>
    %slice3A_2862 = vector.extract_strided_slice %reshape3A_1821 {offsets = [149, 0, 0], sizes = [1, 8, 2048], strides = [1, 1, 1]} : vector<256x8x2048xf32> to vector<1x8x2048xf32>
    %squeeze3A_2863 = vector.shape_cast %slice3A_2862 : vector<1x8x2048xf32> to vector<8x2048xf32>
    %gt3A_2864 = arith.cmpf ogt, %squeeze3A_2863, %select_n3A_2858 : vector<8x2048xf32>
    %select_n3A_2865 = arith.select %gt3A_2864, %squeeze3A_2863, %select_n3A_2858 : vector<8x2048xi1>, vector<8x2048xf32>
    %jit3A_2866 = arith.constant 149 : i32
    %broadcast_in_dim3A_2867 = vector.broadcast %jit3A_2866 : i32 to vector<8x2048xi32>
    %select_n3A_2868 = arith.select %gt3A_2864, %broadcast_in_dim3A_2867, %select_n3A_2861 : vector<8x2048xi1>, vector<8x2048xi32>
    %slice3A_2869 = vector.extract_strided_slice %reshape3A_1821 {offsets = [150, 0, 0], sizes = [1, 8, 2048], strides = [1, 1, 1]} : vector<256x8x2048xf32> to vector<1x8x2048xf32>
    %squeeze3A_2870 = vector.shape_cast %slice3A_2869 : vector<1x8x2048xf32> to vector<8x2048xf32>
    %gt3A_2871 = arith.cmpf ogt, %squeeze3A_2870, %select_n3A_2865 : vector<8x2048xf32>
    %select_n3A_2872 = arith.select %gt3A_2871, %squeeze3A_2870, %select_n3A_2865 : vector<8x2048xi1>, vector<8x2048xf32>
    %jit3A_2873 = arith.constant 150 : i32
    %broadcast_in_dim3A_2874 = vector.broadcast %jit3A_2873 : i32 to vector<8x2048xi32>
    %select_n3A_2875 = arith.select %gt3A_2871, %broadcast_in_dim3A_2874, %select_n3A_2868 : vector<8x2048xi1>, vector<8x2048xi32>
    %slice3A_2876 = vector.extract_strided_slice %reshape3A_1821 {offsets = [151, 0, 0], sizes = [1, 8, 2048], strides = [1, 1, 1]} : vector<256x8x2048xf32> to vector<1x8x2048xf32>
    %squeeze3A_2877 = vector.shape_cast %slice3A_2876 : vector<1x8x2048xf32> to vector<8x2048xf32>
    %gt3A_2878 = arith.cmpf ogt, %squeeze3A_2877, %select_n3A_2872 : vector<8x2048xf32>
    %select_n3A_2879 = arith.select %gt3A_2878, %squeeze3A_2877, %select_n3A_2872 : vector<8x2048xi1>, vector<8x2048xf32>
    %jit3A_2880 = arith.constant 151 : i32
    %broadcast_in_dim3A_2881 = vector.broadcast %jit3A_2880 : i32 to vector<8x2048xi32>
    %select_n3A_2882 = arith.select %gt3A_2878, %broadcast_in_dim3A_2881, %select_n3A_2875 : vector<8x2048xi1>, vector<8x2048xi32>
    %slice3A_2883 = vector.extract_strided_slice %reshape3A_1821 {offsets = [152, 0, 0], sizes = [1, 8, 2048], strides = [1, 1, 1]} : vector<256x8x2048xf32> to vector<1x8x2048xf32>
    %squeeze3A_2884 = vector.shape_cast %slice3A_2883 : vector<1x8x2048xf32> to vector<8x2048xf32>
    %gt3A_2885 = arith.cmpf ogt, %squeeze3A_2884, %select_n3A_2879 : vector<8x2048xf32>
    %select_n3A_2886 = arith.select %gt3A_2885, %squeeze3A_2884, %select_n3A_2879 : vector<8x2048xi1>, vector<8x2048xf32>
    %jit3A_2887 = arith.constant 152 : i32
    %broadcast_in_dim3A_2888 = vector.broadcast %jit3A_2887 : i32 to vector<8x2048xi32>
    %select_n3A_2889 = arith.select %gt3A_2885, %broadcast_in_dim3A_2888, %select_n3A_2882 : vector<8x2048xi1>, vector<8x2048xi32>
    %slice3A_2890 = vector.extract_strided_slice %reshape3A_1821 {offsets = [153, 0, 0], sizes = [1, 8, 2048], strides = [1, 1, 1]} : vector<256x8x2048xf32> to vector<1x8x2048xf32>
    %squeeze3A_2891 = vector.shape_cast %slice3A_2890 : vector<1x8x2048xf32> to vector<8x2048xf32>
    %gt3A_2892 = arith.cmpf ogt, %squeeze3A_2891, %select_n3A_2886 : vector<8x2048xf32>
    %select_n3A_2893 = arith.select %gt3A_2892, %squeeze3A_2891, %select_n3A_2886 : vector<8x2048xi1>, vector<8x2048xf32>
    %jit3A_2894 = arith.constant 153 : i32
    %broadcast_in_dim3A_2895 = vector.broadcast %jit3A_2894 : i32 to vector<8x2048xi32>
    %select_n3A_2896 = arith.select %gt3A_2892, %broadcast_in_dim3A_2895, %select_n3A_2889 : vector<8x2048xi1>, vector<8x2048xi32>
    %slice3A_2897 = vector.extract_strided_slice %reshape3A_1821 {offsets = [154, 0, 0], sizes = [1, 8, 2048], strides = [1, 1, 1]} : vector<256x8x2048xf32> to vector<1x8x2048xf32>
    %squeeze3A_2898 = vector.shape_cast %slice3A_2897 : vector<1x8x2048xf32> to vector<8x2048xf32>
    %gt3A_2899 = arith.cmpf ogt, %squeeze3A_2898, %select_n3A_2893 : vector<8x2048xf32>
    %select_n3A_2900 = arith.select %gt3A_2899, %squeeze3A_2898, %select_n3A_2893 : vector<8x2048xi1>, vector<8x2048xf32>
    %jit3A_2901 = arith.constant 154 : i32
    %broadcast_in_dim3A_2902 = vector.broadcast %jit3A_2901 : i32 to vector<8x2048xi32>
    %select_n3A_2903 = arith.select %gt3A_2899, %broadcast_in_dim3A_2902, %select_n3A_2896 : vector<8x2048xi1>, vector<8x2048xi32>
    %slice3A_2904 = vector.extract_strided_slice %reshape3A_1821 {offsets = [155, 0, 0], sizes = [1, 8, 2048], strides = [1, 1, 1]} : vector<256x8x2048xf32> to vector<1x8x2048xf32>
    %squeeze3A_2905 = vector.shape_cast %slice3A_2904 : vector<1x8x2048xf32> to vector<8x2048xf32>
    %gt3A_2906 = arith.cmpf ogt, %squeeze3A_2905, %select_n3A_2900 : vector<8x2048xf32>
    %select_n3A_2907 = arith.select %gt3A_2906, %squeeze3A_2905, %select_n3A_2900 : vector<8x2048xi1>, vector<8x2048xf32>
    %jit3A_2908 = arith.constant 155 : i32
    %broadcast_in_dim3A_2909 = vector.broadcast %jit3A_2908 : i32 to vector<8x2048xi32>
    %select_n3A_2910 = arith.select %gt3A_2906, %broadcast_in_dim3A_2909, %select_n3A_2903 : vector<8x2048xi1>, vector<8x2048xi32>
    %slice3A_2911 = vector.extract_strided_slice %reshape3A_1821 {offsets = [156, 0, 0], sizes = [1, 8, 2048], strides = [1, 1, 1]} : vector<256x8x2048xf32> to vector<1x8x2048xf32>
    %squeeze3A_2912 = vector.shape_cast %slice3A_2911 : vector<1x8x2048xf32> to vector<8x2048xf32>
    %gt3A_2913 = arith.cmpf ogt, %squeeze3A_2912, %select_n3A_2907 : vector<8x2048xf32>
    %select_n3A_2914 = arith.select %gt3A_2913, %squeeze3A_2912, %select_n3A_2907 : vector<8x2048xi1>, vector<8x2048xf32>
    %jit3A_2915 = arith.constant 156 : i32
    %broadcast_in_dim3A_2916 = vector.broadcast %jit3A_2915 : i32 to vector<8x2048xi32>
    %select_n3A_2917 = arith.select %gt3A_2913, %broadcast_in_dim3A_2916, %select_n3A_2910 : vector<8x2048xi1>, vector<8x2048xi32>
    %slice3A_2918 = vector.extract_strided_slice %reshape3A_1821 {offsets = [157, 0, 0], sizes = [1, 8, 2048], strides = [1, 1, 1]} : vector<256x8x2048xf32> to vector<1x8x2048xf32>
    %squeeze3A_2919 = vector.shape_cast %slice3A_2918 : vector<1x8x2048xf32> to vector<8x2048xf32>
    %gt3A_2920 = arith.cmpf ogt, %squeeze3A_2919, %select_n3A_2914 : vector<8x2048xf32>
    %select_n3A_2921 = arith.select %gt3A_2920, %squeeze3A_2919, %select_n3A_2914 : vector<8x2048xi1>, vector<8x2048xf32>
    %jit3A_2922 = arith.constant 157 : i32
    %broadcast_in_dim3A_2923 = vector.broadcast %jit3A_2922 : i32 to vector<8x2048xi32>
    %select_n3A_2924 = arith.select %gt3A_2920, %broadcast_in_dim3A_2923, %select_n3A_2917 : vector<8x2048xi1>, vector<8x2048xi32>
    %slice3A_2925 = vector.extract_strided_slice %reshape3A_1821 {offsets = [158, 0, 0], sizes = [1, 8, 2048], strides = [1, 1, 1]} : vector<256x8x2048xf32> to vector<1x8x2048xf32>
    %squeeze3A_2926 = vector.shape_cast %slice3A_2925 : vector<1x8x2048xf32> to vector<8x2048xf32>
    %gt3A_2927 = arith.cmpf ogt, %squeeze3A_2926, %select_n3A_2921 : vector<8x2048xf32>
    %select_n3A_2928 = arith.select %gt3A_2927, %squeeze3A_2926, %select_n3A_2921 : vector<8x2048xi1>, vector<8x2048xf32>
    %jit3A_2929 = arith.constant 158 : i32
    %broadcast_in_dim3A_2930 = vector.broadcast %jit3A_2929 : i32 to vector<8x2048xi32>
    %select_n3A_2931 = arith.select %gt3A_2927, %broadcast_in_dim3A_2930, %select_n3A_2924 : vector<8x2048xi1>, vector<8x2048xi32>
    %slice3A_2932 = vector.extract_strided_slice %reshape3A_1821 {offsets = [159, 0, 0], sizes = [1, 8, 2048], strides = [1, 1, 1]} : vector<256x8x2048xf32> to vector<1x8x2048xf32>
    %squeeze3A_2933 = vector.shape_cast %slice3A_2932 : vector<1x8x2048xf32> to vector<8x2048xf32>
    %gt3A_2934 = arith.cmpf ogt, %squeeze3A_2933, %select_n3A_2928 : vector<8x2048xf32>
    %select_n3A_2935 = arith.select %gt3A_2934, %squeeze3A_2933, %select_n3A_2928 : vector<8x2048xi1>, vector<8x2048xf32>
    %jit3A_2936 = arith.constant 159 : i32
    %broadcast_in_dim3A_2937 = vector.broadcast %jit3A_2936 : i32 to vector<8x2048xi32>
    %select_n3A_2938 = arith.select %gt3A_2934, %broadcast_in_dim3A_2937, %select_n3A_2931 : vector<8x2048xi1>, vector<8x2048xi32>
    %slice3A_2939 = vector.extract_strided_slice %reshape3A_1821 {offsets = [160, 0, 0], sizes = [1, 8, 2048], strides = [1, 1, 1]} : vector<256x8x2048xf32> to vector<1x8x2048xf32>
    %squeeze3A_2940 = vector.shape_cast %slice3A_2939 : vector<1x8x2048xf32> to vector<8x2048xf32>
    %gt3A_2941 = arith.cmpf ogt, %squeeze3A_2940, %select_n3A_2935 : vector<8x2048xf32>
    %select_n3A_2942 = arith.select %gt3A_2941, %squeeze3A_2940, %select_n3A_2935 : vector<8x2048xi1>, vector<8x2048xf32>
    %jit3A_2943 = arith.constant 160 : i32
    %broadcast_in_dim3A_2944 = vector.broadcast %jit3A_2943 : i32 to vector<8x2048xi32>
    %select_n3A_2945 = arith.select %gt3A_2941, %broadcast_in_dim3A_2944, %select_n3A_2938 : vector<8x2048xi1>, vector<8x2048xi32>
    %slice3A_2946 = vector.extract_strided_slice %reshape3A_1821 {offsets = [161, 0, 0], sizes = [1, 8, 2048], strides = [1, 1, 1]} : vector<256x8x2048xf32> to vector<1x8x2048xf32>
    %squeeze3A_2947 = vector.shape_cast %slice3A_2946 : vector<1x8x2048xf32> to vector<8x2048xf32>
    %gt3A_2948 = arith.cmpf ogt, %squeeze3A_2947, %select_n3A_2942 : vector<8x2048xf32>
    %select_n3A_2949 = arith.select %gt3A_2948, %squeeze3A_2947, %select_n3A_2942 : vector<8x2048xi1>, vector<8x2048xf32>
    %jit3A_2950 = arith.constant 161 : i32
    %broadcast_in_dim3A_2951 = vector.broadcast %jit3A_2950 : i32 to vector<8x2048xi32>
    %select_n3A_2952 = arith.select %gt3A_2948, %broadcast_in_dim3A_2951, %select_n3A_2945 : vector<8x2048xi1>, vector<8x2048xi32>
    %slice3A_2953 = vector.extract_strided_slice %reshape3A_1821 {offsets = [162, 0, 0], sizes = [1, 8, 2048], strides = [1, 1, 1]} : vector<256x8x2048xf32> to vector<1x8x2048xf32>
    %squeeze3A_2954 = vector.shape_cast %slice3A_2953 : vector<1x8x2048xf32> to vector<8x2048xf32>
    %gt3A_2955 = arith.cmpf ogt, %squeeze3A_2954, %select_n3A_2949 : vector<8x2048xf32>
    %select_n3A_2956 = arith.select %gt3A_2955, %squeeze3A_2954, %select_n3A_2949 : vector<8x2048xi1>, vector<8x2048xf32>
    %jit3A_2957 = arith.constant 162 : i32
    %broadcast_in_dim3A_2958 = vector.broadcast %jit3A_2957 : i32 to vector<8x2048xi32>
    %select_n3A_2959 = arith.select %gt3A_2955, %broadcast_in_dim3A_2958, %select_n3A_2952 : vector<8x2048xi1>, vector<8x2048xi32>
    %slice3A_2960 = vector.extract_strided_slice %reshape3A_1821 {offsets = [163, 0, 0], sizes = [1, 8, 2048], strides = [1, 1, 1]} : vector<256x8x2048xf32> to vector<1x8x2048xf32>
    %squeeze3A_2961 = vector.shape_cast %slice3A_2960 : vector<1x8x2048xf32> to vector<8x2048xf32>
    %gt3A_2962 = arith.cmpf ogt, %squeeze3A_2961, %select_n3A_2956 : vector<8x2048xf32>
    %select_n3A_2963 = arith.select %gt3A_2962, %squeeze3A_2961, %select_n3A_2956 : vector<8x2048xi1>, vector<8x2048xf32>
    %jit3A_2964 = arith.constant 163 : i32
    %broadcast_in_dim3A_2965 = vector.broadcast %jit3A_2964 : i32 to vector<8x2048xi32>
    %select_n3A_2966 = arith.select %gt3A_2962, %broadcast_in_dim3A_2965, %select_n3A_2959 : vector<8x2048xi1>, vector<8x2048xi32>
    %slice3A_2967 = vector.extract_strided_slice %reshape3A_1821 {offsets = [164, 0, 0], sizes = [1, 8, 2048], strides = [1, 1, 1]} : vector<256x8x2048xf32> to vector<1x8x2048xf32>
    %squeeze3A_2968 = vector.shape_cast %slice3A_2967 : vector<1x8x2048xf32> to vector<8x2048xf32>
    %gt3A_2969 = arith.cmpf ogt, %squeeze3A_2968, %select_n3A_2963 : vector<8x2048xf32>
    %select_n3A_2970 = arith.select %gt3A_2969, %squeeze3A_2968, %select_n3A_2963 : vector<8x2048xi1>, vector<8x2048xf32>
    %jit3A_2971 = arith.constant 164 : i32
    %broadcast_in_dim3A_2972 = vector.broadcast %jit3A_2971 : i32 to vector<8x2048xi32>
    %select_n3A_2973 = arith.select %gt3A_2969, %broadcast_in_dim3A_2972, %select_n3A_2966 : vector<8x2048xi1>, vector<8x2048xi32>
    %slice3A_2974 = vector.extract_strided_slice %reshape3A_1821 {offsets = [165, 0, 0], sizes = [1, 8, 2048], strides = [1, 1, 1]} : vector<256x8x2048xf32> to vector<1x8x2048xf32>
    %squeeze3A_2975 = vector.shape_cast %slice3A_2974 : vector<1x8x2048xf32> to vector<8x2048xf32>
    %gt3A_2976 = arith.cmpf ogt, %squeeze3A_2975, %select_n3A_2970 : vector<8x2048xf32>
    %select_n3A_2977 = arith.select %gt3A_2976, %squeeze3A_2975, %select_n3A_2970 : vector<8x2048xi1>, vector<8x2048xf32>
    %jit3A_2978 = arith.constant 165 : i32
    %broadcast_in_dim3A_2979 = vector.broadcast %jit3A_2978 : i32 to vector<8x2048xi32>
    %select_n3A_2980 = arith.select %gt3A_2976, %broadcast_in_dim3A_2979, %select_n3A_2973 : vector<8x2048xi1>, vector<8x2048xi32>
    %slice3A_2981 = vector.extract_strided_slice %reshape3A_1821 {offsets = [166, 0, 0], sizes = [1, 8, 2048], strides = [1, 1, 1]} : vector<256x8x2048xf32> to vector<1x8x2048xf32>
    %squeeze3A_2982 = vector.shape_cast %slice3A_2981 : vector<1x8x2048xf32> to vector<8x2048xf32>
    %gt3A_2983 = arith.cmpf ogt, %squeeze3A_2982, %select_n3A_2977 : vector<8x2048xf32>
    %select_n3A_2984 = arith.select %gt3A_2983, %squeeze3A_2982, %select_n3A_2977 : vector<8x2048xi1>, vector<8x2048xf32>
    %jit3A_2985 = arith.constant 166 : i32
    %broadcast_in_dim3A_2986 = vector.broadcast %jit3A_2985 : i32 to vector<8x2048xi32>
    %select_n3A_2987 = arith.select %gt3A_2983, %broadcast_in_dim3A_2986, %select_n3A_2980 : vector<8x2048xi1>, vector<8x2048xi32>
    %slice3A_2988 = vector.extract_strided_slice %reshape3A_1821 {offsets = [167, 0, 0], sizes = [1, 8, 2048], strides = [1, 1, 1]} : vector<256x8x2048xf32> to vector<1x8x2048xf32>
    %squeeze3A_2989 = vector.shape_cast %slice3A_2988 : vector<1x8x2048xf32> to vector<8x2048xf32>
    %gt3A_2990 = arith.cmpf ogt, %squeeze3A_2989, %select_n3A_2984 : vector<8x2048xf32>
    %select_n3A_2991 = arith.select %gt3A_2990, %squeeze3A_2989, %select_n3A_2984 : vector<8x2048xi1>, vector<8x2048xf32>
    %jit3A_2992 = arith.constant 167 : i32
    %broadcast_in_dim3A_2993 = vector.broadcast %jit3A_2992 : i32 to vector<8x2048xi32>
    %select_n3A_2994 = arith.select %gt3A_2990, %broadcast_in_dim3A_2993, %select_n3A_2987 : vector<8x2048xi1>, vector<8x2048xi32>
    %slice3A_2995 = vector.extract_strided_slice %reshape3A_1821 {offsets = [168, 0, 0], sizes = [1, 8, 2048], strides = [1, 1, 1]} : vector<256x8x2048xf32> to vector<1x8x2048xf32>
    %squeeze3A_2996 = vector.shape_cast %slice3A_2995 : vector<1x8x2048xf32> to vector<8x2048xf32>
    %gt3A_2997 = arith.cmpf ogt, %squeeze3A_2996, %select_n3A_2991 : vector<8x2048xf32>
    %select_n3A_2998 = arith.select %gt3A_2997, %squeeze3A_2996, %select_n3A_2991 : vector<8x2048xi1>, vector<8x2048xf32>
    %jit3A_2999 = arith.constant 168 : i32
    %broadcast_in_dim3A_3000 = vector.broadcast %jit3A_2999 : i32 to vector<8x2048xi32>
    %select_n3A_3001 = arith.select %gt3A_2997, %broadcast_in_dim3A_3000, %select_n3A_2994 : vector<8x2048xi1>, vector<8x2048xi32>
    %slice3A_3002 = vector.extract_strided_slice %reshape3A_1821 {offsets = [169, 0, 0], sizes = [1, 8, 2048], strides = [1, 1, 1]} : vector<256x8x2048xf32> to vector<1x8x2048xf32>
    %squeeze3A_3003 = vector.shape_cast %slice3A_3002 : vector<1x8x2048xf32> to vector<8x2048xf32>
    %gt3A_3004 = arith.cmpf ogt, %squeeze3A_3003, %select_n3A_2998 : vector<8x2048xf32>
    %select_n3A_3005 = arith.select %gt3A_3004, %squeeze3A_3003, %select_n3A_2998 : vector<8x2048xi1>, vector<8x2048xf32>
    %jit3A_3006 = arith.constant 169 : i32
    %broadcast_in_dim3A_3007 = vector.broadcast %jit3A_3006 : i32 to vector<8x2048xi32>
    %select_n3A_3008 = arith.select %gt3A_3004, %broadcast_in_dim3A_3007, %select_n3A_3001 : vector<8x2048xi1>, vector<8x2048xi32>
    %slice3A_3009 = vector.extract_strided_slice %reshape3A_1821 {offsets = [170, 0, 0], sizes = [1, 8, 2048], strides = [1, 1, 1]} : vector<256x8x2048xf32> to vector<1x8x2048xf32>
    %squeeze3A_3010 = vector.shape_cast %slice3A_3009 : vector<1x8x2048xf32> to vector<8x2048xf32>
    %gt3A_3011 = arith.cmpf ogt, %squeeze3A_3010, %select_n3A_3005 : vector<8x2048xf32>
    %select_n3A_3012 = arith.select %gt3A_3011, %squeeze3A_3010, %select_n3A_3005 : vector<8x2048xi1>, vector<8x2048xf32>
    %jit3A_3013 = arith.constant 170 : i32
    %broadcast_in_dim3A_3014 = vector.broadcast %jit3A_3013 : i32 to vector<8x2048xi32>
    %select_n3A_3015 = arith.select %gt3A_3011, %broadcast_in_dim3A_3014, %select_n3A_3008 : vector<8x2048xi1>, vector<8x2048xi32>
    %slice3A_3016 = vector.extract_strided_slice %reshape3A_1821 {offsets = [171, 0, 0], sizes = [1, 8, 2048], strides = [1, 1, 1]} : vector<256x8x2048xf32> to vector<1x8x2048xf32>
    %squeeze3A_3017 = vector.shape_cast %slice3A_3016 : vector<1x8x2048xf32> to vector<8x2048xf32>
    %gt3A_3018 = arith.cmpf ogt, %squeeze3A_3017, %select_n3A_3012 : vector<8x2048xf32>
    %select_n3A_3019 = arith.select %gt3A_3018, %squeeze3A_3017, %select_n3A_3012 : vector<8x2048xi1>, vector<8x2048xf32>
    %jit3A_3020 = arith.constant 171 : i32
    %broadcast_in_dim3A_3021 = vector.broadcast %jit3A_3020 : i32 to vector<8x2048xi32>
    %select_n3A_3022 = arith.select %gt3A_3018, %broadcast_in_dim3A_3021, %select_n3A_3015 : vector<8x2048xi1>, vector<8x2048xi32>
    %slice3A_3023 = vector.extract_strided_slice %reshape3A_1821 {offsets = [172, 0, 0], sizes = [1, 8, 2048], strides = [1, 1, 1]} : vector<256x8x2048xf32> to vector<1x8x2048xf32>
    %squeeze3A_3024 = vector.shape_cast %slice3A_3023 : vector<1x8x2048xf32> to vector<8x2048xf32>
    %gt3A_3025 = arith.cmpf ogt, %squeeze3A_3024, %select_n3A_3019 : vector<8x2048xf32>
    %select_n3A_3026 = arith.select %gt3A_3025, %squeeze3A_3024, %select_n3A_3019 : vector<8x2048xi1>, vector<8x2048xf32>
    %jit3A_3027 = arith.constant 172 : i32
    %broadcast_in_dim3A_3028 = vector.broadcast %jit3A_3027 : i32 to vector<8x2048xi32>
    %select_n3A_3029 = arith.select %gt3A_3025, %broadcast_in_dim3A_3028, %select_n3A_3022 : vector<8x2048xi1>, vector<8x2048xi32>
    %slice3A_3030 = vector.extract_strided_slice %reshape3A_1821 {offsets = [173, 0, 0], sizes = [1, 8, 2048], strides = [1, 1, 1]} : vector<256x8x2048xf32> to vector<1x8x2048xf32>
    %squeeze3A_3031 = vector.shape_cast %slice3A_3030 : vector<1x8x2048xf32> to vector<8x2048xf32>
    %gt3A_3032 = arith.cmpf ogt, %squeeze3A_3031, %select_n3A_3026 : vector<8x2048xf32>
    %select_n3A_3033 = arith.select %gt3A_3032, %squeeze3A_3031, %select_n3A_3026 : vector<8x2048xi1>, vector<8x2048xf32>
    %jit3A_3034 = arith.constant 173 : i32
    %broadcast_in_dim3A_3035 = vector.broadcast %jit3A_3034 : i32 to vector<8x2048xi32>
    %select_n3A_3036 = arith.select %gt3A_3032, %broadcast_in_dim3A_3035, %select_n3A_3029 : vector<8x2048xi1>, vector<8x2048xi32>
    %slice3A_3037 = vector.extract_strided_slice %reshape3A_1821 {offsets = [174, 0, 0], sizes = [1, 8, 2048], strides = [1, 1, 1]} : vector<256x8x2048xf32> to vector<1x8x2048xf32>
    %squeeze3A_3038 = vector.shape_cast %slice3A_3037 : vector<1x8x2048xf32> to vector<8x2048xf32>
    %gt3A_3039 = arith.cmpf ogt, %squeeze3A_3038, %select_n3A_3033 : vector<8x2048xf32>
    %select_n3A_3040 = arith.select %gt3A_3039, %squeeze3A_3038, %select_n3A_3033 : vector<8x2048xi1>, vector<8x2048xf32>
    %jit3A_3041 = arith.constant 174 : i32
    %broadcast_in_dim3A_3042 = vector.broadcast %jit3A_3041 : i32 to vector<8x2048xi32>
    %select_n3A_3043 = arith.select %gt3A_3039, %broadcast_in_dim3A_3042, %select_n3A_3036 : vector<8x2048xi1>, vector<8x2048xi32>
    %slice3A_3044 = vector.extract_strided_slice %reshape3A_1821 {offsets = [175, 0, 0], sizes = [1, 8, 2048], strides = [1, 1, 1]} : vector<256x8x2048xf32> to vector<1x8x2048xf32>
    %squeeze3A_3045 = vector.shape_cast %slice3A_3044 : vector<1x8x2048xf32> to vector<8x2048xf32>
    %gt3A_3046 = arith.cmpf ogt, %squeeze3A_3045, %select_n3A_3040 : vector<8x2048xf32>
    %select_n3A_3047 = arith.select %gt3A_3046, %squeeze3A_3045, %select_n3A_3040 : vector<8x2048xi1>, vector<8x2048xf32>
    %jit3A_3048 = arith.constant 175 : i32
    %broadcast_in_dim3A_3049 = vector.broadcast %jit3A_3048 : i32 to vector<8x2048xi32>
    %select_n3A_3050 = arith.select %gt3A_3046, %broadcast_in_dim3A_3049, %select_n3A_3043 : vector<8x2048xi1>, vector<8x2048xi32>
    %slice3A_3051 = vector.extract_strided_slice %reshape3A_1821 {offsets = [176, 0, 0], sizes = [1, 8, 2048], strides = [1, 1, 1]} : vector<256x8x2048xf32> to vector<1x8x2048xf32>
    %squeeze3A_3052 = vector.shape_cast %slice3A_3051 : vector<1x8x2048xf32> to vector<8x2048xf32>
    %gt3A_3053 = arith.cmpf ogt, %squeeze3A_3052, %select_n3A_3047 : vector<8x2048xf32>
    %select_n3A_3054 = arith.select %gt3A_3053, %squeeze3A_3052, %select_n3A_3047 : vector<8x2048xi1>, vector<8x2048xf32>
    %jit3A_3055 = arith.constant 176 : i32
    %broadcast_in_dim3A_3056 = vector.broadcast %jit3A_3055 : i32 to vector<8x2048xi32>
    %select_n3A_3057 = arith.select %gt3A_3053, %broadcast_in_dim3A_3056, %select_n3A_3050 : vector<8x2048xi1>, vector<8x2048xi32>
    %slice3A_3058 = vector.extract_strided_slice %reshape3A_1821 {offsets = [177, 0, 0], sizes = [1, 8, 2048], strides = [1, 1, 1]} : vector<256x8x2048xf32> to vector<1x8x2048xf32>
    %squeeze3A_3059 = vector.shape_cast %slice3A_3058 : vector<1x8x2048xf32> to vector<8x2048xf32>
    %gt3A_3060 = arith.cmpf ogt, %squeeze3A_3059, %select_n3A_3054 : vector<8x2048xf32>
    %select_n3A_3061 = arith.select %gt3A_3060, %squeeze3A_3059, %select_n3A_3054 : vector<8x2048xi1>, vector<8x2048xf32>
    %jit3A_3062 = arith.constant 177 : i32
    %broadcast_in_dim3A_3063 = vector.broadcast %jit3A_3062 : i32 to vector<8x2048xi32>
    %select_n3A_3064 = arith.select %gt3A_3060, %broadcast_in_dim3A_3063, %select_n3A_3057 : vector<8x2048xi1>, vector<8x2048xi32>
    %slice3A_3065 = vector.extract_strided_slice %reshape3A_1821 {offsets = [178, 0, 0], sizes = [1, 8, 2048], strides = [1, 1, 1]} : vector<256x8x2048xf32> to vector<1x8x2048xf32>
    %squeeze3A_3066 = vector.shape_cast %slice3A_3065 : vector<1x8x2048xf32> to vector<8x2048xf32>
    %gt3A_3067 = arith.cmpf ogt, %squeeze3A_3066, %select_n3A_3061 : vector<8x2048xf32>
    %select_n3A_3068 = arith.select %gt3A_3067, %squeeze3A_3066, %select_n3A_3061 : vector<8x2048xi1>, vector<8x2048xf32>
    %jit3A_3069 = arith.constant 178 : i32
    %broadcast_in_dim3A_3070 = vector.broadcast %jit3A_3069 : i32 to vector<8x2048xi32>
    %select_n3A_3071 = arith.select %gt3A_3067, %broadcast_in_dim3A_3070, %select_n3A_3064 : vector<8x2048xi1>, vector<8x2048xi32>
    %slice3A_3072 = vector.extract_strided_slice %reshape3A_1821 {offsets = [179, 0, 0], sizes = [1, 8, 2048], strides = [1, 1, 1]} : vector<256x8x2048xf32> to vector<1x8x2048xf32>
    %squeeze3A_3073 = vector.shape_cast %slice3A_3072 : vector<1x8x2048xf32> to vector<8x2048xf32>
    %gt3A_3074 = arith.cmpf ogt, %squeeze3A_3073, %select_n3A_3068 : vector<8x2048xf32>
    %select_n3A_3075 = arith.select %gt3A_3074, %squeeze3A_3073, %select_n3A_3068 : vector<8x2048xi1>, vector<8x2048xf32>
    %jit3A_3076 = arith.constant 179 : i32
    %broadcast_in_dim3A_3077 = vector.broadcast %jit3A_3076 : i32 to vector<8x2048xi32>
    %select_n3A_3078 = arith.select %gt3A_3074, %broadcast_in_dim3A_3077, %select_n3A_3071 : vector<8x2048xi1>, vector<8x2048xi32>
    %slice3A_3079 = vector.extract_strided_slice %reshape3A_1821 {offsets = [180, 0, 0], sizes = [1, 8, 2048], strides = [1, 1, 1]} : vector<256x8x2048xf32> to vector<1x8x2048xf32>
    %squeeze3A_3080 = vector.shape_cast %slice3A_3079 : vector<1x8x2048xf32> to vector<8x2048xf32>
    %gt3A_3081 = arith.cmpf ogt, %squeeze3A_3080, %select_n3A_3075 : vector<8x2048xf32>
    %select_n3A_3082 = arith.select %gt3A_3081, %squeeze3A_3080, %select_n3A_3075 : vector<8x2048xi1>, vector<8x2048xf32>
    %jit3A_3083 = arith.constant 180 : i32
    %broadcast_in_dim3A_3084 = vector.broadcast %jit3A_3083 : i32 to vector<8x2048xi32>
    %select_n3A_3085 = arith.select %gt3A_3081, %broadcast_in_dim3A_3084, %select_n3A_3078 : vector<8x2048xi1>, vector<8x2048xi32>
    %slice3A_3086 = vector.extract_strided_slice %reshape3A_1821 {offsets = [181, 0, 0], sizes = [1, 8, 2048], strides = [1, 1, 1]} : vector<256x8x2048xf32> to vector<1x8x2048xf32>
    %squeeze3A_3087 = vector.shape_cast %slice3A_3086 : vector<1x8x2048xf32> to vector<8x2048xf32>
    %gt3A_3088 = arith.cmpf ogt, %squeeze3A_3087, %select_n3A_3082 : vector<8x2048xf32>
    %select_n3A_3089 = arith.select %gt3A_3088, %squeeze3A_3087, %select_n3A_3082 : vector<8x2048xi1>, vector<8x2048xf32>
    %jit3A_3090 = arith.constant 181 : i32
    %broadcast_in_dim3A_3091 = vector.broadcast %jit3A_3090 : i32 to vector<8x2048xi32>
    %select_n3A_3092 = arith.select %gt3A_3088, %broadcast_in_dim3A_3091, %select_n3A_3085 : vector<8x2048xi1>, vector<8x2048xi32>
    %slice3A_3093 = vector.extract_strided_slice %reshape3A_1821 {offsets = [182, 0, 0], sizes = [1, 8, 2048], strides = [1, 1, 1]} : vector<256x8x2048xf32> to vector<1x8x2048xf32>
    %squeeze3A_3094 = vector.shape_cast %slice3A_3093 : vector<1x8x2048xf32> to vector<8x2048xf32>
    %gt3A_3095 = arith.cmpf ogt, %squeeze3A_3094, %select_n3A_3089 : vector<8x2048xf32>
    %select_n3A_3096 = arith.select %gt3A_3095, %squeeze3A_3094, %select_n3A_3089 : vector<8x2048xi1>, vector<8x2048xf32>
    %jit3A_3097 = arith.constant 182 : i32
    %broadcast_in_dim3A_3098 = vector.broadcast %jit3A_3097 : i32 to vector<8x2048xi32>
    %select_n3A_3099 = arith.select %gt3A_3095, %broadcast_in_dim3A_3098, %select_n3A_3092 : vector<8x2048xi1>, vector<8x2048xi32>
    %slice3A_3100 = vector.extract_strided_slice %reshape3A_1821 {offsets = [183, 0, 0], sizes = [1, 8, 2048], strides = [1, 1, 1]} : vector<256x8x2048xf32> to vector<1x8x2048xf32>
    %squeeze3A_3101 = vector.shape_cast %slice3A_3100 : vector<1x8x2048xf32> to vector<8x2048xf32>
    %gt3A_3102 = arith.cmpf ogt, %squeeze3A_3101, %select_n3A_3096 : vector<8x2048xf32>
    %select_n3A_3103 = arith.select %gt3A_3102, %squeeze3A_3101, %select_n3A_3096 : vector<8x2048xi1>, vector<8x2048xf32>
    %jit3A_3104 = arith.constant 183 : i32
    %broadcast_in_dim3A_3105 = vector.broadcast %jit3A_3104 : i32 to vector<8x2048xi32>
    %select_n3A_3106 = arith.select %gt3A_3102, %broadcast_in_dim3A_3105, %select_n3A_3099 : vector<8x2048xi1>, vector<8x2048xi32>
    %slice3A_3107 = vector.extract_strided_slice %reshape3A_1821 {offsets = [184, 0, 0], sizes = [1, 8, 2048], strides = [1, 1, 1]} : vector<256x8x2048xf32> to vector<1x8x2048xf32>
    %squeeze3A_3108 = vector.shape_cast %slice3A_3107 : vector<1x8x2048xf32> to vector<8x2048xf32>
    %gt3A_3109 = arith.cmpf ogt, %squeeze3A_3108, %select_n3A_3103 : vector<8x2048xf32>
    %select_n3A_3110 = arith.select %gt3A_3109, %squeeze3A_3108, %select_n3A_3103 : vector<8x2048xi1>, vector<8x2048xf32>
    %jit3A_3111 = arith.constant 184 : i32
    %broadcast_in_dim3A_3112 = vector.broadcast %jit3A_3111 : i32 to vector<8x2048xi32>
    %select_n3A_3113 = arith.select %gt3A_3109, %broadcast_in_dim3A_3112, %select_n3A_3106 : vector<8x2048xi1>, vector<8x2048xi32>
    %slice3A_3114 = vector.extract_strided_slice %reshape3A_1821 {offsets = [185, 0, 0], sizes = [1, 8, 2048], strides = [1, 1, 1]} : vector<256x8x2048xf32> to vector<1x8x2048xf32>
    %squeeze3A_3115 = vector.shape_cast %slice3A_3114 : vector<1x8x2048xf32> to vector<8x2048xf32>
    %gt3A_3116 = arith.cmpf ogt, %squeeze3A_3115, %select_n3A_3110 : vector<8x2048xf32>
    %select_n3A_3117 = arith.select %gt3A_3116, %squeeze3A_3115, %select_n3A_3110 : vector<8x2048xi1>, vector<8x2048xf32>
    %jit3A_3118 = arith.constant 185 : i32
    %broadcast_in_dim3A_3119 = vector.broadcast %jit3A_3118 : i32 to vector<8x2048xi32>
    %select_n3A_3120 = arith.select %gt3A_3116, %broadcast_in_dim3A_3119, %select_n3A_3113 : vector<8x2048xi1>, vector<8x2048xi32>
    %slice3A_3121 = vector.extract_strided_slice %reshape3A_1821 {offsets = [186, 0, 0], sizes = [1, 8, 2048], strides = [1, 1, 1]} : vector<256x8x2048xf32> to vector<1x8x2048xf32>
    %squeeze3A_3122 = vector.shape_cast %slice3A_3121 : vector<1x8x2048xf32> to vector<8x2048xf32>
    %gt3A_3123 = arith.cmpf ogt, %squeeze3A_3122, %select_n3A_3117 : vector<8x2048xf32>
    %select_n3A_3124 = arith.select %gt3A_3123, %squeeze3A_3122, %select_n3A_3117 : vector<8x2048xi1>, vector<8x2048xf32>
    %jit3A_3125 = arith.constant 186 : i32
    %broadcast_in_dim3A_3126 = vector.broadcast %jit3A_3125 : i32 to vector<8x2048xi32>
    %select_n3A_3127 = arith.select %gt3A_3123, %broadcast_in_dim3A_3126, %select_n3A_3120 : vector<8x2048xi1>, vector<8x2048xi32>
    %slice3A_3128 = vector.extract_strided_slice %reshape3A_1821 {offsets = [187, 0, 0], sizes = [1, 8, 2048], strides = [1, 1, 1]} : vector<256x8x2048xf32> to vector<1x8x2048xf32>
    %squeeze3A_3129 = vector.shape_cast %slice3A_3128 : vector<1x8x2048xf32> to vector<8x2048xf32>
    %gt3A_3130 = arith.cmpf ogt, %squeeze3A_3129, %select_n3A_3124 : vector<8x2048xf32>
    %select_n3A_3131 = arith.select %gt3A_3130, %squeeze3A_3129, %select_n3A_3124 : vector<8x2048xi1>, vector<8x2048xf32>
    %jit3A_3132 = arith.constant 187 : i32
    %broadcast_in_dim3A_3133 = vector.broadcast %jit3A_3132 : i32 to vector<8x2048xi32>
    %select_n3A_3134 = arith.select %gt3A_3130, %broadcast_in_dim3A_3133, %select_n3A_3127 : vector<8x2048xi1>, vector<8x2048xi32>
    %slice3A_3135 = vector.extract_strided_slice %reshape3A_1821 {offsets = [188, 0, 0], sizes = [1, 8, 2048], strides = [1, 1, 1]} : vector<256x8x2048xf32> to vector<1x8x2048xf32>
    %squeeze3A_3136 = vector.shape_cast %slice3A_3135 : vector<1x8x2048xf32> to vector<8x2048xf32>
    %gt3A_3137 = arith.cmpf ogt, %squeeze3A_3136, %select_n3A_3131 : vector<8x2048xf32>
    %select_n3A_3138 = arith.select %gt3A_3137, %squeeze3A_3136, %select_n3A_3131 : vector<8x2048xi1>, vector<8x2048xf32>
    %jit3A_3139 = arith.constant 188 : i32
    %broadcast_in_dim3A_3140 = vector.broadcast %jit3A_3139 : i32 to vector<8x2048xi32>
    %select_n3A_3141 = arith.select %gt3A_3137, %broadcast_in_dim3A_3140, %select_n3A_3134 : vector<8x2048xi1>, vector<8x2048xi32>
    %slice3A_3142 = vector.extract_strided_slice %reshape3A_1821 {offsets = [189, 0, 0], sizes = [1, 8, 2048], strides = [1, 1, 1]} : vector<256x8x2048xf32> to vector<1x8x2048xf32>
    %squeeze3A_3143 = vector.shape_cast %slice3A_3142 : vector<1x8x2048xf32> to vector<8x2048xf32>
    %gt3A_3144 = arith.cmpf ogt, %squeeze3A_3143, %select_n3A_3138 : vector<8x2048xf32>
    %select_n3A_3145 = arith.select %gt3A_3144, %squeeze3A_3143, %select_n3A_3138 : vector<8x2048xi1>, vector<8x2048xf32>
    %jit3A_3146 = arith.constant 189 : i32
    %broadcast_in_dim3A_3147 = vector.broadcast %jit3A_3146 : i32 to vector<8x2048xi32>
    %select_n3A_3148 = arith.select %gt3A_3144, %broadcast_in_dim3A_3147, %select_n3A_3141 : vector<8x2048xi1>, vector<8x2048xi32>
    %slice3A_3149 = vector.extract_strided_slice %reshape3A_1821 {offsets = [190, 0, 0], sizes = [1, 8, 2048], strides = [1, 1, 1]} : vector<256x8x2048xf32> to vector<1x8x2048xf32>
    %squeeze3A_3150 = vector.shape_cast %slice3A_3149 : vector<1x8x2048xf32> to vector<8x2048xf32>
    %gt3A_3151 = arith.cmpf ogt, %squeeze3A_3150, %select_n3A_3145 : vector<8x2048xf32>
    %select_n3A_3152 = arith.select %gt3A_3151, %squeeze3A_3150, %select_n3A_3145 : vector<8x2048xi1>, vector<8x2048xf32>
    %jit3A_3153 = arith.constant 190 : i32
    %broadcast_in_dim3A_3154 = vector.broadcast %jit3A_3153 : i32 to vector<8x2048xi32>
    %select_n3A_3155 = arith.select %gt3A_3151, %broadcast_in_dim3A_3154, %select_n3A_3148 : vector<8x2048xi1>, vector<8x2048xi32>
    %slice3A_3156 = vector.extract_strided_slice %reshape3A_1821 {offsets = [191, 0, 0], sizes = [1, 8, 2048], strides = [1, 1, 1]} : vector<256x8x2048xf32> to vector<1x8x2048xf32>
    %squeeze3A_3157 = vector.shape_cast %slice3A_3156 : vector<1x8x2048xf32> to vector<8x2048xf32>
    %gt3A_3158 = arith.cmpf ogt, %squeeze3A_3157, %select_n3A_3152 : vector<8x2048xf32>
    %select_n3A_3159 = arith.select %gt3A_3158, %squeeze3A_3157, %select_n3A_3152 : vector<8x2048xi1>, vector<8x2048xf32>
    %jit3A_3160 = arith.constant 191 : i32
    %broadcast_in_dim3A_3161 = vector.broadcast %jit3A_3160 : i32 to vector<8x2048xi32>
    %select_n3A_3162 = arith.select %gt3A_3158, %broadcast_in_dim3A_3161, %select_n3A_3155 : vector<8x2048xi1>, vector<8x2048xi32>
    %slice3A_3163 = vector.extract_strided_slice %reshape3A_1821 {offsets = [192, 0, 0], sizes = [1, 8, 2048], strides = [1, 1, 1]} : vector<256x8x2048xf32> to vector<1x8x2048xf32>
    %squeeze3A_3164 = vector.shape_cast %slice3A_3163 : vector<1x8x2048xf32> to vector<8x2048xf32>
    %gt3A_3165 = arith.cmpf ogt, %squeeze3A_3164, %select_n3A_3159 : vector<8x2048xf32>
    %select_n3A_3166 = arith.select %gt3A_3165, %squeeze3A_3164, %select_n3A_3159 : vector<8x2048xi1>, vector<8x2048xf32>
    %jit3A_3167 = arith.constant 192 : i32
    %broadcast_in_dim3A_3168 = vector.broadcast %jit3A_3167 : i32 to vector<8x2048xi32>
    %select_n3A_3169 = arith.select %gt3A_3165, %broadcast_in_dim3A_3168, %select_n3A_3162 : vector<8x2048xi1>, vector<8x2048xi32>
    %slice3A_3170 = vector.extract_strided_slice %reshape3A_1821 {offsets = [193, 0, 0], sizes = [1, 8, 2048], strides = [1, 1, 1]} : vector<256x8x2048xf32> to vector<1x8x2048xf32>
    %squeeze3A_3171 = vector.shape_cast %slice3A_3170 : vector<1x8x2048xf32> to vector<8x2048xf32>
    %gt3A_3172 = arith.cmpf ogt, %squeeze3A_3171, %select_n3A_3166 : vector<8x2048xf32>
    %select_n3A_3173 = arith.select %gt3A_3172, %squeeze3A_3171, %select_n3A_3166 : vector<8x2048xi1>, vector<8x2048xf32>
    %jit3A_3174 = arith.constant 193 : i32
    %broadcast_in_dim3A_3175 = vector.broadcast %jit3A_3174 : i32 to vector<8x2048xi32>
    %select_n3A_3176 = arith.select %gt3A_3172, %broadcast_in_dim3A_3175, %select_n3A_3169 : vector<8x2048xi1>, vector<8x2048xi32>
    %slice3A_3177 = vector.extract_strided_slice %reshape3A_1821 {offsets = [194, 0, 0], sizes = [1, 8, 2048], strides = [1, 1, 1]} : vector<256x8x2048xf32> to vector<1x8x2048xf32>
    %squeeze3A_3178 = vector.shape_cast %slice3A_3177 : vector<1x8x2048xf32> to vector<8x2048xf32>
    %gt3A_3179 = arith.cmpf ogt, %squeeze3A_3178, %select_n3A_3173 : vector<8x2048xf32>
    %select_n3A_3180 = arith.select %gt3A_3179, %squeeze3A_3178, %select_n3A_3173 : vector<8x2048xi1>, vector<8x2048xf32>
    %jit3A_3181 = arith.constant 194 : i32
    %broadcast_in_dim3A_3182 = vector.broadcast %jit3A_3181 : i32 to vector<8x2048xi32>
    %select_n3A_3183 = arith.select %gt3A_3179, %broadcast_in_dim3A_3182, %select_n3A_3176 : vector<8x2048xi1>, vector<8x2048xi32>
    %slice3A_3184 = vector.extract_strided_slice %reshape3A_1821 {offsets = [195, 0, 0], sizes = [1, 8, 2048], strides = [1, 1, 1]} : vector<256x8x2048xf32> to vector<1x8x2048xf32>
    %squeeze3A_3185 = vector.shape_cast %slice3A_3184 : vector<1x8x2048xf32> to vector<8x2048xf32>
    %gt3A_3186 = arith.cmpf ogt, %squeeze3A_3185, %select_n3A_3180 : vector<8x2048xf32>
    %select_n3A_3187 = arith.select %gt3A_3186, %squeeze3A_3185, %select_n3A_3180 : vector<8x2048xi1>, vector<8x2048xf32>
    %jit3A_3188 = arith.constant 195 : i32
    %broadcast_in_dim3A_3189 = vector.broadcast %jit3A_3188 : i32 to vector<8x2048xi32>
    %select_n3A_3190 = arith.select %gt3A_3186, %broadcast_in_dim3A_3189, %select_n3A_3183 : vector<8x2048xi1>, vector<8x2048xi32>
    %slice3A_3191 = vector.extract_strided_slice %reshape3A_1821 {offsets = [196, 0, 0], sizes = [1, 8, 2048], strides = [1, 1, 1]} : vector<256x8x2048xf32> to vector<1x8x2048xf32>
    %squeeze3A_3192 = vector.shape_cast %slice3A_3191 : vector<1x8x2048xf32> to vector<8x2048xf32>
    %gt3A_3193 = arith.cmpf ogt, %squeeze3A_3192, %select_n3A_3187 : vector<8x2048xf32>
    %select_n3A_3194 = arith.select %gt3A_3193, %squeeze3A_3192, %select_n3A_3187 : vector<8x2048xi1>, vector<8x2048xf32>
    %jit3A_3195 = arith.constant 196 : i32
    %broadcast_in_dim3A_3196 = vector.broadcast %jit3A_3195 : i32 to vector<8x2048xi32>
    %select_n3A_3197 = arith.select %gt3A_3193, %broadcast_in_dim3A_3196, %select_n3A_3190 : vector<8x2048xi1>, vector<8x2048xi32>
    %slice3A_3198 = vector.extract_strided_slice %reshape3A_1821 {offsets = [197, 0, 0], sizes = [1, 8, 2048], strides = [1, 1, 1]} : vector<256x8x2048xf32> to vector<1x8x2048xf32>
    %squeeze3A_3199 = vector.shape_cast %slice3A_3198 : vector<1x8x2048xf32> to vector<8x2048xf32>
    %gt3A_3200 = arith.cmpf ogt, %squeeze3A_3199, %select_n3A_3194 : vector<8x2048xf32>
    %select_n3A_3201 = arith.select %gt3A_3200, %squeeze3A_3199, %select_n3A_3194 : vector<8x2048xi1>, vector<8x2048xf32>
    %jit3A_3202 = arith.constant 197 : i32
    %broadcast_in_dim3A_3203 = vector.broadcast %jit3A_3202 : i32 to vector<8x2048xi32>
    %select_n3A_3204 = arith.select %gt3A_3200, %broadcast_in_dim3A_3203, %select_n3A_3197 : vector<8x2048xi1>, vector<8x2048xi32>
    %slice3A_3205 = vector.extract_strided_slice %reshape3A_1821 {offsets = [198, 0, 0], sizes = [1, 8, 2048], strides = [1, 1, 1]} : vector<256x8x2048xf32> to vector<1x8x2048xf32>
    %squeeze3A_3206 = vector.shape_cast %slice3A_3205 : vector<1x8x2048xf32> to vector<8x2048xf32>
    %gt3A_3207 = arith.cmpf ogt, %squeeze3A_3206, %select_n3A_3201 : vector<8x2048xf32>
    %select_n3A_3208 = arith.select %gt3A_3207, %squeeze3A_3206, %select_n3A_3201 : vector<8x2048xi1>, vector<8x2048xf32>
    %jit3A_3209 = arith.constant 198 : i32
    %broadcast_in_dim3A_3210 = vector.broadcast %jit3A_3209 : i32 to vector<8x2048xi32>
    %select_n3A_3211 = arith.select %gt3A_3207, %broadcast_in_dim3A_3210, %select_n3A_3204 : vector<8x2048xi1>, vector<8x2048xi32>
    %slice3A_3212 = vector.extract_strided_slice %reshape3A_1821 {offsets = [199, 0, 0], sizes = [1, 8, 2048], strides = [1, 1, 1]} : vector<256x8x2048xf32> to vector<1x8x2048xf32>
    %squeeze3A_3213 = vector.shape_cast %slice3A_3212 : vector<1x8x2048xf32> to vector<8x2048xf32>
    %gt3A_3214 = arith.cmpf ogt, %squeeze3A_3213, %select_n3A_3208 : vector<8x2048xf32>
    %select_n3A_3215 = arith.select %gt3A_3214, %squeeze3A_3213, %select_n3A_3208 : vector<8x2048xi1>, vector<8x2048xf32>
    %jit3A_3216 = arith.constant 199 : i32
    %broadcast_in_dim3A_3217 = vector.broadcast %jit3A_3216 : i32 to vector<8x2048xi32>
    %select_n3A_3218 = arith.select %gt3A_3214, %broadcast_in_dim3A_3217, %select_n3A_3211 : vector<8x2048xi1>, vector<8x2048xi32>
    %slice3A_3219 = vector.extract_strided_slice %reshape3A_1821 {offsets = [200, 0, 0], sizes = [1, 8, 2048], strides = [1, 1, 1]} : vector<256x8x2048xf32> to vector<1x8x2048xf32>
    %squeeze3A_3220 = vector.shape_cast %slice3A_3219 : vector<1x8x2048xf32> to vector<8x2048xf32>
    %gt3A_3221 = arith.cmpf ogt, %squeeze3A_3220, %select_n3A_3215 : vector<8x2048xf32>
    %select_n3A_3222 = arith.select %gt3A_3221, %squeeze3A_3220, %select_n3A_3215 : vector<8x2048xi1>, vector<8x2048xf32>
    %jit3A_3223 = arith.constant 200 : i32
    %broadcast_in_dim3A_3224 = vector.broadcast %jit3A_3223 : i32 to vector<8x2048xi32>
    %select_n3A_3225 = arith.select %gt3A_3221, %broadcast_in_dim3A_3224, %select_n3A_3218 : vector<8x2048xi1>, vector<8x2048xi32>
    %slice3A_3226 = vector.extract_strided_slice %reshape3A_1821 {offsets = [201, 0, 0], sizes = [1, 8, 2048], strides = [1, 1, 1]} : vector<256x8x2048xf32> to vector<1x8x2048xf32>
    %squeeze3A_3227 = vector.shape_cast %slice3A_3226 : vector<1x8x2048xf32> to vector<8x2048xf32>
    %gt3A_3228 = arith.cmpf ogt, %squeeze3A_3227, %select_n3A_3222 : vector<8x2048xf32>
    %select_n3A_3229 = arith.select %gt3A_3228, %squeeze3A_3227, %select_n3A_3222 : vector<8x2048xi1>, vector<8x2048xf32>
    %jit3A_3230 = arith.constant 201 : i32
    %broadcast_in_dim3A_3231 = vector.broadcast %jit3A_3230 : i32 to vector<8x2048xi32>
    %select_n3A_3232 = arith.select %gt3A_3228, %broadcast_in_dim3A_3231, %select_n3A_3225 : vector<8x2048xi1>, vector<8x2048xi32>
    %slice3A_3233 = vector.extract_strided_slice %reshape3A_1821 {offsets = [202, 0, 0], sizes = [1, 8, 2048], strides = [1, 1, 1]} : vector<256x8x2048xf32> to vector<1x8x2048xf32>
    %squeeze3A_3234 = vector.shape_cast %slice3A_3233 : vector<1x8x2048xf32> to vector<8x2048xf32>
    %gt3A_3235 = arith.cmpf ogt, %squeeze3A_3234, %select_n3A_3229 : vector<8x2048xf32>
    %select_n3A_3236 = arith.select %gt3A_3235, %squeeze3A_3234, %select_n3A_3229 : vector<8x2048xi1>, vector<8x2048xf32>
    %jit3A_3237 = arith.constant 202 : i32
    %broadcast_in_dim3A_3238 = vector.broadcast %jit3A_3237 : i32 to vector<8x2048xi32>
    %select_n3A_3239 = arith.select %gt3A_3235, %broadcast_in_dim3A_3238, %select_n3A_3232 : vector<8x2048xi1>, vector<8x2048xi32>
    %slice3A_3240 = vector.extract_strided_slice %reshape3A_1821 {offsets = [203, 0, 0], sizes = [1, 8, 2048], strides = [1, 1, 1]} : vector<256x8x2048xf32> to vector<1x8x2048xf32>
    %squeeze3A_3241 = vector.shape_cast %slice3A_3240 : vector<1x8x2048xf32> to vector<8x2048xf32>
    %gt3A_3242 = arith.cmpf ogt, %squeeze3A_3241, %select_n3A_3236 : vector<8x2048xf32>
    %select_n3A_3243 = arith.select %gt3A_3242, %squeeze3A_3241, %select_n3A_3236 : vector<8x2048xi1>, vector<8x2048xf32>
    %jit3A_3244 = arith.constant 203 : i32
    %broadcast_in_dim3A_3245 = vector.broadcast %jit3A_3244 : i32 to vector<8x2048xi32>
    %select_n3A_3246 = arith.select %gt3A_3242, %broadcast_in_dim3A_3245, %select_n3A_3239 : vector<8x2048xi1>, vector<8x2048xi32>
    %slice3A_3247 = vector.extract_strided_slice %reshape3A_1821 {offsets = [204, 0, 0], sizes = [1, 8, 2048], strides = [1, 1, 1]} : vector<256x8x2048xf32> to vector<1x8x2048xf32>
    %squeeze3A_3248 = vector.shape_cast %slice3A_3247 : vector<1x8x2048xf32> to vector<8x2048xf32>
    %gt3A_3249 = arith.cmpf ogt, %squeeze3A_3248, %select_n3A_3243 : vector<8x2048xf32>
    %select_n3A_3250 = arith.select %gt3A_3249, %squeeze3A_3248, %select_n3A_3243 : vector<8x2048xi1>, vector<8x2048xf32>
    %jit3A_3251 = arith.constant 204 : i32
    %broadcast_in_dim3A_3252 = vector.broadcast %jit3A_3251 : i32 to vector<8x2048xi32>
    %select_n3A_3253 = arith.select %gt3A_3249, %broadcast_in_dim3A_3252, %select_n3A_3246 : vector<8x2048xi1>, vector<8x2048xi32>
    %slice3A_3254 = vector.extract_strided_slice %reshape3A_1821 {offsets = [205, 0, 0], sizes = [1, 8, 2048], strides = [1, 1, 1]} : vector<256x8x2048xf32> to vector<1x8x2048xf32>
    %squeeze3A_3255 = vector.shape_cast %slice3A_3254 : vector<1x8x2048xf32> to vector<8x2048xf32>
    %gt3A_3256 = arith.cmpf ogt, %squeeze3A_3255, %select_n3A_3250 : vector<8x2048xf32>
    %select_n3A_3257 = arith.select %gt3A_3256, %squeeze3A_3255, %select_n3A_3250 : vector<8x2048xi1>, vector<8x2048xf32>
    %jit3A_3258 = arith.constant 205 : i32
    %broadcast_in_dim3A_3259 = vector.broadcast %jit3A_3258 : i32 to vector<8x2048xi32>
    %select_n3A_3260 = arith.select %gt3A_3256, %broadcast_in_dim3A_3259, %select_n3A_3253 : vector<8x2048xi1>, vector<8x2048xi32>
    %slice3A_3261 = vector.extract_strided_slice %reshape3A_1821 {offsets = [206, 0, 0], sizes = [1, 8, 2048], strides = [1, 1, 1]} : vector<256x8x2048xf32> to vector<1x8x2048xf32>
    %squeeze3A_3262 = vector.shape_cast %slice3A_3261 : vector<1x8x2048xf32> to vector<8x2048xf32>
    %gt3A_3263 = arith.cmpf ogt, %squeeze3A_3262, %select_n3A_3257 : vector<8x2048xf32>
    %select_n3A_3264 = arith.select %gt3A_3263, %squeeze3A_3262, %select_n3A_3257 : vector<8x2048xi1>, vector<8x2048xf32>
    %jit3A_3265 = arith.constant 206 : i32
    %broadcast_in_dim3A_3266 = vector.broadcast %jit3A_3265 : i32 to vector<8x2048xi32>
    %select_n3A_3267 = arith.select %gt3A_3263, %broadcast_in_dim3A_3266, %select_n3A_3260 : vector<8x2048xi1>, vector<8x2048xi32>
    %slice3A_3268 = vector.extract_strided_slice %reshape3A_1821 {offsets = [207, 0, 0], sizes = [1, 8, 2048], strides = [1, 1, 1]} : vector<256x8x2048xf32> to vector<1x8x2048xf32>
    %squeeze3A_3269 = vector.shape_cast %slice3A_3268 : vector<1x8x2048xf32> to vector<8x2048xf32>
    %gt3A_3270 = arith.cmpf ogt, %squeeze3A_3269, %select_n3A_3264 : vector<8x2048xf32>
    %select_n3A_3271 = arith.select %gt3A_3270, %squeeze3A_3269, %select_n3A_3264 : vector<8x2048xi1>, vector<8x2048xf32>
    %jit3A_3272 = arith.constant 207 : i32
    %broadcast_in_dim3A_3273 = vector.broadcast %jit3A_3272 : i32 to vector<8x2048xi32>
    %select_n3A_3274 = arith.select %gt3A_3270, %broadcast_in_dim3A_3273, %select_n3A_3267 : vector<8x2048xi1>, vector<8x2048xi32>
    %slice3A_3275 = vector.extract_strided_slice %reshape3A_1821 {offsets = [208, 0, 0], sizes = [1, 8, 2048], strides = [1, 1, 1]} : vector<256x8x2048xf32> to vector<1x8x2048xf32>
    %squeeze3A_3276 = vector.shape_cast %slice3A_3275 : vector<1x8x2048xf32> to vector<8x2048xf32>
    %gt3A_3277 = arith.cmpf ogt, %squeeze3A_3276, %select_n3A_3271 : vector<8x2048xf32>
    %select_n3A_3278 = arith.select %gt3A_3277, %squeeze3A_3276, %select_n3A_3271 : vector<8x2048xi1>, vector<8x2048xf32>
    %jit3A_3279 = arith.constant 208 : i32
    %broadcast_in_dim3A_3280 = vector.broadcast %jit3A_3279 : i32 to vector<8x2048xi32>
    %select_n3A_3281 = arith.select %gt3A_3277, %broadcast_in_dim3A_3280, %select_n3A_3274 : vector<8x2048xi1>, vector<8x2048xi32>
    %slice3A_3282 = vector.extract_strided_slice %reshape3A_1821 {offsets = [209, 0, 0], sizes = [1, 8, 2048], strides = [1, 1, 1]} : vector<256x8x2048xf32> to vector<1x8x2048xf32>
    %squeeze3A_3283 = vector.shape_cast %slice3A_3282 : vector<1x8x2048xf32> to vector<8x2048xf32>
    %gt3A_3284 = arith.cmpf ogt, %squeeze3A_3283, %select_n3A_3278 : vector<8x2048xf32>
    %select_n3A_3285 = arith.select %gt3A_3284, %squeeze3A_3283, %select_n3A_3278 : vector<8x2048xi1>, vector<8x2048xf32>
    %jit3A_3286 = arith.constant 209 : i32
    %broadcast_in_dim3A_3287 = vector.broadcast %jit3A_3286 : i32 to vector<8x2048xi32>
    %select_n3A_3288 = arith.select %gt3A_3284, %broadcast_in_dim3A_3287, %select_n3A_3281 : vector<8x2048xi1>, vector<8x2048xi32>
    %slice3A_3289 = vector.extract_strided_slice %reshape3A_1821 {offsets = [210, 0, 0], sizes = [1, 8, 2048], strides = [1, 1, 1]} : vector<256x8x2048xf32> to vector<1x8x2048xf32>
    %squeeze3A_3290 = vector.shape_cast %slice3A_3289 : vector<1x8x2048xf32> to vector<8x2048xf32>
    %gt3A_3291 = arith.cmpf ogt, %squeeze3A_3290, %select_n3A_3285 : vector<8x2048xf32>
    %select_n3A_3292 = arith.select %gt3A_3291, %squeeze3A_3290, %select_n3A_3285 : vector<8x2048xi1>, vector<8x2048xf32>
    %jit3A_3293 = arith.constant 210 : i32
    %broadcast_in_dim3A_3294 = vector.broadcast %jit3A_3293 : i32 to vector<8x2048xi32>
    %select_n3A_3295 = arith.select %gt3A_3291, %broadcast_in_dim3A_3294, %select_n3A_3288 : vector<8x2048xi1>, vector<8x2048xi32>
    %slice3A_3296 = vector.extract_strided_slice %reshape3A_1821 {offsets = [211, 0, 0], sizes = [1, 8, 2048], strides = [1, 1, 1]} : vector<256x8x2048xf32> to vector<1x8x2048xf32>
    %squeeze3A_3297 = vector.shape_cast %slice3A_3296 : vector<1x8x2048xf32> to vector<8x2048xf32>
    %gt3A_3298 = arith.cmpf ogt, %squeeze3A_3297, %select_n3A_3292 : vector<8x2048xf32>
    %select_n3A_3299 = arith.select %gt3A_3298, %squeeze3A_3297, %select_n3A_3292 : vector<8x2048xi1>, vector<8x2048xf32>
    %jit3A_3300 = arith.constant 211 : i32
    %broadcast_in_dim3A_3301 = vector.broadcast %jit3A_3300 : i32 to vector<8x2048xi32>
    %select_n3A_3302 = arith.select %gt3A_3298, %broadcast_in_dim3A_3301, %select_n3A_3295 : vector<8x2048xi1>, vector<8x2048xi32>
    %slice3A_3303 = vector.extract_strided_slice %reshape3A_1821 {offsets = [212, 0, 0], sizes = [1, 8, 2048], strides = [1, 1, 1]} : vector<256x8x2048xf32> to vector<1x8x2048xf32>
    %squeeze3A_3304 = vector.shape_cast %slice3A_3303 : vector<1x8x2048xf32> to vector<8x2048xf32>
    %gt3A_3305 = arith.cmpf ogt, %squeeze3A_3304, %select_n3A_3299 : vector<8x2048xf32>
    %select_n3A_3306 = arith.select %gt3A_3305, %squeeze3A_3304, %select_n3A_3299 : vector<8x2048xi1>, vector<8x2048xf32>
    %jit3A_3307 = arith.constant 212 : i32
    %broadcast_in_dim3A_3308 = vector.broadcast %jit3A_3307 : i32 to vector<8x2048xi32>
    %select_n3A_3309 = arith.select %gt3A_3305, %broadcast_in_dim3A_3308, %select_n3A_3302 : vector<8x2048xi1>, vector<8x2048xi32>
    %slice3A_3310 = vector.extract_strided_slice %reshape3A_1821 {offsets = [213, 0, 0], sizes = [1, 8, 2048], strides = [1, 1, 1]} : vector<256x8x2048xf32> to vector<1x8x2048xf32>
    %squeeze3A_3311 = vector.shape_cast %slice3A_3310 : vector<1x8x2048xf32> to vector<8x2048xf32>
    %gt3A_3312 = arith.cmpf ogt, %squeeze3A_3311, %select_n3A_3306 : vector<8x2048xf32>
    %select_n3A_3313 = arith.select %gt3A_3312, %squeeze3A_3311, %select_n3A_3306 : vector<8x2048xi1>, vector<8x2048xf32>
    %jit3A_3314 = arith.constant 213 : i32
    %broadcast_in_dim3A_3315 = vector.broadcast %jit3A_3314 : i32 to vector<8x2048xi32>
    %select_n3A_3316 = arith.select %gt3A_3312, %broadcast_in_dim3A_3315, %select_n3A_3309 : vector<8x2048xi1>, vector<8x2048xi32>
    %slice3A_3317 = vector.extract_strided_slice %reshape3A_1821 {offsets = [214, 0, 0], sizes = [1, 8, 2048], strides = [1, 1, 1]} : vector<256x8x2048xf32> to vector<1x8x2048xf32>
    %squeeze3A_3318 = vector.shape_cast %slice3A_3317 : vector<1x8x2048xf32> to vector<8x2048xf32>
    %gt3A_3319 = arith.cmpf ogt, %squeeze3A_3318, %select_n3A_3313 : vector<8x2048xf32>
    %select_n3A_3320 = arith.select %gt3A_3319, %squeeze3A_3318, %select_n3A_3313 : vector<8x2048xi1>, vector<8x2048xf32>
    %jit3A_3321 = arith.constant 214 : i32
    %broadcast_in_dim3A_3322 = vector.broadcast %jit3A_3321 : i32 to vector<8x2048xi32>
    %select_n3A_3323 = arith.select %gt3A_3319, %broadcast_in_dim3A_3322, %select_n3A_3316 : vector<8x2048xi1>, vector<8x2048xi32>
    %slice3A_3324 = vector.extract_strided_slice %reshape3A_1821 {offsets = [215, 0, 0], sizes = [1, 8, 2048], strides = [1, 1, 1]} : vector<256x8x2048xf32> to vector<1x8x2048xf32>
    %squeeze3A_3325 = vector.shape_cast %slice3A_3324 : vector<1x8x2048xf32> to vector<8x2048xf32>
    %gt3A_3326 = arith.cmpf ogt, %squeeze3A_3325, %select_n3A_3320 : vector<8x2048xf32>
    %select_n3A_3327 = arith.select %gt3A_3326, %squeeze3A_3325, %select_n3A_3320 : vector<8x2048xi1>, vector<8x2048xf32>
    %jit3A_3328 = arith.constant 215 : i32
    %broadcast_in_dim3A_3329 = vector.broadcast %jit3A_3328 : i32 to vector<8x2048xi32>
    %select_n3A_3330 = arith.select %gt3A_3326, %broadcast_in_dim3A_3329, %select_n3A_3323 : vector<8x2048xi1>, vector<8x2048xi32>
    %slice3A_3331 = vector.extract_strided_slice %reshape3A_1821 {offsets = [216, 0, 0], sizes = [1, 8, 2048], strides = [1, 1, 1]} : vector<256x8x2048xf32> to vector<1x8x2048xf32>
    %squeeze3A_3332 = vector.shape_cast %slice3A_3331 : vector<1x8x2048xf32> to vector<8x2048xf32>
    %gt3A_3333 = arith.cmpf ogt, %squeeze3A_3332, %select_n3A_3327 : vector<8x2048xf32>
    %select_n3A_3334 = arith.select %gt3A_3333, %squeeze3A_3332, %select_n3A_3327 : vector<8x2048xi1>, vector<8x2048xf32>
    %jit3A_3335 = arith.constant 216 : i32
    %broadcast_in_dim3A_3336 = vector.broadcast %jit3A_3335 : i32 to vector<8x2048xi32>
    %select_n3A_3337 = arith.select %gt3A_3333, %broadcast_in_dim3A_3336, %select_n3A_3330 : vector<8x2048xi1>, vector<8x2048xi32>
    %slice3A_3338 = vector.extract_strided_slice %reshape3A_1821 {offsets = [217, 0, 0], sizes = [1, 8, 2048], strides = [1, 1, 1]} : vector<256x8x2048xf32> to vector<1x8x2048xf32>
    %squeeze3A_3339 = vector.shape_cast %slice3A_3338 : vector<1x8x2048xf32> to vector<8x2048xf32>
    %gt3A_3340 = arith.cmpf ogt, %squeeze3A_3339, %select_n3A_3334 : vector<8x2048xf32>
    %select_n3A_3341 = arith.select %gt3A_3340, %squeeze3A_3339, %select_n3A_3334 : vector<8x2048xi1>, vector<8x2048xf32>
    %jit3A_3342 = arith.constant 217 : i32
    %broadcast_in_dim3A_3343 = vector.broadcast %jit3A_3342 : i32 to vector<8x2048xi32>
    %select_n3A_3344 = arith.select %gt3A_3340, %broadcast_in_dim3A_3343, %select_n3A_3337 : vector<8x2048xi1>, vector<8x2048xi32>
    %slice3A_3345 = vector.extract_strided_slice %reshape3A_1821 {offsets = [218, 0, 0], sizes = [1, 8, 2048], strides = [1, 1, 1]} : vector<256x8x2048xf32> to vector<1x8x2048xf32>
    %squeeze3A_3346 = vector.shape_cast %slice3A_3345 : vector<1x8x2048xf32> to vector<8x2048xf32>
    %gt3A_3347 = arith.cmpf ogt, %squeeze3A_3346, %select_n3A_3341 : vector<8x2048xf32>
    %select_n3A_3348 = arith.select %gt3A_3347, %squeeze3A_3346, %select_n3A_3341 : vector<8x2048xi1>, vector<8x2048xf32>
    %jit3A_3349 = arith.constant 218 : i32
    %broadcast_in_dim3A_3350 = vector.broadcast %jit3A_3349 : i32 to vector<8x2048xi32>
    %select_n3A_3351 = arith.select %gt3A_3347, %broadcast_in_dim3A_3350, %select_n3A_3344 : vector<8x2048xi1>, vector<8x2048xi32>
    %slice3A_3352 = vector.extract_strided_slice %reshape3A_1821 {offsets = [219, 0, 0], sizes = [1, 8, 2048], strides = [1, 1, 1]} : vector<256x8x2048xf32> to vector<1x8x2048xf32>
    %squeeze3A_3353 = vector.shape_cast %slice3A_3352 : vector<1x8x2048xf32> to vector<8x2048xf32>
    %gt3A_3354 = arith.cmpf ogt, %squeeze3A_3353, %select_n3A_3348 : vector<8x2048xf32>
    %select_n3A_3355 = arith.select %gt3A_3354, %squeeze3A_3353, %select_n3A_3348 : vector<8x2048xi1>, vector<8x2048xf32>
    %jit3A_3356 = arith.constant 219 : i32
    %broadcast_in_dim3A_3357 = vector.broadcast %jit3A_3356 : i32 to vector<8x2048xi32>
    %select_n3A_3358 = arith.select %gt3A_3354, %broadcast_in_dim3A_3357, %select_n3A_3351 : vector<8x2048xi1>, vector<8x2048xi32>
    %slice3A_3359 = vector.extract_strided_slice %reshape3A_1821 {offsets = [220, 0, 0], sizes = [1, 8, 2048], strides = [1, 1, 1]} : vector<256x8x2048xf32> to vector<1x8x2048xf32>
    %squeeze3A_3360 = vector.shape_cast %slice3A_3359 : vector<1x8x2048xf32> to vector<8x2048xf32>
    %gt3A_3361 = arith.cmpf ogt, %squeeze3A_3360, %select_n3A_3355 : vector<8x2048xf32>
    %select_n3A_3362 = arith.select %gt3A_3361, %squeeze3A_3360, %select_n3A_3355 : vector<8x2048xi1>, vector<8x2048xf32>
    %jit3A_3363 = arith.constant 220 : i32
    %broadcast_in_dim3A_3364 = vector.broadcast %jit3A_3363 : i32 to vector<8x2048xi32>
    %select_n3A_3365 = arith.select %gt3A_3361, %broadcast_in_dim3A_3364, %select_n3A_3358 : vector<8x2048xi1>, vector<8x2048xi32>
    %slice3A_3366 = vector.extract_strided_slice %reshape3A_1821 {offsets = [221, 0, 0], sizes = [1, 8, 2048], strides = [1, 1, 1]} : vector<256x8x2048xf32> to vector<1x8x2048xf32>
    %squeeze3A_3367 = vector.shape_cast %slice3A_3366 : vector<1x8x2048xf32> to vector<8x2048xf32>
    %gt3A_3368 = arith.cmpf ogt, %squeeze3A_3367, %select_n3A_3362 : vector<8x2048xf32>
    %select_n3A_3369 = arith.select %gt3A_3368, %squeeze3A_3367, %select_n3A_3362 : vector<8x2048xi1>, vector<8x2048xf32>
    %jit3A_3370 = arith.constant 221 : i32
    %broadcast_in_dim3A_3371 = vector.broadcast %jit3A_3370 : i32 to vector<8x2048xi32>
    %select_n3A_3372 = arith.select %gt3A_3368, %broadcast_in_dim3A_3371, %select_n3A_3365 : vector<8x2048xi1>, vector<8x2048xi32>
    %slice3A_3373 = vector.extract_strided_slice %reshape3A_1821 {offsets = [222, 0, 0], sizes = [1, 8, 2048], strides = [1, 1, 1]} : vector<256x8x2048xf32> to vector<1x8x2048xf32>
    %squeeze3A_3374 = vector.shape_cast %slice3A_3373 : vector<1x8x2048xf32> to vector<8x2048xf32>
    %gt3A_3375 = arith.cmpf ogt, %squeeze3A_3374, %select_n3A_3369 : vector<8x2048xf32>
    %select_n3A_3376 = arith.select %gt3A_3375, %squeeze3A_3374, %select_n3A_3369 : vector<8x2048xi1>, vector<8x2048xf32>
    %jit3A_3377 = arith.constant 222 : i32
    %broadcast_in_dim3A_3378 = vector.broadcast %jit3A_3377 : i32 to vector<8x2048xi32>
    %select_n3A_3379 = arith.select %gt3A_3375, %broadcast_in_dim3A_3378, %select_n3A_3372 : vector<8x2048xi1>, vector<8x2048xi32>
    %slice3A_3380 = vector.extract_strided_slice %reshape3A_1821 {offsets = [223, 0, 0], sizes = [1, 8, 2048], strides = [1, 1, 1]} : vector<256x8x2048xf32> to vector<1x8x2048xf32>
    %squeeze3A_3381 = vector.shape_cast %slice3A_3380 : vector<1x8x2048xf32> to vector<8x2048xf32>
    %gt3A_3382 = arith.cmpf ogt, %squeeze3A_3381, %select_n3A_3376 : vector<8x2048xf32>
    %select_n3A_3383 = arith.select %gt3A_3382, %squeeze3A_3381, %select_n3A_3376 : vector<8x2048xi1>, vector<8x2048xf32>
    %jit3A_3384 = arith.constant 223 : i32
    %broadcast_in_dim3A_3385 = vector.broadcast %jit3A_3384 : i32 to vector<8x2048xi32>
    %select_n3A_3386 = arith.select %gt3A_3382, %broadcast_in_dim3A_3385, %select_n3A_3379 : vector<8x2048xi1>, vector<8x2048xi32>
    %slice3A_3387 = vector.extract_strided_slice %reshape3A_1821 {offsets = [224, 0, 0], sizes = [1, 8, 2048], strides = [1, 1, 1]} : vector<256x8x2048xf32> to vector<1x8x2048xf32>
    %squeeze3A_3388 = vector.shape_cast %slice3A_3387 : vector<1x8x2048xf32> to vector<8x2048xf32>
    %gt3A_3389 = arith.cmpf ogt, %squeeze3A_3388, %select_n3A_3383 : vector<8x2048xf32>
    %select_n3A_3390 = arith.select %gt3A_3389, %squeeze3A_3388, %select_n3A_3383 : vector<8x2048xi1>, vector<8x2048xf32>
    %jit3A_3391 = arith.constant 224 : i32
    %broadcast_in_dim3A_3392 = vector.broadcast %jit3A_3391 : i32 to vector<8x2048xi32>
    %select_n3A_3393 = arith.select %gt3A_3389, %broadcast_in_dim3A_3392, %select_n3A_3386 : vector<8x2048xi1>, vector<8x2048xi32>
    %slice3A_3394 = vector.extract_strided_slice %reshape3A_1821 {offsets = [225, 0, 0], sizes = [1, 8, 2048], strides = [1, 1, 1]} : vector<256x8x2048xf32> to vector<1x8x2048xf32>
    %squeeze3A_3395 = vector.shape_cast %slice3A_3394 : vector<1x8x2048xf32> to vector<8x2048xf32>
    %gt3A_3396 = arith.cmpf ogt, %squeeze3A_3395, %select_n3A_3390 : vector<8x2048xf32>
    %select_n3A_3397 = arith.select %gt3A_3396, %squeeze3A_3395, %select_n3A_3390 : vector<8x2048xi1>, vector<8x2048xf32>
    %jit3A_3398 = arith.constant 225 : i32
    %broadcast_in_dim3A_3399 = vector.broadcast %jit3A_3398 : i32 to vector<8x2048xi32>
    %select_n3A_3400 = arith.select %gt3A_3396, %broadcast_in_dim3A_3399, %select_n3A_3393 : vector<8x2048xi1>, vector<8x2048xi32>
    %slice3A_3401 = vector.extract_strided_slice %reshape3A_1821 {offsets = [226, 0, 0], sizes = [1, 8, 2048], strides = [1, 1, 1]} : vector<256x8x2048xf32> to vector<1x8x2048xf32>
    %squeeze3A_3402 = vector.shape_cast %slice3A_3401 : vector<1x8x2048xf32> to vector<8x2048xf32>
    %gt3A_3403 = arith.cmpf ogt, %squeeze3A_3402, %select_n3A_3397 : vector<8x2048xf32>
    %select_n3A_3404 = arith.select %gt3A_3403, %squeeze3A_3402, %select_n3A_3397 : vector<8x2048xi1>, vector<8x2048xf32>
    %jit3A_3405 = arith.constant 226 : i32
    %broadcast_in_dim3A_3406 = vector.broadcast %jit3A_3405 : i32 to vector<8x2048xi32>
    %select_n3A_3407 = arith.select %gt3A_3403, %broadcast_in_dim3A_3406, %select_n3A_3400 : vector<8x2048xi1>, vector<8x2048xi32>
    %slice3A_3408 = vector.extract_strided_slice %reshape3A_1821 {offsets = [227, 0, 0], sizes = [1, 8, 2048], strides = [1, 1, 1]} : vector<256x8x2048xf32> to vector<1x8x2048xf32>
    %squeeze3A_3409 = vector.shape_cast %slice3A_3408 : vector<1x8x2048xf32> to vector<8x2048xf32>
    %gt3A_3410 = arith.cmpf ogt, %squeeze3A_3409, %select_n3A_3404 : vector<8x2048xf32>
    %select_n3A_3411 = arith.select %gt3A_3410, %squeeze3A_3409, %select_n3A_3404 : vector<8x2048xi1>, vector<8x2048xf32>
    %jit3A_3412 = arith.constant 227 : i32
    %broadcast_in_dim3A_3413 = vector.broadcast %jit3A_3412 : i32 to vector<8x2048xi32>
    %select_n3A_3414 = arith.select %gt3A_3410, %broadcast_in_dim3A_3413, %select_n3A_3407 : vector<8x2048xi1>, vector<8x2048xi32>
    %slice3A_3415 = vector.extract_strided_slice %reshape3A_1821 {offsets = [228, 0, 0], sizes = [1, 8, 2048], strides = [1, 1, 1]} : vector<256x8x2048xf32> to vector<1x8x2048xf32>
    %squeeze3A_3416 = vector.shape_cast %slice3A_3415 : vector<1x8x2048xf32> to vector<8x2048xf32>
    %gt3A_3417 = arith.cmpf ogt, %squeeze3A_3416, %select_n3A_3411 : vector<8x2048xf32>
    %select_n3A_3418 = arith.select %gt3A_3417, %squeeze3A_3416, %select_n3A_3411 : vector<8x2048xi1>, vector<8x2048xf32>
    %jit3A_3419 = arith.constant 228 : i32
    %broadcast_in_dim3A_3420 = vector.broadcast %jit3A_3419 : i32 to vector<8x2048xi32>
    %select_n3A_3421 = arith.select %gt3A_3417, %broadcast_in_dim3A_3420, %select_n3A_3414 : vector<8x2048xi1>, vector<8x2048xi32>
    %slice3A_3422 = vector.extract_strided_slice %reshape3A_1821 {offsets = [229, 0, 0], sizes = [1, 8, 2048], strides = [1, 1, 1]} : vector<256x8x2048xf32> to vector<1x8x2048xf32>
    %squeeze3A_3423 = vector.shape_cast %slice3A_3422 : vector<1x8x2048xf32> to vector<8x2048xf32>
    %gt3A_3424 = arith.cmpf ogt, %squeeze3A_3423, %select_n3A_3418 : vector<8x2048xf32>
    %select_n3A_3425 = arith.select %gt3A_3424, %squeeze3A_3423, %select_n3A_3418 : vector<8x2048xi1>, vector<8x2048xf32>
    %jit3A_3426 = arith.constant 229 : i32
    %broadcast_in_dim3A_3427 = vector.broadcast %jit3A_3426 : i32 to vector<8x2048xi32>
    %select_n3A_3428 = arith.select %gt3A_3424, %broadcast_in_dim3A_3427, %select_n3A_3421 : vector<8x2048xi1>, vector<8x2048xi32>
    %slice3A_3429 = vector.extract_strided_slice %reshape3A_1821 {offsets = [230, 0, 0], sizes = [1, 8, 2048], strides = [1, 1, 1]} : vector<256x8x2048xf32> to vector<1x8x2048xf32>
    %squeeze3A_3430 = vector.shape_cast %slice3A_3429 : vector<1x8x2048xf32> to vector<8x2048xf32>
    %gt3A_3431 = arith.cmpf ogt, %squeeze3A_3430, %select_n3A_3425 : vector<8x2048xf32>
    %select_n3A_3432 = arith.select %gt3A_3431, %squeeze3A_3430, %select_n3A_3425 : vector<8x2048xi1>, vector<8x2048xf32>
    %jit3A_3433 = arith.constant 230 : i32
    %broadcast_in_dim3A_3434 = vector.broadcast %jit3A_3433 : i32 to vector<8x2048xi32>
    %select_n3A_3435 = arith.select %gt3A_3431, %broadcast_in_dim3A_3434, %select_n3A_3428 : vector<8x2048xi1>, vector<8x2048xi32>
    %slice3A_3436 = vector.extract_strided_slice %reshape3A_1821 {offsets = [231, 0, 0], sizes = [1, 8, 2048], strides = [1, 1, 1]} : vector<256x8x2048xf32> to vector<1x8x2048xf32>
    %squeeze3A_3437 = vector.shape_cast %slice3A_3436 : vector<1x8x2048xf32> to vector<8x2048xf32>
    %gt3A_3438 = arith.cmpf ogt, %squeeze3A_3437, %select_n3A_3432 : vector<8x2048xf32>
    %select_n3A_3439 = arith.select %gt3A_3438, %squeeze3A_3437, %select_n3A_3432 : vector<8x2048xi1>, vector<8x2048xf32>
    %jit3A_3440 = arith.constant 231 : i32
    %broadcast_in_dim3A_3441 = vector.broadcast %jit3A_3440 : i32 to vector<8x2048xi32>
    %select_n3A_3442 = arith.select %gt3A_3438, %broadcast_in_dim3A_3441, %select_n3A_3435 : vector<8x2048xi1>, vector<8x2048xi32>
    %slice3A_3443 = vector.extract_strided_slice %reshape3A_1821 {offsets = [232, 0, 0], sizes = [1, 8, 2048], strides = [1, 1, 1]} : vector<256x8x2048xf32> to vector<1x8x2048xf32>
    %squeeze3A_3444 = vector.shape_cast %slice3A_3443 : vector<1x8x2048xf32> to vector<8x2048xf32>
    %gt3A_3445 = arith.cmpf ogt, %squeeze3A_3444, %select_n3A_3439 : vector<8x2048xf32>
    %select_n3A_3446 = arith.select %gt3A_3445, %squeeze3A_3444, %select_n3A_3439 : vector<8x2048xi1>, vector<8x2048xf32>
    %jit3A_3447 = arith.constant 232 : i32
    %broadcast_in_dim3A_3448 = vector.broadcast %jit3A_3447 : i32 to vector<8x2048xi32>
    %select_n3A_3449 = arith.select %gt3A_3445, %broadcast_in_dim3A_3448, %select_n3A_3442 : vector<8x2048xi1>, vector<8x2048xi32>
    %slice3A_3450 = vector.extract_strided_slice %reshape3A_1821 {offsets = [233, 0, 0], sizes = [1, 8, 2048], strides = [1, 1, 1]} : vector<256x8x2048xf32> to vector<1x8x2048xf32>
    %squeeze3A_3451 = vector.shape_cast %slice3A_3450 : vector<1x8x2048xf32> to vector<8x2048xf32>
    %gt3A_3452 = arith.cmpf ogt, %squeeze3A_3451, %select_n3A_3446 : vector<8x2048xf32>
    %select_n3A_3453 = arith.select %gt3A_3452, %squeeze3A_3451, %select_n3A_3446 : vector<8x2048xi1>, vector<8x2048xf32>
    %jit3A_3454 = arith.constant 233 : i32
    %broadcast_in_dim3A_3455 = vector.broadcast %jit3A_3454 : i32 to vector<8x2048xi32>
    %select_n3A_3456 = arith.select %gt3A_3452, %broadcast_in_dim3A_3455, %select_n3A_3449 : vector<8x2048xi1>, vector<8x2048xi32>
    %slice3A_3457 = vector.extract_strided_slice %reshape3A_1821 {offsets = [234, 0, 0], sizes = [1, 8, 2048], strides = [1, 1, 1]} : vector<256x8x2048xf32> to vector<1x8x2048xf32>
    %squeeze3A_3458 = vector.shape_cast %slice3A_3457 : vector<1x8x2048xf32> to vector<8x2048xf32>
    %gt3A_3459 = arith.cmpf ogt, %squeeze3A_3458, %select_n3A_3453 : vector<8x2048xf32>
    %select_n3A_3460 = arith.select %gt3A_3459, %squeeze3A_3458, %select_n3A_3453 : vector<8x2048xi1>, vector<8x2048xf32>
    %jit3A_3461 = arith.constant 234 : i32
    %broadcast_in_dim3A_3462 = vector.broadcast %jit3A_3461 : i32 to vector<8x2048xi32>
    %select_n3A_3463 = arith.select %gt3A_3459, %broadcast_in_dim3A_3462, %select_n3A_3456 : vector<8x2048xi1>, vector<8x2048xi32>
    %slice3A_3464 = vector.extract_strided_slice %reshape3A_1821 {offsets = [235, 0, 0], sizes = [1, 8, 2048], strides = [1, 1, 1]} : vector<256x8x2048xf32> to vector<1x8x2048xf32>
    %squeeze3A_3465 = vector.shape_cast %slice3A_3464 : vector<1x8x2048xf32> to vector<8x2048xf32>
    %gt3A_3466 = arith.cmpf ogt, %squeeze3A_3465, %select_n3A_3460 : vector<8x2048xf32>
    %select_n3A_3467 = arith.select %gt3A_3466, %squeeze3A_3465, %select_n3A_3460 : vector<8x2048xi1>, vector<8x2048xf32>
    %jit3A_3468 = arith.constant 235 : i32
    %broadcast_in_dim3A_3469 = vector.broadcast %jit3A_3468 : i32 to vector<8x2048xi32>
    %select_n3A_3470 = arith.select %gt3A_3466, %broadcast_in_dim3A_3469, %select_n3A_3463 : vector<8x2048xi1>, vector<8x2048xi32>
    %slice3A_3471 = vector.extract_strided_slice %reshape3A_1821 {offsets = [236, 0, 0], sizes = [1, 8, 2048], strides = [1, 1, 1]} : vector<256x8x2048xf32> to vector<1x8x2048xf32>
    %squeeze3A_3472 = vector.shape_cast %slice3A_3471 : vector<1x8x2048xf32> to vector<8x2048xf32>
    %gt3A_3473 = arith.cmpf ogt, %squeeze3A_3472, %select_n3A_3467 : vector<8x2048xf32>
    %select_n3A_3474 = arith.select %gt3A_3473, %squeeze3A_3472, %select_n3A_3467 : vector<8x2048xi1>, vector<8x2048xf32>
    %jit3A_3475 = arith.constant 236 : i32
    %broadcast_in_dim3A_3476 = vector.broadcast %jit3A_3475 : i32 to vector<8x2048xi32>
    %select_n3A_3477 = arith.select %gt3A_3473, %broadcast_in_dim3A_3476, %select_n3A_3470 : vector<8x2048xi1>, vector<8x2048xi32>
    %slice3A_3478 = vector.extract_strided_slice %reshape3A_1821 {offsets = [237, 0, 0], sizes = [1, 8, 2048], strides = [1, 1, 1]} : vector<256x8x2048xf32> to vector<1x8x2048xf32>
    %squeeze3A_3479 = vector.shape_cast %slice3A_3478 : vector<1x8x2048xf32> to vector<8x2048xf32>
    %gt3A_3480 = arith.cmpf ogt, %squeeze3A_3479, %select_n3A_3474 : vector<8x2048xf32>
    %select_n3A_3481 = arith.select %gt3A_3480, %squeeze3A_3479, %select_n3A_3474 : vector<8x2048xi1>, vector<8x2048xf32>
    %jit3A_3482 = arith.constant 237 : i32
    %broadcast_in_dim3A_3483 = vector.broadcast %jit3A_3482 : i32 to vector<8x2048xi32>
    %select_n3A_3484 = arith.select %gt3A_3480, %broadcast_in_dim3A_3483, %select_n3A_3477 : vector<8x2048xi1>, vector<8x2048xi32>
    %slice3A_3485 = vector.extract_strided_slice %reshape3A_1821 {offsets = [238, 0, 0], sizes = [1, 8, 2048], strides = [1, 1, 1]} : vector<256x8x2048xf32> to vector<1x8x2048xf32>
    %squeeze3A_3486 = vector.shape_cast %slice3A_3485 : vector<1x8x2048xf32> to vector<8x2048xf32>
    %gt3A_3487 = arith.cmpf ogt, %squeeze3A_3486, %select_n3A_3481 : vector<8x2048xf32>
    %select_n3A_3488 = arith.select %gt3A_3487, %squeeze3A_3486, %select_n3A_3481 : vector<8x2048xi1>, vector<8x2048xf32>
    %jit3A_3489 = arith.constant 238 : i32
    %broadcast_in_dim3A_3490 = vector.broadcast %jit3A_3489 : i32 to vector<8x2048xi32>
    %select_n3A_3491 = arith.select %gt3A_3487, %broadcast_in_dim3A_3490, %select_n3A_3484 : vector<8x2048xi1>, vector<8x2048xi32>
    %slice3A_3492 = vector.extract_strided_slice %reshape3A_1821 {offsets = [239, 0, 0], sizes = [1, 8, 2048], strides = [1, 1, 1]} : vector<256x8x2048xf32> to vector<1x8x2048xf32>
    %squeeze3A_3493 = vector.shape_cast %slice3A_3492 : vector<1x8x2048xf32> to vector<8x2048xf32>
    %gt3A_3494 = arith.cmpf ogt, %squeeze3A_3493, %select_n3A_3488 : vector<8x2048xf32>
    %select_n3A_3495 = arith.select %gt3A_3494, %squeeze3A_3493, %select_n3A_3488 : vector<8x2048xi1>, vector<8x2048xf32>
    %jit3A_3496 = arith.constant 239 : i32
    %broadcast_in_dim3A_3497 = vector.broadcast %jit3A_3496 : i32 to vector<8x2048xi32>
    %select_n3A_3498 = arith.select %gt3A_3494, %broadcast_in_dim3A_3497, %select_n3A_3491 : vector<8x2048xi1>, vector<8x2048xi32>
    %slice3A_3499 = vector.extract_strided_slice %reshape3A_1821 {offsets = [240, 0, 0], sizes = [1, 8, 2048], strides = [1, 1, 1]} : vector<256x8x2048xf32> to vector<1x8x2048xf32>
    %squeeze3A_3500 = vector.shape_cast %slice3A_3499 : vector<1x8x2048xf32> to vector<8x2048xf32>
    %gt3A_3501 = arith.cmpf ogt, %squeeze3A_3500, %select_n3A_3495 : vector<8x2048xf32>
    %select_n3A_3502 = arith.select %gt3A_3501, %squeeze3A_3500, %select_n3A_3495 : vector<8x2048xi1>, vector<8x2048xf32>
    %jit3A_3503 = arith.constant 240 : i32
    %broadcast_in_dim3A_3504 = vector.broadcast %jit3A_3503 : i32 to vector<8x2048xi32>
    %select_n3A_3505 = arith.select %gt3A_3501, %broadcast_in_dim3A_3504, %select_n3A_3498 : vector<8x2048xi1>, vector<8x2048xi32>
    %slice3A_3506 = vector.extract_strided_slice %reshape3A_1821 {offsets = [241, 0, 0], sizes = [1, 8, 2048], strides = [1, 1, 1]} : vector<256x8x2048xf32> to vector<1x8x2048xf32>
    %squeeze3A_3507 = vector.shape_cast %slice3A_3506 : vector<1x8x2048xf32> to vector<8x2048xf32>
    %gt3A_3508 = arith.cmpf ogt, %squeeze3A_3507, %select_n3A_3502 : vector<8x2048xf32>
    %select_n3A_3509 = arith.select %gt3A_3508, %squeeze3A_3507, %select_n3A_3502 : vector<8x2048xi1>, vector<8x2048xf32>
    %jit3A_3510 = arith.constant 241 : i32
    %broadcast_in_dim3A_3511 = vector.broadcast %jit3A_3510 : i32 to vector<8x2048xi32>
    %select_n3A_3512 = arith.select %gt3A_3508, %broadcast_in_dim3A_3511, %select_n3A_3505 : vector<8x2048xi1>, vector<8x2048xi32>
    %slice3A_3513 = vector.extract_strided_slice %reshape3A_1821 {offsets = [242, 0, 0], sizes = [1, 8, 2048], strides = [1, 1, 1]} : vector<256x8x2048xf32> to vector<1x8x2048xf32>
    %squeeze3A_3514 = vector.shape_cast %slice3A_3513 : vector<1x8x2048xf32> to vector<8x2048xf32>
    %gt3A_3515 = arith.cmpf ogt, %squeeze3A_3514, %select_n3A_3509 : vector<8x2048xf32>
    %select_n3A_3516 = arith.select %gt3A_3515, %squeeze3A_3514, %select_n3A_3509 : vector<8x2048xi1>, vector<8x2048xf32>
    %jit3A_3517 = arith.constant 242 : i32
    %broadcast_in_dim3A_3518 = vector.broadcast %jit3A_3517 : i32 to vector<8x2048xi32>
    %select_n3A_3519 = arith.select %gt3A_3515, %broadcast_in_dim3A_3518, %select_n3A_3512 : vector<8x2048xi1>, vector<8x2048xi32>
    %slice3A_3520 = vector.extract_strided_slice %reshape3A_1821 {offsets = [243, 0, 0], sizes = [1, 8, 2048], strides = [1, 1, 1]} : vector<256x8x2048xf32> to vector<1x8x2048xf32>
    %squeeze3A_3521 = vector.shape_cast %slice3A_3520 : vector<1x8x2048xf32> to vector<8x2048xf32>
    %gt3A_3522 = arith.cmpf ogt, %squeeze3A_3521, %select_n3A_3516 : vector<8x2048xf32>
    %select_n3A_3523 = arith.select %gt3A_3522, %squeeze3A_3521, %select_n3A_3516 : vector<8x2048xi1>, vector<8x2048xf32>
    %jit3A_3524 = arith.constant 243 : i32
    %broadcast_in_dim3A_3525 = vector.broadcast %jit3A_3524 : i32 to vector<8x2048xi32>
    %select_n3A_3526 = arith.select %gt3A_3522, %broadcast_in_dim3A_3525, %select_n3A_3519 : vector<8x2048xi1>, vector<8x2048xi32>
    %slice3A_3527 = vector.extract_strided_slice %reshape3A_1821 {offsets = [244, 0, 0], sizes = [1, 8, 2048], strides = [1, 1, 1]} : vector<256x8x2048xf32> to vector<1x8x2048xf32>
    %squeeze3A_3528 = vector.shape_cast %slice3A_3527 : vector<1x8x2048xf32> to vector<8x2048xf32>
    %gt3A_3529 = arith.cmpf ogt, %squeeze3A_3528, %select_n3A_3523 : vector<8x2048xf32>
    %select_n3A_3530 = arith.select %gt3A_3529, %squeeze3A_3528, %select_n3A_3523 : vector<8x2048xi1>, vector<8x2048xf32>
    %jit3A_3531 = arith.constant 244 : i32
    %broadcast_in_dim3A_3532 = vector.broadcast %jit3A_3531 : i32 to vector<8x2048xi32>
    %select_n3A_3533 = arith.select %gt3A_3529, %broadcast_in_dim3A_3532, %select_n3A_3526 : vector<8x2048xi1>, vector<8x2048xi32>
    %slice3A_3534 = vector.extract_strided_slice %reshape3A_1821 {offsets = [245, 0, 0], sizes = [1, 8, 2048], strides = [1, 1, 1]} : vector<256x8x2048xf32> to vector<1x8x2048xf32>
    %squeeze3A_3535 = vector.shape_cast %slice3A_3534 : vector<1x8x2048xf32> to vector<8x2048xf32>
    %gt3A_3536 = arith.cmpf ogt, %squeeze3A_3535, %select_n3A_3530 : vector<8x2048xf32>
    %select_n3A_3537 = arith.select %gt3A_3536, %squeeze3A_3535, %select_n3A_3530 : vector<8x2048xi1>, vector<8x2048xf32>
    %jit3A_3538 = arith.constant 245 : i32
    %broadcast_in_dim3A_3539 = vector.broadcast %jit3A_3538 : i32 to vector<8x2048xi32>
    %select_n3A_3540 = arith.select %gt3A_3536, %broadcast_in_dim3A_3539, %select_n3A_3533 : vector<8x2048xi1>, vector<8x2048xi32>
    %slice3A_3541 = vector.extract_strided_slice %reshape3A_1821 {offsets = [246, 0, 0], sizes = [1, 8, 2048], strides = [1, 1, 1]} : vector<256x8x2048xf32> to vector<1x8x2048xf32>
    %squeeze3A_3542 = vector.shape_cast %slice3A_3541 : vector<1x8x2048xf32> to vector<8x2048xf32>
    %gt3A_3543 = arith.cmpf ogt, %squeeze3A_3542, %select_n3A_3537 : vector<8x2048xf32>
    %select_n3A_3544 = arith.select %gt3A_3543, %squeeze3A_3542, %select_n3A_3537 : vector<8x2048xi1>, vector<8x2048xf32>
    %jit3A_3545 = arith.constant 246 : i32
    %broadcast_in_dim3A_3546 = vector.broadcast %jit3A_3545 : i32 to vector<8x2048xi32>
    %select_n3A_3547 = arith.select %gt3A_3543, %broadcast_in_dim3A_3546, %select_n3A_3540 : vector<8x2048xi1>, vector<8x2048xi32>
    %slice3A_3548 = vector.extract_strided_slice %reshape3A_1821 {offsets = [247, 0, 0], sizes = [1, 8, 2048], strides = [1, 1, 1]} : vector<256x8x2048xf32> to vector<1x8x2048xf32>
    %squeeze3A_3549 = vector.shape_cast %slice3A_3548 : vector<1x8x2048xf32> to vector<8x2048xf32>
    %gt3A_3550 = arith.cmpf ogt, %squeeze3A_3549, %select_n3A_3544 : vector<8x2048xf32>
    %select_n3A_3551 = arith.select %gt3A_3550, %squeeze3A_3549, %select_n3A_3544 : vector<8x2048xi1>, vector<8x2048xf32>
    %jit3A_3552 = arith.constant 247 : i32
    %broadcast_in_dim3A_3553 = vector.broadcast %jit3A_3552 : i32 to vector<8x2048xi32>
    %select_n3A_3554 = arith.select %gt3A_3550, %broadcast_in_dim3A_3553, %select_n3A_3547 : vector<8x2048xi1>, vector<8x2048xi32>
    %slice3A_3555 = vector.extract_strided_slice %reshape3A_1821 {offsets = [248, 0, 0], sizes = [1, 8, 2048], strides = [1, 1, 1]} : vector<256x8x2048xf32> to vector<1x8x2048xf32>
    %squeeze3A_3556 = vector.shape_cast %slice3A_3555 : vector<1x8x2048xf32> to vector<8x2048xf32>
    %gt3A_3557 = arith.cmpf ogt, %squeeze3A_3556, %select_n3A_3551 : vector<8x2048xf32>
    %select_n3A_3558 = arith.select %gt3A_3557, %squeeze3A_3556, %select_n3A_3551 : vector<8x2048xi1>, vector<8x2048xf32>
    %jit3A_3559 = arith.constant 248 : i32
    %broadcast_in_dim3A_3560 = vector.broadcast %jit3A_3559 : i32 to vector<8x2048xi32>
    %select_n3A_3561 = arith.select %gt3A_3557, %broadcast_in_dim3A_3560, %select_n3A_3554 : vector<8x2048xi1>, vector<8x2048xi32>
    %slice3A_3562 = vector.extract_strided_slice %reshape3A_1821 {offsets = [249, 0, 0], sizes = [1, 8, 2048], strides = [1, 1, 1]} : vector<256x8x2048xf32> to vector<1x8x2048xf32>
    %squeeze3A_3563 = vector.shape_cast %slice3A_3562 : vector<1x8x2048xf32> to vector<8x2048xf32>
    %gt3A_3564 = arith.cmpf ogt, %squeeze3A_3563, %select_n3A_3558 : vector<8x2048xf32>
    %select_n3A_3565 = arith.select %gt3A_3564, %squeeze3A_3563, %select_n3A_3558 : vector<8x2048xi1>, vector<8x2048xf32>
    %jit3A_3566 = arith.constant 249 : i32
    %broadcast_in_dim3A_3567 = vector.broadcast %jit3A_3566 : i32 to vector<8x2048xi32>
    %select_n3A_3568 = arith.select %gt3A_3564, %broadcast_in_dim3A_3567, %select_n3A_3561 : vector<8x2048xi1>, vector<8x2048xi32>
    %slice3A_3569 = vector.extract_strided_slice %reshape3A_1821 {offsets = [250, 0, 0], sizes = [1, 8, 2048], strides = [1, 1, 1]} : vector<256x8x2048xf32> to vector<1x8x2048xf32>
    %squeeze3A_3570 = vector.shape_cast %slice3A_3569 : vector<1x8x2048xf32> to vector<8x2048xf32>
    %gt3A_3571 = arith.cmpf ogt, %squeeze3A_3570, %select_n3A_3565 : vector<8x2048xf32>
    %select_n3A_3572 = arith.select %gt3A_3571, %squeeze3A_3570, %select_n3A_3565 : vector<8x2048xi1>, vector<8x2048xf32>
    %jit3A_3573 = arith.constant 250 : i32
    %broadcast_in_dim3A_3574 = vector.broadcast %jit3A_3573 : i32 to vector<8x2048xi32>
    %select_n3A_3575 = arith.select %gt3A_3571, %broadcast_in_dim3A_3574, %select_n3A_3568 : vector<8x2048xi1>, vector<8x2048xi32>
    %slice3A_3576 = vector.extract_strided_slice %reshape3A_1821 {offsets = [251, 0, 0], sizes = [1, 8, 2048], strides = [1, 1, 1]} : vector<256x8x2048xf32> to vector<1x8x2048xf32>
    %squeeze3A_3577 = vector.shape_cast %slice3A_3576 : vector<1x8x2048xf32> to vector<8x2048xf32>
    %gt3A_3578 = arith.cmpf ogt, %squeeze3A_3577, %select_n3A_3572 : vector<8x2048xf32>
    %select_n3A_3579 = arith.select %gt3A_3578, %squeeze3A_3577, %select_n3A_3572 : vector<8x2048xi1>, vector<8x2048xf32>
    %jit3A_3580 = arith.constant 251 : i32
    %broadcast_in_dim3A_3581 = vector.broadcast %jit3A_3580 : i32 to vector<8x2048xi32>
    %select_n3A_3582 = arith.select %gt3A_3578, %broadcast_in_dim3A_3581, %select_n3A_3575 : vector<8x2048xi1>, vector<8x2048xi32>
    %slice3A_3583 = vector.extract_strided_slice %reshape3A_1821 {offsets = [252, 0, 0], sizes = [1, 8, 2048], strides = [1, 1, 1]} : vector<256x8x2048xf32> to vector<1x8x2048xf32>
    %squeeze3A_3584 = vector.shape_cast %slice3A_3583 : vector<1x8x2048xf32> to vector<8x2048xf32>
    %gt3A_3585 = arith.cmpf ogt, %squeeze3A_3584, %select_n3A_3579 : vector<8x2048xf32>
    %select_n3A_3586 = arith.select %gt3A_3585, %squeeze3A_3584, %select_n3A_3579 : vector<8x2048xi1>, vector<8x2048xf32>
    %jit3A_3587 = arith.constant 252 : i32
    %broadcast_in_dim3A_3588 = vector.broadcast %jit3A_3587 : i32 to vector<8x2048xi32>
    %select_n3A_3589 = arith.select %gt3A_3585, %broadcast_in_dim3A_3588, %select_n3A_3582 : vector<8x2048xi1>, vector<8x2048xi32>
    %slice3A_3590 = vector.extract_strided_slice %reshape3A_1821 {offsets = [253, 0, 0], sizes = [1, 8, 2048], strides = [1, 1, 1]} : vector<256x8x2048xf32> to vector<1x8x2048xf32>
    %squeeze3A_3591 = vector.shape_cast %slice3A_3590 : vector<1x8x2048xf32> to vector<8x2048xf32>
    %gt3A_3592 = arith.cmpf ogt, %squeeze3A_3591, %select_n3A_3586 : vector<8x2048xf32>
    %select_n3A_3593 = arith.select %gt3A_3592, %squeeze3A_3591, %select_n3A_3586 : vector<8x2048xi1>, vector<8x2048xf32>
    %jit3A_3594 = arith.constant 253 : i32
    %broadcast_in_dim3A_3595 = vector.broadcast %jit3A_3594 : i32 to vector<8x2048xi32>
    %select_n3A_3596 = arith.select %gt3A_3592, %broadcast_in_dim3A_3595, %select_n3A_3589 : vector<8x2048xi1>, vector<8x2048xi32>
    %slice3A_3597 = vector.extract_strided_slice %reshape3A_1821 {offsets = [254, 0, 0], sizes = [1, 8, 2048], strides = [1, 1, 1]} : vector<256x8x2048xf32> to vector<1x8x2048xf32>
    %squeeze3A_3598 = vector.shape_cast %slice3A_3597 : vector<1x8x2048xf32> to vector<8x2048xf32>
    %gt3A_3599 = arith.cmpf ogt, %squeeze3A_3598, %select_n3A_3593 : vector<8x2048xf32>
    %select_n3A_3600 = arith.select %gt3A_3599, %squeeze3A_3598, %select_n3A_3593 : vector<8x2048xi1>, vector<8x2048xf32>
    %jit3A_3601 = arith.constant 254 : i32
    %broadcast_in_dim3A_3602 = vector.broadcast %jit3A_3601 : i32 to vector<8x2048xi32>
    %select_n3A_3603 = arith.select %gt3A_3599, %broadcast_in_dim3A_3602, %select_n3A_3596 : vector<8x2048xi1>, vector<8x2048xi32>
    %slice3A_3604 = vector.extract_strided_slice %reshape3A_1821 {offsets = [255, 0, 0], sizes = [1, 8, 2048], strides = [1, 1, 1]} : vector<256x8x2048xf32> to vector<1x8x2048xf32>
    %squeeze3A_3605 = vector.shape_cast %slice3A_3604 : vector<1x8x2048xf32> to vector<8x2048xf32>
    %gt3A_3606 = arith.cmpf ogt, %squeeze3A_3605, %select_n3A_3600 : vector<8x2048xf32>
    %select_n3A_3607 = arith.select %gt3A_3606, %squeeze3A_3605, %select_n3A_3600 : vector<8x2048xi1>, vector<8x2048xf32>
    %jit3A_3608 = arith.constant 255 : i32
    %broadcast_in_dim3A_3609 = vector.broadcast %jit3A_3608 : i32 to vector<8x2048xi32>
    %select_n3A_3610 = arith.select %gt3A_3606, %broadcast_in_dim3A_3609, %select_n3A_3603 : vector<8x2048xi1>, vector<8x2048xi32>
    %reduce_max3A_3611 = arith.constant dense<0xFF800000> : vector<2048xf32>
    %reduce_max3A_3612 = vector.multi_reduction <maximumf>, %select_n3A_3607, %reduce_max3A_3611 [0] : vector<8x2048xf32> to vector<2048xf32>
    %iota3A_3613 = tpu.iota {dimensions = array<i32: 0>} : vector<8x2048xi32>
    %broadcast_in_dim3A_3614 = vector.shape_cast %reduce_max3A_3612 : vector<2048xf32> to vector<1x2048xf32>
    %eq3A_3615 = vector.broadcast %broadcast_in_dim3A_3614 : vector<1x2048xf32> to vector<8x2048xf32>
    %eq3A_3616 = arith.cmpf oeq, %select_n3A_3607, %eq3A_3615 : vector<8x2048xf32>
    %mul3A_3617 = arith.constant 8 : i32
    %mul3A_3618 = vector.broadcast %mul3A_3617 : i32 to vector<8x2048xi32>
    %mul3A_3619 = arith.muli %select_n3A_3610, %mul3A_3618 : vector<8x2048xi32>
    %add3A_3620 = arith.addi %mul3A_3619, %iota3A_3613 : vector<8x2048xi32>
    %jit3A_3621 = arith.constant 2048 : i32
    %broadcast_in_dim3A_3622 = vector.broadcast %jit3A_3621 : i32 to vector<8x2048xi32>
    %select_n3A_3623 = arith.select %eq3A_3616, %add3A_3620, %broadcast_in_dim3A_3622 : vector<8x2048xi1>, vector<8x2048xi32>
    %reduce_min3A_3624 = arith.constant dense<2147483647> : vector<2048xi32>
    %reduce_min3A_3625 = vector.multi_reduction <minsi>, %select_n3A_3623, %reduce_min3A_3624 [0] : vector<8x2048xi32> to vector<2048xi32>
    %swap3A_3626 = arith.constant 0 : index
    %swap3A_3627 = arith.constant 0 : index
    %swap3A_3628 = arith.constant 0 : index
    %swap3A_3629 = vector.load %arg5[%swap3A_3626, %swap3A_3627, %swap3A_3628] : memref<1x1x2048xi32, #tpu.memory_space<vmem>>, vector<1x1x2048xi32>
    %swap3A_3630 = vector.shape_cast %swap3A_3629 : vector<1x1x2048xi32> to vector<2048xi32>
    %swap3A_3631 = vector.shape_cast %reduce_min3A_3625 : vector<2048xi32> to vector<1x1x2048xi32>
    tpu.vector_store %arg5[%swap3A_3626, %swap3A_3627, %swap3A_3628], %swap3A_3631 {strides = array<i32>} : memref<1x1x2048xi32, #tpu.memory_space<vmem>>, vector<1x1x2048xi32>,
    %add3A_3632 = arith.constant 1.000000e+00 : f32
    %add3A_3633 = vector.broadcast %add3A_3632 : f32 to vector<2048xf32>
    %add3A_3634 = arith.addf %reduce_max3A_3612, %add3A_3633 : vector<2048xf32>
    %mul3A_3635 = arith.constant 5.000000e-01 : f32
    %mul3A_3636 = vector.broadcast %mul3A_3635 : f32 to vector<2048xf32>
    %mul3A_3637 = arith.mulf %add3A_3634, %mul3A_3636 : vector<2048xf32>
    %swap3A_3638 = arith.constant 0 : index
    %swap3A_3639 = arith.constant 0 : index
    %swap3A_3640 = arith.constant 0 : index
    %swap3A_3641 = vector.load %arg6[%swap3A_3638, %swap3A_3639, %swap3A_3640] : memref<1x1x2048xf32, #tpu.memory_space<vmem>>, vector<1x1x2048xf32>
    %swap3A_3642 = vector.shape_cast %swap3A_3641 : vector<1x1x2048xf32> to vector<2048xf32>
    %swap3A_3643 = vector.shape_cast %mul3A_3637 : vector<2048xf32> to vector<1x1x2048xf32>
    tpu.vector_store %arg6[%swap3A_3638, %swap3A_3639, %swap3A_3640], %swap3A_3643 {strides = array<i32>} : memref<1x1x2048xf32, #tpu.memory_space<vmem>>, vector<1x1x2048xf32>,
    return
  }
  func.func @transform_0(%arg0: i32) -> (i32, i32, i32) {
    %c0_i32 = arith.constant 0 : i32
    %c0_i32_0 = arith.constant 0 : i32
    %c0_i32_1 = arith.constant 0 : i32
    return %arg0, %c0_i32, %c0_i32_0 : i32, i32, i32
  }
  func.func @transform_1(%arg0: i32) -> (i32, i32, i32) {
    %c0_i32 = arith.constant 0 : i32
    %c0_i32_0 = arith.constant 0 : i32
    %c0_i32_1 = arith.constant 0 : i32
    return %arg0, %c0_i32, %c0_i32_0 : i32, i32, i32
  }
  func.func @transform_2(%arg0: i32) -> (i32, i32, i32) {
    %c0_i32 = arith.constant 0 : i32
    %c0_i32_0 = arith.constant 0 : i32
    %c0_i32_1 = arith.constant 0 : i32
    return %arg0, %c0_i32, %c0_i32_0 : i32, i32, i32
  }
  func.func @transform_3(%arg0: i32) -> (i32, i32, i32) {
    %c0_i32 = arith.constant 0 : i32
    %c0_i32_0 = arith.constant 0 : i32
    %c0_i32_1 = arith.constant 0 : i32
    return %arg0, %c0_i32, %c0_i32_0 : i32, i32, i32
  }
  func.func @transform_4(%arg0: i32) -> (i32, i32, i32) {
    %c0_i32 = arith.constant 0 : i32
    %c0_i32_0 = arith.constant 0 : i32
    %c0_i32_1 = arith.constant 0 : i32
    return %arg0, %c0_i32, %c0_i32_0 : i32, i32, i32
  }
  func.func @transform_5(%arg0: i32) -> (i32, i32, i32) {
    %c0_i32 = arith.constant 0 : i32
    %c0_i32_0 = arith.constant 0 : i32
    %c0_i32_1 = arith.constant 0 : i32
    return %arg0, %c0_i32, %c0_i32_0 : i32, i32, i32
  }
}

</mosaic_0001>

<sc_bundles>
// kernel: kernel.4.cloned.1.call-start
scs
__scs_entry_jumppad:
0x0: {  	(pc) =	sbr.rel $0x88, $3  }
0x1: {  	(tag) =	ssettag $0x0;
	lr =	simm.s32 $0x1  }
0x2: {  	[smem:$0x3F9F] =	sst lr;
	_ =	strace $0xD0000000  }
0x3: {  	_ = 	snop  }
0x4: {  	_ = 	snop  }
0x5: {  	_ = 	snop  }
0x6: {  	_ = 	snop  }
0x7: {  	_ = 	snop  }
__scs_overlays_trampoline_lowered:
0x8: {  	[smem:$0x3FAE] =	sst s0  }
0x9: {  	[smem:$0x3FAF] =	sst s1  }
0xa: {  	[smem:$0x3FB0] =	sst s2  }
0xb: {  	[smem:$0x3FB1] =	sst s3  }
0xc: {  	[smem:$0x3FB2] =	sst s4  }
0xd: {  	[smem:$0x3FB3] =	sst s5  }
0xe: {  	[smem:$0x3FB4] =	sst s6  }
0xf: {  	[smem:$0x3FB5] =	sst s7  }
0x10: {  	[smem:$0x3FB6] =	sst s8  }
0x11: {  	[smem:$0x3FB7] =	sst s9;
	s0 =	simm.s32 @!p0 $0x0  }
0x12: {  	s1 =	sld [smem:$0x3F9D];
	s0 =	simm.s32 @p0 $0x1  }
0x13: {  	[smem:$0x3FB8] =	sst s0;
	s0 =	simm.s32 @!p1 $0x0  }
0x14: {  	s2 =	sld [smem:$0x3F9C];
	s0 =	simm.s32 @p1 $0x1  }
0x15: {  	[smem:$0x3FB9] =	sst s0;
	s0 =	simm.s32 @!p2 $0x0  }
0x16: {  	s3 =	sld [smem:$0x3FDB];
	s0 =	simm.s32 @p2 $0x1  }
0x17: {  	s4 =	simm.s32 $0x1BF5;
	[smem:$0x3FBB] =	sst s0  }
0x18: {  	s0 =	sld [smem:$0x3F9E];
	_ =	swait.ge [sflag:s4], $0x0  }
0x19: {  	s7 =	sld [smem:$0x3F9F]  }
0x1a: {  	s8 =	sadd.s32 $0xFFFFE003, lr  }
0x1b: {  	s9 =	sadd.s32 $0xFFFFFEF7, lr;
	s5 =	simm.s32 $0xFFFFFFFF;
	p2 =	slt.u32 s8, $0xFFFFF086  }
0x1c: {  	p1 =	slt.u32 s9, $0xF7A;
	s5 =	simm.s32 @!p2 $0x0  }
0x1d: {  	s5 =	simm.s32 @p1 $0x1;
	p0 =	seq.s32 s7, s2  }
0x1e: {  	s7 =	smul.u32 @!p0 $0xF7A, s2;
	p2 =	seq.s32 @!p0 s5, $0x0  }
0x1f: {  	s9 =	smul.u32 $0xF7A, s1;
	s8 =	simm.s32 @!p0 $0x1BF5;
	p2 =	por !p2, p0  }
0x20: {  	[sflag:s8] =	ssyncset.s32 @!p0 $0xFFFFF086;
	s6 =	sadd.s32 @!p0 s3, s7;
	s7 =	simm.s32 @!p0 $0x108  }
0x21: {  	s3 =	sadd.s32 s3, s9;
	s6 =	sadd.s32 @!p0 $0x88, s6;
	s7 =	simm.s32 @p2 $0x1082  }
0x22: {  	[simem:s7], [sflag:s8] =	dma.local @!p0 [hbm:s6], $0xF7A  }
0x23: {  	s9 =	sor.u32 $0xD0000000, s2;
	s6 =	simm.s32 $0x108;
	_ =	swait.ge @!p0 [sflag:s8], $0x0  }
0x24: {  	s3 =	sadd.s32 $0x88, s3;
	s6 =	simm.s32 @!p1 $0x1082;
	[sflag:s4] =	ssyncset.s32 $0xFFFFF086  }
0x25: {  	[simem:s6], [sflag:s4] =	dma.local [hbm:s3], $0xF7A  }
0x26: {  	[smem:$0x3F9F] =	sst s1;
	(tag) =	ssettag s2;
	_ =	strace s9  }
0x27: {  	s1 =	sld [smem:$0x3FAF]  }
0x28: {  	s2 =	sld [smem:$0x3FB0]  }
0x29: {  	s4 =	sld [smem:$0x3FB2]  }
0x2a: {  	p0 =	seq.s32 s5, $0x0;
	s5 =	sld [smem:$0x3FB3]  }
0x2b: {  	s6 =	sld [smem:$0x3FB4]  }
0x2c: {  	s7 =	sld [smem:$0x3FB5]  }
0x2d: {  	s3 =	simm.s32 $0x108;
	s8 =	sld [smem:$0x3FB6]  }
0x2e: {  	s3 =	simm.s32 @!p0 $0x1082;
	s9 =	sld [smem:$0x3FB7]  }
0x2f: {  	lr =	sadd.s32 s0, s3;
	s0 =	sld [smem:$0x3FAE]  }
0x30: {  	s3 =	sld [smem:$0x3FB1]  }
0x31: {  	[smem:$0x3FBA] =	sst s10  }
0x32: {  	s10 =	sld [smem:$0x3FB8];
	_ =	sdelay $0x3  }
0x33: {  	p0 =	seq.s32 s10, $0x1;
	s10 =	sld [smem:$0x3FBA];
	_ =	sdelay $0x3  }
0x34: {  	[smem:$0x3FBA] =	sst s10  }
0x35: {  	s10 =	sld [smem:$0x3FB9];
	_ =	sdelay $0x3  }
0x36: {  	p1 =	seq.s32 s10, $0x1;
	s10 =	sld [smem:$0x3FBA];
	_ =	sdelay $0x3  }
0x37: {  	[smem:$0x3FBA] =	sst s10  }
0x38: {  	s10 =	sld [smem:$0x3FBB]  }
0x39: {  	_ = 	snop;
	(pc) =	sbr.ind lr, $3  }
0x3a: {  	_ = 	snop  }
0x3b: {  	_ = 	snop  }
0x3c: {  	p2 =	seq.s32 s10, $0x1;
	s10 =	sld [smem:$0x3FBA]  }
0x3d: {  	_ =	shalt  }
0x3e: {  	_ =	shalt  }
0x3f: {  	_ =	shalt  }
0x40: {  	_ =	shalt  }
0x41: {  	_ =	shalt  }
0x42: {  	_ =	shalt  }
0x43: {  	_ =	shalt  }
0x44: {  	_ =	shalt  }
0x45: {  	_ =	shalt  }
0x46: {  	_ =	shalt  }
0x47: {  	_ =	shalt  }
0x48: {  	_ =	shalt  }
0x49: {  	_ =	shalt  }
0x4a: {  	_ =	shalt  }
0x4b: {  	_ =	shalt  }
0x4c: {  	_ =	shalt  }
0x4d: {  	_ =	shalt  }
0x4e: {  	_ =	shalt  }
0x4f: {  	_ =	shalt  }
0x50: {  	_ =	shalt  }
0x51: {  	_ =	shalt  }
0x52: {  	_ =	shalt  }
0x53: {  	_ =	shalt  }
0x54: {  	_ =	shalt  }
0x55: {  	_ =	shalt  }
0x56: {  	_ =	shalt  }
0x57: {  	_ =	shalt  }
0x58: {  	_ =	shalt  }
0x59: {  	_ =	shalt  }
0x5a: {  	_ =	shalt  }
0x5b: {  	_ =	shalt  }
0x5c: {  	_ =	shalt  }
0x5d: {  	_ =	shalt  }
0x5e: {  	_ =	shalt  }
0x5f: {  	_ =	shalt  }
0x60: {  	_ =	shalt  }
0x61: {  	_ =	shalt  }
0x62: {  	_ =	shalt  }
0x63: {  	_ =	shalt  }
0x64: {  	_ =	shalt  }
0x65: {  	_ =	shalt  }
0x66: {  	_ =	shalt  }
0x67: {  	_ =	shalt  }
0x68: {  	_ =	shalt  }
0x69: {  	_ =	shalt  }
0x6a: {  	_ =	shalt  }
0x6b: {  	_ =	shalt  }
0x6c: {  	_ =	shalt  }
0x6d: {  	_ =	shalt  }
0x6e: {  	_ =	shalt  }
0x6f: {  	_ =	shalt  }
0x70: {  	_ =	shalt  }
0x71: {  	_ =	shalt  }
0x72: {  	_ =	shalt  }
0x73: {  	_ =	shalt  }
0x74: {  	_ =	shalt  }
0x75: {  	_ =	shalt  }
0x76: {  	_ =	shalt  }
0x77: {  	_ =	shalt  }
0x78: {  	_ =	shalt  }
0x79: {  	_ =	shalt  }
0x7a: {  	_ =	shalt  }
0x7b: {  	_ =	shalt  }
0x7c: {  	_ =	shalt  }
0x7d: {  	_ =	shalt  }
0x7e: {  	_ =	shalt  }
0x7f: {  	_ =	shalt  }
0x80: {  	_ =	shalt  }
0x81: {  	_ =	shalt  }
0x82: {  	_ =	shalt  }
0x83: {  	_ =	shalt  }
0x84: {  	_ =	shalt  }
0x85: {  	_ =	shalt  }
0x86: {  	_ =	shalt  }
0x87: {  	_ =	shalt  }
.Lfunc_end0:
.L_simem_size_0:
called_computation_lowered:
.L_overlay_start_0:
0x88: {  	s2 =	sld [smem:$0x3FD9]  }
0x89: {  	s3 =	sld [smem:$0x3FFE];
	_ =	sdelay $0x1  }
0x8a: {  	s1 =	srdreg.scid  }
0x8b: {  	s0 =	sand.u32 $0x1, s1  }
0x8c: {  	s14 =	sshll.u32 s0, $0xA;
	s2 =	sadd.s32 s3, s2  }
0x8d: {  	s2 =	sadd.s32 s2, s14  }
0x8e: {  	[smem:$0x3FC6] =	sst s2  }
0x8f: {  	_ = 	snop  }
0x90: {  	s2 =	sld [smem:$0x3FD0];
	_ =	sdelay $0x2  }
0x91: {  	s15 =	simm.s32 $0xA;
	s4 =	simm.s32 $0x10  }
0x92: {  	[smem:s4], [sflag:s15] =	dma.local [hbm:s2], $0x1  }
0x93: {  	_ =	swait.eq [sflag:s15], $0x1  }
0x94: {  	[sflag:s15] =	ssyncset.done $0x0  }
0x95: {  	s16 =	sld [smem:$0x10];
	[sflag:s15] =	ssyncadd.s32 $0xFFFFFFFF  }
0x96: {  	s17 =	sld [smem:$0x11];
	(tm) =	ssettm $0x1  }
0x97: {  	s18 =	sld [smem:$0x3FFB];
	_ =	sdelay $0x3  }
0x98: {  	_ =	strace s18  }
0x99: {  	s4 =	sld [smem:$0x3FFC];
	_ =	sdelay $0x3  }
0x9a: {  	_ =	strace s4  }
0x9b: {  	s4 =	sld [smem:$0x3FFD];
	_ =	sdelay $0x3  }
0x9c: {  	_ =	strace s4  }
0x9d: {  	_ =	strace $0x8FFFFFFF  }
0x9e: {  	s19 =	sld [smem:$0x3FDB];
	_ =	sdelay $0x1  }
0x9f: {  	s5 =	simm.s32 $_scs_section_size  }
0xa0: {  	s6 =	simm.s32 $_size__tile_overlayer_lowered;
	s7 =	simm.s32 $_tile_overlayer_lowered  }
0xa1: {  	s22 =	simm.s32 $0x1BFF;
	s21 =	sshll.u32 s7, $0x1;
	s4 =	sadd.s32 s5, s19  }
0xa2: {  	s8 =	simm.s32 $0x0;
	s20 =	sshll.u32 s6, $0x1;
	s6 =	sadd.s32 s21, s4  }
0xa3: {  	[timem:s8], [sflag:s22] =	dma.local [hbm:s6], s20  }
0xa4: {  	_ =	swait.ge [sflag:s22], s20  }
0xa5: {  	s5 =	ssub.s32 $0x0, s20;
	[sflag:s22] =	ssyncset.done $0x0  }
0xa6: {  	[sflag:s22] =	ssyncadd.s32 s5;
	_ =	sdelay $0x1  }
0xa7: {  	s23 =	simm.s32 $0x1B8B  }
0xa8: {  	_ =	swait.ge [sflag:s23], $0x1  }
0xa9: {  	[sflag:s23] =	ssyncset.done $0x0  }
0xaa: {  	s25 =	simm.s32 $0x1B8E;
	s24 =	sld [smem:$0x3FFE];
	[sflag:s23] =	ssyncadd.s32 $0xFFFFFFFF  }
0xab: {  	s26 =	simm.s32 $execute0_lowered;
	[smem:$0x3FD2] =	sst s25  }
0xac: {  	s6 =	sshll.u32 s26, $0x1;
	_ =	strace $0x80000046;
	[dreg:$0x1] =	wrdreg $0xFFFFFFFF  }
0xad: {  	s28 =	simm.s32 $_size_execute0_lowered;
	s4 =	sadd.s32 s4, s6;
	[dreg:$0x0] =	wrdreg $0x0  }
0xae: {  	s6 =	sshll.u32 s28, $0x1;
	[dreg:$0x2] =	wrdreg s4  }
0xaf: {  	[dreg:$0x3] =	wrdreg s6  }
0xb0: {  	[dreg:$0x4] =	wrdreg $0xC0  }
0xb1: {  	_ =	task [dreg:s8], $0x5FFFF  }
0xb2: {  	[dreg:$0x1] =	wrdreg $0xFFFFFFFF  }
0xb3: {  	[dreg:$0x0] =	wrdreg $0x60  }
0xb4: {  	[dreg:$0x2] =	wrdreg s17  }
0xb5: {  	[dreg:$0x3] =	wrdreg s16  }
0xb6: {  	[dreg:$0x4] =	wrdreg s24  }
0xb7: {  	[dreg:$0x5] =	wrdreg $0x9  }
0xb8: {  	_ =	task.clear_ibuf [dreg:s8], $0x6FFFF;
	_ =	strace $0x90000046  }
0xb9: {  	s29 =	simm.s32 $0x9;
	_ =	strace $0x80000048  }
0xba: {  	_ =	swait.ge [sflag:s29], $0x1  }
0xbb: {  	[sflag:s29] =	ssyncadd.s32 $0xFFFFFFFF  }
0xbc: {  	_ =	strace $0x90000048  }
0xbd: {  	_ =	sfence  }
0xbe: {  	s30 =	sld [smem:$0x0];
	_ =	sdelay $0x2  }
0xbf: {  	s31 =	sshll.u32 s1, $0xD;
	s1 =	sshrl.u32 s1, $0x2  }
0xc0: {  	s3 =	sand.u32 $0x4000, s31;
	s1 =	sadd.s32 s1, s30  }
0xc1: {  	s0 =	sor.u32 s3, s0;
	s1 =	sshll.u32 s1, $0x11  }
0xc2: {  	s0 =	sor.u32 s1, s0  }
0xc3: {  	s0 =	sadd.s32 $0x8F2B, s0  }
0xc4: {  	[sflag:s0] =	ssyncadd.remote.s32 $0x1  }
0xc5: {  	_ =	sfence.sel $0xFFFF  }
0xc6: {  	[dreg:$0x0] =	wrdreg $0xFFFFFFFF;
	(pc) =	sbr.abs _section_cstart, $3  }
0xc7: {  	[dreg:$0x1] =	wrdreg $0xFFFFFFFF  }
0xc8: {  	_ =	task.clear_ibuf [dreg:s8], $0x2FFFF;
	_ =	strace $0x9FFFFFFF  }
0xc9: {  	(tm) =	ssettm $0x7FFFFFFF  }
tec
execute0_lowered:
.L_overlay_start_1:
0x0: {  	(tag) =	ssettag $0x1  }
0x1: {  	s4 =	rddreg [dreg:$0x0]  }
0x2: {  	s0 =	srdreg.scid;
	s5 =	rddreg [dreg:$0x1]  }
0x3: {  	s1 =	stileid.u32;
	s6 =	rddreg [dreg:$0x2]  }
0x4: {  	s3 =	simm.s32 $0x0;
	s25 =	simm.s32 $0x1000;
	s26 =	simm.s32 $0x1200  }
0x5: {  	v29 =	vlaneseq.u32;
	s8 =	simm.s32 $0x1;
	s9 =	simm.s32 $0x2;
	s0 =	sand.u32 $0x1, s0  }
0x6: {  	s1 =	sshll.u32 s1, $0xA;
	v1 =	vor.u32 $0x10, v29;
	v2 =	vor.u32 $0x20, v29;
	v3 =	vor.u32 $0x30, v29;
	[smem:$0x7FF] =	sst s3;
	s2 =	sshll.u32 s0, $0x9  }
0x7: {  	v4 =	vor.u32 $0x40, v29;
	v5 =	vor.u32 $0x50, v29;
	v6 =	vor.u32 $0x60, v29;
	_ =	strace $0x80000047;
	s0 =	ssub.s32 $0x2, s0;
	[dreg:$0x8] =	wrdreg s25  }
0x8: {  	v7 =	vor.u32 $0x70, v29;
	v8 =	vor.u32 $0x80, v29;
	v9 =	vor.u32 $0x90, v29;
	[dreg:$0x9] =	wrdreg s26;
	s1 =	sor.u32 s2, s1;
	s14 =	sshrl.u32 s0, $0x1  }
0x9: {  	v10 =	vor.u32 $0xA0, v29;
	v11 =	vor.u32 $0xB0, v29;
	v12 =	vor.u32 $0xC0, v29;
	s2 =	sand.u32 $0x600, s1;
	s1 =	sshrl.u32 s1, $0x3;
	s0 =	ssub.s32 s0, s14  }
0xa: {  	v13 =	vor.u32 $0xD0, v29;
	v14 =	vor.u32 $0xE0, v29;
	v15 =	vor.u32 $0xF0, v29;
	s7 =	sand.u32 $0x700, s1;
	s1 =	sadd.s32 s1, s6;
	s16 =	sor.u32 $0x10, s2  }
0xb: {  	v16 =	vor.u32 $0x100, v29;
	v17 =	vor.u32 $0x110, v29;
	v18 =	vor.u32 $0x120, v29;
	s17 =	sor.u32 $0x20, s2;
	s18 =	sor.u32 $0x30, s2;
	s19 =	sor.u32 $0x40, s2  }
0xc: {  	v19 =	vor.u32 $0x130, v29;
	v20 =	vor.u32 $0x140, v29;
	v21 =	vor.u32 $0x150, v29;
	s20 =	sor.u32 $0x50, s2;
	s21 =	sor.u32 $0x60, s2;
	s22 =	sor.u32 $0x70, s2  }
0xd: {  	v22 =	vor.u32 $0x160, v29;
	v23 =	vor.u32 $0x170, v29;
	v24 =	vor.u32 $0x180, v29;
	s23 =	sor.u32 $0x80, s2;
	s12 =	sor.u32 $0x90, s2;
	[dreg:$0xa] =	wrdreg s16  }
0xe: {  	v25 =	vor.u32 $0x190, v29;
	v26 =	vor.u32 $0x1A0, v29;
	v27 =	vor.u32 $0x1B0, v29;
	s13 =	sor.u32 $0xA0, s2;
	s14 =	sor.u32 $0xB0, s2;
	[dreg:$0xb] =	wrdreg s17  }
0xf: {  	v28 =	vor.u32 $0x1C0, v29;
	v30 =	vor.u32 $0x1D0, v29;
	v31 =	vor.u32 $0x1E0, v29;
	s25 =	smax.u32 s0, $0x1;
	s26 =	sor.u32 $0x160, s2;
	[dreg:$0xc] =	wrdreg s18  }
0x10: {  	v32 =	vor.u32 $0x1F0, v29;
	v0 =	vor.u32 s2, v29;
	v1 =	vor.u32 s2, v1;
	s28 =	sor.u32 $0x170, s2;
	s29 =	sor.u32 $0x180, s2;
	[dreg:$0xd] =	wrdreg s19  }
0x11: {  	v2 =	vor.u32 s2, v2;
	v3 =	vor.u32 s2, v3;
	v4 =	vor.u32 s2, v4;
	s30 =	sor.u32 $0x190, s2;
	s31 =	sor.u32 $0x1A0, s2;
	[dreg:$0xe] =	wrdreg s20  }
0x12: {  	v5 =	vor.u32 s2, v5;
	v6 =	vor.u32 s2, v6;
	v7 =	vor.u32 s2, v7;
	s0 =	sor.u32 $0x1C0, s2;
	s6 =	sor.u32 $0x1F0, s2;
	[dreg:$0xf] =	wrdreg s21  }
0x13: {  	v8 =	vor.u32 s2, v8;
	v9 =	vor.u32 s2, v9;
	v10 =	vor.u32 s2, v10;
	s4 =	sadd.s32 s4, s7;
	s15 =	sadd.s32 s5, s7;
	[dreg:$0x10] =	wrdreg s22  }
0x14: {  	v11 =	vor.u32 s2, v11;
	v12 =	vor.u32 s2, v12;
	v13 =	vor.u32 s2, v13;
	[dreg:$0x11] =	wrdreg s23;
	s16 =	sor.u32 $0xD0, s2;
	s17 =	sor.u32 $0xE0, s2  }
0x15: {  	v14 =	vor.u32 s2, v14;
	v15 =	vor.u32 s2, v15;
	v16 =	vor.u32 s2, v16;
	s18 =	sor.u32 $0xF0, s2;
	s24 =	sadd.s32 $0x1200, s1;
	s19 =	sor.u32 $0x100, s2  }
0x16: {  	v17 =	vor.u32 s2, v17;
	v18 =	vor.u32 s2, v18;
	v19 =	vor.u32 s2, v19;
	s1 =	sadd.s32 $0x1A00, s1;
	s20 =	sor.u32 $0x110, s2;
	[dreg:$0x4] =	wrdreg s4  }
0x17: {  	v20 =	vor.u32 s2, v20;
	v21 =	vor.u32 s2, v21;
	v22 =	vor.u32 s2, v22;
	s21 =	sor.u32 $0x120, s2;
	s22 =	sor.u32 $0x130, s2;
	[dreg:$0x5] =	wrdreg s15  }
0x18: {  	v23 =	vor.u32 s2, v23;
	v24 =	vor.u32 s2, v24;
	v25 =	vor.u32 s2, v25;
	s23 =	sor.u32 $0x140, s2;
	s5 =	sor.u32 $0x1E0, s2;
	[dreg:$0x6] =	wrdreg s24  }
0x19: {  	v26 =	vor.u32 s2, v26;
	v27 =	vor.u32 s2, v27;
	v28 =	vor.u32 s2, v28;
	s7 =	simm.s32 $0x800;
	s15 =	sor.u32 $0xC0, s2;
	[dreg:$0x7] =	wrdreg s1  }
0x1a: {  	v29 =	vor.u32 s2, v30;
	v30 =	vor.u32 s2, v31;
	v31 =	vor.u32 s2, v32;
	s24 =	sor.u32 $0x150, s2;
	s1 =	sor.u32 $0x1B0, s2;
	s4 =	sor.u32 $0x1D0, s2  }
.LBB2_1:
0x1b: {  	s10 =	rddreg [dreg:$0x4]  }
0x1c: {  	[tilespmem:s3], [sflag:$0x1] =	stream.linear.gather [hbm4b:s10+s3], $0x800, $0x38;
	[tilespmem:$0x1400] =	vst v63  }
0x1d: {  	s11 =	rddreg [dreg:$0x5]  }
0x1e: {  	[tilespmem:s7], [sflag:$0x1] =	stream.linear.gather [hbm4b:s11+s3], $0x800, $0x38;
	[tilespmem:$0x1400] =	vst v63  }
0x1f: {  	_ =	swait.ge [sflag:s8], $0x800  }
0x20: {  	[sflag:s8] =	ssyncset.done $0x0  }
0x21: {  	[sflag:s8] =	ssyncadd.s32 $0xFFFFF800  }
0x22: {  	_ =	swait.ge [sflag:s8], $0x800  }
0x23: {  	[sflag:s8] =	ssyncset.done $0x0  }
0x24: {  	[sflag:s8] =	ssyncadd.s32 $0xFFFFF800  }
0x25: {  	v32 =	vld [tilespmem:s2+$0x0];
	_ =	sdelay $0x7  }
0x26: {  	v33 =	vld.idx.msk [tilespmem:v32+s7+$0x0], $0xffff;
	_ =	sdelay $0x4  }
0x27: {  	vm0 =	veq.s32 v33, v0  }
0x28: {  	v32 =	vnsel vm0, $0xFFFFFFFF, v32  }
0x29: {  	[tilespmem:$0x1000] =	vst v32  }
0x2a: {  	v32 =	vld [tilespmem:s2+$0x800];
	_ =	sdelay $0x7  }
0x2b: {  	v57 =	vld.idx.msk [tilespmem:v32+s3+$0x0], $0xffff;
	_ =	sdelay $0x4  }
0x2c: {  	vm13 =	veq.s32 v57, v0  }
0x2d: {  	v32 =	vnsel vm13, $0xFFFFFFFF, v32  }
0x2e: {  	s11 =	rddreg [dreg:$0xa];
	[tilespmem:$0x1200] =	vst v32  }
0x2f: {  	v32 =	vld [tilespmem:s11+$0x0];
	_ =	sdelay $0x7  }
0x30: {  	v58 =	vld.idx.msk [tilespmem:v32+s7+$0x0], $0xffff;
	_ =	sdelay $0x4  }
0x31: {  	vm14 =	veq.s32 v58, v1  }
0x32: {  	v32 =	vnsel vm14, $0xFFFFFFFF, v32  }
0x33: {  	[tilespmem:$0x1010] =	vst v32  }
0x34: {  	v32 =	vld [tilespmem:s11+$0x800];
	_ =	sdelay $0x7  }
0x35: {  	v59 =	vld.idx.msk [tilespmem:v32+s3+$0x0], $0xffff;
	_ =	sdelay $0x4  }
0x36: {  	vm15 =	veq.s32 v59, v1  }
0x37: {  	v32 =	vnsel vm15, $0xFFFFFFFF, v32  }
0x38: {  	s11 =	rddreg [dreg:$0xb];
	[tilespmem:$0x1210] =	vst v32  }
0x39: {  	v32 =	vld [tilespmem:s11+$0x0];
	_ =	sdelay $0x7  }
0x3a: {  	v60 =	vld.idx.msk [tilespmem:v32+s7+$0x0], $0xffff;
	_ =	sdelay $0x4  }
0x3b: {  	vm4 =	veq.s32 v60, v2  }
0x3c: {  	v32 =	vnsel vm4, $0xFFFFFFFF, v32  }
0x3d: {  	[tilespmem:$0x1020] =	vst v32  }
0x3e: {  	v32 =	vld [tilespmem:s11+$0x800];
	_ =	sdelay $0x7  }
0x3f: {  	v61 =	vld.idx.msk [tilespmem:v32+s3+$0x0], $0xffff;
	_ =	sdelay $0x4  }
0x40: {  	vm5 =	veq.s32 v61, v2  }
0x41: {  	v32 =	vnsel vm5, $0xFFFFFFFF, v32  }
0x42: {  	s11 =	rddreg [dreg:$0xc];
	[tilespmem:$0x1220] =	vst v32  }
0x43: {  	v32 =	vld [tilespmem:s11+$0x0];
	_ =	sdelay $0x7  }
0x44: {  	v62 =	vld.idx.msk [tilespmem:v32+s7+$0x0], $0xffff;
	_ =	sdelay $0x4  }
0x45: {  	vm6 =	veq.s32 v62, v3  }
0x46: {  	v32 =	vnsel vm6, $0xFFFFFFFF, v32  }
0x47: {  	[tilespmem:$0x1030] =	vst v32  }
0x48: {  	v32 =	vld [tilespmem:s11+$0x800];
	_ =	sdelay $0x7  }
0x49: {  	v63 =	vld.idx.msk [tilespmem:v32+s3+$0x0], $0xffff;
	_ =	sdelay $0x4  }
0x4a: {  	vm7 =	veq.s32 v63, v3  }
0x4b: {  	v32 =	vnsel vm7, $0xFFFFFFFF, v32  }
0x4c: {  	s11 =	rddreg [dreg:$0xd];
	[tilespmem:$0x1230] =	vst v32  }
0x4d: {  	v32 =	vld [tilespmem:s11+$0x0];
	_ =	sdelay $0x7  }
0x4e: {  	v36 =	vld.idx.msk [tilespmem:v32+s7+$0x0], $0xffff;
	_ =	sdelay $0x4  }
0x4f: {  	vm8 =	veq.s32 v36, v4  }
0x50: {  	v32 =	vnsel vm8, $0xFFFFFFFF, v32  }
0x51: {  	[tilespmem:$0x1040] =	vst v32  }
0x52: {  	v32 =	vld [tilespmem:s11+$0x800];
	_ =	sdelay $0x7  }
0x53: {  	v37 =	vld.idx.msk [tilespmem:v32+s3+$0x0], $0xffff;
	_ =	sdelay $0x4  }
0x54: {  	vm9 =	veq.s32 v37, v4  }
0x55: {  	v32 =	vnsel vm9, $0xFFFFFFFF, v32  }
0x56: {  	s11 =	rddreg [dreg:$0xe];
	[tilespmem:$0x1240] =	vst v32  }
0x57: {  	v32 =	vld [tilespmem:s11+$0x0];
	_ =	sdelay $0x7  }
0x58: {  	v38 =	vld.idx.msk [tilespmem:v32+s7+$0x0], $0xffff;
	_ =	sdelay $0x4  }
0x59: {  	vm10 =	veq.s32 v38, v5  }
0x5a: {  	v32 =	vnsel vm10, $0xFFFFFFFF, v32  }
0x5b: {  	[tilespmem:$0x1050] =	vst v32  }
0x5c: {  	v32 =	vld [tilespmem:s11+$0x800];
	_ =	sdelay $0x7  }
0x5d: {  	v39 =	vld.idx.msk [tilespmem:v32+s3+$0x0], $0xffff;
	_ =	sdelay $0x4  }
0x5e: {  	vm11 =	veq.s32 v39, v5  }
0x5f: {  	v32 =	vnsel vm11, $0xFFFFFFFF, v32  }
0x60: {  	s11 =	rddreg [dreg:$0xf];
	[tilespmem:$0x1250] =	vst v32  }
0x61: {  	v32 =	vld [tilespmem:s11+$0x0];
	_ =	sdelay $0x7  }
0x62: {  	v40 =	vld.idx.msk [tilespmem:v32+s7+$0x0], $0xffff;
	_ =	sdelay $0x4  }
0x63: {  	vm12 =	veq.s32 v40, v6  }
0x64: {  	v32 =	vnsel vm12, $0xFFFFFFFF, v32  }
0x65: {  	[tilespmem:$0x1060] =	vst v32  }
0x66: {  	v32 =	vld [tilespmem:s11+$0x800];
	_ =	sdelay $0x7  }
0x67: {  	v41 =	vld.idx.msk [tilespmem:v32+s3+$0x0], $0xffff;
	_ =	sdelay $0x4  }
0x68: {  	vm13 =	veq.s32 v41, v6  }
0x69: {  	v32 =	vnsel vm13, $0xFFFFFFFF, v32  }
0x6a: {  	s11 =	rddreg [dreg:$0x10];
	[tilespmem:$0x1260] =	vst v32  }
0x6b: {  	v32 =	vld [tilespmem:s11+$0x0];
	_ =	sdelay $0x7  }
0x6c: {  	v42 =	vld.idx.msk [tilespmem:v32+s7+$0x0], $0xffff;
	_ =	sdelay $0x4  }
0x6d: {  	vm14 =	veq.s32 v42, v7  }
0x6e: {  	v32 =	vnsel vm14, $0xFFFFFFFF, v32  }
0x6f: {  	[tilespmem:$0x1070] =	vst v32  }
0x70: {  	v32 =	vld [tilespmem:s11+$0x800];
	_ =	sdelay $0x7  }
0x71: {  	v43 =	vld.idx.msk [tilespmem:v32+s3+$0x0], $0xffff;
	_ =	sdelay $0x4  }
0x72: {  	vm15 =	veq.s32 v43, v7  }
0x73: {  	v32 =	vnsel vm15, $0xFFFFFFFF, v32  }
0x74: {  	s11 =	rddreg [dreg:$0x11];
	[tilespmem:$0x1270] =	vst v32  }
0x75: {  	v32 =	vld [tilespmem:s11+$0x0];
	_ =	sdelay $0x7  }
0x76: {  	v44 =	vld.idx.msk [tilespmem:v32+s7+$0x0], $0xffff;
	_ =	sdelay $0x4  }
0x77: {  	vm4 =	veq.s32 v44, v8  }
0x78: {  	v32 =	vnsel vm4, $0xFFFFFFFF, v32  }
0x79: {  	[tilespmem:$0x1080] =	vst v32  }
0x7a: {  	v32 =	vld [tilespmem:s11+$0x800];
	_ =	sdelay $0x7  }
0x7b: {  	v45 =	vld.idx.msk [tilespmem:v32+s3+$0x0], $0xffff;
	_ =	sdelay $0x4  }
0x7c: {  	vm5 =	veq.s32 v45, v8  }
0x7d: {  	v32 =	vnsel vm5, $0xFFFFFFFF, v32  }
0x7e: {  	[tilespmem:$0x1280] =	vst v32  }
0x7f: {  	v32 =	vld [tilespmem:s12+$0x0];
	_ =	sdelay $0x7  }
0x80: {  	v46 =	vld.idx.msk [tilespmem:v32+s7+$0x0], $0xffff;
	_ =	sdelay $0x4  }
0x81: {  	vm6 =	veq.s32 v46, v9  }
0x82: {  	v32 =	vnsel vm6, $0xFFFFFFFF, v32  }
0x83: {  	[tilespmem:$0x1090] =	vst v32  }
0x84: {  	v32 =	vld [tilespmem:s12+$0x800];
	_ =	sdelay $0x7  }
0x85: {  	v47 =	vld.idx.msk [tilespmem:v32+s3+$0x0], $0xffff;
	_ =	sdelay $0x4  }
0x86: {  	vm7 =	veq.s32 v47, v9  }
0x87: {  	v32 =	vnsel vm7, $0xFFFFFFFF, v32  }
0x88: {  	[tilespmem:$0x1290] =	vst v32  }
0x89: {  	v32 =	vld [tilespmem:s13+$0x0];
	_ =	sdelay $0x7  }
0x8a: {  	v48 =	vld.idx.msk [tilespmem:v32+s7+$0x0], $0xffff;
	_ =	sdelay $0x4  }
0x8b: {  	vm8 =	veq.s32 v48, v10  }
0x8c: {  	v32 =	vnsel vm8, $0xFFFFFFFF, v32  }
0x8d: {  	[tilespmem:$0x10A0] =	vst v32  }
0x8e: {  	v32 =	vld [tilespmem:s13+$0x800];
	_ =	sdelay $0x7  }
0x8f: {  	v49 =	vld.idx.msk [tilespmem:v32+s3+$0x0], $0xffff;
	_ =	sdelay $0x4  }
0x90: {  	vm9 =	veq.s32 v49, v10  }
0x91: {  	v32 =	vnsel vm9, $0xFFFFFFFF, v32  }
0x92: {  	[tilespmem:$0x12A0] =	vst v32  }
0x93: {  	v32 =	vld [tilespmem:s14+$0x0];
	_ =	sdelay $0x7  }
0x94: {  	v50 =	vld.idx.msk [tilespmem:v32+s7+$0x0], $0xffff;
	_ =	sdelay $0x4  }
0x95: {  	vm10 =	veq.s32 v50, v11  }
0x96: {  	v32 =	vnsel vm10, $0xFFFFFFFF, v32  }
0x97: {  	[tilespmem:$0x10B0] =	vst v32  }
0x98: {  	v32 =	vld [tilespmem:s14+$0x800];
	_ =	sdelay $0x7  }
0x99: {  	v51 =	vld.idx.msk [tilespmem:v32+s3+$0x0], $0xffff;
	_ =	sdelay $0x4  }
0x9a: {  	vm11 =	veq.s32 v51, v11  }
0x9b: {  	v32 =	vnsel vm11, $0xFFFFFFFF, v32  }
0x9c: {  	[tilespmem:$0x12B0] =	vst v32  }
0x9d: {  	v32 =	vld [tilespmem:s15+$0x0];
	_ =	sdelay $0x7  }
0x9e: {  	v52 =	vld.idx.msk [tilespmem:v32+s7+$0x0], $0xffff;
	_ =	sdelay $0x4  }
0x9f: {  	vm12 =	veq.s32 v52, v12  }
0xa0: {  	v32 =	vnsel vm12, $0xFFFFFFFF, v32  }
0xa1: {  	[tilespmem:$0x10C0] =	vst v32  }
0xa2: {  	v32 =	vld [tilespmem:s15+$0x800];
	_ =	sdelay $0x7  }
0xa3: {  	v53 =	vld.idx.msk [tilespmem:v32+s3+$0x0], $0xffff;
	_ =	sdelay $0x4  }
0xa4: {  	vm13 =	veq.s32 v53, v12  }
0xa5: {  	v32 =	vnsel vm13, $0xFFFFFFFF, v32  }
0xa6: {  	[tilespmem:$0x12C0] =	vst v32  }
0xa7: {  	v32 =	vld [tilespmem:s16+$0x0];
	_ =	sdelay $0x7  }
0xa8: {  	v54 =	vld.idx.msk [tilespmem:v32+s7+$0x0], $0xffff;
	_ =	sdelay $0x4  }
0xa9: {  	vm14 =	veq.s32 v54, v13  }
0xaa: {  	v32 =	vnsel vm14, $0xFFFFFFFF, v32  }
0xab: {  	[tilespmem:$0x10D0] =	vst v32  }
0xac: {  	v32 =	vld [tilespmem:s16+$0x800];
	_ =	sdelay $0x7  }
0xad: {  	v55 =	vld.idx.msk [tilespmem:v32+s3+$0x0], $0xffff;
	_ =	sdelay $0x4  }
0xae: {  	vm15 =	veq.s32 v55, v13  }
0xaf: {  	v32 =	vnsel vm15, $0xFFFFFFFF, v32  }
0xb0: {  	[tilespmem:$0x12D0] =	vst v32  }
0xb1: {  	v32 =	vld [tilespmem:s17+$0x0];
	_ =	sdelay $0x7  }
0xb2: {  	v56 =	vld.idx.msk [tilespmem:v32+s7+$0x0], $0xffff;
	_ =	sdelay $0x4  }
0xb3: {  	vm4 =	veq.s32 v56, v14  }
0xb4: {  	v32 =	vnsel vm4, $0xFFFFFFFF, v32  }
0xb5: {  	[tilespmem:$0x10E0] =	vst v32  }
0xb6: {  	v32 =	vld [tilespmem:s17+$0x800];
	_ =	sdelay $0x7  }
0xb7: {  	v57 =	vld.idx.msk [tilespmem:v32+s3+$0x0], $0xffff;
	_ =	sdelay $0x4  }
0xb8: {  	vm5 =	veq.s32 v57, v14  }
0xb9: {  	v32 =	vnsel vm5, $0xFFFFFFFF, v32  }
0xba: {  	[tilespmem:$0x12E0] =	vst v32  }
0xbb: {  	v32 =	vld [tilespmem:s18+$0x0];
	_ =	sdelay $0x7  }
0xbc: {  	v58 =	vld.idx.msk [tilespmem:v32+s7+$0x0], $0xffff;
	_ =	sdelay $0x4  }
0xbd: {  	vm6 =	veq.s32 v58, v15  }
0xbe: {  	v32 =	vnsel vm6, $0xFFFFFFFF, v32  }
0xbf: {  	[tilespmem:$0x10F0] =	vst v32  }
0xc0: {  	v32 =	vld [tilespmem:s18+$0x800];
	_ =	sdelay $0x7  }
0xc1: {  	v59 =	vld.idx.msk [tilespmem:v32+s3+$0x0], $0xffff;
	_ =	sdelay $0x4  }
0xc2: {  	vm7 =	veq.s32 v59, v15  }
0xc3: {  	v32 =	vnsel vm7, $0xFFFFFFFF, v32  }
0xc4: {  	[tilespmem:$0x12F0] =	vst v32  }
0xc5: {  	v32 =	vld [tilespmem:s19+$0x0];
	_ =	sdelay $0x7  }
0xc6: {  	v60 =	vld.idx.msk [tilespmem:v32+s7+$0x0], $0xffff;
	_ =	sdelay $0x4  }
0xc7: {  	vm8 =	veq.s32 v60, v16  }
0xc8: {  	v32 =	vnsel vm8, $0xFFFFFFFF, v32  }
0xc9: {  	[tilespmem:$0x1100] =	vst v32  }
0xca: {  	v32 =	vld [tilespmem:s19+$0x800];
	_ =	sdelay $0x7  }
0xcb: {  	v61 =	vld.idx.msk [tilespmem:v32+s3+$0x0], $0xffff;
	_ =	sdelay $0x4  }
0xcc: {  	vm9 =	veq.s32 v61, v16  }
0xcd: {  	v32 =	vnsel vm9, $0xFFFFFFFF, v32  }
0xce: {  	[tilespmem:$0x1300] =	vst v32  }
0xcf: {  	v32 =	vld [tilespmem:s20+$0x0];
	_ =	sdelay $0x7  }
0xd0: {  	v62 =	vld.idx.msk [tilespmem:v32+s7+$0x0], $0xffff;
	_ =	sdelay $0x4  }
0xd1: {  	vm10 =	veq.s32 v62, v17  }
0xd2: {  	v32 =	vnsel vm10, $0xFFFFFFFF, v32  }
0xd3: {  	[tilespmem:$0x1110] =	vst v32  }
0xd4: {  	v32 =	vld [tilespmem:s20+$0x800];
	_ =	sdelay $0x7  }
0xd5: {  	v63 =	vld.idx.msk [tilespmem:v32+s3+$0x0], $0xffff;
	_ =	sdelay $0x4  }
0xd6: {  	vm11 =	veq.s32 v63, v17  }
0xd7: {  	v32 =	vnsel vm11, $0xFFFFFFFF, v32  }
0xd8: {  	[tilespmem:$0x1310] =	vst v32  }
0xd9: {  	v32 =	vld [tilespmem:s21+$0x0];
	_ =	sdelay $0x7  }
0xda: {  	v36 =	vld.idx.msk [tilespmem:v32+s7+$0x0], $0xffff;
	_ =	sdelay $0x4  }
0xdb: {  	vm12 =	veq.s32 v36, v18  }
0xdc: {  	v32 =	vnsel vm12, $0xFFFFFFFF, v32  }
0xdd: {  	[tilespmem:$0x1120] =	vst v32  }
0xde: {  	v32 =	vld [tilespmem:s21+$0x800];
	_ =	sdelay $0x7  }
0xdf: {  	v37 =	vld.idx.msk [tilespmem:v32+s3+$0x0], $0xffff;
	_ =	sdelay $0x4  }
0xe0: {  	vm13 =	veq.s32 v37, v18  }
0xe1: {  	v32 =	vnsel vm13, $0xFFFFFFFF, v32  }
0xe2: {  	[tilespmem:$0x1320] =	vst v32  }
0xe3: {  	v32 =	vld [tilespmem:s22+$0x0];
	_ =	sdelay $0x7  }
0xe4: {  	v38 =	vld.idx.msk [tilespmem:v32+s7+$0x0], $0xffff;
	_ =	sdelay $0x4  }
0xe5: {  	vm14 =	veq.s32 v38, v19  }
0xe6: {  	v32 =	vnsel vm14, $0xFFFFFFFF, v32  }
0xe7: {  	[tilespmem:$0x1130] =	vst v32  }
0xe8: {  	v32 =	vld [tilespmem:s22+$0x800];
	_ =	sdelay $0x7  }
0xe9: {  	v39 =	vld.idx.msk [tilespmem:v32+s3+$0x0], $0xffff;
	_ =	sdelay $0x4  }
0xea: {  	vm15 =	veq.s32 v39, v19  }
0xeb: {  	v32 =	vnsel vm15, $0xFFFFFFFF, v32  }
0xec: {  	[tilespmem:$0x1330] =	vst v32  }
0xed: {  	v32 =	vld [tilespmem:s23+$0x0];
	_ =	sdelay $0x7  }
0xee: {  	v40 =	vld.idx.msk [tilespmem:v32+s7+$0x0], $0xffff;
	_ =	sdelay $0x4  }
0xef: {  	vm4 =	veq.s32 v40, v20  }
0xf0: {  	v32 =	vnsel vm4, $0xFFFFFFFF, v32  }
0xf1: {  	[tilespmem:$0x1140] =	vst v32  }
0xf2: {  	v32 =	vld [tilespmem:s23+$0x800];
	_ =	sdelay $0x7  }
0xf3: {  	v41 =	vld.idx.msk [tilespmem:v32+s3+$0x0], $0xffff;
	_ =	sdelay $0x4  }
0xf4: {  	vm5 =	veq.s32 v41, v20  }
0xf5: {  	v32 =	vnsel vm5, $0xFFFFFFFF, v32  }
0xf6: {  	[tilespmem:$0x1340] =	vst v32  }
0xf7: {  	v32 =	vld [tilespmem:s24+$0x0];
	_ =	sdelay $0x7  }
0xf8: {  	v42 =	vld.idx.msk [tilespmem:v32+s7+$0x0], $0xffff;
	_ =	sdelay $0x4  }
0xf9: {  	vm6 =	veq.s32 v42, v21  }
0xfa: {  	v32 =	vnsel vm6, $0xFFFFFFFF, v32  }
0xfb: {  	[tilespmem:$0x1150] =	vst v32  }
0xfc: {  	v32 =	vld [tilespmem:s24+$0x800];
	_ =	sdelay $0x7  }
0xfd: {  	v43 =	vld.idx.msk [tilespmem:v32+s3+$0x0], $0xffff;
	_ =	sdelay $0x4  }
0xfe: {  	vm7 =	veq.s32 v43, v21  }
0xff: {  	v32 =	vnsel vm7, $0xFFFFFFFF, v32  }
0x100: {  	[tilespmem:$0x1350] =	vst v32  }
0x101: {  	v32 =	vld [tilespmem:s26+$0x0];
	_ =	sdelay $0x7  }
0x102: {  	v44 =	vld.idx.msk [tilespmem:v32+s7+$0x0], $0xffff;
	_ =	sdelay $0x4  }
0x103: {  	vm8 =	veq.s32 v44, v22  }
0x104: {  	v32 =	vnsel vm8, $0xFFFFFFFF, v32  }
0x105: {  	[tilespmem:$0x1160] =	vst v32  }
0x106: {  	v32 =	vld [tilespmem:s26+$0x800];
	_ =	sdelay $0x7  }
0x107: {  	v45 =	vld.idx.msk [tilespmem:v32+s3+$0x0], $0xffff;
	_ =	sdelay $0x4  }
0x108: {  	vm9 =	veq.s32 v45, v22  }
0x109: {  	v32 =	vnsel vm9, $0xFFFFFFFF, v32  }
0x10a: {  	[tilespmem:$0x1360] =	vst v32  }
0x10b: {  	v32 =	vld [tilespmem:s28+$0x0];
	_ =	sdelay $0x7  }
0x10c: {  	v46 =	vld.idx.msk [tilespmem:v32+s7+$0x0], $0xffff;
	_ =	sdelay $0x4  }
0x10d: {  	vm10 =	veq.s32 v46, v23  }
0x10e: {  	v32 =	vnsel vm10, $0xFFFFFFFF, v32  }
0x10f: {  	[tilespmem:$0x1170] =	vst v32  }
0x110: {  	v32 =	vld [tilespmem:s28+$0x800];
	_ =	sdelay $0x7  }
0x111: {  	v47 =	vld.idx.msk [tilespmem:v32+s3+$0x0], $0xffff;
	_ =	sdelay $0x4  }
0x112: {  	vm11 =	veq.s32 v47, v23  }
0x113: {  	v32 =	vnsel vm11, $0xFFFFFFFF, v32  }
0x114: {  	[tilespmem:$0x1370] =	vst v32  }
0x115: {  	v32 =	vld [tilespmem:s29+$0x0];
	_ =	sdelay $0x7  }
0x116: {  	v48 =	vld.idx.msk [tilespmem:v32+s7+$0x0], $0xffff;
	_ =	sdelay $0x4  }
0x117: {  	vm12 =	veq.s32 v48, v24  }
0x118: {  	v32 =	vnsel vm12, $0xFFFFFFFF, v32  }
0x119: {  	[tilespmem:$0x1180] =	vst v32  }
0x11a: {  	v32 =	vld [tilespmem:s29+$0x800];
	_ =	sdelay $0x7  }
0x11b: {  	v49 =	vld.idx.msk [tilespmem:v32+s3+$0x0], $0xffff;
	_ =	sdelay $0x4  }
0x11c: {  	vm13 =	veq.s32 v49, v24  }
0x11d: {  	v32 =	vnsel vm13, $0xFFFFFFFF, v32  }
0x11e: {  	[tilespmem:$0x1380] =	vst v32  }
0x11f: {  	v32 =	vld [tilespmem:s30+$0x0];
	_ =	sdelay $0x7  }
0x120: {  	v50 =	vld.idx.msk [tilespmem:v32+s7+$0x0], $0xffff;
	_ =	sdelay $0x4  }
0x121: {  	vm14 =	veq.s32 v50, v25  }
0x122: {  	v32 =	vnsel vm14, $0xFFFFFFFF, v32  }
0x123: {  	[tilespmem:$0x1190] =	vst v32  }
0x124: {  	v32 =	vld [tilespmem:s30+$0x800];
	_ =	sdelay $0x7  }
0x125: {  	v51 =	vld.idx.msk [tilespmem:v32+s3+$0x0], $0xffff;
	_ =	sdelay $0x4  }
0x126: {  	vm15 =	veq.s32 v51, v25  }
0x127: {  	v32 =	vnsel vm15, $0xFFFFFFFF, v32  }
0x128: {  	[tilespmem:$0x1390] =	vst v32  }
0x129: {  	v32 =	vld [tilespmem:s31+$0x0];
	_ =	sdelay $0x7  }
0x12a: {  	v52 =	vld.idx.msk [tilespmem:v32+s7+$0x0], $0xffff;
	_ =	sdelay $0x4  }
0x12b: {  	vm4 =	veq.s32 v52, v26  }
0x12c: {  	v32 =	vnsel vm4, $0xFFFFFFFF, v32  }
0x12d: {  	[tilespmem:$0x11A0] =	vst v32  }
0x12e: {  	v32 =	vld [tilespmem:s31+$0x800];
	_ =	sdelay $0x7  }
0x12f: {  	v53 =	vld.idx.msk [tilespmem:v32+s3+$0x0], $0xffff;
	_ =	sdelay $0x4  }
0x130: {  	vm5 =	veq.s32 v53, v26  }
0x131: {  	v32 =	vnsel vm5, $0xFFFFFFFF, v32  }
0x132: {  	[tilespmem:$0x13A0] =	vst v32  }
0x133: {  	v32 =	vld [tilespmem:s1+$0x0];
	_ =	sdelay $0x7  }
0x134: {  	v54 =	vld.idx.msk [tilespmem:v32+s7+$0x0], $0xffff;
	_ =	sdelay $0x4  }
0x135: {  	vm6 =	veq.s32 v54, v27  }
0x136: {  	v32 =	vnsel vm6, $0xFFFFFFFF, v32  }
0x137: {  	[tilespmem:$0x11B0] =	vst v32  }
0x138: {  	v32 =	vld [tilespmem:s1+$0x800];
	_ =	sdelay $0x7  }
0x139: {  	v55 =	vld.idx.msk [tilespmem:v32+s3+$0x0], $0xffff;
	_ =	sdelay $0x4  }
0x13a: {  	vm7 =	veq.s32 v55, v27  }
0x13b: {  	v32 =	vnsel vm7, $0xFFFFFFFF, v32  }
0x13c: {  	[tilespmem:$0x13B0] =	vst v32  }
0x13d: {  	v32 =	vld [tilespmem:s0+$0x0];
	_ =	sdelay $0x7  }
0x13e: {  	v56 =	vld.idx.msk [tilespmem:v32+s7+$0x0], $0xffff;
	_ =	sdelay $0x4  }
0x13f: {  	vm8 =	veq.s32 v56, v28  }
0x140: {  	v32 =	vnsel vm8, $0xFFFFFFFF, v32  }
0x141: {  	[tilespmem:$0x11C0] =	vst v32  }
0x142: {  	v32 =	vld [tilespmem:s0+$0x800];
	_ =	sdelay $0x7  }
0x143: {  	v57 =	vld.idx.msk [tilespmem:v32+s3+$0x0], $0xffff;
	_ =	sdelay $0x4  }
0x144: {  	vm9 =	veq.s32 v57, v28  }
0x145: {  	v32 =	vnsel vm9, $0xFFFFFFFF, v32  }
0x146: {  	[tilespmem:$0x13C0] =	vst v32  }
0x147: {  	v32 =	vld [tilespmem:s4+$0x0];
	_ =	sdelay $0x7  }
0x148: {  	v58 =	vld.idx.msk [tilespmem:v32+s7+$0x0], $0xffff;
	_ =	sdelay $0x4  }
0x149: {  	vm10 =	veq.s32 v58, v29  }
0x14a: {  	v32 =	vnsel vm10, $0xFFFFFFFF, v32  }
0x14b: {  	[tilespmem:$0x11D0] =	vst v32  }
0x14c: {  	v32 =	vld [tilespmem:s4+$0x800];
	_ =	sdelay $0x7  }
0x14d: {  	v59 =	vld.idx.msk [tilespmem:v32+s3+$0x0], $0xffff;
	_ =	sdelay $0x4  }
0x14e: {  	vm11 =	veq.s32 v59, v29  }
0x14f: {  	v32 =	vnsel vm11, $0xFFFFFFFF, v32  }
0x150: {  	[tilespmem:$0x13D0] =	vst v32  }
0x151: {  	v32 =	vld [tilespmem:s5+$0x0];
	_ =	sdelay $0x7  }
0x152: {  	v60 =	vld.idx.msk [tilespmem:v32+s7+$0x0], $0xffff;
	_ =	sdelay $0x4  }
0x153: {  	vm12 =	veq.s32 v60, v30  }
0x154: {  	v32 =	vnsel vm12, $0xFFFFFFFF, v32  }
0x155: {  	[tilespmem:$0x11E0] =	vst v32  }
0x156: {  	v32 =	vld [tilespmem:s5+$0x800];
	_ =	sdelay $0x7  }
0x157: {  	v61 =	vld.idx.msk [tilespmem:v32+s3+$0x0], $0xffff;
	_ =	sdelay $0x4  }
0x158: {  	vm13 =	veq.s32 v61, v30  }
0x159: {  	v32 =	vnsel vm13, $0xFFFFFFFF, v32  }
0x15a: {  	[tilespmem:$0x13E0] =	vst v32  }
0x15b: {  	v32 =	vld [tilespmem:s6+$0x0];
	_ =	sdelay $0x7  }
0x15c: {  	v62 =	vld.idx.msk [tilespmem:v32+s7+$0x0], $0xffff;
	_ =	sdelay $0x4  }
0x15d: {  	vm14 =	veq.s32 v62, v31  }
0x15e: {  	v32 =	vnsel vm14, $0xFFFFFFFF, v32  }
0x15f: {  	[tilespmem:$0x11F0] =	vst v32  }
0x160: {  	v32 =	vld [tilespmem:s6+$0x800];
	_ =	sdelay $0x7  }
0x161: {  	v63 =	vld.idx.msk [tilespmem:v32+s3+$0x0], $0xffff;
	_ =	sdelay $0x4  }
0x162: {  	vm15 =	veq.s32 v63, v31  }
0x163: {  	s10 =	rddreg [dreg:$0x6];
	v32 =	vnsel vm15, $0xFFFFFFFF, v32  }
0x164: {  	s11 =	rddreg [dreg:$0x8];
	[tilespmem:$0x13F0] =	vst v32  }
0x165: {  	[hbm4b:s10+s3] =	stream.linear.scatter [tilespmem:s11], [sflag:$0x2], $0x200, $0x38;
	[tilespmem:$0x1400] =	vst v63  }
0x166: {  	_ =	swait.ge [sflag:s9], $0x200  }
0x167: {  	p0 =	sne.s32 s25, $0x1;
	s10 =	rddreg [dreg:$0x7];
	[sflag:s9] =	ssyncset.done $0x0  }
.Ltmp0:
0x168: {  	s11 =	rddreg [dreg:$0x9];
	[sflag:s9] =	ssyncadd.s32 $0xFFFFFE00;
	(pc) =	sbr.rel @p0 .LBB2_1-.Ltmp0, $4  }
0x169: {  	[hbm4b:s10+s3] =	stream.linear.scatter [tilespmem:s11], [sflag:$0x2], $0x200, $0x38;
	[tilespmem:$0x1400] =	vst v63  }
0x16a: {  	_ =	swait.ge [sflag:s9], $0x200  }
0x16b: {  	[sflag:s9] =	ssyncset.done $0x0  }
0x16c: {  	s25 =	sadd.s32 $0xFFFFFFFF, s25;
	[sflag:s9] =	ssyncadd.s32 $0xFFFFFE00  }
0x16d: {  	_ =	sfence.sel $0x180000  }
0x16e: {  	[bflag:$0x0] =	sbarrier.arrive $0xFFFF  }
0x16f: {  	_ =	strace $0x90000047  }
0x170: {  	s0 =	stileid.u32;
	[bflag:$0x2] =	sbarrier.arrive $0xFFFF  }
0x171: {  	p0 =	sne.s32 s0, $0x0;
	s0 =	rddreg [dreg:$0x3]  }
0x172: {  	s0 =	sadd.s32 @!p0 $0x100000, s0  }
0x173: {  	[sflag:s0] =	ssyncadd.tile.s32 @!p0 $0x1;
	_ =	shalt  }
.Lfunc_end2:
_tile_overlayer_lowered:
.L_overlay_start_2:
0x174: {  	(tag) =	ssettag $0x2  }
0x175: {  	s0 =	rddreg [dreg:$0x0];
	s2 =	stileid.u32  }
0x176: {  	s1 =	rddreg [dreg:$0x1];
	p0 =	sne.s32 s2, $0x0  }
0x177: {  	s3 =	rddreg [dreg:$0x2];
	[bflag:$0x3] =	sbarrier.arrive $0xFFFF;
	s2 =	simm.s32 @!p0 $0x1C02  }
0x178: {  	[timem:s3], [sflag:s2] =	dma.local @!p0 [hbm:s0], s1  }
0x179: {  	s0 =	simm.s32 @!p0 $0x2  }
0x17a: {  	_ =	swait.ge @!p0 [sflag:s0], s1  }
0x17b: {  	s1 =	ssub.s32 @!p0 $0x0, s1;
	[sflag:s0] =	ssyncset.done @!p0 $0x0  }
0x17c: {  	[sflag:s0] =	ssyncadd.s32 @!p0 s1  }
0x17d: {  	[bflag:$0x3] =	sbarrier.arrive $0xFFFF  }
0x17e: {  	_ =	shalt  }

</sc_bundles>
